<compile_context>
chip_gen: v7x
topology: tpu7x:2x2x1
jax: 0.10.2.dev20260603
libtpu: 0.0.44.dev20260713+nightly
codegen_flags: <defaults>
</compile_context>

<pallas_src>
import functools

import jax
import jax.numpy as jnp
from jax import lax
from jax.experimental import pallas as pl
from jax.experimental.pallas import tpu as pltpu
from jax.experimental.pallas import tpu_sc as plsc

B, S, L, D = 1024, 50, 20, 64
V = 100000
TB = 512
BS = B * S

NC, NS = 2, 16
NW = NC * NS
HALF = BS // 2
COLS_W = HALF // NW
CCH = 80
NCHUNK = COLS_W // CCH
LG = L + 1

R_TC = 3200
G_TC = HALF // R_TC


def _sc_gather_sum(idx_t, token_table, comb_table):
  mesh = plsc.VectorSubcoreMesh(core_axis_name="c", subcore_axis_name="s")

  @functools.partial(
      pl.kernel,
      mesh=mesh,
      out_type=jax.ShapeDtypeStruct((HALF, D), jnp.float32),
      scratch_types=[
          pltpu.VMEM((LG, COLS_W), jnp.int32),
          pltpu.VMEM((2, CCH, D), jnp.float32),
          pltpu.SemaphoreType.DMA,
          pltpu.SemaphoreType.DMA,
          pltpu.SemaphoreType.DMA,
          pltpu.SemaphoreType.DMA,
          pltpu.SemaphoreType.DMA,
          pltpu.SemaphoreType.DMA,
          pltpu.SemaphoreType.DMA,
      ],
      compiler_params=pltpu.CompilerParams(use_tc_tiling_on_sc=False),
  )
  def body(idx_hbm, ttab_hbm, ctab_hbm, out_hbm, idx_v, acc_v, sl0_0, sl0_1,
           sadd_0, sadd_1, sout_0, sout_1, s_stage):
    s_l0 = (sl0_0, sl0_1)
    s_add = (sadd_0, sadd_1)
    s_out = (sout_0, sout_1)
    wid = lax.axis_index("s") * NC + lax.axis_index("c")
    base = wid * COLS_W

    def l0_copy(off, p):
      return pltpu.make_async_copy(
          ttab_hbm.at[idx_v.at[0, pl.ds(off, CCH)]], acc_v.at[p], s_l0[p])

    def out_copy(off, p):
      return pltpu.make_async_copy(
          acc_v.at[p], out_hbm.at[pl.ds(base + off, CCH)], s_out[p])

    pltpu.async_copy(idx_hbm.at[0, pl.ds(base, COLS_W)], idx_v.at[0],
                     s_stage).wait()
    l0_copy(0, 0).start()
    stage = [
        pltpu.async_copy(idx_hbm.at[l, pl.ds(base, COLS_W)], idx_v.at[l],
                         s_stage) for l in range(1, LG)
    ]
    for dsc in stage:
      dsc.wait()

    def step(k2, carry):
      for p in range(2):
        q = 1 - p
        k = k2 * 2 + p
        off = k * CCH
        l0_copy(off, p).wait()
        descs = []
        for l in range(1, L):
          descs.append(
              pltpu.async_copy(
                  ttab_hbm.at[idx_v.at[l, pl.ds(off, CCH)]], acc_v.at[p],
                  s_add[p], add=True))
        descs.append(
            pltpu.async_copy(
                ctab_hbm.at[idx_v.at[L, pl.ds(off, CCH)]], acc_v.at[p],
                s_add[p], add=True))
        @pl.when(k >= 1)
        def _():
          out_copy((k - 1) * CCH, q).wait()

        @pl.when(k + 1 < NCHUNK)
        def _():
          l0_copy((k + 1) * CCH, q).start()

        for dsc in descs:
          dsc.wait()
        out_copy(off, p).start()
      return carry

    lax.fori_loop(0, NCHUNK // 2, step, 0)
    out_copy((NCHUNK - 1) * CCH, 1).wait()

  return body(idx_t, token_table, comb_table)


def _tc_finish(pre, pos_tiled, gamma2, beta2, W, b2):

  def body(pre_ref, pos_ref, g_ref, be_ref, w_ref, b_ref, o_ref):
    x = pre_ref[...] * (1.0 / L) + pos_ref[...]
    mu = jnp.mean(x, axis=1, keepdims=True)
    xc = x - mu
    var = jnp.mean(xc * xc, axis=1, keepdims=True)
    nx = xc * lax.rsqrt(var + 1e-5) * g_ref[...] + be_ref[...]
    y = lax.dot_general(nx, w_ref[...], (((1,), (1,)), ((), ())),
                        preferred_element_type=jnp.float32,
                        precision=lax.Precision.HIGHEST)
    o_ref[...] = (y + b_ref[...]).reshape(R_TC // S, S, D)

  return pl.pallas_call(
      body,
      grid=(G_TC,),
      in_specs=[
          pl.BlockSpec((R_TC, D), lambda i: (i, 0)),
          pl.BlockSpec((R_TC, D), lambda i: (0, 0)),
          pl.BlockSpec((1, D), lambda i: (0, 0)),
          pl.BlockSpec((1, D), lambda i: (0, 0)),
          pl.BlockSpec((D, D), lambda i: (0, 0)),
          pl.BlockSpec((1, D), lambda i: (0, 0)),
      ],
      out_specs=pl.BlockSpec((R_TC // S, S, D), lambda i: (i, 0, 0)),
      out_shape=jax.ShapeDtypeStruct((B // 2, S, D), jnp.float32),
  )(pre, pos_tiled, gamma2, beta2, W, b2)


def kernel(token_ids, section, temporality, negated, timestamp_bucket,
           token_table, section_table, temporality_table, negation_table,
           position_table, timestamp_table, ln_gamma, ln_beta, W, b):
  comb_table = (section_table[:, None, None, None, :]
                + temporality_table[None, :, None, None, :]
                + negation_table[None, None, :, None, :]
                + timestamp_table[None, None, None, :, :]
                ).reshape(6 * 3 * 2 * TB, D) * float(L)

  comb_idx = (((section.astype(jnp.int32) * 3 + temporality.astype(jnp.int32))
               * 2 + negated.astype(jnp.int32)) * TB
              + timestamp_bucket.astype(jnp.int32)).reshape(BS)

  idx_t = jnp.concatenate([
      token_ids.astype(jnp.int32).reshape(BS, L), comb_idx[:, None]
  ], axis=1).T

  pos_tiled = jnp.tile(position_table, (R_TC // S, 1))
  g2 = ln_gamma.reshape(1, D)
  be2 = ln_beta.reshape(1, D)
  b2 = b.reshape(1, D)

  pre1 = _sc_gather_sum(idx_t[:, :HALF], token_table, comb_table)
  pre2 = _sc_gather_sum(idx_t[:, HALF:], token_table, comb_table)
  y1 = _tc_finish(pre1, pos_tiled, g2, be2, W, b2)
  y2 = _tc_finish(pre2, pos_tiled, g2, be2, W, b2)
  tokens = jnp.concatenate([y1, y2], axis=0)
  padding_mask = jnp.zeros((B, S), dtype=bool)
  return tokens, padding_mask

# --- scband reference (transcript-rebuilt; emitter-appended) ---
"""Pipeline reference for scband-med-berttext-expert-17291538334410 (READ-ONLY COPY).

The authoritative reference and input builder live on the scoring server;
editing this copy changes nothing except your own understanding.
"""

import jax, jax.numpy as jnp
import numpy as np

B, S, L, D = 1024, 50, 20, 64
V = 100000
TB = 512
MAX_SENTENCES = 50


def setup_inputs(seed: int = 0) -> dict:
    key = jax.random.key(seed)
    ks = jax.random.split(key, 16)
    token_ids = jax.random.randint(ks[0], (B, S, L), 0, V)
    section = jax.random.randint(ks[1], (B, S), 0, 6)
    temporality = jax.random.randint(ks[2], (B, S), 0, 3)
    negated = jax.random.randint(ks[3], (B, S), 0, 2)
    timestamp_bucket = jax.random.randint(ks[4], (B, S), 0, TB)
    token_table = jax.random.normal(ks[5], (V, D), dtype=jnp.float32) * 0.02
    section_table = jax.random.normal(ks[6], (6, D), dtype=jnp.float32) * 0.02
    temporality_table = jax.random.normal(ks[7], (3, D), dtype=jnp.float32) * 0.02
    negation_table = jax.random.normal(ks[8], (2, D), dtype=jnp.float32) * 0.02
    position_table = jax.random.normal(ks[9], (MAX_SENTENCES, D), dtype=jnp.float32) * 0.02
    timestamp_table = jax.random.normal(ks[10], (TB, D), dtype=jnp.float32) * 0.02
    ln_gamma = jnp.ones((D,), dtype=jnp.float32)
    ln_beta = jnp.zeros((D,), dtype=jnp.float32)
    W = jax.random.normal(ks[11], (D, D), dtype=jnp.float32) * 0.02
    b = jnp.zeros((D,), dtype=jnp.float32)
    return {
        'token_ids': token_ids,
        'section': section,
        'temporality': temporality,
        'negated': negated,
        'timestamp_bucket': timestamp_bucket,
        'token_table': token_table,
        'section_table': section_table,
        'temporality_table': temporality_table,
        'negation_table': negation_table,
        'position_table': position_table,
        'timestamp_table': timestamp_table,
        'ln_gamma': ln_gamma,
        'ln_beta': ln_beta,
        'W': W,
        'b': b,
    }


def reference(token_ids, section, temporality, negated, timestamp_bucket,
              token_table, section_table, temporality_table, negation_table,
              position_table, timestamp_table, ln_gamma, ln_beta, W, b):
    # base = mean over tokens of token embeddings -> [B, S, D]
    base = jnp.take(token_table, token_ids, axis=0).mean(axis=2)
    pos = jnp.minimum(jnp.arange(S), MAX_SENTENCES - 1)
    enriched = (base
                + jnp.take(section_table, section, axis=0)
                + jnp.take(temporality_table, temporality, axis=0)
                + jnp.take(negation_table, negated, axis=0)
                + jnp.take(position_table, pos, axis=0)[None, :, :]
                + jnp.take(timestamp_table, timestamp_bucket, axis=0))
    # LayerNorm
    mean = enriched.mean(axis=-1, keepdims=True)
    var = ((enriched - mean) ** 2).mean(axis=-1, keepdims=True)
    normed = (enriched - mean) / jnp.sqrt(var + 1e-5) * ln_gamma + ln_beta
    # Linear (nn.Linear convention: x @ W.T + b)
    tokens = normed @ W.T + b
    padding_mask = jnp.zeros((B, S), dtype=bool)
    return tokens, padding_mask

if __name__ == "__main__":
    import jax
    _d = setup_inputs()
    print(jax.jit(kernel)(*tuple(_d.values())))

</pallas_src>

<mosaic_0001>
#map = affine_map<(d0, d1) -> (0, 0)>
module attributes {stable_mosaic.version = 14 : i64} {
  func.func @body(%arg0: i32, %arg1: i32, %arg2: memref<21x25600xi32, #tpu.memory_space<hbm>>, %arg3: memref<100000x64xf32, #tpu.memory_space<hbm>>, %arg4: memref<18432x64xf32, #tpu.memory_space<hbm>>, %arg5: memref<25600x64xf32, #tpu.memory_space<hbm>>, %arg6: memref<21x800xi32, #tpu.memory_space<vmem>>, %arg7: memref<2x80x64xf32, #tpu.memory_space<vmem>>, %arg8: memref<!tpu.dma_semaphore, #tpu.memory_space<semaphore_mem>>, %arg9: memref<!tpu.dma_semaphore, #tpu.memory_space<semaphore_mem>>, %arg10: memref<!tpu.dma_semaphore, #tpu.memory_space<semaphore_mem>>, %arg11: memref<!tpu.dma_semaphore, #tpu.memory_space<semaphore_mem>>, %arg12: memref<!tpu.dma_semaphore, #tpu.memory_space<semaphore_mem>>, %arg13: memref<!tpu.dma_semaphore, #tpu.memory_space<semaphore_mem>>, %arg14: memref<!tpu.dma_semaphore, #tpu.memory_space<semaphore_mem>>) attributes {dimension_semantics = [#tpu.dimension_semantics<core_parallel>, #tpu.dimension_semantics<subcore_parallel>], iteration_bounds = array<i64: 2, 16>, scalar_prefetch = 0 : i64, scratch_operands = 9 : i64, tpu.core_type = #tpu.core_type<sc_vector_subcore>, window_params = [{transform_indices = #map}, {transform_indices = #map}, {transform_indices = #map}, {transform_indices = #map}]} {
    %mul3A = arith.constant 2 : i32
    %mul3A_0 = arith.muli %arg1, %mul3A : i32
    %add3A = arith.addi %mul3A_0, %arg0 : i32
    %mul3A_1 = arith.constant 800 : i32
    %mul3A_2 = arith.muli %add3A, %mul3A_1 : i32
    %dma_start3A = arith.constant 0 : i32
    %dma_start3A_3 = arith.constant 0 : i32
    %dma_start3A_4 = arith.constant 0 : i32
    %dma_start3A_5 = tpu.memref_slice %arg6[%dma_start3A_3, %dma_start3A_4] : memref<21x800xi32, #tpu.memory_space<vmem>> -> memref<1x800xi32, #tpu.memory_space<vmem>>
    %dma_start3A_6 = tpu.memref_squeeze %dma_start3A_5 : memref<1x800xi32, #tpu.memory_space<vmem>> -> memref<800xi32, #tpu.memory_space<vmem>>
    %dma_start3A_7 = tpu.memref_slice %arg2[%dma_start3A, %mul3A_2] : memref<21x25600xi32, #tpu.memory_space<hbm>> -> memref<1x800xi32, #tpu.memory_space<hbm>>
    %dma_start3A_8 = tpu.memref_squeeze %dma_start3A_7 : memref<1x800xi32, #tpu.memory_space<hbm>> -> memref<800xi32, #tpu.memory_space<hbm>>
    %dma_start3A_9 = arith.constant 0 : i32
    %dma_start3A_10 = tpu.memref_slice %arg6[%dma_start3A_3, %dma_start3A_9] : memref<21x800xi32, #tpu.memory_space<vmem>> -> memref<1x800xi32, #tpu.memory_space<vmem>>
    %dma_start3A_11 = tpu.memref_squeeze %dma_start3A_10 : memref<1x800xi32, #tpu.memory_space<vmem>> -> memref<800xi32, #tpu.memory_space<vmem>>
    %dma_start3A_12 = tpu.memref_slice %arg2[%dma_start3A, %mul3A_2] : memref<21x25600xi32, #tpu.memory_space<hbm>> -> memref<1x800xi32, #tpu.memory_space<hbm>>
    %dma_start3A_13 = tpu.memref_squeeze %dma_start3A_12 : memref<1x800xi32, #tpu.memory_space<hbm>> -> memref<800xi32, #tpu.memory_space<hbm>>
    tpu.enqueue_dma source(%dma_start3A_13 : memref<800xi32, #tpu.memory_space<hbm>>) target(%dma_start3A_11 : memref<800xi32, #tpu.memory_space<vmem>>) target_semaphore(%arg14 : memref<!tpu.dma_semaphore, #tpu.memory_space<semaphore_mem>>)
    %dma_wait3A = arith.constant 0 : i32
    %dma_wait3A_14 = arith.constant 0 : i32
    %dma_wait3A_15 = arith.constant 0 : i32
    %dma_wait3A_16 = tpu.memref_slice %arg6[%dma_wait3A_14, %dma_wait3A_15] : memref<21x800xi32, #tpu.memory_space<vmem>> -> memref<1x800xi32, #tpu.memory_space<vmem>>
    %dma_wait3A_17 = tpu.memref_squeeze %dma_wait3A_16 : memref<1x800xi32, #tpu.memory_space<vmem>> -> memref<800xi32, #tpu.memory_space<vmem>>
    %dma_wait3A_18 = tpu.memref_slice %arg2[%dma_wait3A, %mul3A_2] : memref<21x25600xi32, #tpu.memory_space<hbm>> -> memref<1x800xi32, #tpu.memory_space<hbm>>
    %dma_wait3A_19 = tpu.memref_squeeze %dma_wait3A_18 : memref<1x800xi32, #tpu.memory_space<hbm>> -> memref<800xi32, #tpu.memory_space<hbm>>
    %dma_wait3A_20 = arith.constant 0 : i32
    %dma_wait3A_21 = tpu.memref_slice %arg6[%dma_wait3A_14, %dma_wait3A_20] : memref<21x800xi32, #tpu.memory_space<vmem>> -> memref<1x800xi32, #tpu.memory_space<vmem>>
    %dma_wait3A_22 = tpu.memref_squeeze %dma_wait3A_21 : memref<1x800xi32, #tpu.memory_space<vmem>> -> memref<800xi32, #tpu.memory_space<vmem>>
    %dma_wait3A_23 = tpu.memref_slice %arg2[%dma_wait3A, %mul3A_2] : memref<21x25600xi32, #tpu.memory_space<hbm>> -> memref<1x800xi32, #tpu.memory_space<hbm>>
    %dma_wait3A_24 = tpu.memref_squeeze %dma_wait3A_23 : memref<1x800xi32, #tpu.memory_space<hbm>> -> memref<800xi32, #tpu.memory_space<hbm>>
    tpu.wait_dma2 semaphore(%arg14 : memref<!tpu.dma_semaphore, #tpu.memory_space<semaphore_mem>>) src(%dma_wait3A_24 : memref<800xi32, #tpu.memory_space<hbm>>) dst(%dma_wait3A_22 : memref<800xi32, #tpu.memory_space<vmem>>)
    %dma_start3A_25 = arith.constant 0 : i32
    %dma_start3A_26 = arith.constant 0 : i32
    %dma_start3A_27 = arith.constant 0 : i32
    %dma_start3A_28 = arith.constant 0 : i32
    %dma_start3A_29 = tpu.memref_slice %arg7[%dma_start3A_26, %dma_start3A_27, %dma_start3A_28] : memref<2x80x64xf32, #tpu.memory_space<vmem>> -> memref<1x80x64xf32, #tpu.memory_space<vmem>>
    %dma_start3A_30 = tpu.memref_squeeze %dma_start3A_29 : memref<1x80x64xf32, #tpu.memory_space<vmem>> -> memref<80x64xf32, #tpu.memory_space<vmem>>
    %dma_start3A_31 = arith.constant 0 : i32
    %dma_start3A_32 = tpu.memref_slice %arg6[%dma_start3A_25, %dma_start3A_31] : memref<21x800xi32, #tpu.memory_space<vmem>> -> memref<1x80xi32, #tpu.memory_space<vmem>>
    %dma_start3A_33 = tpu.memref_squeeze %dma_start3A_32 : memref<1x80xi32, #tpu.memory_space<vmem>> -> memref<80xi32, #tpu.memory_space<vmem>>
    %dma_start3A_34 = arith.constant 0 : i32
    %dma_start3A_35 = arith.constant 0 : i32
    %dma_start3A_36 = tpu.memref_slice %arg3[%dma_start3A_34, %dma_start3A_35] : memref<100000x64xf32, #tpu.memory_space<hbm>> -> memref<100000x64xf32, #tpu.memory_space<hbm>>
    tpu.enqueue_indirect_dma source(%dma_start3A_36 : memref<100000x64xf32, #tpu.memory_space<hbm>>) target(%dma_start3A_30 : memref<80x64xf32, #tpu.memory_space<vmem>>) offsets(%dma_start3A_33 : memref<80xi32, #tpu.memory_space<vmem>>) semaphore(%arg8 : memref<!tpu.dma_semaphore, #tpu.memory_space<semaphore_mem>>)
    %dma_start3A_37 = arith.constant 1 : i32
    %dma_start3A_38 = arith.constant 1 : i32
    %dma_start3A_39 = arith.constant 0 : i32
    %dma_start3A_40 = tpu.memref_slice %arg6[%dma_start3A_38, %dma_start3A_39] : memref<21x800xi32, #tpu.memory_space<vmem>> -> memref<1x800xi32, #tpu.memory_space<vmem>>
    %dma_start3A_41 = tpu.memref_squeeze %dma_start3A_40 : memref<1x800xi32, #tpu.memory_space<vmem>> -> memref<800xi32, #tpu.memory_space<vmem>>
    %dma_start3A_42 = tpu.memref_slice %arg2[%dma_start3A_37, %mul3A_2] : memref<21x25600xi32, #tpu.memory_space<hbm>> -> memref<1x800xi32, #tpu.memory_space<hbm>>
    %dma_start3A_43 = tpu.memref_squeeze %dma_start3A_42 : memref<1x800xi32, #tpu.memory_space<hbm>> -> memref<800xi32, #tpu.memory_space<hbm>>
    %dma_start3A_44 = arith.constant 0 : i32
    %dma_start3A_45 = tpu.memref_slice %arg6[%dma_start3A_38, %dma_start3A_44] : memref<21x800xi32, #tpu.memory_space<vmem>> -> memref<1x800xi32, #tpu.memory_space<vmem>>
    %dma_start3A_46 = tpu.memref_squeeze %dma_start3A_45 : memref<1x800xi32, #tpu.memory_space<vmem>> -> memref<800xi32, #tpu.memory_space<vmem>>
    %dma_start3A_47 = tpu.memref_slice %arg2[%dma_start3A_37, %mul3A_2] : memref<21x25600xi32, #tpu.memory_space<hbm>> -> memref<1x800xi32, #tpu.memory_space<hbm>>
    %dma_start3A_48 = tpu.memref_squeeze %dma_start3A_47 : memref<1x800xi32, #tpu.memory_space<hbm>> -> memref<800xi32, #tpu.memory_space<hbm>>
    tpu.enqueue_dma source(%dma_start3A_48 : memref<800xi32, #tpu.memory_space<hbm>>) target(%dma_start3A_46 : memref<800xi32, #tpu.memory_space<vmem>>) target_semaphore(%arg14 : memref<!tpu.dma_semaphore, #tpu.memory_space<semaphore_mem>>)
    %dma_start3A_49 = arith.constant 2 : i32
    %dma_start3A_50 = arith.constant 2 : i32
    %dma_start3A_51 = arith.constant 0 : i32
    %dma_start3A_52 = tpu.memref_slice %arg6[%dma_start3A_50, %dma_start3A_51] : memref<21x800xi32, #tpu.memory_space<vmem>> -> memref<1x800xi32, #tpu.memory_space<vmem>>
    %dma_start3A_53 = tpu.memref_squeeze %dma_start3A_52 : memref<1x800xi32, #tpu.memory_space<vmem>> -> memref<800xi32, #tpu.memory_space<vmem>>
    %dma_start3A_54 = tpu.memref_slice %arg2[%dma_start3A_49, %mul3A_2] : memref<21x25600xi32, #tpu.memory_space<hbm>> -> memref<1x800xi32, #tpu.memory_space<hbm>>
    %dma_start3A_55 = tpu.memref_squeeze %dma_start3A_54 : memref<1x800xi32, #tpu.memory_space<hbm>> -> memref<800xi32, #tpu.memory_space<hbm>>
    %dma_start3A_56 = arith.constant 0 : i32
    %dma_start3A_57 = tpu.memref_slice %arg6[%dma_start3A_50, %dma_start3A_56] : memref<21x800xi32, #tpu.memory_space<vmem>> -> memref<1x800xi32, #tpu.memory_space<vmem>>
    %dma_start3A_58 = tpu.memref_squeeze %dma_start3A_57 : memref<1x800xi32, #tpu.memory_space<vmem>> -> memref<800xi32, #tpu.memory_space<vmem>>
    %dma_start3A_59 = tpu.memref_slice %arg2[%dma_start3A_49, %mul3A_2] : memref<21x25600xi32, #tpu.memory_space<hbm>> -> memref<1x800xi32, #tpu.memory_space<hbm>>
    %dma_start3A_60 = tpu.memref_squeeze %dma_start3A_59 : memref<1x800xi32, #tpu.memory_space<hbm>> -> memref<800xi32, #tpu.memory_space<hbm>>
    tpu.enqueue_dma source(%dma_start3A_60 : memref<800xi32, #tpu.memory_space<hbm>>) target(%dma_start3A_58 : memref<800xi32, #tpu.memory_space<vmem>>) target_semaphore(%arg14 : memref<!tpu.dma_semaphore, #tpu.memory_space<semaphore_mem>>)
    %dma_start3A_61 = arith.constant 3 : i32
    %dma_start3A_62 = arith.constant 3 : i32
    %dma_start3A_63 = arith.constant 0 : i32
    %dma_start3A_64 = tpu.memref_slice %arg6[%dma_start3A_62, %dma_start3A_63] : memref<21x800xi32, #tpu.memory_space<vmem>> -> memref<1x800xi32, #tpu.memory_space<vmem>>
    %dma_start3A_65 = tpu.memref_squeeze %dma_start3A_64 : memref<1x800xi32, #tpu.memory_space<vmem>> -> memref<800xi32, #tpu.memory_space<vmem>>
    %dma_start3A_66 = tpu.memref_slice %arg2[%dma_start3A_61, %mul3A_2] : memref<21x25600xi32, #tpu.memory_space<hbm>> -> memref<1x800xi32, #tpu.memory_space<hbm>>
    %dma_start3A_67 = tpu.memref_squeeze %dma_start3A_66 : memref<1x800xi32, #tpu.memory_space<hbm>> -> memref<800xi32, #tpu.memory_space<hbm>>
    %dma_start3A_68 = arith.constant 0 : i32
    %dma_start3A_69 = tpu.memref_slice %arg6[%dma_start3A_62, %dma_start3A_68] : memref<21x800xi32, #tpu.memory_space<vmem>> -> memref<1x800xi32, #tpu.memory_space<vmem>>
    %dma_start3A_70 = tpu.memref_squeeze %dma_start3A_69 : memref<1x800xi32, #tpu.memory_space<vmem>> -> memref<800xi32, #tpu.memory_space<vmem>>
    %dma_start3A_71 = tpu.memref_slice %arg2[%dma_start3A_61, %mul3A_2] : memref<21x25600xi32, #tpu.memory_space<hbm>> -> memref<1x800xi32, #tpu.memory_space<hbm>>
    %dma_start3A_72 = tpu.memref_squeeze %dma_start3A_71 : memref<1x800xi32, #tpu.memory_space<hbm>> -> memref<800xi32, #tpu.memory_space<hbm>>
    tpu.enqueue_dma source(%dma_start3A_72 : memref<800xi32, #tpu.memory_space<hbm>>) target(%dma_start3A_70 : memref<800xi32, #tpu.memory_space<vmem>>) target_semaphore(%arg14 : memref<!tpu.dma_semaphore, #tpu.memory_space<semaphore_mem>>)
    %dma_start3A_73 = arith.constant 4 : i32
    %dma_start3A_74 = arith.constant 4 : i32
    %dma_start3A_75 = arith.constant 0 : i32
    %dma_start3A_76 = tpu.memref_slice %arg6[%dma_start3A_74, %dma_start3A_75] : memref<21x800xi32, #tpu.memory_space<vmem>> -> memref<1x800xi32, #tpu.memory_space<vmem>>
    %dma_start3A_77 = tpu.memref_squeeze %dma_start3A_76 : memref<1x800xi32, #tpu.memory_space<vmem>> -> memref<800xi32, #tpu.memory_space<vmem>>
    %dma_start3A_78 = tpu.memref_slice %arg2[%dma_start3A_73, %mul3A_2] : memref<21x25600xi32, #tpu.memory_space<hbm>> -> memref<1x800xi32, #tpu.memory_space<hbm>>
    %dma_start3A_79 = tpu.memref_squeeze %dma_start3A_78 : memref<1x800xi32, #tpu.memory_space<hbm>> -> memref<800xi32, #tpu.memory_space<hbm>>
    %dma_start3A_80 = arith.constant 0 : i32
    %dma_start3A_81 = tpu.memref_slice %arg6[%dma_start3A_74, %dma_start3A_80] : memref<21x800xi32, #tpu.memory_space<vmem>> -> memref<1x800xi32, #tpu.memory_space<vmem>>
    %dma_start3A_82 = tpu.memref_squeeze %dma_start3A_81 : memref<1x800xi32, #tpu.memory_space<vmem>> -> memref<800xi32, #tpu.memory_space<vmem>>
    %dma_start3A_83 = tpu.memref_slice %arg2[%dma_start3A_73, %mul3A_2] : memref<21x25600xi32, #tpu.memory_space<hbm>> -> memref<1x800xi32, #tpu.memory_space<hbm>>
    %dma_start3A_84 = tpu.memref_squeeze %dma_start3A_83 : memref<1x800xi32, #tpu.memory_space<hbm>> -> memref<800xi32, #tpu.memory_space<hbm>>
    tpu.enqueue_dma source(%dma_start3A_84 : memref<800xi32, #tpu.memory_space<hbm>>) target(%dma_start3A_82 : memref<800xi32, #tpu.memory_space<vmem>>) target_semaphore(%arg14 : memref<!tpu.dma_semaphore, #tpu.memory_space<semaphore_mem>>)
    %dma_start3A_85 = arith.constant 5 : i32
    %dma_start3A_86 = arith.constant 5 : i32
    %dma_start3A_87 = arith.constant 0 : i32
    %dma_start3A_88 = tpu.memref_slice %arg6[%dma_start3A_86, %dma_start3A_87] : memref<21x800xi32, #tpu.memory_space<vmem>> -> memref<1x800xi32, #tpu.memory_space<vmem>>
    %dma_start3A_89 = tpu.memref_squeeze %dma_start3A_88 : memref<1x800xi32, #tpu.memory_space<vmem>> -> memref<800xi32, #tpu.memory_space<vmem>>
    %dma_start3A_90 = tpu.memref_slice %arg2[%dma_start3A_85, %mul3A_2] : memref<21x25600xi32, #tpu.memory_space<hbm>> -> memref<1x800xi32, #tpu.memory_space<hbm>>
    %dma_start3A_91 = tpu.memref_squeeze %dma_start3A_90 : memref<1x800xi32, #tpu.memory_space<hbm>> -> memref<800xi32, #tpu.memory_space<hbm>>
    %dma_start3A_92 = arith.constant 0 : i32
    %dma_start3A_93 = tpu.memref_slice %arg6[%dma_start3A_86, %dma_start3A_92] : memref<21x800xi32, #tpu.memory_space<vmem>> -> memref<1x800xi32, #tpu.memory_space<vmem>>
    %dma_start3A_94 = tpu.memref_squeeze %dma_start3A_93 : memref<1x800xi32, #tpu.memory_space<vmem>> -> memref<800xi32, #tpu.memory_space<vmem>>
    %dma_start3A_95 = tpu.memref_slice %arg2[%dma_start3A_85, %mul3A_2] : memref<21x25600xi32, #tpu.memory_space<hbm>> -> memref<1x800xi32, #tpu.memory_space<hbm>>
    %dma_start3A_96 = tpu.memref_squeeze %dma_start3A_95 : memref<1x800xi32, #tpu.memory_space<hbm>> -> memref<800xi32, #tpu.memory_space<hbm>>
    tpu.enqueue_dma source(%dma_start3A_96 : memref<800xi32, #tpu.memory_space<hbm>>) target(%dma_start3A_94 : memref<800xi32, #tpu.memory_space<vmem>>) target_semaphore(%arg14 : memref<!tpu.dma_semaphore, #tpu.memory_space<semaphore_mem>>)
    %dma_start3A_97 = arith.constant 6 : i32
    %dma_start3A_98 = arith.constant 6 : i32
    %dma_start3A_99 = arith.constant 0 : i32
    %dma_start3A_100 = tpu.memref_slice %arg6[%dma_start3A_98, %dma_start3A_99] : memref<21x800xi32, #tpu.memory_space<vmem>> -> memref<1x800xi32, #tpu.memory_space<vmem>>
    %dma_start3A_101 = tpu.memref_squeeze %dma_start3A_100 : memref<1x800xi32, #tpu.memory_space<vmem>> -> memref<800xi32, #tpu.memory_space<vmem>>
    %dma_start3A_102 = tpu.memref_slice %arg2[%dma_start3A_97, %mul3A_2] : memref<21x25600xi32, #tpu.memory_space<hbm>> -> memref<1x800xi32, #tpu.memory_space<hbm>>
    %dma_start3A_103 = tpu.memref_squeeze %dma_start3A_102 : memref<1x800xi32, #tpu.memory_space<hbm>> -> memref<800xi32, #tpu.memory_space<hbm>>
    %dma_start3A_104 = arith.constant 0 : i32
    %dma_start3A_105 = tpu.memref_slice %arg6[%dma_start3A_98, %dma_start3A_104] : memref<21x800xi32, #tpu.memory_space<vmem>> -> memref<1x800xi32, #tpu.memory_space<vmem>>
    %dma_start3A_106 = tpu.memref_squeeze %dma_start3A_105 : memref<1x800xi32, #tpu.memory_space<vmem>> -> memref<800xi32, #tpu.memory_space<vmem>>
    %dma_start3A_107 = tpu.memref_slice %arg2[%dma_start3A_97, %mul3A_2] : memref<21x25600xi32, #tpu.memory_space<hbm>> -> memref<1x800xi32, #tpu.memory_space<hbm>>
    %dma_start3A_108 = tpu.memref_squeeze %dma_start3A_107 : memref<1x800xi32, #tpu.memory_space<hbm>> -> memref<800xi32, #tpu.memory_space<hbm>>
    tpu.enqueue_dma source(%dma_start3A_108 : memref<800xi32, #tpu.memory_space<hbm>>) target(%dma_start3A_106 : memref<800xi32, #tpu.memory_space<vmem>>) target_semaphore(%arg14 : memref<!tpu.dma_semaphore, #tpu.memory_space<semaphore_mem>>)
    %dma_start3A_109 = arith.constant 7 : i32
    %dma_start3A_110 = arith.constant 7 : i32
    %dma_start3A_111 = arith.constant 0 : i32
    %dma_start3A_112 = tpu.memref_slice %arg6[%dma_start3A_110, %dma_start3A_111] : memref<21x800xi32, #tpu.memory_space<vmem>> -> memref<1x800xi32, #tpu.memory_space<vmem>>
    %dma_start3A_113 = tpu.memref_squeeze %dma_start3A_112 : memref<1x800xi32, #tpu.memory_space<vmem>> -> memref<800xi32, #tpu.memory_space<vmem>>
    %dma_start3A_114 = tpu.memref_slice %arg2[%dma_start3A_109, %mul3A_2] : memref<21x25600xi32, #tpu.memory_space<hbm>> -> memref<1x800xi32, #tpu.memory_space<hbm>>
    %dma_start3A_115 = tpu.memref_squeeze %dma_start3A_114 : memref<1x800xi32, #tpu.memory_space<hbm>> -> memref<800xi32, #tpu.memory_space<hbm>>
    %dma_start3A_116 = arith.constant 0 : i32
    %dma_start3A_117 = tpu.memref_slice %arg6[%dma_start3A_110, %dma_start3A_116] : memref<21x800xi32, #tpu.memory_space<vmem>> -> memref<1x800xi32, #tpu.memory_space<vmem>>
    %dma_start3A_118 = tpu.memref_squeeze %dma_start3A_117 : memref<1x800xi32, #tpu.memory_space<vmem>> -> memref<800xi32, #tpu.memory_space<vmem>>
    %dma_start3A_119 = tpu.memref_slice %arg2[%dma_start3A_109, %mul3A_2] : memref<21x25600xi32, #tpu.memory_space<hbm>> -> memref<1x800xi32, #tpu.memory_space<hbm>>
    %dma_start3A_120 = tpu.memref_squeeze %dma_start3A_119 : memref<1x800xi32, #tpu.memory_space<hbm>> -> memref<800xi32, #tpu.memory_space<hbm>>
    tpu.enqueue_dma source(%dma_start3A_120 : memref<800xi32, #tpu.memory_space<hbm>>) target(%dma_start3A_118 : memref<800xi32, #tpu.memory_space<vmem>>) target_semaphore(%arg14 : memref<!tpu.dma_semaphore, #tpu.memory_space<semaphore_mem>>)
    %dma_start3A_121 = arith.constant 8 : i32
    %dma_start3A_122 = arith.constant 8 : i32
    %dma_start3A_123 = arith.constant 0 : i32
    %dma_start3A_124 = tpu.memref_slice %arg6[%dma_start3A_122, %dma_start3A_123] : memref<21x800xi32, #tpu.memory_space<vmem>> -> memref<1x800xi32, #tpu.memory_space<vmem>>
    %dma_start3A_125 = tpu.memref_squeeze %dma_start3A_124 : memref<1x800xi32, #tpu.memory_space<vmem>> -> memref<800xi32, #tpu.memory_space<vmem>>
    %dma_start3A_126 = tpu.memref_slice %arg2[%dma_start3A_121, %mul3A_2] : memref<21x25600xi32, #tpu.memory_space<hbm>> -> memref<1x800xi32, #tpu.memory_space<hbm>>
    %dma_start3A_127 = tpu.memref_squeeze %dma_start3A_126 : memref<1x800xi32, #tpu.memory_space<hbm>> -> memref<800xi32, #tpu.memory_space<hbm>>
    %dma_start3A_128 = arith.constant 0 : i32
    %dma_start3A_129 = tpu.memref_slice %arg6[%dma_start3A_122, %dma_start3A_128] : memref<21x800xi32, #tpu.memory_space<vmem>> -> memref<1x800xi32, #tpu.memory_space<vmem>>
    %dma_start3A_130 = tpu.memref_squeeze %dma_start3A_129 : memref<1x800xi32, #tpu.memory_space<vmem>> -> memref<800xi32, #tpu.memory_space<vmem>>
    %dma_start3A_131 = tpu.memref_slice %arg2[%dma_start3A_121, %mul3A_2] : memref<21x25600xi32, #tpu.memory_space<hbm>> -> memref<1x800xi32, #tpu.memory_space<hbm>>
    %dma_start3A_132 = tpu.memref_squeeze %dma_start3A_131 : memref<1x800xi32, #tpu.memory_space<hbm>> -> memref<800xi32, #tpu.memory_space<hbm>>
    tpu.enqueue_dma source(%dma_start3A_132 : memref<800xi32, #tpu.memory_space<hbm>>) target(%dma_start3A_130 : memref<800xi32, #tpu.memory_space<vmem>>) target_semaphore(%arg14 : memref<!tpu.dma_semaphore, #tpu.memory_space<semaphore_mem>>)
    %dma_start3A_133 = arith.constant 9 : i32
    %dma_start3A_134 = arith.constant 9 : i32
    %dma_start3A_135 = arith.constant 0 : i32
    %dma_start3A_136 = tpu.memref_slice %arg6[%dma_start3A_134, %dma_start3A_135] : memref<21x800xi32, #tpu.memory_space<vmem>> -> memref<1x800xi32, #tpu.memory_space<vmem>>
    %dma_start3A_137 = tpu.memref_squeeze %dma_start3A_136 : memref<1x800xi32, #tpu.memory_space<vmem>> -> memref<800xi32, #tpu.memory_space<vmem>>
    %dma_start3A_138 = tpu.memref_slice %arg2[%dma_start3A_133, %mul3A_2] : memref<21x25600xi32, #tpu.memory_space<hbm>> -> memref<1x800xi32, #tpu.memory_space<hbm>>
    %dma_start3A_139 = tpu.memref_squeeze %dma_start3A_138 : memref<1x800xi32, #tpu.memory_space<hbm>> -> memref<800xi32, #tpu.memory_space<hbm>>
    %dma_start3A_140 = arith.constant 0 : i32
    %dma_start3A_141 = tpu.memref_slice %arg6[%dma_start3A_134, %dma_start3A_140] : memref<21x800xi32, #tpu.memory_space<vmem>> -> memref<1x800xi32, #tpu.memory_space<vmem>>
    %dma_start3A_142 = tpu.memref_squeeze %dma_start3A_141 : memref<1x800xi32, #tpu.memory_space<vmem>> -> memref<800xi32, #tpu.memory_space<vmem>>
    %dma_start3A_143 = tpu.memref_slice %arg2[%dma_start3A_133, %mul3A_2] : memref<21x25600xi32, #tpu.memory_space<hbm>> -> memref<1x800xi32, #tpu.memory_space<hbm>>
    %dma_start3A_144 = tpu.memref_squeeze %dma_start3A_143 : memref<1x800xi32, #tpu.memory_space<hbm>> -> memref<800xi32, #tpu.memory_space<hbm>>
    tpu.enqueue_dma source(%dma_start3A_144 : memref<800xi32, #tpu.memory_space<hbm>>) target(%dma_start3A_142 : memref<800xi32, #tpu.memory_space<vmem>>) target_semaphore(%arg14 : memref<!tpu.dma_semaphore, #tpu.memory_space<semaphore_mem>>)
    %dma_start3A_145 = arith.constant 10 : i32
    %dma_start3A_146 = arith.constant 10 : i32
    %dma_start3A_147 = arith.constant 0 : i32
    %dma_start3A_148 = tpu.memref_slice %arg6[%dma_start3A_146, %dma_start3A_147] : memref<21x800xi32, #tpu.memory_space<vmem>> -> memref<1x800xi32, #tpu.memory_space<vmem>>
    %dma_start3A_149 = tpu.memref_squeeze %dma_start3A_148 : memref<1x800xi32, #tpu.memory_space<vmem>> -> memref<800xi32, #tpu.memory_space<vmem>>
    %dma_start3A_150 = tpu.memref_slice %arg2[%dma_start3A_145, %mul3A_2] : memref<21x25600xi32, #tpu.memory_space<hbm>> -> memref<1x800xi32, #tpu.memory_space<hbm>>
    %dma_start3A_151 = tpu.memref_squeeze %dma_start3A_150 : memref<1x800xi32, #tpu.memory_space<hbm>> -> memref<800xi32, #tpu.memory_space<hbm>>
    %dma_start3A_152 = arith.constant 0 : i32
    %dma_start3A_153 = tpu.memref_slice %arg6[%dma_start3A_146, %dma_start3A_152] : memref<21x800xi32, #tpu.memory_space<vmem>> -> memref<1x800xi32, #tpu.memory_space<vmem>>
    %dma_start3A_154 = tpu.memref_squeeze %dma_start3A_153 : memref<1x800xi32, #tpu.memory_space<vmem>> -> memref<800xi32, #tpu.memory_space<vmem>>
    %dma_start3A_155 = tpu.memref_slice %arg2[%dma_start3A_145, %mul3A_2] : memref<21x25600xi32, #tpu.memory_space<hbm>> -> memref<1x800xi32, #tpu.memory_space<hbm>>
    %dma_start3A_156 = tpu.memref_squeeze %dma_start3A_155 : memref<1x800xi32, #tpu.memory_space<hbm>> -> memref<800xi32, #tpu.memory_space<hbm>>
    tpu.enqueue_dma source(%dma_start3A_156 : memref<800xi32, #tpu.memory_space<hbm>>) target(%dma_start3A_154 : memref<800xi32, #tpu.memory_space<vmem>>) target_semaphore(%arg14 : memref<!tpu.dma_semaphore, #tpu.memory_space<semaphore_mem>>)
    %dma_start3A_157 = arith.constant 11 : i32
    %dma_start3A_158 = arith.constant 11 : i32
    %dma_start3A_159 = arith.constant 0 : i32
    %dma_start3A_160 = tpu.memref_slice %arg6[%dma_start3A_158, %dma_start3A_159] : memref<21x800xi32, #tpu.memory_space<vmem>> -> memref<1x800xi32, #tpu.memory_space<vmem>>
    %dma_start3A_161 = tpu.memref_squeeze %dma_start3A_160 : memref<1x800xi32, #tpu.memory_space<vmem>> -> memref<800xi32, #tpu.memory_space<vmem>>
    %dma_start3A_162 = tpu.memref_slice %arg2[%dma_start3A_157, %mul3A_2] : memref<21x25600xi32, #tpu.memory_space<hbm>> -> memref<1x800xi32, #tpu.memory_space<hbm>>
    %dma_start3A_163 = tpu.memref_squeeze %dma_start3A_162 : memref<1x800xi32, #tpu.memory_space<hbm>> -> memref<800xi32, #tpu.memory_space<hbm>>
    %dma_start3A_164 = arith.constant 0 : i32
    %dma_start3A_165 = tpu.memref_slice %arg6[%dma_start3A_158, %dma_start3A_164] : memref<21x800xi32, #tpu.memory_space<vmem>> -> memref<1x800xi32, #tpu.memory_space<vmem>>
    %dma_start3A_166 = tpu.memref_squeeze %dma_start3A_165 : memref<1x800xi32, #tpu.memory_space<vmem>> -> memref<800xi32, #tpu.memory_space<vmem>>
    %dma_start3A_167 = tpu.memref_slice %arg2[%dma_start3A_157, %mul3A_2] : memref<21x25600xi32, #tpu.memory_space<hbm>> -> memref<1x800xi32, #tpu.memory_space<hbm>>
    %dma_start3A_168 = tpu.memref_squeeze %dma_start3A_167 : memref<1x800xi32, #tpu.memory_space<hbm>> -> memref<800xi32, #tpu.memory_space<hbm>>
    tpu.enqueue_dma source(%dma_start3A_168 : memref<800xi32, #tpu.memory_space<hbm>>) target(%dma_start3A_166 : memref<800xi32, #tpu.memory_space<vmem>>) target_semaphore(%arg14 : memref<!tpu.dma_semaphore, #tpu.memory_space<semaphore_mem>>)
    %dma_start3A_169 = arith.constant 12 : i32
    %dma_start3A_170 = arith.constant 12 : i32
    %dma_start3A_171 = arith.constant 0 : i32
    %dma_start3A_172 = tpu.memref_slice %arg6[%dma_start3A_170, %dma_start3A_171] : memref<21x800xi32, #tpu.memory_space<vmem>> -> memref<1x800xi32, #tpu.memory_space<vmem>>
    %dma_start3A_173 = tpu.memref_squeeze %dma_start3A_172 : memref<1x800xi32, #tpu.memory_space<vmem>> -> memref<800xi32, #tpu.memory_space<vmem>>
    %dma_start3A_174 = tpu.memref_slice %arg2[%dma_start3A_169, %mul3A_2] : memref<21x25600xi32, #tpu.memory_space<hbm>> -> memref<1x800xi32, #tpu.memory_space<hbm>>
    %dma_start3A_175 = tpu.memref_squeeze %dma_start3A_174 : memref<1x800xi32, #tpu.memory_space<hbm>> -> memref<800xi32, #tpu.memory_space<hbm>>
    %dma_start3A_176 = arith.constant 0 : i32
    %dma_start3A_177 = tpu.memref_slice %arg6[%dma_start3A_170, %dma_start3A_176] : memref<21x800xi32, #tpu.memory_space<vmem>> -> memref<1x800xi32, #tpu.memory_space<vmem>>
    %dma_start3A_178 = tpu.memref_squeeze %dma_start3A_177 : memref<1x800xi32, #tpu.memory_space<vmem>> -> memref<800xi32, #tpu.memory_space<vmem>>
    %dma_start3A_179 = tpu.memref_slice %arg2[%dma_start3A_169, %mul3A_2] : memref<21x25600xi32, #tpu.memory_space<hbm>> -> memref<1x800xi32, #tpu.memory_space<hbm>>
    %dma_start3A_180 = tpu.memref_squeeze %dma_start3A_179 : memref<1x800xi32, #tpu.memory_space<hbm>> -> memref<800xi32, #tpu.memory_space<hbm>>
    tpu.enqueue_dma source(%dma_start3A_180 : memref<800xi32, #tpu.memory_space<hbm>>) target(%dma_start3A_178 : memref<800xi32, #tpu.memory_space<vmem>>) target_semaphore(%arg14 : memref<!tpu.dma_semaphore, #tpu.memory_space<semaphore_mem>>)
    %dma_start3A_181 = arith.constant 13 : i32
    %dma_start3A_182 = arith.constant 13 : i32
    %dma_start3A_183 = arith.constant 0 : i32
    %dma_start3A_184 = tpu.memref_slice %arg6[%dma_start3A_182, %dma_start3A_183] : memref<21x800xi32, #tpu.memory_space<vmem>> -> memref<1x800xi32, #tpu.memory_space<vmem>>
    %dma_start3A_185 = tpu.memref_squeeze %dma_start3A_184 : memref<1x800xi32, #tpu.memory_space<vmem>> -> memref<800xi32, #tpu.memory_space<vmem>>
    %dma_start3A_186 = tpu.memref_slice %arg2[%dma_start3A_181, %mul3A_2] : memref<21x25600xi32, #tpu.memory_space<hbm>> -> memref<1x800xi32, #tpu.memory_space<hbm>>
    %dma_start3A_187 = tpu.memref_squeeze %dma_start3A_186 : memref<1x800xi32, #tpu.memory_space<hbm>> -> memref<800xi32, #tpu.memory_space<hbm>>
    %dma_start3A_188 = arith.constant 0 : i32
    %dma_start3A_189 = tpu.memref_slice %arg6[%dma_start3A_182, %dma_start3A_188] : memref<21x800xi32, #tpu.memory_space<vmem>> -> memref<1x800xi32, #tpu.memory_space<vmem>>
    %dma_start3A_190 = tpu.memref_squeeze %dma_start3A_189 : memref<1x800xi32, #tpu.memory_space<vmem>> -> memref<800xi32, #tpu.memory_space<vmem>>
    %dma_start3A_191 = tpu.memref_slice %arg2[%dma_start3A_181, %mul3A_2] : memref<21x25600xi32, #tpu.memory_space<hbm>> -> memref<1x800xi32, #tpu.memory_space<hbm>>
    %dma_start3A_192 = tpu.memref_squeeze %dma_start3A_191 : memref<1x800xi32, #tpu.memory_space<hbm>> -> memref<800xi32, #tpu.memory_space<hbm>>
    tpu.enqueue_dma source(%dma_start3A_192 : memref<800xi32, #tpu.memory_space<hbm>>) target(%dma_start3A_190 : memref<800xi32, #tpu.memory_space<vmem>>) target_semaphore(%arg14 : memref<!tpu.dma_semaphore, #tpu.memory_space<semaphore_mem>>)
    %dma_start3A_193 = arith.constant 14 : i32
    %dma_start3A_194 = arith.constant 14 : i32
    %dma_start3A_195 = arith.constant 0 : i32
    %dma_start3A_196 = tpu.memref_slice %arg6[%dma_start3A_194, %dma_start3A_195] : memref<21x800xi32, #tpu.memory_space<vmem>> -> memref<1x800xi32, #tpu.memory_space<vmem>>
    %dma_start3A_197 = tpu.memref_squeeze %dma_start3A_196 : memref<1x800xi32, #tpu.memory_space<vmem>> -> memref<800xi32, #tpu.memory_space<vmem>>
    %dma_start3A_198 = tpu.memref_slice %arg2[%dma_start3A_193, %mul3A_2] : memref<21x25600xi32, #tpu.memory_space<hbm>> -> memref<1x800xi32, #tpu.memory_space<hbm>>
    %dma_start3A_199 = tpu.memref_squeeze %dma_start3A_198 : memref<1x800xi32, #tpu.memory_space<hbm>> -> memref<800xi32, #tpu.memory_space<hbm>>
    %dma_start3A_200 = arith.constant 0 : i32
    %dma_start3A_201 = tpu.memref_slice %arg6[%dma_start3A_194, %dma_start3A_200] : memref<21x800xi32, #tpu.memory_space<vmem>> -> memref<1x800xi32, #tpu.memory_space<vmem>>
    %dma_start3A_202 = tpu.memref_squeeze %dma_start3A_201 : memref<1x800xi32, #tpu.memory_space<vmem>> -> memref<800xi32, #tpu.memory_space<vmem>>
    %dma_start3A_203 = tpu.memref_slice %arg2[%dma_start3A_193, %mul3A_2] : memref<21x25600xi32, #tpu.memory_space<hbm>> -> memref<1x800xi32, #tpu.memory_space<hbm>>
    %dma_start3A_204 = tpu.memref_squeeze %dma_start3A_203 : memref<1x800xi32, #tpu.memory_space<hbm>> -> memref<800xi32, #tpu.memory_space<hbm>>
    tpu.enqueue_dma source(%dma_start3A_204 : memref<800xi32, #tpu.memory_space<hbm>>) target(%dma_start3A_202 : memref<800xi32, #tpu.memory_space<vmem>>) target_semaphore(%arg14 : memref<!tpu.dma_semaphore, #tpu.memory_space<semaphore_mem>>)
    %dma_start3A_205 = arith.constant 15 : i32
    %dma_start3A_206 = arith.constant 15 : i32
    %dma_start3A_207 = arith.constant 0 : i32
    %dma_start3A_208 = tpu.memref_slice %arg6[%dma_start3A_206, %dma_start3A_207] : memref<21x800xi32, #tpu.memory_space<vmem>> -> memref<1x800xi32, #tpu.memory_space<vmem>>
    %dma_start3A_209 = tpu.memref_squeeze %dma_start3A_208 : memref<1x800xi32, #tpu.memory_space<vmem>> -> memref<800xi32, #tpu.memory_space<vmem>>
    %dma_start3A_210 = tpu.memref_slice %arg2[%dma_start3A_205, %mul3A_2] : memref<21x25600xi32, #tpu.memory_space<hbm>> -> memref<1x800xi32, #tpu.memory_space<hbm>>
    %dma_start3A_211 = tpu.memref_squeeze %dma_start3A_210 : memref<1x800xi32, #tpu.memory_space<hbm>> -> memref<800xi32, #tpu.memory_space<hbm>>
    %dma_start3A_212 = arith.constant 0 : i32
    %dma_start3A_213 = tpu.memref_slice %arg6[%dma_start3A_206, %dma_start3A_212] : memref<21x800xi32, #tpu.memory_space<vmem>> -> memref<1x800xi32, #tpu.memory_space<vmem>>
    %dma_start3A_214 = tpu.memref_squeeze %dma_start3A_213 : memref<1x800xi32, #tpu.memory_space<vmem>> -> memref<800xi32, #tpu.memory_space<vmem>>
    %dma_start3A_215 = tpu.memref_slice %arg2[%dma_start3A_205, %mul3A_2] : memref<21x25600xi32, #tpu.memory_space<hbm>> -> memref<1x800xi32, #tpu.memory_space<hbm>>
    %dma_start3A_216 = tpu.memref_squeeze %dma_start3A_215 : memref<1x800xi32, #tpu.memory_space<hbm>> -> memref<800xi32, #tpu.memory_space<hbm>>
    tpu.enqueue_dma source(%dma_start3A_216 : memref<800xi32, #tpu.memory_space<hbm>>) target(%dma_start3A_214 : memref<800xi32, #tpu.memory_space<vmem>>) target_semaphore(%arg14 : memref<!tpu.dma_semaphore, #tpu.memory_space<semaphore_mem>>)
    %dma_start3A_217 = arith.constant 16 : i32
    %dma_start3A_218 = arith.constant 16 : i32
    %dma_start3A_219 = arith.constant 0 : i32
    %dma_start3A_220 = tpu.memref_slice %arg6[%dma_start3A_218, %dma_start3A_219] : memref<21x800xi32, #tpu.memory_space<vmem>> -> memref<1x800xi32, #tpu.memory_space<vmem>>
    %dma_start3A_221 = tpu.memref_squeeze %dma_start3A_220 : memref<1x800xi32, #tpu.memory_space<vmem>> -> memref<800xi32, #tpu.memory_space<vmem>>
    %dma_start3A_222 = tpu.memref_slice %arg2[%dma_start3A_217, %mul3A_2] : memref<21x25600xi32, #tpu.memory_space<hbm>> -> memref<1x800xi32, #tpu.memory_space<hbm>>
    %dma_start3A_223 = tpu.memref_squeeze %dma_start3A_222 : memref<1x800xi32, #tpu.memory_space<hbm>> -> memref<800xi32, #tpu.memory_space<hbm>>
    %dma_start3A_224 = arith.constant 0 : i32
    %dma_start3A_225 = tpu.memref_slice %arg6[%dma_start3A_218, %dma_start3A_224] : memref<21x800xi32, #tpu.memory_space<vmem>> -> memref<1x800xi32, #tpu.memory_space<vmem>>
    %dma_start3A_226 = tpu.memref_squeeze %dma_start3A_225 : memref<1x800xi32, #tpu.memory_space<vmem>> -> memref<800xi32, #tpu.memory_space<vmem>>
    %dma_start3A_227 = tpu.memref_slice %arg2[%dma_start3A_217, %mul3A_2] : memref<21x25600xi32, #tpu.memory_space<hbm>> -> memref<1x800xi32, #tpu.memory_space<hbm>>
    %dma_start3A_228 = tpu.memref_squeeze %dma_start3A_227 : memref<1x800xi32, #tpu.memory_space<hbm>> -> memref<800xi32, #tpu.memory_space<hbm>>
    tpu.enqueue_dma source(%dma_start3A_228 : memref<800xi32, #tpu.memory_space<hbm>>) target(%dma_start3A_226 : memref<800xi32, #tpu.memory_space<vmem>>) target_semaphore(%arg14 : memref<!tpu.dma_semaphore, #tpu.memory_space<semaphore_mem>>)
    %dma_start3A_229 = arith.constant 17 : i32
    %dma_start3A_230 = arith.constant 17 : i32
    %dma_start3A_231 = arith.constant 0 : i32
    %dma_start3A_232 = tpu.memref_slice %arg6[%dma_start3A_230, %dma_start3A_231] : memref<21x800xi32, #tpu.memory_space<vmem>> -> memref<1x800xi32, #tpu.memory_space<vmem>>
    %dma_start3A_233 = tpu.memref_squeeze %dma_start3A_232 : memref<1x800xi32, #tpu.memory_space<vmem>> -> memref<800xi32, #tpu.memory_space<vmem>>
    %dma_start3A_234 = tpu.memref_slice %arg2[%dma_start3A_229, %mul3A_2] : memref<21x25600xi32, #tpu.memory_space<hbm>> -> memref<1x800xi32, #tpu.memory_space<hbm>>
    %dma_start3A_235 = tpu.memref_squeeze %dma_start3A_234 : memref<1x800xi32, #tpu.memory_space<hbm>> -> memref<800xi32, #tpu.memory_space<hbm>>
    %dma_start3A_236 = arith.constant 0 : i32
    %dma_start3A_237 = tpu.memref_slice %arg6[%dma_start3A_230, %dma_start3A_236] : memref<21x800xi32, #tpu.memory_space<vmem>> -> memref<1x800xi32, #tpu.memory_space<vmem>>
    %dma_start3A_238 = tpu.memref_squeeze %dma_start3A_237 : memref<1x800xi32, #tpu.memory_space<vmem>> -> memref<800xi32, #tpu.memory_space<vmem>>
    %dma_start3A_239 = tpu.memref_slice %arg2[%dma_start3A_229, %mul3A_2] : memref<21x25600xi32, #tpu.memory_space<hbm>> -> memref<1x800xi32, #tpu.memory_space<hbm>>
    %dma_start3A_240 = tpu.memref_squeeze %dma_start3A_239 : memref<1x800xi32, #tpu.memory_space<hbm>> -> memref<800xi32, #tpu.memory_space<hbm>>
    tpu.enqueue_dma source(%dma_start3A_240 : memref<800xi32, #tpu.memory_space<hbm>>) target(%dma_start3A_238 : memref<800xi32, #tpu.memory_space<vmem>>) target_semaphore(%arg14 : memref<!tpu.dma_semaphore, #tpu.memory_space<semaphore_mem>>)
    %dma_start3A_241 = arith.constant 18 : i32
    %dma_start3A_242 = arith.constant 18 : i32
    %dma_start3A_243 = arith.constant 0 : i32
    %dma_start3A_244 = tpu.memref_slice %arg6[%dma_start3A_242, %dma_start3A_243] : memref<21x800xi32, #tpu.memory_space<vmem>> -> memref<1x800xi32, #tpu.memory_space<vmem>>
    %dma_start3A_245 = tpu.memref_squeeze %dma_start3A_244 : memref<1x800xi32, #tpu.memory_space<vmem>> -> memref<800xi32, #tpu.memory_space<vmem>>
    %dma_start3A_246 = tpu.memref_slice %arg2[%dma_start3A_241, %mul3A_2] : memref<21x25600xi32, #tpu.memory_space<hbm>> -> memref<1x800xi32, #tpu.memory_space<hbm>>
    %dma_start3A_247 = tpu.memref_squeeze %dma_start3A_246 : memref<1x800xi32, #tpu.memory_space<hbm>> -> memref<800xi32, #tpu.memory_space<hbm>>
    %dma_start3A_248 = arith.constant 0 : i32
    %dma_start3A_249 = tpu.memref_slice %arg6[%dma_start3A_242, %dma_start3A_248] : memref<21x800xi32, #tpu.memory_space<vmem>> -> memref<1x800xi32, #tpu.memory_space<vmem>>
    %dma_start3A_250 = tpu.memref_squeeze %dma_start3A_249 : memref<1x800xi32, #tpu.memory_space<vmem>> -> memref<800xi32, #tpu.memory_space<vmem>>
    %dma_start3A_251 = tpu.memref_slice %arg2[%dma_start3A_241, %mul3A_2] : memref<21x25600xi32, #tpu.memory_space<hbm>> -> memref<1x800xi32, #tpu.memory_space<hbm>>
    %dma_start3A_252 = tpu.memref_squeeze %dma_start3A_251 : memref<1x800xi32, #tpu.memory_space<hbm>> -> memref<800xi32, #tpu.memory_space<hbm>>
    tpu.enqueue_dma source(%dma_start3A_252 : memref<800xi32, #tpu.memory_space<hbm>>) target(%dma_start3A_250 : memref<800xi32, #tpu.memory_space<vmem>>) target_semaphore(%arg14 : memref<!tpu.dma_semaphore, #tpu.memory_space<semaphore_mem>>)
    %dma_start3A_253 = arith.constant 19 : i32
    %dma_start3A_254 = arith.constant 19 : i32
    %dma_start3A_255 = arith.constant 0 : i32
    %dma_start3A_256 = tpu.memref_slice %arg6[%dma_start3A_254, %dma_start3A_255] : memref<21x800xi32, #tpu.memory_space<vmem>> -> memref<1x800xi32, #tpu.memory_space<vmem>>
    %dma_start3A_257 = tpu.memref_squeeze %dma_start3A_256 : memref<1x800xi32, #tpu.memory_space<vmem>> -> memref<800xi32, #tpu.memory_space<vmem>>
    %dma_start3A_258 = tpu.memref_slice %arg2[%dma_start3A_253, %mul3A_2] : memref<21x25600xi32, #tpu.memory_space<hbm>> -> memref<1x800xi32, #tpu.memory_space<hbm>>
    %dma_start3A_259 = tpu.memref_squeeze %dma_start3A_258 : memref<1x800xi32, #tpu.memory_space<hbm>> -> memref<800xi32, #tpu.memory_space<hbm>>
    %dma_start3A_260 = arith.constant 0 : i32
    %dma_start3A_261 = tpu.memref_slice %arg6[%dma_start3A_254, %dma_start3A_260] : memref<21x800xi32, #tpu.memory_space<vmem>> -> memref<1x800xi32, #tpu.memory_space<vmem>>
    %dma_start3A_262 = tpu.memref_squeeze %dma_start3A_261 : memref<1x800xi32, #tpu.memory_space<vmem>> -> memref<800xi32, #tpu.memory_space<vmem>>
    %dma_start3A_263 = tpu.memref_slice %arg2[%dma_start3A_253, %mul3A_2] : memref<21x25600xi32, #tpu.memory_space<hbm>> -> memref<1x800xi32, #tpu.memory_space<hbm>>
    %dma_start3A_264 = tpu.memref_squeeze %dma_start3A_263 : memref<1x800xi32, #tpu.memory_space<hbm>> -> memref<800xi32, #tpu.memory_space<hbm>>
    tpu.enqueue_dma source(%dma_start3A_264 : memref<800xi32, #tpu.memory_space<hbm>>) target(%dma_start3A_262 : memref<800xi32, #tpu.memory_space<vmem>>) target_semaphore(%arg14 : memref<!tpu.dma_semaphore, #tpu.memory_space<semaphore_mem>>)
    %dma_start3A_265 = arith.constant 20 : i32
    %dma_start3A_266 = arith.constant 20 : i32
    %dma_start3A_267 = arith.constant 0 : i32
    %dma_start3A_268 = tpu.memref_slice %arg6[%dma_start3A_266, %dma_start3A_267] : memref<21x800xi32, #tpu.memory_space<vmem>> -> memref<1x800xi32, #tpu.memory_space<vmem>>
    %dma_start3A_269 = tpu.memref_squeeze %dma_start3A_268 : memref<1x800xi32, #tpu.memory_space<vmem>> -> memref<800xi32, #tpu.memory_space<vmem>>
    %dma_start3A_270 = tpu.memref_slice %arg2[%dma_start3A_265, %mul3A_2] : memref<21x25600xi32, #tpu.memory_space<hbm>> -> memref<1x800xi32, #tpu.memory_space<hbm>>
    %dma_start3A_271 = tpu.memref_squeeze %dma_start3A_270 : memref<1x800xi32, #tpu.memory_space<hbm>> -> memref<800xi32, #tpu.memory_space<hbm>>
    %dma_start3A_272 = arith.constant 0 : i32
    %dma_start3A_273 = tpu.memref_slice %arg6[%dma_start3A_266, %dma_start3A_272] : memref<21x800xi32, #tpu.memory_space<vmem>> -> memref<1x800xi32, #tpu.memory_space<vmem>>
    %dma_start3A_274 = tpu.memref_squeeze %dma_start3A_273 : memref<1x800xi32, #tpu.memory_space<vmem>> -> memref<800xi32, #tpu.memory_space<vmem>>
    %dma_start3A_275 = tpu.memref_slice %arg2[%dma_start3A_265, %mul3A_2] : memref<21x25600xi32, #tpu.memory_space<hbm>> -> memref<1x800xi32, #tpu.memory_space<hbm>>
    %dma_start3A_276 = tpu.memref_squeeze %dma_start3A_275 : memref<1x800xi32, #tpu.memory_space<hbm>> -> memref<800xi32, #tpu.memory_space<hbm>>
    tpu.enqueue_dma source(%dma_start3A_276 : memref<800xi32, #tpu.memory_space<hbm>>) target(%dma_start3A_274 : memref<800xi32, #tpu.memory_space<vmem>>) target_semaphore(%arg14 : memref<!tpu.dma_semaphore, #tpu.memory_space<semaphore_mem>>)
    %dma_wait3A_277 = arith.constant 1 : i32
    %dma_wait3A_278 = arith.constant 1 : i32
    %dma_wait3A_279 = arith.constant 0 : i32
    %dma_wait3A_280 = tpu.memref_slice %arg6[%dma_wait3A_278, %dma_wait3A_279] : memref<21x800xi32, #tpu.memory_space<vmem>> -> memref<1x800xi32, #tpu.memory_space<vmem>>
    %dma_wait3A_281 = tpu.memref_squeeze %dma_wait3A_280 : memref<1x800xi32, #tpu.memory_space<vmem>> -> memref<800xi32, #tpu.memory_space<vmem>>
    %dma_wait3A_282 = tpu.memref_slice %arg2[%dma_wait3A_277, %mul3A_2] : memref<21x25600xi32, #tpu.memory_space<hbm>> -> memref<1x800xi32, #tpu.memory_space<hbm>>
    %dma_wait3A_283 = tpu.memref_squeeze %dma_wait3A_282 : memref<1x800xi32, #tpu.memory_space<hbm>> -> memref<800xi32, #tpu.memory_space<hbm>>
    %dma_wait3A_284 = arith.constant 0 : i32
    %dma_wait3A_285 = tpu.memref_slice %arg6[%dma_wait3A_278, %dma_wait3A_284] : memref<21x800xi32, #tpu.memory_space<vmem>> -> memref<1x800xi32, #tpu.memory_space<vmem>>
    %dma_wait3A_286 = tpu.memref_squeeze %dma_wait3A_285 : memref<1x800xi32, #tpu.memory_space<vmem>> -> memref<800xi32, #tpu.memory_space<vmem>>
    %dma_wait3A_287 = tpu.memref_slice %arg2[%dma_wait3A_277, %mul3A_2] : memref<21x25600xi32, #tpu.memory_space<hbm>> -> memref<1x800xi32, #tpu.memory_space<hbm>>
    %dma_wait3A_288 = tpu.memref_squeeze %dma_wait3A_287 : memref<1x800xi32, #tpu.memory_space<hbm>> -> memref<800xi32, #tpu.memory_space<hbm>>
    tpu.wait_dma2 semaphore(%arg14 : memref<!tpu.dma_semaphore, #tpu.memory_space<semaphore_mem>>) src(%dma_wait3A_288 : memref<800xi32, #tpu.memory_space<hbm>>) dst(%dma_wait3A_286 : memref<800xi32, #tpu.memory_space<vmem>>)
    %dma_wait3A_289 = arith.constant 2 : i32
    %dma_wait3A_290 = arith.constant 2 : i32
    %dma_wait3A_291 = arith.constant 0 : i32
    %dma_wait3A_292 = tpu.memref_slice %arg6[%dma_wait3A_290, %dma_wait3A_291] : memref<21x800xi32, #tpu.memory_space<vmem>> -> memref<1x800xi32, #tpu.memory_space<vmem>>
    %dma_wait3A_293 = tpu.memref_squeeze %dma_wait3A_292 : memref<1x800xi32, #tpu.memory_space<vmem>> -> memref<800xi32, #tpu.memory_space<vmem>>
    %dma_wait3A_294 = tpu.memref_slice %arg2[%dma_wait3A_289, %mul3A_2] : memref<21x25600xi32, #tpu.memory_space<hbm>> -> memref<1x800xi32, #tpu.memory_space<hbm>>
    %dma_wait3A_295 = tpu.memref_squeeze %dma_wait3A_294 : memref<1x800xi32, #tpu.memory_space<hbm>> -> memref<800xi32, #tpu.memory_space<hbm>>
    %dma_wait3A_296 = arith.constant 0 : i32
    %dma_wait3A_297 = tpu.memref_slice %arg6[%dma_wait3A_290, %dma_wait3A_296] : memref<21x800xi32, #tpu.memory_space<vmem>> -> memref<1x800xi32, #tpu.memory_space<vmem>>
    %dma_wait3A_298 = tpu.memref_squeeze %dma_wait3A_297 : memref<1x800xi32, #tpu.memory_space<vmem>> -> memref<800xi32, #tpu.memory_space<vmem>>
    %dma_wait3A_299 = tpu.memref_slice %arg2[%dma_wait3A_289, %mul3A_2] : memref<21x25600xi32, #tpu.memory_space<hbm>> -> memref<1x800xi32, #tpu.memory_space<hbm>>
    %dma_wait3A_300 = tpu.memref_squeeze %dma_wait3A_299 : memref<1x800xi32, #tpu.memory_space<hbm>> -> memref<800xi32, #tpu.memory_space<hbm>>
    tpu.wait_dma2 semaphore(%arg14 : memref<!tpu.dma_semaphore, #tpu.memory_space<semaphore_mem>>) src(%dma_wait3A_300 : memref<800xi32, #tpu.memory_space<hbm>>) dst(%dma_wait3A_298 : memref<800xi32, #tpu.memory_space<vmem>>)
    %dma_wait3A_301 = arith.constant 3 : i32
    %dma_wait3A_302 = arith.constant 3 : i32
    %dma_wait3A_303 = arith.constant 0 : i32
    %dma_wait3A_304 = tpu.memref_slice %arg6[%dma_wait3A_302, %dma_wait3A_303] : memref<21x800xi32, #tpu.memory_space<vmem>> -> memref<1x800xi32, #tpu.memory_space<vmem>>
    %dma_wait3A_305 = tpu.memref_squeeze %dma_wait3A_304 : memref<1x800xi32, #tpu.memory_space<vmem>> -> memref<800xi32, #tpu.memory_space<vmem>>
    %dma_wait3A_306 = tpu.memref_slice %arg2[%dma_wait3A_301, %mul3A_2] : memref<21x25600xi32, #tpu.memory_space<hbm>> -> memref<1x800xi32, #tpu.memory_space<hbm>>
    %dma_wait3A_307 = tpu.memref_squeeze %dma_wait3A_306 : memref<1x800xi32, #tpu.memory_space<hbm>> -> memref<800xi32, #tpu.memory_space<hbm>>
    %dma_wait3A_308 = arith.constant 0 : i32
    %dma_wait3A_309 = tpu.memref_slice %arg6[%dma_wait3A_302, %dma_wait3A_308] : memref<21x800xi32, #tpu.memory_space<vmem>> -> memref<1x800xi32, #tpu.memory_space<vmem>>
    %dma_wait3A_310 = tpu.memref_squeeze %dma_wait3A_309 : memref<1x800xi32, #tpu.memory_space<vmem>> -> memref<800xi32, #tpu.memory_space<vmem>>
    %dma_wait3A_311 = tpu.memref_slice %arg2[%dma_wait3A_301, %mul3A_2] : memref<21x25600xi32, #tpu.memory_space<hbm>> -> memref<1x800xi32, #tpu.memory_space<hbm>>
    %dma_wait3A_312 = tpu.memref_squeeze %dma_wait3A_311 : memref<1x800xi32, #tpu.memory_space<hbm>> -> memref<800xi32, #tpu.memory_space<hbm>>
    tpu.wait_dma2 semaphore(%arg14 : memref<!tpu.dma_semaphore, #tpu.memory_space<semaphore_mem>>) src(%dma_wait3A_312 : memref<800xi32, #tpu.memory_space<hbm>>) dst(%dma_wait3A_310 : memref<800xi32, #tpu.memory_space<vmem>>)
    %dma_wait3A_313 = arith.constant 4 : i32
    %dma_wait3A_314 = arith.constant 4 : i32
    %dma_wait3A_315 = arith.constant 0 : i32
    %dma_wait3A_316 = tpu.memref_slice %arg6[%dma_wait3A_314, %dma_wait3A_315] : memref<21x800xi32, #tpu.memory_space<vmem>> -> memref<1x800xi32, #tpu.memory_space<vmem>>
    %dma_wait3A_317 = tpu.memref_squeeze %dma_wait3A_316 : memref<1x800xi32, #tpu.memory_space<vmem>> -> memref<800xi32, #tpu.memory_space<vmem>>
    %dma_wait3A_318 = tpu.memref_slice %arg2[%dma_wait3A_313, %mul3A_2] : memref<21x25600xi32, #tpu.memory_space<hbm>> -> memref<1x800xi32, #tpu.memory_space<hbm>>
    %dma_wait3A_319 = tpu.memref_squeeze %dma_wait3A_318 : memref<1x800xi32, #tpu.memory_space<hbm>> -> memref<800xi32, #tpu.memory_space<hbm>>
    %dma_wait3A_320 = arith.constant 0 : i32
    %dma_wait3A_321 = tpu.memref_slice %arg6[%dma_wait3A_314, %dma_wait3A_320] : memref<21x800xi32, #tpu.memory_space<vmem>> -> memref<1x800xi32, #tpu.memory_space<vmem>>
    %dma_wait3A_322 = tpu.memref_squeeze %dma_wait3A_321 : memref<1x800xi32, #tpu.memory_space<vmem>> -> memref<800xi32, #tpu.memory_space<vmem>>
    %dma_wait3A_323 = tpu.memref_slice %arg2[%dma_wait3A_313, %mul3A_2] : memref<21x25600xi32, #tpu.memory_space<hbm>> -> memref<1x800xi32, #tpu.memory_space<hbm>>
    %dma_wait3A_324 = tpu.memref_squeeze %dma_wait3A_323 : memref<1x800xi32, #tpu.memory_space<hbm>> -> memref<800xi32, #tpu.memory_space<hbm>>
    tpu.wait_dma2 semaphore(%arg14 : memref<!tpu.dma_semaphore, #tpu.memory_space<semaphore_mem>>) src(%dma_wait3A_324 : memref<800xi32, #tpu.memory_space<hbm>>) dst(%dma_wait3A_322 : memref<800xi32, #tpu.memory_space<vmem>>)
    %dma_wait3A_325 = arith.constant 5 : i32
    %dma_wait3A_326 = arith.constant 5 : i32
    %dma_wait3A_327 = arith.constant 0 : i32
    %dma_wait3A_328 = tpu.memref_slice %arg6[%dma_wait3A_326, %dma_wait3A_327] : memref<21x800xi32, #tpu.memory_space<vmem>> -> memref<1x800xi32, #tpu.memory_space<vmem>>
    %dma_wait3A_329 = tpu.memref_squeeze %dma_wait3A_328 : memref<1x800xi32, #tpu.memory_space<vmem>> -> memref<800xi32, #tpu.memory_space<vmem>>
    %dma_wait3A_330 = tpu.memref_slice %arg2[%dma_wait3A_325, %mul3A_2] : memref<21x25600xi32, #tpu.memory_space<hbm>> -> memref<1x800xi32, #tpu.memory_space<hbm>>
    %dma_wait3A_331 = tpu.memref_squeeze %dma_wait3A_330 : memref<1x800xi32, #tpu.memory_space<hbm>> -> memref<800xi32, #tpu.memory_space<hbm>>
    %dma_wait3A_332 = arith.constant 0 : i32
    %dma_wait3A_333 = tpu.memref_slice %arg6[%dma_wait3A_326, %dma_wait3A_332] : memref<21x800xi32, #tpu.memory_space<vmem>> -> memref<1x800xi32, #tpu.memory_space<vmem>>
    %dma_wait3A_334 = tpu.memref_squeeze %dma_wait3A_333 : memref<1x800xi32, #tpu.memory_space<vmem>> -> memref<800xi32, #tpu.memory_space<vmem>>
    %dma_wait3A_335 = tpu.memref_slice %arg2[%dma_wait3A_325, %mul3A_2] : memref<21x25600xi32, #tpu.memory_space<hbm>> -> memref<1x800xi32, #tpu.memory_space<hbm>>
    %dma_wait3A_336 = tpu.memref_squeeze %dma_wait3A_335 : memref<1x800xi32, #tpu.memory_space<hbm>> -> memref<800xi32, #tpu.memory_space<hbm>>
    tpu.wait_dma2 semaphore(%arg14 : memref<!tpu.dma_semaphore, #tpu.memory_space<semaphore_mem>>) src(%dma_wait3A_336 : memref<800xi32, #tpu.memory_space<hbm>>) dst(%dma_wait3A_334 : memref<800xi32, #tpu.memory_space<vmem>>)
    %dma_wait3A_337 = arith.constant 6 : i32
    %dma_wait3A_338 = arith.constant 6 : i32
    %dma_wait3A_339 = arith.constant 0 : i32
    %dma_wait3A_340 = tpu.memref_slice %arg6[%dma_wait3A_338, %dma_wait3A_339] : memref<21x800xi32, #tpu.memory_space<vmem>> -> memref<1x800xi32, #tpu.memory_space<vmem>>
    %dma_wait3A_341 = tpu.memref_squeeze %dma_wait3A_340 : memref<1x800xi32, #tpu.memory_space<vmem>> -> memref<800xi32, #tpu.memory_space<vmem>>
    %dma_wait3A_342 = tpu.memref_slice %arg2[%dma_wait3A_337, %mul3A_2] : memref<21x25600xi32, #tpu.memory_space<hbm>> -> memref<1x800xi32, #tpu.memory_space<hbm>>
    %dma_wait3A_343 = tpu.memref_squeeze %dma_wait3A_342 : memref<1x800xi32, #tpu.memory_space<hbm>> -> memref<800xi32, #tpu.memory_space<hbm>>
    %dma_wait3A_344 = arith.constant 0 : i32
    %dma_wait3A_345 = tpu.memref_slice %arg6[%dma_wait3A_338, %dma_wait3A_344] : memref<21x800xi32, #tpu.memory_space<vmem>> -> memref<1x800xi32, #tpu.memory_space<vmem>>
    %dma_wait3A_346 = tpu.memref_squeeze %dma_wait3A_345 : memref<1x800xi32, #tpu.memory_space<vmem>> -> memref<800xi32, #tpu.memory_space<vmem>>
    %dma_wait3A_347 = tpu.memref_slice %arg2[%dma_wait3A_337, %mul3A_2] : memref<21x25600xi32, #tpu.memory_space<hbm>> -> memref<1x800xi32, #tpu.memory_space<hbm>>
    %dma_wait3A_348 = tpu.memref_squeeze %dma_wait3A_347 : memref<1x800xi32, #tpu.memory_space<hbm>> -> memref<800xi32, #tpu.memory_space<hbm>>
    tpu.wait_dma2 semaphore(%arg14 : memref<!tpu.dma_semaphore, #tpu.memory_space<semaphore_mem>>) src(%dma_wait3A_348 : memref<800xi32, #tpu.memory_space<hbm>>) dst(%dma_wait3A_346 : memref<800xi32, #tpu.memory_space<vmem>>)
    %dma_wait3A_349 = arith.constant 7 : i32
    %dma_wait3A_350 = arith.constant 7 : i32
    %dma_wait3A_351 = arith.constant 0 : i32
    %dma_wait3A_352 = tpu.memref_slice %arg6[%dma_wait3A_350, %dma_wait3A_351] : memref<21x800xi32, #tpu.memory_space<vmem>> -> memref<1x800xi32, #tpu.memory_space<vmem>>
    %dma_wait3A_353 = tpu.memref_squeeze %dma_wait3A_352 : memref<1x800xi32, #tpu.memory_space<vmem>> -> memref<800xi32, #tpu.memory_space<vmem>>
    %dma_wait3A_354 = tpu.memref_slice %arg2[%dma_wait3A_349, %mul3A_2] : memref<21x25600xi32, #tpu.memory_space<hbm>> -> memref<1x800xi32, #tpu.memory_space<hbm>>
    %dma_wait3A_355 = tpu.memref_squeeze %dma_wait3A_354 : memref<1x800xi32, #tpu.memory_space<hbm>> -> memref<800xi32, #tpu.memory_space<hbm>>
    %dma_wait3A_356 = arith.constant 0 : i32
    %dma_wait3A_357 = tpu.memref_slice %arg6[%dma_wait3A_350, %dma_wait3A_356] : memref<21x800xi32, #tpu.memory_space<vmem>> -> memref<1x800xi32, #tpu.memory_space<vmem>>
    %dma_wait3A_358 = tpu.memref_squeeze %dma_wait3A_357 : memref<1x800xi32, #tpu.memory_space<vmem>> -> memref<800xi32, #tpu.memory_space<vmem>>
    %dma_wait3A_359 = tpu.memref_slice %arg2[%dma_wait3A_349, %mul3A_2] : memref<21x25600xi32, #tpu.memory_space<hbm>> -> memref<1x800xi32, #tpu.memory_space<hbm>>
    %dma_wait3A_360 = tpu.memref_squeeze %dma_wait3A_359 : memref<1x800xi32, #tpu.memory_space<hbm>> -> memref<800xi32, #tpu.memory_space<hbm>>
    tpu.wait_dma2 semaphore(%arg14 : memref<!tpu.dma_semaphore, #tpu.memory_space<semaphore_mem>>) src(%dma_wait3A_360 : memref<800xi32, #tpu.memory_space<hbm>>) dst(%dma_wait3A_358 : memref<800xi32, #tpu.memory_space<vmem>>)
    %dma_wait3A_361 = arith.constant 8 : i32
    %dma_wait3A_362 = arith.constant 8 : i32
    %dma_wait3A_363 = arith.constant 0 : i32
    %dma_wait3A_364 = tpu.memref_slice %arg6[%dma_wait3A_362, %dma_wait3A_363] : memref<21x800xi32, #tpu.memory_space<vmem>> -> memref<1x800xi32, #tpu.memory_space<vmem>>
    %dma_wait3A_365 = tpu.memref_squeeze %dma_wait3A_364 : memref<1x800xi32, #tpu.memory_space<vmem>> -> memref<800xi32, #tpu.memory_space<vmem>>
    %dma_wait3A_366 = tpu.memref_slice %arg2[%dma_wait3A_361, %mul3A_2] : memref<21x25600xi32, #tpu.memory_space<hbm>> -> memref<1x800xi32, #tpu.memory_space<hbm>>
    %dma_wait3A_367 = tpu.memref_squeeze %dma_wait3A_366 : memref<1x800xi32, #tpu.memory_space<hbm>> -> memref<800xi32, #tpu.memory_space<hbm>>
    %dma_wait3A_368 = arith.constant 0 : i32
    %dma_wait3A_369 = tpu.memref_slice %arg6[%dma_wait3A_362, %dma_wait3A_368] : memref<21x800xi32, #tpu.memory_space<vmem>> -> memref<1x800xi32, #tpu.memory_space<vmem>>
    %dma_wait3A_370 = tpu.memref_squeeze %dma_wait3A_369 : memref<1x800xi32, #tpu.memory_space<vmem>> -> memref<800xi32, #tpu.memory_space<vmem>>
    %dma_wait3A_371 = tpu.memref_slice %arg2[%dma_wait3A_361, %mul3A_2] : memref<21x25600xi32, #tpu.memory_space<hbm>> -> memref<1x800xi32, #tpu.memory_space<hbm>>
    %dma_wait3A_372 = tpu.memref_squeeze %dma_wait3A_371 : memref<1x800xi32, #tpu.memory_space<hbm>> -> memref<800xi32, #tpu.memory_space<hbm>>
    tpu.wait_dma2 semaphore(%arg14 : memref<!tpu.dma_semaphore, #tpu.memory_space<semaphore_mem>>) src(%dma_wait3A_372 : memref<800xi32, #tpu.memory_space<hbm>>) dst(%dma_wait3A_370 : memref<800xi32, #tpu.memory_space<vmem>>)
    %dma_wait3A_373 = arith.constant 9 : i32
    %dma_wait3A_374 = arith.constant 9 : i32
    %dma_wait3A_375 = arith.constant 0 : i32
    %dma_wait3A_376 = tpu.memref_slice %arg6[%dma_wait3A_374, %dma_wait3A_375] : memref<21x800xi32, #tpu.memory_space<vmem>> -> memref<1x800xi32, #tpu.memory_space<vmem>>
    %dma_wait3A_377 = tpu.memref_squeeze %dma_wait3A_376 : memref<1x800xi32, #tpu.memory_space<vmem>> -> memref<800xi32, #tpu.memory_space<vmem>>
    %dma_wait3A_378 = tpu.memref_slice %arg2[%dma_wait3A_373, %mul3A_2] : memref<21x25600xi32, #tpu.memory_space<hbm>> -> memref<1x800xi32, #tpu.memory_space<hbm>>
    %dma_wait3A_379 = tpu.memref_squeeze %dma_wait3A_378 : memref<1x800xi32, #tpu.memory_space<hbm>> -> memref<800xi32, #tpu.memory_space<hbm>>
    %dma_wait3A_380 = arith.constant 0 : i32
    %dma_wait3A_381 = tpu.memref_slice %arg6[%dma_wait3A_374, %dma_wait3A_380] : memref<21x800xi32, #tpu.memory_space<vmem>> -> memref<1x800xi32, #tpu.memory_space<vmem>>
    %dma_wait3A_382 = tpu.memref_squeeze %dma_wait3A_381 : memref<1x800xi32, #tpu.memory_space<vmem>> -> memref<800xi32, #tpu.memory_space<vmem>>
    %dma_wait3A_383 = tpu.memref_slice %arg2[%dma_wait3A_373, %mul3A_2] : memref<21x25600xi32, #tpu.memory_space<hbm>> -> memref<1x800xi32, #tpu.memory_space<hbm>>
    %dma_wait3A_384 = tpu.memref_squeeze %dma_wait3A_383 : memref<1x800xi32, #tpu.memory_space<hbm>> -> memref<800xi32, #tpu.memory_space<hbm>>
    tpu.wait_dma2 semaphore(%arg14 : memref<!tpu.dma_semaphore, #tpu.memory_space<semaphore_mem>>) src(%dma_wait3A_384 : memref<800xi32, #tpu.memory_space<hbm>>) dst(%dma_wait3A_382 : memref<800xi32, #tpu.memory_space<vmem>>)
    %dma_wait3A_385 = arith.constant 10 : i32
    %dma_wait3A_386 = arith.constant 10 : i32
    %dma_wait3A_387 = arith.constant 0 : i32
    %dma_wait3A_388 = tpu.memref_slice %arg6[%dma_wait3A_386, %dma_wait3A_387] : memref<21x800xi32, #tpu.memory_space<vmem>> -> memref<1x800xi32, #tpu.memory_space<vmem>>
    %dma_wait3A_389 = tpu.memref_squeeze %dma_wait3A_388 : memref<1x800xi32, #tpu.memory_space<vmem>> -> memref<800xi32, #tpu.memory_space<vmem>>
    %dma_wait3A_390 = tpu.memref_slice %arg2[%dma_wait3A_385, %mul3A_2] : memref<21x25600xi32, #tpu.memory_space<hbm>> -> memref<1x800xi32, #tpu.memory_space<hbm>>
    %dma_wait3A_391 = tpu.memref_squeeze %dma_wait3A_390 : memref<1x800xi32, #tpu.memory_space<hbm>> -> memref<800xi32, #tpu.memory_space<hbm>>
    %dma_wait3A_392 = arith.constant 0 : i32
    %dma_wait3A_393 = tpu.memref_slice %arg6[%dma_wait3A_386, %dma_wait3A_392] : memref<21x800xi32, #tpu.memory_space<vmem>> -> memref<1x800xi32, #tpu.memory_space<vmem>>
    %dma_wait3A_394 = tpu.memref_squeeze %dma_wait3A_393 : memref<1x800xi32, #tpu.memory_space<vmem>> -> memref<800xi32, #tpu.memory_space<vmem>>
    %dma_wait3A_395 = tpu.memref_slice %arg2[%dma_wait3A_385, %mul3A_2] : memref<21x25600xi32, #tpu.memory_space<hbm>> -> memref<1x800xi32, #tpu.memory_space<hbm>>
    %dma_wait3A_396 = tpu.memref_squeeze %dma_wait3A_395 : memref<1x800xi32, #tpu.memory_space<hbm>> -> memref<800xi32, #tpu.memory_space<hbm>>
    tpu.wait_dma2 semaphore(%arg14 : memref<!tpu.dma_semaphore, #tpu.memory_space<semaphore_mem>>) src(%dma_wait3A_396 : memref<800xi32, #tpu.memory_space<hbm>>) dst(%dma_wait3A_394 : memref<800xi32, #tpu.memory_space<vmem>>)
    %dma_wait3A_397 = arith.constant 11 : i32
    %dma_wait3A_398 = arith.constant 11 : i32
    %dma_wait3A_399 = arith.constant 0 : i32
    %dma_wait3A_400 = tpu.memref_slice %arg6[%dma_wait3A_398, %dma_wait3A_399] : memref<21x800xi32, #tpu.memory_space<vmem>> -> memref<1x800xi32, #tpu.memory_space<vmem>>
    %dma_wait3A_401 = tpu.memref_squeeze %dma_wait3A_400 : memref<1x800xi32, #tpu.memory_space<vmem>> -> memref<800xi32, #tpu.memory_space<vmem>>
    %dma_wait3A_402 = tpu.memref_slice %arg2[%dma_wait3A_397, %mul3A_2] : memref<21x25600xi32, #tpu.memory_space<hbm>> -> memref<1x800xi32, #tpu.memory_space<hbm>>
    %dma_wait3A_403 = tpu.memref_squeeze %dma_wait3A_402 : memref<1x800xi32, #tpu.memory_space<hbm>> -> memref<800xi32, #tpu.memory_space<hbm>>
    %dma_wait3A_404 = arith.constant 0 : i32
    %dma_wait3A_405 = tpu.memref_slice %arg6[%dma_wait3A_398, %dma_wait3A_404] : memref<21x800xi32, #tpu.memory_space<vmem>> -> memref<1x800xi32, #tpu.memory_space<vmem>>
    %dma_wait3A_406 = tpu.memref_squeeze %dma_wait3A_405 : memref<1x800xi32, #tpu.memory_space<vmem>> -> memref<800xi32, #tpu.memory_space<vmem>>
    %dma_wait3A_407 = tpu.memref_slice %arg2[%dma_wait3A_397, %mul3A_2] : memref<21x25600xi32, #tpu.memory_space<hbm>> -> memref<1x800xi32, #tpu.memory_space<hbm>>
    %dma_wait3A_408 = tpu.memref_squeeze %dma_wait3A_407 : memref<1x800xi32, #tpu.memory_space<hbm>> -> memref<800xi32, #tpu.memory_space<hbm>>
    tpu.wait_dma2 semaphore(%arg14 : memref<!tpu.dma_semaphore, #tpu.memory_space<semaphore_mem>>) src(%dma_wait3A_408 : memref<800xi32, #tpu.memory_space<hbm>>) dst(%dma_wait3A_406 : memref<800xi32, #tpu.memory_space<vmem>>)
    %dma_wait3A_409 = arith.constant 12 : i32
    %dma_wait3A_410 = arith.constant 12 : i32
    %dma_wait3A_411 = arith.constant 0 : i32
    %dma_wait3A_412 = tpu.memref_slice %arg6[%dma_wait3A_410, %dma_wait3A_411] : memref<21x800xi32, #tpu.memory_space<vmem>> -> memref<1x800xi32, #tpu.memory_space<vmem>>
    %dma_wait3A_413 = tpu.memref_squeeze %dma_wait3A_412 : memref<1x800xi32, #tpu.memory_space<vmem>> -> memref<800xi32, #tpu.memory_space<vmem>>
    %dma_wait3A_414 = tpu.memref_slice %arg2[%dma_wait3A_409, %mul3A_2] : memref<21x25600xi32, #tpu.memory_space<hbm>> -> memref<1x800xi32, #tpu.memory_space<hbm>>
    %dma_wait3A_415 = tpu.memref_squeeze %dma_wait3A_414 : memref<1x800xi32, #tpu.memory_space<hbm>> -> memref<800xi32, #tpu.memory_space<hbm>>
    %dma_wait3A_416 = arith.constant 0 : i32
    %dma_wait3A_417 = tpu.memref_slice %arg6[%dma_wait3A_410, %dma_wait3A_416] : memref<21x800xi32, #tpu.memory_space<vmem>> -> memref<1x800xi32, #tpu.memory_space<vmem>>
    %dma_wait3A_418 = tpu.memref_squeeze %dma_wait3A_417 : memref<1x800xi32, #tpu.memory_space<vmem>> -> memref<800xi32, #tpu.memory_space<vmem>>
    %dma_wait3A_419 = tpu.memref_slice %arg2[%dma_wait3A_409, %mul3A_2] : memref<21x25600xi32, #tpu.memory_space<hbm>> -> memref<1x800xi32, #tpu.memory_space<hbm>>
    %dma_wait3A_420 = tpu.memref_squeeze %dma_wait3A_419 : memref<1x800xi32, #tpu.memory_space<hbm>> -> memref<800xi32, #tpu.memory_space<hbm>>
    tpu.wait_dma2 semaphore(%arg14 : memref<!tpu.dma_semaphore, #tpu.memory_space<semaphore_mem>>) src(%dma_wait3A_420 : memref<800xi32, #tpu.memory_space<hbm>>) dst(%dma_wait3A_418 : memref<800xi32, #tpu.memory_space<vmem>>)
    %dma_wait3A_421 = arith.constant 13 : i32
    %dma_wait3A_422 = arith.constant 13 : i32
    %dma_wait3A_423 = arith.constant 0 : i32
    %dma_wait3A_424 = tpu.memref_slice %arg6[%dma_wait3A_422, %dma_wait3A_423] : memref<21x800xi32, #tpu.memory_space<vmem>> -> memref<1x800xi32, #tpu.memory_space<vmem>>
    %dma_wait3A_425 = tpu.memref_squeeze %dma_wait3A_424 : memref<1x800xi32, #tpu.memory_space<vmem>> -> memref<800xi32, #tpu.memory_space<vmem>>
    %dma_wait3A_426 = tpu.memref_slice %arg2[%dma_wait3A_421, %mul3A_2] : memref<21x25600xi32, #tpu.memory_space<hbm>> -> memref<1x800xi32, #tpu.memory_space<hbm>>
    %dma_wait3A_427 = tpu.memref_squeeze %dma_wait3A_426 : memref<1x800xi32, #tpu.memory_space<hbm>> -> memref<800xi32, #tpu.memory_space<hbm>>
    %dma_wait3A_428 = arith.constant 0 : i32
    %dma_wait3A_429 = tpu.memref_slice %arg6[%dma_wait3A_422, %dma_wait3A_428] : memref<21x800xi32, #tpu.memory_space<vmem>> -> memref<1x800xi32, #tpu.memory_space<vmem>>
    %dma_wait3A_430 = tpu.memref_squeeze %dma_wait3A_429 : memref<1x800xi32, #tpu.memory_space<vmem>> -> memref<800xi32, #tpu.memory_space<vmem>>
    %dma_wait3A_431 = tpu.memref_slice %arg2[%dma_wait3A_421, %mul3A_2] : memref<21x25600xi32, #tpu.memory_space<hbm>> -> memref<1x800xi32, #tpu.memory_space<hbm>>
    %dma_wait3A_432 = tpu.memref_squeeze %dma_wait3A_431 : memref<1x800xi32, #tpu.memory_space<hbm>> -> memref<800xi32, #tpu.memory_space<hbm>>
    tpu.wait_dma2 semaphore(%arg14 : memref<!tpu.dma_semaphore, #tpu.memory_space<semaphore_mem>>) src(%dma_wait3A_432 : memref<800xi32, #tpu.memory_space<hbm>>) dst(%dma_wait3A_430 : memref<800xi32, #tpu.memory_space<vmem>>)
    %dma_wait3A_433 = arith.constant 14 : i32
    %dma_wait3A_434 = arith.constant 14 : i32
    %dma_wait3A_435 = arith.constant 0 : i32
    %dma_wait3A_436 = tpu.memref_slice %arg6[%dma_wait3A_434, %dma_wait3A_435] : memref<21x800xi32, #tpu.memory_space<vmem>> -> memref<1x800xi32, #tpu.memory_space<vmem>>
    %dma_wait3A_437 = tpu.memref_squeeze %dma_wait3A_436 : memref<1x800xi32, #tpu.memory_space<vmem>> -> memref<800xi32, #tpu.memory_space<vmem>>
    %dma_wait3A_438 = tpu.memref_slice %arg2[%dma_wait3A_433, %mul3A_2] : memref<21x25600xi32, #tpu.memory_space<hbm>> -> memref<1x800xi32, #tpu.memory_space<hbm>>
    %dma_wait3A_439 = tpu.memref_squeeze %dma_wait3A_438 : memref<1x800xi32, #tpu.memory_space<hbm>> -> memref<800xi32, #tpu.memory_space<hbm>>
    %dma_wait3A_440 = arith.constant 0 : i32
    %dma_wait3A_441 = tpu.memref_slice %arg6[%dma_wait3A_434, %dma_wait3A_440] : memref<21x800xi32, #tpu.memory_space<vmem>> -> memref<1x800xi32, #tpu.memory_space<vmem>>
    %dma_wait3A_442 = tpu.memref_squeeze %dma_wait3A_441 : memref<1x800xi32, #tpu.memory_space<vmem>> -> memref<800xi32, #tpu.memory_space<vmem>>
    %dma_wait3A_443 = tpu.memref_slice %arg2[%dma_wait3A_433, %mul3A_2] : memref<21x25600xi32, #tpu.memory_space<hbm>> -> memref<1x800xi32, #tpu.memory_space<hbm>>
    %dma_wait3A_444 = tpu.memref_squeeze %dma_wait3A_443 : memref<1x800xi32, #tpu.memory_space<hbm>> -> memref<800xi32, #tpu.memory_space<hbm>>
    tpu.wait_dma2 semaphore(%arg14 : memref<!tpu.dma_semaphore, #tpu.memory_space<semaphore_mem>>) src(%dma_wait3A_444 : memref<800xi32, #tpu.memory_space<hbm>>) dst(%dma_wait3A_442 : memref<800xi32, #tpu.memory_space<vmem>>)
    %dma_wait3A_445 = arith.constant 15 : i32
    %dma_wait3A_446 = arith.constant 15 : i32
    %dma_wait3A_447 = arith.constant 0 : i32
    %dma_wait3A_448 = tpu.memref_slice %arg6[%dma_wait3A_446, %dma_wait3A_447] : memref<21x800xi32, #tpu.memory_space<vmem>> -> memref<1x800xi32, #tpu.memory_space<vmem>>
    %dma_wait3A_449 = tpu.memref_squeeze %dma_wait3A_448 : memref<1x800xi32, #tpu.memory_space<vmem>> -> memref<800xi32, #tpu.memory_space<vmem>>
    %dma_wait3A_450 = tpu.memref_slice %arg2[%dma_wait3A_445, %mul3A_2] : memref<21x25600xi32, #tpu.memory_space<hbm>> -> memref<1x800xi32, #tpu.memory_space<hbm>>
    %dma_wait3A_451 = tpu.memref_squeeze %dma_wait3A_450 : memref<1x800xi32, #tpu.memory_space<hbm>> -> memref<800xi32, #tpu.memory_space<hbm>>
    %dma_wait3A_452 = arith.constant 0 : i32
    %dma_wait3A_453 = tpu.memref_slice %arg6[%dma_wait3A_446, %dma_wait3A_452] : memref<21x800xi32, #tpu.memory_space<vmem>> -> memref<1x800xi32, #tpu.memory_space<vmem>>
    %dma_wait3A_454 = tpu.memref_squeeze %dma_wait3A_453 : memref<1x800xi32, #tpu.memory_space<vmem>> -> memref<800xi32, #tpu.memory_space<vmem>>
    %dma_wait3A_455 = tpu.memref_slice %arg2[%dma_wait3A_445, %mul3A_2] : memref<21x25600xi32, #tpu.memory_space<hbm>> -> memref<1x800xi32, #tpu.memory_space<hbm>>
    %dma_wait3A_456 = tpu.memref_squeeze %dma_wait3A_455 : memref<1x800xi32, #tpu.memory_space<hbm>> -> memref<800xi32, #tpu.memory_space<hbm>>
    tpu.wait_dma2 semaphore(%arg14 : memref<!tpu.dma_semaphore, #tpu.memory_space<semaphore_mem>>) src(%dma_wait3A_456 : memref<800xi32, #tpu.memory_space<hbm>>) dst(%dma_wait3A_454 : memref<800xi32, #tpu.memory_space<vmem>>)
    %dma_wait3A_457 = arith.constant 16 : i32
    %dma_wait3A_458 = arith.constant 16 : i32
    %dma_wait3A_459 = arith.constant 0 : i32
    %dma_wait3A_460 = tpu.memref_slice %arg6[%dma_wait3A_458, %dma_wait3A_459] : memref<21x800xi32, #tpu.memory_space<vmem>> -> memref<1x800xi32, #tpu.memory_space<vmem>>
    %dma_wait3A_461 = tpu.memref_squeeze %dma_wait3A_460 : memref<1x800xi32, #tpu.memory_space<vmem>> -> memref<800xi32, #tpu.memory_space<vmem>>
    %dma_wait3A_462 = tpu.memref_slice %arg2[%dma_wait3A_457, %mul3A_2] : memref<21x25600xi32, #tpu.memory_space<hbm>> -> memref<1x800xi32, #tpu.memory_space<hbm>>
    %dma_wait3A_463 = tpu.memref_squeeze %dma_wait3A_462 : memref<1x800xi32, #tpu.memory_space<hbm>> -> memref<800xi32, #tpu.memory_space<hbm>>
    %dma_wait3A_464 = arith.constant 0 : i32
    %dma_wait3A_465 = tpu.memref_slice %arg6[%dma_wait3A_458, %dma_wait3A_464] : memref<21x800xi32, #tpu.memory_space<vmem>> -> memref<1x800xi32, #tpu.memory_space<vmem>>
    %dma_wait3A_466 = tpu.memref_squeeze %dma_wait3A_465 : memref<1x800xi32, #tpu.memory_space<vmem>> -> memref<800xi32, #tpu.memory_space<vmem>>
    %dma_wait3A_467 = tpu.memref_slice %arg2[%dma_wait3A_457, %mul3A_2] : memref<21x25600xi32, #tpu.memory_space<hbm>> -> memref<1x800xi32, #tpu.memory_space<hbm>>
    %dma_wait3A_468 = tpu.memref_squeeze %dma_wait3A_467 : memref<1x800xi32, #tpu.memory_space<hbm>> -> memref<800xi32, #tpu.memory_space<hbm>>
    tpu.wait_dma2 semaphore(%arg14 : memref<!tpu.dma_semaphore, #tpu.memory_space<semaphore_mem>>) src(%dma_wait3A_468 : memref<800xi32, #tpu.memory_space<hbm>>) dst(%dma_wait3A_466 : memref<800xi32, #tpu.memory_space<vmem>>)
    %dma_wait3A_469 = arith.constant 17 : i32
    %dma_wait3A_470 = arith.constant 17 : i32
    %dma_wait3A_471 = arith.constant 0 : i32
    %dma_wait3A_472 = tpu.memref_slice %arg6[%dma_wait3A_470, %dma_wait3A_471] : memref<21x800xi32, #tpu.memory_space<vmem>> -> memref<1x800xi32, #tpu.memory_space<vmem>>
    %dma_wait3A_473 = tpu.memref_squeeze %dma_wait3A_472 : memref<1x800xi32, #tpu.memory_space<vmem>> -> memref<800xi32, #tpu.memory_space<vmem>>
    %dma_wait3A_474 = tpu.memref_slice %arg2[%dma_wait3A_469, %mul3A_2] : memref<21x25600xi32, #tpu.memory_space<hbm>> -> memref<1x800xi32, #tpu.memory_space<hbm>>
    %dma_wait3A_475 = tpu.memref_squeeze %dma_wait3A_474 : memref<1x800xi32, #tpu.memory_space<hbm>> -> memref<800xi32, #tpu.memory_space<hbm>>
    %dma_wait3A_476 = arith.constant 0 : i32
    %dma_wait3A_477 = tpu.memref_slice %arg6[%dma_wait3A_470, %dma_wait3A_476] : memref<21x800xi32, #tpu.memory_space<vmem>> -> memref<1x800xi32, #tpu.memory_space<vmem>>
    %dma_wait3A_478 = tpu.memref_squeeze %dma_wait3A_477 : memref<1x800xi32, #tpu.memory_space<vmem>> -> memref<800xi32, #tpu.memory_space<vmem>>
    %dma_wait3A_479 = tpu.memref_slice %arg2[%dma_wait3A_469, %mul3A_2] : memref<21x25600xi32, #tpu.memory_space<hbm>> -> memref<1x800xi32, #tpu.memory_space<hbm>>
    %dma_wait3A_480 = tpu.memref_squeeze %dma_wait3A_479 : memref<1x800xi32, #tpu.memory_space<hbm>> -> memref<800xi32, #tpu.memory_space<hbm>>
    tpu.wait_dma2 semaphore(%arg14 : memref<!tpu.dma_semaphore, #tpu.memory_space<semaphore_mem>>) src(%dma_wait3A_480 : memref<800xi32, #tpu.memory_space<hbm>>) dst(%dma_wait3A_478 : memref<800xi32, #tpu.memory_space<vmem>>)
    %dma_wait3A_481 = arith.constant 18 : i32
    %dma_wait3A_482 = arith.constant 18 : i32
    %dma_wait3A_483 = arith.constant 0 : i32
    %dma_wait3A_484 = tpu.memref_slice %arg6[%dma_wait3A_482, %dma_wait3A_483] : memref<21x800xi32, #tpu.memory_space<vmem>> -> memref<1x800xi32, #tpu.memory_space<vmem>>
    %dma_wait3A_485 = tpu.memref_squeeze %dma_wait3A_484 : memref<1x800xi32, #tpu.memory_space<vmem>> -> memref<800xi32, #tpu.memory_space<vmem>>
    %dma_wait3A_486 = tpu.memref_slice %arg2[%dma_wait3A_481, %mul3A_2] : memref<21x25600xi32, #tpu.memory_space<hbm>> -> memref<1x800xi32, #tpu.memory_space<hbm>>
    %dma_wait3A_487 = tpu.memref_squeeze %dma_wait3A_486 : memref<1x800xi32, #tpu.memory_space<hbm>> -> memref<800xi32, #tpu.memory_space<hbm>>
    %dma_wait3A_488 = arith.constant 0 : i32
    %dma_wait3A_489 = tpu.memref_slice %arg6[%dma_wait3A_482, %dma_wait3A_488] : memref<21x800xi32, #tpu.memory_space<vmem>> -> memref<1x800xi32, #tpu.memory_space<vmem>>
    %dma_wait3A_490 = tpu.memref_squeeze %dma_wait3A_489 : memref<1x800xi32, #tpu.memory_space<vmem>> -> memref<800xi32, #tpu.memory_space<vmem>>
    %dma_wait3A_491 = tpu.memref_slice %arg2[%dma_wait3A_481, %mul3A_2] : memref<21x25600xi32, #tpu.memory_space<hbm>> -> memref<1x800xi32, #tpu.memory_space<hbm>>
    %dma_wait3A_492 = tpu.memref_squeeze %dma_wait3A_491 : memref<1x800xi32, #tpu.memory_space<hbm>> -> memref<800xi32, #tpu.memory_space<hbm>>
    tpu.wait_dma2 semaphore(%arg14 : memref<!tpu.dma_semaphore, #tpu.memory_space<semaphore_mem>>) src(%dma_wait3A_492 : memref<800xi32, #tpu.memory_space<hbm>>) dst(%dma_wait3A_490 : memref<800xi32, #tpu.memory_space<vmem>>)
    %dma_wait3A_493 = arith.constant 19 : i32
    %dma_wait3A_494 = arith.constant 19 : i32
    %dma_wait3A_495 = arith.constant 0 : i32
    %dma_wait3A_496 = tpu.memref_slice %arg6[%dma_wait3A_494, %dma_wait3A_495] : memref<21x800xi32, #tpu.memory_space<vmem>> -> memref<1x800xi32, #tpu.memory_space<vmem>>
    %dma_wait3A_497 = tpu.memref_squeeze %dma_wait3A_496 : memref<1x800xi32, #tpu.memory_space<vmem>> -> memref<800xi32, #tpu.memory_space<vmem>>
    %dma_wait3A_498 = tpu.memref_slice %arg2[%dma_wait3A_493, %mul3A_2] : memref<21x25600xi32, #tpu.memory_space<hbm>> -> memref<1x800xi32, #tpu.memory_space<hbm>>
    %dma_wait3A_499 = tpu.memref_squeeze %dma_wait3A_498 : memref<1x800xi32, #tpu.memory_space<hbm>> -> memref<800xi32, #tpu.memory_space<hbm>>
    %dma_wait3A_500 = arith.constant 0 : i32
    %dma_wait3A_501 = tpu.memref_slice %arg6[%dma_wait3A_494, %dma_wait3A_500] : memref<21x800xi32, #tpu.memory_space<vmem>> -> memref<1x800xi32, #tpu.memory_space<vmem>>
    %dma_wait3A_502 = tpu.memref_squeeze %dma_wait3A_501 : memref<1x800xi32, #tpu.memory_space<vmem>> -> memref<800xi32, #tpu.memory_space<vmem>>
    %dma_wait3A_503 = tpu.memref_slice %arg2[%dma_wait3A_493, %mul3A_2] : memref<21x25600xi32, #tpu.memory_space<hbm>> -> memref<1x800xi32, #tpu.memory_space<hbm>>
    %dma_wait3A_504 = tpu.memref_squeeze %dma_wait3A_503 : memref<1x800xi32, #tpu.memory_space<hbm>> -> memref<800xi32, #tpu.memory_space<hbm>>
    tpu.wait_dma2 semaphore(%arg14 : memref<!tpu.dma_semaphore, #tpu.memory_space<semaphore_mem>>) src(%dma_wait3A_504 : memref<800xi32, #tpu.memory_space<hbm>>) dst(%dma_wait3A_502 : memref<800xi32, #tpu.memory_space<vmem>>)
    %dma_wait3A_505 = arith.constant 20 : i32
    %dma_wait3A_506 = arith.constant 20 : i32
    %dma_wait3A_507 = arith.constant 0 : i32
    %dma_wait3A_508 = tpu.memref_slice %arg6[%dma_wait3A_506, %dma_wait3A_507] : memref<21x800xi32, #tpu.memory_space<vmem>> -> memref<1x800xi32, #tpu.memory_space<vmem>>
    %dma_wait3A_509 = tpu.memref_squeeze %dma_wait3A_508 : memref<1x800xi32, #tpu.memory_space<vmem>> -> memref<800xi32, #tpu.memory_space<vmem>>
    %dma_wait3A_510 = tpu.memref_slice %arg2[%dma_wait3A_505, %mul3A_2] : memref<21x25600xi32, #tpu.memory_space<hbm>> -> memref<1x800xi32, #tpu.memory_space<hbm>>
    %dma_wait3A_511 = tpu.memref_squeeze %dma_wait3A_510 : memref<1x800xi32, #tpu.memory_space<hbm>> -> memref<800xi32, #tpu.memory_space<hbm>>
    %dma_wait3A_512 = arith.constant 0 : i32
    %dma_wait3A_513 = tpu.memref_slice %arg6[%dma_wait3A_506, %dma_wait3A_512] : memref<21x800xi32, #tpu.memory_space<vmem>> -> memref<1x800xi32, #tpu.memory_space<vmem>>
    %dma_wait3A_514 = tpu.memref_squeeze %dma_wait3A_513 : memref<1x800xi32, #tpu.memory_space<vmem>> -> memref<800xi32, #tpu.memory_space<vmem>>
    %dma_wait3A_515 = tpu.memref_slice %arg2[%dma_wait3A_505, %mul3A_2] : memref<21x25600xi32, #tpu.memory_space<hbm>> -> memref<1x800xi32, #tpu.memory_space<hbm>>
    %dma_wait3A_516 = tpu.memref_squeeze %dma_wait3A_515 : memref<1x800xi32, #tpu.memory_space<hbm>> -> memref<800xi32, #tpu.memory_space<hbm>>
    tpu.wait_dma2 semaphore(%arg14 : memref<!tpu.dma_semaphore, #tpu.memory_space<semaphore_mem>>) src(%dma_wait3A_516 : memref<800xi32, #tpu.memory_space<hbm>>) dst(%dma_wait3A_514 : memref<800xi32, #tpu.memory_space<vmem>>)
    %scan3A = arith.constant 0 : i32
    %scan3A_517 = arith.constant 0 : i32
    %scan3A_518 = arith.constant 5 : i32
    %scan3A_519 = arith.addi %scan3A_517, %scan3A_518 : i32
    %scan3A_520 = arith.constant 1 : i32
    scf.for %scan3A_537 = %scan3A_517 to %scan3A_519 step %scan3A_520  : i32 {
      %mul3A_538 = arith.constant 2 : i32
      %mul3A_539 = arith.muli %scan3A_537, %mul3A_538 : i32
      %add3A_540 = arith.constant 0 : i32
      %add3A_541 = arith.addi %mul3A_539, %add3A_540 : i32
      %mul3A_542 = arith.constant 80 : i32
      %mul3A_543 = arith.muli %add3A_541, %mul3A_542 : i32
      %dma_wait3A_544 = arith.constant 0 : i32
      %dma_wait3A_545 = arith.constant 0 : i32
      %dma_wait3A_546 = arith.constant 0 : i32
      %dma_wait3A_547 = arith.constant 0 : i32
      %dma_wait3A_548 = tpu.memref_slice %arg7[%dma_wait3A_545, %dma_wait3A_546, %dma_wait3A_547] : memref<2x80x64xf32, #tpu.memory_space<vmem>> -> memref<1x80x64xf32, #tpu.memory_space<vmem>>
      %dma_wait3A_549 = tpu.memref_squeeze %dma_wait3A_548 : memref<1x80x64xf32, #tpu.memory_space<vmem>> -> memref<80x64xf32, #tpu.memory_space<vmem>>
      %dma_wait3A_550 = tpu.memref_slice %arg6[%dma_wait3A_544, %mul3A_543] : memref<21x800xi32, #tpu.memory_space<vmem>> -> memref<1x80xi32, #tpu.memory_space<vmem>>
      %dma_wait3A_551 = tpu.memref_squeeze %dma_wait3A_550 : memref<1x80xi32, #tpu.memory_space<vmem>> -> memref<80xi32, #tpu.memory_space<vmem>>
      %dma_wait3A_552 = arith.constant 0 : i32
      %dma_wait3A_553 = arith.constant 0 : i32
      %dma_wait3A_554 = tpu.memref_slice %arg3[%dma_wait3A_552, %dma_wait3A_553] : memref<100000x64xf32, #tpu.memory_space<hbm>> -> memref<100000x64xf32, #tpu.memory_space<hbm>>
      tpu.wait_indirect_dma semaphore(%arg8 : memref<!tpu.dma_semaphore, #tpu.memory_space<semaphore_mem>>) src(%dma_wait3A_554 : memref<100000x64xf32, #tpu.memory_space<hbm>>) dst(%dma_wait3A_549 : memref<80x64xf32, #tpu.memory_space<vmem>>)
      %dma_start3A_555 = arith.constant 1 : i32
      %dma_start3A_556 = arith.constant 0 : i32
      %dma_start3A_557 = arith.constant 0 : i32
      %dma_start3A_558 = arith.constant 0 : i32
      %dma_start3A_559 = tpu.memref_slice %arg7[%dma_start3A_556, %dma_start3A_557, %dma_start3A_558] : memref<2x80x64xf32, #tpu.memory_space<vmem>> -> memref<1x80x64xf32, #tpu.memory_space<vmem>>
      %dma_start3A_560 = tpu.memref_squeeze %dma_start3A_559 : memref<1x80x64xf32, #tpu.memory_space<vmem>> -> memref<80x64xf32, #tpu.memory_space<vmem>>
      %dma_start3A_561 = tpu.memref_slice %arg6[%dma_start3A_555, %mul3A_543] : memref<21x800xi32, #tpu.memory_space<vmem>> -> memref<1x80xi32, #tpu.memory_space<vmem>>
      %dma_start3A_562 = tpu.memref_squeeze %dma_start3A_561 : memref<1x80xi32, #tpu.memory_space<vmem>> -> memref<80xi32, #tpu.memory_space<vmem>>
      %dma_start3A_563 = arith.constant 0 : i32
      %dma_start3A_564 = arith.constant 0 : i32
      %dma_start3A_565 = tpu.memref_slice %arg3[%dma_start3A_563, %dma_start3A_564] : memref<100000x64xf32, #tpu.memory_space<hbm>> -> memref<100000x64xf32, #tpu.memory_space<hbm>>
      tpu.enqueue_indirect_dma source(%dma_start3A_565 : memref<100000x64xf32, #tpu.memory_space<hbm>>) target(%dma_start3A_560 : memref<80x64xf32, #tpu.memory_space<vmem>>) offsets(%dma_start3A_562 : memref<80xi32, #tpu.memory_space<vmem>>) semaphore(%arg10 : memref<!tpu.dma_semaphore, #tpu.memory_space<semaphore_mem>>) {add = true}
      %dma_start3A_566 = arith.constant 2 : i32
      %dma_start3A_567 = arith.constant 0 : i32
      %dma_start3A_568 = arith.constant 0 : i32
      %dma_start3A_569 = arith.constant 0 : i32
      %dma_start3A_570 = tpu.memref_slice %arg7[%dma_start3A_567, %dma_start3A_568, %dma_start3A_569] : memref<2x80x64xf32, #tpu.memory_space<vmem>> -> memref<1x80x64xf32, #tpu.memory_space<vmem>>
      %dma_start3A_571 = tpu.memref_squeeze %dma_start3A_570 : memref<1x80x64xf32, #tpu.memory_space<vmem>> -> memref<80x64xf32, #tpu.memory_space<vmem>>
      %dma_start3A_572 = tpu.memref_slice %arg6[%dma_start3A_566, %mul3A_543] : memref<21x800xi32, #tpu.memory_space<vmem>> -> memref<1x80xi32, #tpu.memory_space<vmem>>
      %dma_start3A_573 = tpu.memref_squeeze %dma_start3A_572 : memref<1x80xi32, #tpu.memory_space<vmem>> -> memref<80xi32, #tpu.memory_space<vmem>>
      %dma_start3A_574 = arith.constant 0 : i32
      %dma_start3A_575 = arith.constant 0 : i32
      %dma_start3A_576 = tpu.memref_slice %arg3[%dma_start3A_574, %dma_start3A_575] : memref<100000x64xf32, #tpu.memory_space<hbm>> -> memref<100000x64xf32, #tpu.memory_space<hbm>>
      tpu.enqueue_indirect_dma source(%dma_start3A_576 : memref<100000x64xf32, #tpu.memory_space<hbm>>) target(%dma_start3A_571 : memref<80x64xf32, #tpu.memory_space<vmem>>) offsets(%dma_start3A_573 : memref<80xi32, #tpu.memory_space<vmem>>) semaphore(%arg10 : memref<!tpu.dma_semaphore, #tpu.memory_space<semaphore_mem>>) {add = true}
      %dma_start3A_577 = arith.constant 3 : i32
      %dma_start3A_578 = arith.constant 0 : i32
      %dma_start3A_579 = arith.constant 0 : i32
      %dma_start3A_580 = arith.constant 0 : i32
      %dma_start3A_581 = tpu.memref_slice %arg7[%dma_start3A_578, %dma_start3A_579, %dma_start3A_580] : memref<2x80x64xf32, #tpu.memory_space<vmem>> -> memref<1x80x64xf32, #tpu.memory_space<vmem>>
      %dma_start3A_582 = tpu.memref_squeeze %dma_start3A_581 : memref<1x80x64xf32, #tpu.memory_space<vmem>> -> memref<80x64xf32, #tpu.memory_space<vmem>>
      %dma_start3A_583 = tpu.memref_slice %arg6[%dma_start3A_577, %mul3A_543] : memref<21x800xi32, #tpu.memory_space<vmem>> -> memref<1x80xi32, #tpu.memory_space<vmem>>
      %dma_start3A_584 = tpu.memref_squeeze %dma_start3A_583 : memref<1x80xi32, #tpu.memory_space<vmem>> -> memref<80xi32, #tpu.memory_space<vmem>>
      %dma_start3A_585 = arith.constant 0 : i32
      %dma_start3A_586 = arith.constant 0 : i32
      %dma_start3A_587 = tpu.memref_slice %arg3[%dma_start3A_585, %dma_start3A_586] : memref<100000x64xf32, #tpu.memory_space<hbm>> -> memref<100000x64xf32, #tpu.memory_space<hbm>>
      tpu.enqueue_indirect_dma source(%dma_start3A_587 : memref<100000x64xf32, #tpu.memory_space<hbm>>) target(%dma_start3A_582 : memref<80x64xf32, #tpu.memory_space<vmem>>) offsets(%dma_start3A_584 : memref<80xi32, #tpu.memory_space<vmem>>) semaphore(%arg10 : memref<!tpu.dma_semaphore, #tpu.memory_space<semaphore_mem>>) {add = true}
      %dma_start3A_588 = arith.constant 4 : i32
      %dma_start3A_589 = arith.constant 0 : i32
      %dma_start3A_590 = arith.constant 0 : i32
      %dma_start3A_591 = arith.constant 0 : i32
      %dma_start3A_592 = tpu.memref_slice %arg7[%dma_start3A_589, %dma_start3A_590, %dma_start3A_591] : memref<2x80x64xf32, #tpu.memory_space<vmem>> -> memref<1x80x64xf32, #tpu.memory_space<vmem>>
      %dma_start3A_593 = tpu.memref_squeeze %dma_start3A_592 : memref<1x80x64xf32, #tpu.memory_space<vmem>> -> memref<80x64xf32, #tpu.memory_space<vmem>>
      %dma_start3A_594 = tpu.memref_slice %arg6[%dma_start3A_588, %mul3A_543] : memref<21x800xi32, #tpu.memory_space<vmem>> -> memref<1x80xi32, #tpu.memory_space<vmem>>
      %dma_start3A_595 = tpu.memref_squeeze %dma_start3A_594 : memref<1x80xi32, #tpu.memory_space<vmem>> -> memref<80xi32, #tpu.memory_space<vmem>>
      %dma_start3A_596 = arith.constant 0 : i32
      %dma_start3A_597 = arith.constant 0 : i32
      %dma_start3A_598 = tpu.memref_slice %arg3[%dma_start3A_596, %dma_start3A_597] : memref<100000x64xf32, #tpu.memory_space<hbm>> -> memref<100000x64xf32, #tpu.memory_space<hbm>>
      tpu.enqueue_indirect_dma source(%dma_start3A_598 : memref<100000x64xf32, #tpu.memory_space<hbm>>) target(%dma_start3A_593 : memref<80x64xf32, #tpu.memory_space<vmem>>) offsets(%dma_start3A_595 : memref<80xi32, #tpu.memory_space<vmem>>) semaphore(%arg10 : memref<!tpu.dma_semaphore, #tpu.memory_space<semaphore_mem>>) {add = true}
      %dma_start3A_599 = arith.constant 5 : i32
      %dma_start3A_600 = arith.constant 0 : i32
      %dma_start3A_601 = arith.constant 0 : i32
      %dma_start3A_602 = arith.constant 0 : i32
      %dma_start3A_603 = tpu.memref_slice %arg7[%dma_start3A_600, %dma_start3A_601, %dma_start3A_602] : memref<2x80x64xf32, #tpu.memory_space<vmem>> -> memref<1x80x64xf32, #tpu.memory_space<vmem>>
      %dma_start3A_604 = tpu.memref_squeeze %dma_start3A_603 : memref<1x80x64xf32, #tpu.memory_space<vmem>> -> memref<80x64xf32, #tpu.memory_space<vmem>>
      %dma_start3A_605 = tpu.memref_slice %arg6[%dma_start3A_599, %mul3A_543] : memref<21x800xi32, #tpu.memory_space<vmem>> -> memref<1x80xi32, #tpu.memory_space<vmem>>
      %dma_start3A_606 = tpu.memref_squeeze %dma_start3A_605 : memref<1x80xi32, #tpu.memory_space<vmem>> -> memref<80xi32, #tpu.memory_space<vmem>>
      %dma_start3A_607 = arith.constant 0 : i32
      %dma_start3A_608 = arith.constant 0 : i32
      %dma_start3A_609 = tpu.memref_slice %arg3[%dma_start3A_607, %dma_start3A_608] : memref<100000x64xf32, #tpu.memory_space<hbm>> -> memref<100000x64xf32, #tpu.memory_space<hbm>>
      tpu.enqueue_indirect_dma source(%dma_start3A_609 : memref<100000x64xf32, #tpu.memory_space<hbm>>) target(%dma_start3A_604 : memref<80x64xf32, #tpu.memory_space<vmem>>) offsets(%dma_start3A_606 : memref<80xi32, #tpu.memory_space<vmem>>) semaphore(%arg10 : memref<!tpu.dma_semaphore, #tpu.memory_space<semaphore_mem>>) {add = true}
      %dma_start3A_610 = arith.constant 6 : i32
      %dma_start3A_611 = arith.constant 0 : i32
      %dma_start3A_612 = arith.constant 0 : i32
      %dma_start3A_613 = arith.constant 0 : i32
      %dma_start3A_614 = tpu.memref_slice %arg7[%dma_start3A_611, %dma_start3A_612, %dma_start3A_613] : memref<2x80x64xf32, #tpu.memory_space<vmem>> -> memref<1x80x64xf32, #tpu.memory_space<vmem>>
      %dma_start3A_615 = tpu.memref_squeeze %dma_start3A_614 : memref<1x80x64xf32, #tpu.memory_space<vmem>> -> memref<80x64xf32, #tpu.memory_space<vmem>>
      %dma_start3A_616 = tpu.memref_slice %arg6[%dma_start3A_610, %mul3A_543] : memref<21x800xi32, #tpu.memory_space<vmem>> -> memref<1x80xi32, #tpu.memory_space<vmem>>
      %dma_start3A_617 = tpu.memref_squeeze %dma_start3A_616 : memref<1x80xi32, #tpu.memory_space<vmem>> -> memref<80xi32, #tpu.memory_space<vmem>>
      %dma_start3A_618 = arith.constant 0 : i32
      %dma_start3A_619 = arith.constant 0 : i32
      %dma_start3A_620 = tpu.memref_slice %arg3[%dma_start3A_618, %dma_start3A_619] : memref<100000x64xf32, #tpu.memory_space<hbm>> -> memref<100000x64xf32, #tpu.memory_space<hbm>>
      tpu.enqueue_indirect_dma source(%dma_start3A_620 : memref<100000x64xf32, #tpu.memory_space<hbm>>) target(%dma_start3A_615 : memref<80x64xf32, #tpu.memory_space<vmem>>) offsets(%dma_start3A_617 : memref<80xi32, #tpu.memory_space<vmem>>) semaphore(%arg10 : memref<!tpu.dma_semaphore, #tpu.memory_space<semaphore_mem>>) {add = true}
      %dma_start3A_621 = arith.constant 7 : i32
      %dma_start3A_622 = arith.constant 0 : i32
      %dma_start3A_623 = arith.constant 0 : i32
      %dma_start3A_624 = arith.constant 0 : i32
      %dma_start3A_625 = tpu.memref_slice %arg7[%dma_start3A_622, %dma_start3A_623, %dma_start3A_624] : memref<2x80x64xf32, #tpu.memory_space<vmem>> -> memref<1x80x64xf32, #tpu.memory_space<vmem>>
      %dma_start3A_626 = tpu.memref_squeeze %dma_start3A_625 : memref<1x80x64xf32, #tpu.memory_space<vmem>> -> memref<80x64xf32, #tpu.memory_space<vmem>>
      %dma_start3A_627 = tpu.memref_slice %arg6[%dma_start3A_621, %mul3A_543] : memref<21x800xi32, #tpu.memory_space<vmem>> -> memref<1x80xi32, #tpu.memory_space<vmem>>
      %dma_start3A_628 = tpu.memref_squeeze %dma_start3A_627 : memref<1x80xi32, #tpu.memory_space<vmem>> -> memref<80xi32, #tpu.memory_space<vmem>>
      %dma_start3A_629 = arith.constant 0 : i32
      %dma_start3A_630 = arith.constant 0 : i32
      %dma_start3A_631 = tpu.memref_slice %arg3[%dma_start3A_629, %dma_start3A_630] : memref<100000x64xf32, #tpu.memory_space<hbm>> -> memref<100000x64xf32, #tpu.memory_space<hbm>>
      tpu.enqueue_indirect_dma source(%dma_start3A_631 : memref<100000x64xf32, #tpu.memory_space<hbm>>) target(%dma_start3A_626 : memref<80x64xf32, #tpu.memory_space<vmem>>) offsets(%dma_start3A_628 : memref<80xi32, #tpu.memory_space<vmem>>) semaphore(%arg10 : memref<!tpu.dma_semaphore, #tpu.memory_space<semaphore_mem>>) {add = true}
      %dma_start3A_632 = arith.constant 8 : i32
      %dma_start3A_633 = arith.constant 0 : i32
      %dma_start3A_634 = arith.constant 0 : i32
      %dma_start3A_635 = arith.constant 0 : i32
      %dma_start3A_636 = tpu.memref_slice %arg7[%dma_start3A_633, %dma_start3A_634, %dma_start3A_635] : memref<2x80x64xf32, #tpu.memory_space<vmem>> -> memref<1x80x64xf32, #tpu.memory_space<vmem>>
      %dma_start3A_637 = tpu.memref_squeeze %dma_start3A_636 : memref<1x80x64xf32, #tpu.memory_space<vmem>> -> memref<80x64xf32, #tpu.memory_space<vmem>>
      %dma_start3A_638 = tpu.memref_slice %arg6[%dma_start3A_632, %mul3A_543] : memref<21x800xi32, #tpu.memory_space<vmem>> -> memref<1x80xi32, #tpu.memory_space<vmem>>
      %dma_start3A_639 = tpu.memref_squeeze %dma_start3A_638 : memref<1x80xi32, #tpu.memory_space<vmem>> -> memref<80xi32, #tpu.memory_space<vmem>>
      %dma_start3A_640 = arith.constant 0 : i32
      %dma_start3A_641 = arith.constant 0 : i32
      %dma_start3A_642 = tpu.memref_slice %arg3[%dma_start3A_640, %dma_start3A_641] : memref<100000x64xf32, #tpu.memory_space<hbm>> -> memref<100000x64xf32, #tpu.memory_space<hbm>>
      tpu.enqueue_indirect_dma source(%dma_start3A_642 : memref<100000x64xf32, #tpu.memory_space<hbm>>) target(%dma_start3A_637 : memref<80x64xf32, #tpu.memory_space<vmem>>) offsets(%dma_start3A_639 : memref<80xi32, #tpu.memory_space<vmem>>) semaphore(%arg10 : memref<!tpu.dma_semaphore, #tpu.memory_space<semaphore_mem>>) {add = true}
      %dma_start3A_643 = arith.constant 9 : i32
      %dma_start3A_644 = arith.constant 0 : i32
      %dma_start3A_645 = arith.constant 0 : i32
      %dma_start3A_646 = arith.constant 0 : i32
      %dma_start3A_647 = tpu.memref_slice %arg7[%dma_start3A_644, %dma_start3A_645, %dma_start3A_646] : memref<2x80x64xf32, #tpu.memory_space<vmem>> -> memref<1x80x64xf32, #tpu.memory_space<vmem>>
      %dma_start3A_648 = tpu.memref_squeeze %dma_start3A_647 : memref<1x80x64xf32, #tpu.memory_space<vmem>> -> memref<80x64xf32, #tpu.memory_space<vmem>>
      %dma_start3A_649 = tpu.memref_slice %arg6[%dma_start3A_643, %mul3A_543] : memref<21x800xi32, #tpu.memory_space<vmem>> -> memref<1x80xi32, #tpu.memory_space<vmem>>
      %dma_start3A_650 = tpu.memref_squeeze %dma_start3A_649 : memref<1x80xi32, #tpu.memory_space<vmem>> -> memref<80xi32, #tpu.memory_space<vmem>>
      %dma_start3A_651 = arith.constant 0 : i32
      %dma_start3A_652 = arith.constant 0 : i32
      %dma_start3A_653 = tpu.memref_slice %arg3[%dma_start3A_651, %dma_start3A_652] : memref<100000x64xf32, #tpu.memory_space<hbm>> -> memref<100000x64xf32, #tpu.memory_space<hbm>>
      tpu.enqueue_indirect_dma source(%dma_start3A_653 : memref<100000x64xf32, #tpu.memory_space<hbm>>) target(%dma_start3A_648 : memref<80x64xf32, #tpu.memory_space<vmem>>) offsets(%dma_start3A_650 : memref<80xi32, #tpu.memory_space<vmem>>) semaphore(%arg10 : memref<!tpu.dma_semaphore, #tpu.memory_space<semaphore_mem>>) {add = true}
      %dma_start3A_654 = arith.constant 10 : i32
      %dma_start3A_655 = arith.constant 0 : i32
      %dma_start3A_656 = arith.constant 0 : i32
      %dma_start3A_657 = arith.constant 0 : i32
      %dma_start3A_658 = tpu.memref_slice %arg7[%dma_start3A_655, %dma_start3A_656, %dma_start3A_657] : memref<2x80x64xf32, #tpu.memory_space<vmem>> -> memref<1x80x64xf32, #tpu.memory_space<vmem>>
      %dma_start3A_659 = tpu.memref_squeeze %dma_start3A_658 : memref<1x80x64xf32, #tpu.memory_space<vmem>> -> memref<80x64xf32, #tpu.memory_space<vmem>>
      %dma_start3A_660 = tpu.memref_slice %arg6[%dma_start3A_654, %mul3A_543] : memref<21x800xi32, #tpu.memory_space<vmem>> -> memref<1x80xi32, #tpu.memory_space<vmem>>
      %dma_start3A_661 = tpu.memref_squeeze %dma_start3A_660 : memref<1x80xi32, #tpu.memory_space<vmem>> -> memref<80xi32, #tpu.memory_space<vmem>>
      %dma_start3A_662 = arith.constant 0 : i32
      %dma_start3A_663 = arith.constant 0 : i32
      %dma_start3A_664 = tpu.memref_slice %arg3[%dma_start3A_662, %dma_start3A_663] : memref<100000x64xf32, #tpu.memory_space<hbm>> -> memref<100000x64xf32, #tpu.memory_space<hbm>>
      tpu.enqueue_indirect_dma source(%dma_start3A_664 : memref<100000x64xf32, #tpu.memory_space<hbm>>) target(%dma_start3A_659 : memref<80x64xf32, #tpu.memory_space<vmem>>) offsets(%dma_start3A_661 : memref<80xi32, #tpu.memory_space<vmem>>) semaphore(%arg10 : memref<!tpu.dma_semaphore, #tpu.memory_space<semaphore_mem>>) {add = true}
      %dma_start3A_665 = arith.constant 11 : i32
      %dma_start3A_666 = arith.constant 0 : i32
      %dma_start3A_667 = arith.constant 0 : i32
      %dma_start3A_668 = arith.constant 0 : i32
      %dma_start3A_669 = tpu.memref_slice %arg7[%dma_start3A_666, %dma_start3A_667, %dma_start3A_668] : memref<2x80x64xf32, #tpu.memory_space<vmem>> -> memref<1x80x64xf32, #tpu.memory_space<vmem>>
      %dma_start3A_670 = tpu.memref_squeeze %dma_start3A_669 : memref<1x80x64xf32, #tpu.memory_space<vmem>> -> memref<80x64xf32, #tpu.memory_space<vmem>>
      %dma_start3A_671 = tpu.memref_slice %arg6[%dma_start3A_665, %mul3A_543] : memref<21x800xi32, #tpu.memory_space<vmem>> -> memref<1x80xi32, #tpu.memory_space<vmem>>
      %dma_start3A_672 = tpu.memref_squeeze %dma_start3A_671 : memref<1x80xi32, #tpu.memory_space<vmem>> -> memref<80xi32, #tpu.memory_space<vmem>>
      %dma_start3A_673 = arith.constant 0 : i32
      %dma_start3A_674 = arith.constant 0 : i32
      %dma_start3A_675 = tpu.memref_slice %arg3[%dma_start3A_673, %dma_start3A_674] : memref<100000x64xf32, #tpu.memory_space<hbm>> -> memref<100000x64xf32, #tpu.memory_space<hbm>>
      tpu.enqueue_indirect_dma source(%dma_start3A_675 : memref<100000x64xf32, #tpu.memory_space<hbm>>) target(%dma_start3A_670 : memref<80x64xf32, #tpu.memory_space<vmem>>) offsets(%dma_start3A_672 : memref<80xi32, #tpu.memory_space<vmem>>) semaphore(%arg10 : memref<!tpu.dma_semaphore, #tpu.memory_space<semaphore_mem>>) {add = true}
      %dma_start3A_676 = arith.constant 12 : i32
      %dma_start3A_677 = arith.constant 0 : i32
      %dma_start3A_678 = arith.constant 0 : i32
      %dma_start3A_679 = arith.constant 0 : i32
      %dma_start3A_680 = tpu.memref_slice %arg7[%dma_start3A_677, %dma_start3A_678, %dma_start3A_679] : memref<2x80x64xf32, #tpu.memory_space<vmem>> -> memref<1x80x64xf32, #tpu.memory_space<vmem>>
      %dma_start3A_681 = tpu.memref_squeeze %dma_start3A_680 : memref<1x80x64xf32, #tpu.memory_space<vmem>> -> memref<80x64xf32, #tpu.memory_space<vmem>>
      %dma_start3A_682 = tpu.memref_slice %arg6[%dma_start3A_676, %mul3A_543] : memref<21x800xi32, #tpu.memory_space<vmem>> -> memref<1x80xi32, #tpu.memory_space<vmem>>
      %dma_start3A_683 = tpu.memref_squeeze %dma_start3A_682 : memref<1x80xi32, #tpu.memory_space<vmem>> -> memref<80xi32, #tpu.memory_space<vmem>>
      %dma_start3A_684 = arith.constant 0 : i32
      %dma_start3A_685 = arith.constant 0 : i32
      %dma_start3A_686 = tpu.memref_slice %arg3[%dma_start3A_684, %dma_start3A_685] : memref<100000x64xf32, #tpu.memory_space<hbm>> -> memref<100000x64xf32, #tpu.memory_space<hbm>>
      tpu.enqueue_indirect_dma source(%dma_start3A_686 : memref<100000x64xf32, #tpu.memory_space<hbm>>) target(%dma_start3A_681 : memref<80x64xf32, #tpu.memory_space<vmem>>) offsets(%dma_start3A_683 : memref<80xi32, #tpu.memory_space<vmem>>) semaphore(%arg10 : memref<!tpu.dma_semaphore, #tpu.memory_space<semaphore_mem>>) {add = true}
      %dma_start3A_687 = arith.constant 13 : i32
      %dma_start3A_688 = arith.constant 0 : i32
      %dma_start3A_689 = arith.constant 0 : i32
      %dma_start3A_690 = arith.constant 0 : i32
      %dma_start3A_691 = tpu.memref_slice %arg7[%dma_start3A_688, %dma_start3A_689, %dma_start3A_690] : memref<2x80x64xf32, #tpu.memory_space<vmem>> -> memref<1x80x64xf32, #tpu.memory_space<vmem>>
      %dma_start3A_692 = tpu.memref_squeeze %dma_start3A_691 : memref<1x80x64xf32, #tpu.memory_space<vmem>> -> memref<80x64xf32, #tpu.memory_space<vmem>>
      %dma_start3A_693 = tpu.memref_slice %arg6[%dma_start3A_687, %mul3A_543] : memref<21x800xi32, #tpu.memory_space<vmem>> -> memref<1x80xi32, #tpu.memory_space<vmem>>
      %dma_start3A_694 = tpu.memref_squeeze %dma_start3A_693 : memref<1x80xi32, #tpu.memory_space<vmem>> -> memref<80xi32, #tpu.memory_space<vmem>>
      %dma_start3A_695 = arith.constant 0 : i32
      %dma_start3A_696 = arith.constant 0 : i32
      %dma_start3A_697 = tpu.memref_slice %arg3[%dma_start3A_695, %dma_start3A_696] : memref<100000x64xf32, #tpu.memory_space<hbm>> -> memref<100000x64xf32, #tpu.memory_space<hbm>>
      tpu.enqueue_indirect_dma source(%dma_start3A_697 : memref<100000x64xf32, #tpu.memory_space<hbm>>) target(%dma_start3A_692 : memref<80x64xf32, #tpu.memory_space<vmem>>) offsets(%dma_start3A_694 : memref<80xi32, #tpu.memory_space<vmem>>) semaphore(%arg10 : memref<!tpu.dma_semaphore, #tpu.memory_space<semaphore_mem>>) {add = true}
      %dma_start3A_698 = arith.constant 14 : i32
      %dma_start3A_699 = arith.constant 0 : i32
      %dma_start3A_700 = arith.constant 0 : i32
      %dma_start3A_701 = arith.constant 0 : i32
      %dma_start3A_702 = tpu.memref_slice %arg7[%dma_start3A_699, %dma_start3A_700, %dma_start3A_701] : memref<2x80x64xf32, #tpu.memory_space<vmem>> -> memref<1x80x64xf32, #tpu.memory_space<vmem>>
      %dma_start3A_703 = tpu.memref_squeeze %dma_start3A_702 : memref<1x80x64xf32, #tpu.memory_space<vmem>> -> memref<80x64xf32, #tpu.memory_space<vmem>>
      %dma_start3A_704 = tpu.memref_slice %arg6[%dma_start3A_698, %mul3A_543] : memref<21x800xi32, #tpu.memory_space<vmem>> -> memref<1x80xi32, #tpu.memory_space<vmem>>
      %dma_start3A_705 = tpu.memref_squeeze %dma_start3A_704 : memref<1x80xi32, #tpu.memory_space<vmem>> -> memref<80xi32, #tpu.memory_space<vmem>>
      %dma_start3A_706 = arith.constant 0 : i32
      %dma_start3A_707 = arith.constant 0 : i32
      %dma_start3A_708 = tpu.memref_slice %arg3[%dma_start3A_706, %dma_start3A_707] : memref<100000x64xf32, #tpu.memory_space<hbm>> -> memref<100000x64xf32, #tpu.memory_space<hbm>>
      tpu.enqueue_indirect_dma source(%dma_start3A_708 : memref<100000x64xf32, #tpu.memory_space<hbm>>) target(%dma_start3A_703 : memref<80x64xf32, #tpu.memory_space<vmem>>) offsets(%dma_start3A_705 : memref<80xi32, #tpu.memory_space<vmem>>) semaphore(%arg10 : memref<!tpu.dma_semaphore, #tpu.memory_space<semaphore_mem>>) {add = true}
      %dma_start3A_709 = arith.constant 15 : i32
      %dma_start3A_710 = arith.constant 0 : i32
      %dma_start3A_711 = arith.constant 0 : i32
      %dma_start3A_712 = arith.constant 0 : i32
      %dma_start3A_713 = tpu.memref_slice %arg7[%dma_start3A_710, %dma_start3A_711, %dma_start3A_712] : memref<2x80x64xf32, #tpu.memory_space<vmem>> -> memref<1x80x64xf32, #tpu.memory_space<vmem>>
      %dma_start3A_714 = tpu.memref_squeeze %dma_start3A_713 : memref<1x80x64xf32, #tpu.memory_space<vmem>> -> memref<80x64xf32, #tpu.memory_space<vmem>>
      %dma_start3A_715 = tpu.memref_slice %arg6[%dma_start3A_709, %mul3A_543] : memref<21x800xi32, #tpu.memory_space<vmem>> -> memref<1x80xi32, #tpu.memory_space<vmem>>
      %dma_start3A_716 = tpu.memref_squeeze %dma_start3A_715 : memref<1x80xi32, #tpu.memory_space<vmem>> -> memref<80xi32, #tpu.memory_space<vmem>>
      %dma_start3A_717 = arith.constant 0 : i32
      %dma_start3A_718 = arith.constant 0 : i32
      %dma_start3A_719 = tpu.memref_slice %arg3[%dma_start3A_717, %dma_start3A_718] : memref<100000x64xf32, #tpu.memory_space<hbm>> -> memref<100000x64xf32, #tpu.memory_space<hbm>>
      tpu.enqueue_indirect_dma source(%dma_start3A_719 : memref<100000x64xf32, #tpu.memory_space<hbm>>) target(%dma_start3A_714 : memref<80x64xf32, #tpu.memory_space<vmem>>) offsets(%dma_start3A_716 : memref<80xi32, #tpu.memory_space<vmem>>) semaphore(%arg10 : memref<!tpu.dma_semaphore, #tpu.memory_space<semaphore_mem>>) {add = true}
      %dma_start3A_720 = arith.constant 16 : i32
      %dma_start3A_721 = arith.constant 0 : i32
      %dma_start3A_722 = arith.constant 0 : i32
      %dma_start3A_723 = arith.constant 0 : i32
      %dma_start3A_724 = tpu.memref_slice %arg7[%dma_start3A_721, %dma_start3A_722, %dma_start3A_723] : memref<2x80x64xf32, #tpu.memory_space<vmem>> -> memref<1x80x64xf32, #tpu.memory_space<vmem>>
      %dma_start3A_725 = tpu.memref_squeeze %dma_start3A_724 : memref<1x80x64xf32, #tpu.memory_space<vmem>> -> memref<80x64xf32, #tpu.memory_space<vmem>>
      %dma_start3A_726 = tpu.memref_slice %arg6[%dma_start3A_720, %mul3A_543] : memref<21x800xi32, #tpu.memory_space<vmem>> -> memref<1x80xi32, #tpu.memory_space<vmem>>
      %dma_start3A_727 = tpu.memref_squeeze %dma_start3A_726 : memref<1x80xi32, #tpu.memory_space<vmem>> -> memref<80xi32, #tpu.memory_space<vmem>>
      %dma_start3A_728 = arith.constant 0 : i32
      %dma_start3A_729 = arith.constant 0 : i32
      %dma_start3A_730 = tpu.memref_slice %arg3[%dma_start3A_728, %dma_start3A_729] : memref<100000x64xf32, #tpu.memory_space<hbm>> -> memref<100000x64xf32, #tpu.memory_space<hbm>>
      tpu.enqueue_indirect_dma source(%dma_start3A_730 : memref<100000x64xf32, #tpu.memory_space<hbm>>) target(%dma_start3A_725 : memref<80x64xf32, #tpu.memory_space<vmem>>) offsets(%dma_start3A_727 : memref<80xi32, #tpu.memory_space<vmem>>) semaphore(%arg10 : memref<!tpu.dma_semaphore, #tpu.memory_space<semaphore_mem>>) {add = true}
      %dma_start3A_731 = arith.constant 17 : i32
      %dma_start3A_732 = arith.constant 0 : i32
      %dma_start3A_733 = arith.constant 0 : i32
      %dma_start3A_734 = arith.constant 0 : i32
      %dma_start3A_735 = tpu.memref_slice %arg7[%dma_start3A_732, %dma_start3A_733, %dma_start3A_734] : memref<2x80x64xf32, #tpu.memory_space<vmem>> -> memref<1x80x64xf32, #tpu.memory_space<vmem>>
      %dma_start3A_736 = tpu.memref_squeeze %dma_start3A_735 : memref<1x80x64xf32, #tpu.memory_space<vmem>> -> memref<80x64xf32, #tpu.memory_space<vmem>>
      %dma_start3A_737 = tpu.memref_slice %arg6[%dma_start3A_731, %mul3A_543] : memref<21x800xi32, #tpu.memory_space<vmem>> -> memref<1x80xi32, #tpu.memory_space<vmem>>
      %dma_start3A_738 = tpu.memref_squeeze %dma_start3A_737 : memref<1x80xi32, #tpu.memory_space<vmem>> -> memref<80xi32, #tpu.memory_space<vmem>>
      %dma_start3A_739 = arith.constant 0 : i32
      %dma_start3A_740 = arith.constant 0 : i32
      %dma_start3A_741 = tpu.memref_slice %arg3[%dma_start3A_739, %dma_start3A_740] : memref<100000x64xf32, #tpu.memory_space<hbm>> -> memref<100000x64xf32, #tpu.memory_space<hbm>>
      tpu.enqueue_indirect_dma source(%dma_start3A_741 : memref<100000x64xf32, #tpu.memory_space<hbm>>) target(%dma_start3A_736 : memref<80x64xf32, #tpu.memory_space<vmem>>) offsets(%dma_start3A_738 : memref<80xi32, #tpu.memory_space<vmem>>) semaphore(%arg10 : memref<!tpu.dma_semaphore, #tpu.memory_space<semaphore_mem>>) {add = true}
      %dma_start3A_742 = arith.constant 18 : i32
      %dma_start3A_743 = arith.constant 0 : i32
      %dma_start3A_744 = arith.constant 0 : i32
      %dma_start3A_745 = arith.constant 0 : i32
      %dma_start3A_746 = tpu.memref_slice %arg7[%dma_start3A_743, %dma_start3A_744, %dma_start3A_745] : memref<2x80x64xf32, #tpu.memory_space<vmem>> -> memref<1x80x64xf32, #tpu.memory_space<vmem>>
      %dma_start3A_747 = tpu.memref_squeeze %dma_start3A_746 : memref<1x80x64xf32, #tpu.memory_space<vmem>> -> memref<80x64xf32, #tpu.memory_space<vmem>>
      %dma_start3A_748 = tpu.memref_slice %arg6[%dma_start3A_742, %mul3A_543] : memref<21x800xi32, #tpu.memory_space<vmem>> -> memref<1x80xi32, #tpu.memory_space<vmem>>
      %dma_start3A_749 = tpu.memref_squeeze %dma_start3A_748 : memref<1x80xi32, #tpu.memory_space<vmem>> -> memref<80xi32, #tpu.memory_space<vmem>>
      %dma_start3A_750 = arith.constant 0 : i32
      %dma_start3A_751 = arith.constant 0 : i32
      %dma_start3A_752 = tpu.memref_slice %arg3[%dma_start3A_750, %dma_start3A_751] : memref<100000x64xf32, #tpu.memory_space<hbm>> -> memref<100000x64xf32, #tpu.memory_space<hbm>>
      tpu.enqueue_indirect_dma source(%dma_start3A_752 : memref<100000x64xf32, #tpu.memory_space<hbm>>) target(%dma_start3A_747 : memref<80x64xf32, #tpu.memory_space<vmem>>) offsets(%dma_start3A_749 : memref<80xi32, #tpu.memory_space<vmem>>) semaphore(%arg10 : memref<!tpu.dma_semaphore, #tpu.memory_space<semaphore_mem>>) {add = true}
      %dma_start3A_753 = arith.constant 19 : i32
      %dma_start3A_754 = arith.constant 0 : i32
      %dma_start3A_755 = arith.constant 0 : i32
      %dma_start3A_756 = arith.constant 0 : i32
      %dma_start3A_757 = tpu.memref_slice %arg7[%dma_start3A_754, %dma_start3A_755, %dma_start3A_756] : memref<2x80x64xf32, #tpu.memory_space<vmem>> -> memref<1x80x64xf32, #tpu.memory_space<vmem>>
      %dma_start3A_758 = tpu.memref_squeeze %dma_start3A_757 : memref<1x80x64xf32, #tpu.memory_space<vmem>> -> memref<80x64xf32, #tpu.memory_space<vmem>>
      %dma_start3A_759 = tpu.memref_slice %arg6[%dma_start3A_753, %mul3A_543] : memref<21x800xi32, #tpu.memory_space<vmem>> -> memref<1x80xi32, #tpu.memory_space<vmem>>
      %dma_start3A_760 = tpu.memref_squeeze %dma_start3A_759 : memref<1x80xi32, #tpu.memory_space<vmem>> -> memref<80xi32, #tpu.memory_space<vmem>>
      %dma_start3A_761 = arith.constant 0 : i32
      %dma_start3A_762 = arith.constant 0 : i32
      %dma_start3A_763 = tpu.memref_slice %arg3[%dma_start3A_761, %dma_start3A_762] : memref<100000x64xf32, #tpu.memory_space<hbm>> -> memref<100000x64xf32, #tpu.memory_space<hbm>>
      tpu.enqueue_indirect_dma source(%dma_start3A_763 : memref<100000x64xf32, #tpu.memory_space<hbm>>) target(%dma_start3A_758 : memref<80x64xf32, #tpu.memory_space<vmem>>) offsets(%dma_start3A_760 : memref<80xi32, #tpu.memory_space<vmem>>) semaphore(%arg10 : memref<!tpu.dma_semaphore, #tpu.memory_space<semaphore_mem>>) {add = true}
      %dma_start3A_764 = arith.constant 20 : i32
      %dma_start3A_765 = arith.constant 0 : i32
      %dma_start3A_766 = arith.constant 0 : i32
      %dma_start3A_767 = arith.constant 0 : i32
      %dma_start3A_768 = tpu.memref_slice %arg7[%dma_start3A_765, %dma_start3A_766, %dma_start3A_767] : memref<2x80x64xf32, #tpu.memory_space<vmem>> -> memref<1x80x64xf32, #tpu.memory_space<vmem>>
      %dma_start3A_769 = tpu.memref_squeeze %dma_start3A_768 : memref<1x80x64xf32, #tpu.memory_space<vmem>> -> memref<80x64xf32, #tpu.memory_space<vmem>>
      %dma_start3A_770 = tpu.memref_slice %arg6[%dma_start3A_764, %mul3A_543] : memref<21x800xi32, #tpu.memory_space<vmem>> -> memref<1x80xi32, #tpu.memory_space<vmem>>
      %dma_start3A_771 = tpu.memref_squeeze %dma_start3A_770 : memref<1x80xi32, #tpu.memory_space<vmem>> -> memref<80xi32, #tpu.memory_space<vmem>>
      %dma_start3A_772 = arith.constant 0 : i32
      %dma_start3A_773 = arith.constant 0 : i32
      %dma_start3A_774 = tpu.memref_slice %arg4[%dma_start3A_772, %dma_start3A_773] : memref<18432x64xf32, #tpu.memory_space<hbm>> -> memref<18432x64xf32, #tpu.memory_space<hbm>>
      tpu.enqueue_indirect_dma source(%dma_start3A_774 : memref<18432x64xf32, #tpu.memory_space<hbm>>) target(%dma_start3A_769 : memref<80x64xf32, #tpu.memory_space<vmem>>) offsets(%dma_start3A_771 : memref<80xi32, #tpu.memory_space<vmem>>) semaphore(%arg10 : memref<!tpu.dma_semaphore, #tpu.memory_space<semaphore_mem>>) {add = true}
      %ge3A = arith.constant 1 : i32
      %ge3A_775 = arith.cmpi sge, %add3A_541, %ge3A : i32
      %convert_element_type3A = arith.extui %ge3A_775 : i1 to i32
      %cond3A = arith.constant 0 : i32
      %cond3A_776 = arith.cmpi ne, %convert_element_type3A, %cond3A : i32
      scf.if %cond3A_776 {
        %sub3A = arith.constant 1 : i32
        %sub3A_1500 = arith.subi %add3A_541, %sub3A : i32
        %mul3A_1501 = arith.constant 80 : i32
        %mul3A_1502 = arith.muli %sub3A_1500, %mul3A_1501 : i32
        %add3A_1503 = arith.addi %mul3A_2, %mul3A_1502 : i32
        %dma_wait3A_1504 = arith.constant 1 : i32
        %dma_wait3A_1505 = arith.constant 0 : i32
        %dma_wait3A_1506 = arith.constant 0 : i32
        %dma_wait3A_1507 = tpu.memref_slice %arg7[%dma_wait3A_1504, %dma_wait3A_1505, %dma_wait3A_1506] : memref<2x80x64xf32, #tpu.memory_space<vmem>> -> memref<1x80x64xf32, #tpu.memory_space<vmem>>
        %dma_wait3A_1508 = tpu.memref_squeeze %dma_wait3A_1507 : memref<1x80x64xf32, #tpu.memory_space<vmem>> -> memref<80x64xf32, #tpu.memory_space<vmem>>
        %dma_wait3A_1509 = arith.constant 0 : i32
        %dma_wait3A_1510 = tpu.memref_slice %arg5[%add3A_1503, %dma_wait3A_1509] : memref<25600x64xf32, #tpu.memory_space<hbm>> -> memref<80x64xf32, #tpu.memory_space<hbm>>
        %dma_wait3A_1511 = arith.constant 0 : i32
        %dma_wait3A_1512 = tpu.memref_slice %arg5[%add3A_1503, %dma_wait3A_1511] : memref<25600x64xf32, #tpu.memory_space<hbm>> -> memref<80x64xf32, #tpu.memory_space<hbm>>
        %dma_wait3A_1513 = arith.constant 0 : i32
        %dma_wait3A_1514 = arith.constant 0 : i32
        %dma_wait3A_1515 = tpu.memref_slice %arg7[%dma_wait3A_1504, %dma_wait3A_1513, %dma_wait3A_1514] : memref<2x80x64xf32, #tpu.memory_space<vmem>> -> memref<1x80x64xf32, #tpu.memory_space<vmem>>
        %dma_wait3A_1516 = tpu.memref_squeeze %dma_wait3A_1515 : memref<1x80x64xf32, #tpu.memory_space<vmem>> -> memref<80x64xf32, #tpu.memory_space<vmem>>
        tpu.wait_dma2 semaphore(%arg13 : memref<!tpu.dma_semaphore, #tpu.memory_space<semaphore_mem>>) src(%dma_wait3A_1516 : memref<80x64xf32, #tpu.memory_space<vmem>>) dst(%dma_wait3A_1512 : memref<80x64xf32, #tpu.memory_space<hbm>>)
      } else {
      }
      %add3A_777 = arith.constant 1 : i32
      %add3A_778 = arith.addi %add3A_541, %add3A_777 : i32
      %lt3A = arith.constant 10 : i32
      %lt3A_779 = arith.cmpi slt, %add3A_778, %lt3A : i32
      %convert_element_type3A_780 = arith.extui %lt3A_779 : i1 to i32
      %cond3A_781 = arith.constant 0 : i32
      %cond3A_782 = arith.cmpi ne, %convert_element_type3A_780, %cond3A_781 : i32
      scf.if %cond3A_782 {
        %add3A_1500 = arith.constant 1 : i32
        %add3A_1501 = arith.addi %add3A_541, %add3A_1500 : i32
        %mul3A_1502 = arith.constant 80 : i32
        %mul3A_1503 = arith.muli %add3A_1501, %mul3A_1502 : i32
        %dma_start3A_1504 = arith.constant 0 : i32
        %dma_start3A_1505 = arith.constant 1 : i32
        %dma_start3A_1506 = arith.constant 0 : i32
        %dma_start3A_1507 = arith.constant 0 : i32
        %dma_start3A_1508 = tpu.memref_slice %arg7[%dma_start3A_1505, %dma_start3A_1506, %dma_start3A_1507] : memref<2x80x64xf32, #tpu.memory_space<vmem>> -> memref<1x80x64xf32, #tpu.memory_space<vmem>>
        %dma_start3A_1509 = tpu.memref_squeeze %dma_start3A_1508 : memref<1x80x64xf32, #tpu.memory_space<vmem>> -> memref<80x64xf32, #tpu.memory_space<vmem>>
        %dma_start3A_1510 = tpu.memref_slice %arg6[%dma_start3A_1504, %mul3A_1503] : memref<21x800xi32, #tpu.memory_space<vmem>> -> memref<1x80xi32, #tpu.memory_space<vmem>>
        %dma_start3A_1511 = tpu.memref_squeeze %dma_start3A_1510 : memref<1x80xi32, #tpu.memory_space<vmem>> -> memref<80xi32, #tpu.memory_space<vmem>>
        %dma_start3A_1512 = arith.constant 0 : i32
        %dma_start3A_1513 = arith.constant 0 : i32
        %dma_start3A_1514 = tpu.memref_slice %arg3[%dma_start3A_1512, %dma_start3A_1513] : memref<100000x64xf32, #tpu.memory_space<hbm>> -> memref<100000x64xf32, #tpu.memory_space<hbm>>
        tpu.enqueue_indirect_dma source(%dma_start3A_1514 : memref<100000x64xf32, #tpu.memory_space<hbm>>) target(%dma_start3A_1509 : memref<80x64xf32, #tpu.memory_space<vmem>>) offsets(%dma_start3A_1511 : memref<80xi32, #tpu.memory_space<vmem>>) semaphore(%arg9 : memref<!tpu.dma_semaphore, #tpu.memory_space<semaphore_mem>>)
      } else {
      }
      %dma_wait3A_783 = arith.constant 1 : i32
      %dma_wait3A_784 = arith.constant 0 : i32
      %dma_wait3A_785 = arith.constant 0 : i32
      %dma_wait3A_786 = arith.constant 0 : i32
      %dma_wait3A_787 = tpu.memref_slice %arg7[%dma_wait3A_784, %dma_wait3A_785, %dma_wait3A_786] : memref<2x80x64xf32, #tpu.memory_space<vmem>> -> memref<1x80x64xf32, #tpu.memory_space<vmem>>
      %dma_wait3A_788 = tpu.memref_squeeze %dma_wait3A_787 : memref<1x80x64xf32, #tpu.memory_space<vmem>> -> memref<80x64xf32, #tpu.memory_space<vmem>>
      %dma_wait3A_789 = tpu.memref_slice %arg6[%dma_wait3A_783, %mul3A_543] : memref<21x800xi32, #tpu.memory_space<vmem>> -> memref<1x80xi32, #tpu.memory_space<vmem>>
      %dma_wait3A_790 = tpu.memref_squeeze %dma_wait3A_789 : memref<1x80xi32, #tpu.memory_space<vmem>> -> memref<80xi32, #tpu.memory_space<vmem>>
      %dma_wait3A_791 = arith.constant 0 : i32
      %dma_wait3A_792 = arith.constant 0 : i32
      %dma_wait3A_793 = tpu.memref_slice %arg3[%dma_wait3A_791, %dma_wait3A_792] : memref<100000x64xf32, #tpu.memory_space<hbm>> -> memref<100000x64xf32, #tpu.memory_space<hbm>>
      tpu.wait_indirect_dma semaphore(%arg10 : memref<!tpu.dma_semaphore, #tpu.memory_space<semaphore_mem>>) src(%dma_wait3A_793 : memref<100000x64xf32, #tpu.memory_space<hbm>>) dst(%dma_wait3A_788 : memref<80x64xf32, #tpu.memory_space<vmem>>)
      %dma_wait3A_794 = arith.constant 2 : i32
      %dma_wait3A_795 = arith.constant 0 : i32
      %dma_wait3A_796 = arith.constant 0 : i32
      %dma_wait3A_797 = arith.constant 0 : i32
      %dma_wait3A_798 = tpu.memref_slice %arg7[%dma_wait3A_795, %dma_wait3A_796, %dma_wait3A_797] : memref<2x80x64xf32, #tpu.memory_space<vmem>> -> memref<1x80x64xf32, #tpu.memory_space<vmem>>
      %dma_wait3A_799 = tpu.memref_squeeze %dma_wait3A_798 : memref<1x80x64xf32, #tpu.memory_space<vmem>> -> memref<80x64xf32, #tpu.memory_space<vmem>>
      %dma_wait3A_800 = tpu.memref_slice %arg6[%dma_wait3A_794, %mul3A_543] : memref<21x800xi32, #tpu.memory_space<vmem>> -> memref<1x80xi32, #tpu.memory_space<vmem>>
      %dma_wait3A_801 = tpu.memref_squeeze %dma_wait3A_800 : memref<1x80xi32, #tpu.memory_space<vmem>> -> memref<80xi32, #tpu.memory_space<vmem>>
      %dma_wait3A_802 = arith.constant 0 : i32
      %dma_wait3A_803 = arith.constant 0 : i32
      %dma_wait3A_804 = tpu.memref_slice %arg3[%dma_wait3A_802, %dma_wait3A_803] : memref<100000x64xf32, #tpu.memory_space<hbm>> -> memref<100000x64xf32, #tpu.memory_space<hbm>>
      tpu.wait_indirect_dma semaphore(%arg10 : memref<!tpu.dma_semaphore, #tpu.memory_space<semaphore_mem>>) src(%dma_wait3A_804 : memref<100000x64xf32, #tpu.memory_space<hbm>>) dst(%dma_wait3A_799 : memref<80x64xf32, #tpu.memory_space<vmem>>)
      %dma_wait3A_805 = arith.constant 3 : i32
      %dma_wait3A_806 = arith.constant 0 : i32
      %dma_wait3A_807 = arith.constant 0 : i32
      %dma_wait3A_808 = arith.constant 0 : i32
      %dma_wait3A_809 = tpu.memref_slice %arg7[%dma_wait3A_806, %dma_wait3A_807, %dma_wait3A_808] : memref<2x80x64xf32, #tpu.memory_space<vmem>> -> memref<1x80x64xf32, #tpu.memory_space<vmem>>
      %dma_wait3A_810 = tpu.memref_squeeze %dma_wait3A_809 : memref<1x80x64xf32, #tpu.memory_space<vmem>> -> memref<80x64xf32, #tpu.memory_space<vmem>>
      %dma_wait3A_811 = tpu.memref_slice %arg6[%dma_wait3A_805, %mul3A_543] : memref<21x800xi32, #tpu.memory_space<vmem>> -> memref<1x80xi32, #tpu.memory_space<vmem>>
      %dma_wait3A_812 = tpu.memref_squeeze %dma_wait3A_811 : memref<1x80xi32, #tpu.memory_space<vmem>> -> memref<80xi32, #tpu.memory_space<vmem>>
      %dma_wait3A_813 = arith.constant 0 : i32
      %dma_wait3A_814 = arith.constant 0 : i32
      %dma_wait3A_815 = tpu.memref_slice %arg3[%dma_wait3A_813, %dma_wait3A_814] : memref<100000x64xf32, #tpu.memory_space<hbm>> -> memref<100000x64xf32, #tpu.memory_space<hbm>>
      tpu.wait_indirect_dma semaphore(%arg10 : memref<!tpu.dma_semaphore, #tpu.memory_space<semaphore_mem>>) src(%dma_wait3A_815 : memref<100000x64xf32, #tpu.memory_space<hbm>>) dst(%dma_wait3A_810 : memref<80x64xf32, #tpu.memory_space<vmem>>)
      %dma_wait3A_816 = arith.constant 4 : i32
      %dma_wait3A_817 = arith.constant 0 : i32
      %dma_wait3A_818 = arith.constant 0 : i32
      %dma_wait3A_819 = arith.constant 0 : i32
      %dma_wait3A_820 = tpu.memref_slice %arg7[%dma_wait3A_817, %dma_wait3A_818, %dma_wait3A_819] : memref<2x80x64xf32, #tpu.memory_space<vmem>> -> memref<1x80x64xf32, #tpu.memory_space<vmem>>
      %dma_wait3A_821 = tpu.memref_squeeze %dma_wait3A_820 : memref<1x80x64xf32, #tpu.memory_space<vmem>> -> memref<80x64xf32, #tpu.memory_space<vmem>>
      %dma_wait3A_822 = tpu.memref_slice %arg6[%dma_wait3A_816, %mul3A_543] : memref<21x800xi32, #tpu.memory_space<vmem>> -> memref<1x80xi32, #tpu.memory_space<vmem>>
      %dma_wait3A_823 = tpu.memref_squeeze %dma_wait3A_822 : memref<1x80xi32, #tpu.memory_space<vmem>> -> memref<80xi32, #tpu.memory_space<vmem>>
      %dma_wait3A_824 = arith.constant 0 : i32
      %dma_wait3A_825 = arith.constant 0 : i32
      %dma_wait3A_826 = tpu.memref_slice %arg3[%dma_wait3A_824, %dma_wait3A_825] : memref<100000x64xf32, #tpu.memory_space<hbm>> -> memref<100000x64xf32, #tpu.memory_space<hbm>>
      tpu.wait_indirect_dma semaphore(%arg10 : memref<!tpu.dma_semaphore, #tpu.memory_space<semaphore_mem>>) src(%dma_wait3A_826 : memref<100000x64xf32, #tpu.memory_space<hbm>>) dst(%dma_wait3A_821 : memref<80x64xf32, #tpu.memory_space<vmem>>)
      %dma_wait3A_827 = arith.constant 5 : i32
      %dma_wait3A_828 = arith.constant 0 : i32
      %dma_wait3A_829 = arith.constant 0 : i32
      %dma_wait3A_830 = arith.constant 0 : i32
      %dma_wait3A_831 = tpu.memref_slice %arg7[%dma_wait3A_828, %dma_wait3A_829, %dma_wait3A_830] : memref<2x80x64xf32, #tpu.memory_space<vmem>> -> memref<1x80x64xf32, #tpu.memory_space<vmem>>
      %dma_wait3A_832 = tpu.memref_squeeze %dma_wait3A_831 : memref<1x80x64xf32, #tpu.memory_space<vmem>> -> memref<80x64xf32, #tpu.memory_space<vmem>>
      %dma_wait3A_833 = tpu.memref_slice %arg6[%dma_wait3A_827, %mul3A_543] : memref<21x800xi32, #tpu.memory_space<vmem>> -> memref<1x80xi32, #tpu.memory_space<vmem>>
      %dma_wait3A_834 = tpu.memref_squeeze %dma_wait3A_833 : memref<1x80xi32, #tpu.memory_space<vmem>> -> memref<80xi32, #tpu.memory_space<vmem>>
      %dma_wait3A_835 = arith.constant 0 : i32
      %dma_wait3A_836 = arith.constant 0 : i32
      %dma_wait3A_837 = tpu.memref_slice %arg3[%dma_wait3A_835, %dma_wait3A_836] : memref<100000x64xf32, #tpu.memory_space<hbm>> -> memref<100000x64xf32, #tpu.memory_space<hbm>>
      tpu.wait_indirect_dma semaphore(%arg10 : memref<!tpu.dma_semaphore, #tpu.memory_space<semaphore_mem>>) src(%dma_wait3A_837 : memref<100000x64xf32, #tpu.memory_space<hbm>>) dst(%dma_wait3A_832 : memref<80x64xf32, #tpu.memory_space<vmem>>)
      %dma_wait3A_838 = arith.constant 6 : i32
      %dma_wait3A_839 = arith.constant 0 : i32
      %dma_wait3A_840 = arith.constant 0 : i32
      %dma_wait3A_841 = arith.constant 0 : i32
      %dma_wait3A_842 = tpu.memref_slice %arg7[%dma_wait3A_839, %dma_wait3A_840, %dma_wait3A_841] : memref<2x80x64xf32, #tpu.memory_space<vmem>> -> memref<1x80x64xf32, #tpu.memory_space<vmem>>
      %dma_wait3A_843 = tpu.memref_squeeze %dma_wait3A_842 : memref<1x80x64xf32, #tpu.memory_space<vmem>> -> memref<80x64xf32, #tpu.memory_space<vmem>>
      %dma_wait3A_844 = tpu.memref_slice %arg6[%dma_wait3A_838, %mul3A_543] : memref<21x800xi32, #tpu.memory_space<vmem>> -> memref<1x80xi32, #tpu.memory_space<vmem>>
      %dma_wait3A_845 = tpu.memref_squeeze %dma_wait3A_844 : memref<1x80xi32, #tpu.memory_space<vmem>> -> memref<80xi32, #tpu.memory_space<vmem>>
      %dma_wait3A_846 = arith.constant 0 : i32
      %dma_wait3A_847 = arith.constant 0 : i32
      %dma_wait3A_848 = tpu.memref_slice %arg3[%dma_wait3A_846, %dma_wait3A_847] : memref<100000x64xf32, #tpu.memory_space<hbm>> -> memref<100000x64xf32, #tpu.memory_space<hbm>>
      tpu.wait_indirect_dma semaphore(%arg10 : memref<!tpu.dma_semaphore, #tpu.memory_space<semaphore_mem>>) src(%dma_wait3A_848 : memref<100000x64xf32, #tpu.memory_space<hbm>>) dst(%dma_wait3A_843 : memref<80x64xf32, #tpu.memory_space<vmem>>)
      %dma_wait3A_849 = arith.constant 7 : i32
      %dma_wait3A_850 = arith.constant 0 : i32
      %dma_wait3A_851 = arith.constant 0 : i32
      %dma_wait3A_852 = arith.constant 0 : i32
      %dma_wait3A_853 = tpu.memref_slice %arg7[%dma_wait3A_850, %dma_wait3A_851, %dma_wait3A_852] : memref<2x80x64xf32, #tpu.memory_space<vmem>> -> memref<1x80x64xf32, #tpu.memory_space<vmem>>
      %dma_wait3A_854 = tpu.memref_squeeze %dma_wait3A_853 : memref<1x80x64xf32, #tpu.memory_space<vmem>> -> memref<80x64xf32, #tpu.memory_space<vmem>>
      %dma_wait3A_855 = tpu.memref_slice %arg6[%dma_wait3A_849, %mul3A_543] : memref<21x800xi32, #tpu.memory_space<vmem>> -> memref<1x80xi32, #tpu.memory_space<vmem>>
      %dma_wait3A_856 = tpu.memref_squeeze %dma_wait3A_855 : memref<1x80xi32, #tpu.memory_space<vmem>> -> memref<80xi32, #tpu.memory_space<vmem>>
      %dma_wait3A_857 = arith.constant 0 : i32
      %dma_wait3A_858 = arith.constant 0 : i32
      %dma_wait3A_859 = tpu.memref_slice %arg3[%dma_wait3A_857, %dma_wait3A_858] : memref<100000x64xf32, #tpu.memory_space<hbm>> -> memref<100000x64xf32, #tpu.memory_space<hbm>>
      tpu.wait_indirect_dma semaphore(%arg10 : memref<!tpu.dma_semaphore, #tpu.memory_space<semaphore_mem>>) src(%dma_wait3A_859 : memref<100000x64xf32, #tpu.memory_space<hbm>>) dst(%dma_wait3A_854 : memref<80x64xf32, #tpu.memory_space<vmem>>)
      %dma_wait3A_860 = arith.constant 8 : i32
      %dma_wait3A_861 = arith.constant 0 : i32
      %dma_wait3A_862 = arith.constant 0 : i32
      %dma_wait3A_863 = arith.constant 0 : i32
      %dma_wait3A_864 = tpu.memref_slice %arg7[%dma_wait3A_861, %dma_wait3A_862, %dma_wait3A_863] : memref<2x80x64xf32, #tpu.memory_space<vmem>> -> memref<1x80x64xf32, #tpu.memory_space<vmem>>
      %dma_wait3A_865 = tpu.memref_squeeze %dma_wait3A_864 : memref<1x80x64xf32, #tpu.memory_space<vmem>> -> memref<80x64xf32, #tpu.memory_space<vmem>>
      %dma_wait3A_866 = tpu.memref_slice %arg6[%dma_wait3A_860, %mul3A_543] : memref<21x800xi32, #tpu.memory_space<vmem>> -> memref<1x80xi32, #tpu.memory_space<vmem>>
      %dma_wait3A_867 = tpu.memref_squeeze %dma_wait3A_866 : memref<1x80xi32, #tpu.memory_space<vmem>> -> memref<80xi32, #tpu.memory_space<vmem>>
      %dma_wait3A_868 = arith.constant 0 : i32
      %dma_wait3A_869 = arith.constant 0 : i32
      %dma_wait3A_870 = tpu.memref_slice %arg3[%dma_wait3A_868, %dma_wait3A_869] : memref<100000x64xf32, #tpu.memory_space<hbm>> -> memref<100000x64xf32, #tpu.memory_space<hbm>>
      tpu.wait_indirect_dma semaphore(%arg10 : memref<!tpu.dma_semaphore, #tpu.memory_space<semaphore_mem>>) src(%dma_wait3A_870 : memref<100000x64xf32, #tpu.memory_space<hbm>>) dst(%dma_wait3A_865 : memref<80x64xf32, #tpu.memory_space<vmem>>)
      %dma_wait3A_871 = arith.constant 9 : i32
      %dma_wait3A_872 = arith.constant 0 : i32
      %dma_wait3A_873 = arith.constant 0 : i32
      %dma_wait3A_874 = arith.constant 0 : i32
      %dma_wait3A_875 = tpu.memref_slice %arg7[%dma_wait3A_872, %dma_wait3A_873, %dma_wait3A_874] : memref<2x80x64xf32, #tpu.memory_space<vmem>> -> memref<1x80x64xf32, #tpu.memory_space<vmem>>
      %dma_wait3A_876 = tpu.memref_squeeze %dma_wait3A_875 : memref<1x80x64xf32, #tpu.memory_space<vmem>> -> memref<80x64xf32, #tpu.memory_space<vmem>>
      %dma_wait3A_877 = tpu.memref_slice %arg6[%dma_wait3A_871, %mul3A_543] : memref<21x800xi32, #tpu.memory_space<vmem>> -> memref<1x80xi32, #tpu.memory_space<vmem>>
      %dma_wait3A_878 = tpu.memref_squeeze %dma_wait3A_877 : memref<1x80xi32, #tpu.memory_space<vmem>> -> memref<80xi32, #tpu.memory_space<vmem>>
      %dma_wait3A_879 = arith.constant 0 : i32
      %dma_wait3A_880 = arith.constant 0 : i32
      %dma_wait3A_881 = tpu.memref_slice %arg3[%dma_wait3A_879, %dma_wait3A_880] : memref<100000x64xf32, #tpu.memory_space<hbm>> -> memref<100000x64xf32, #tpu.memory_space<hbm>>
      tpu.wait_indirect_dma semaphore(%arg10 : memref<!tpu.dma_semaphore, #tpu.memory_space<semaphore_mem>>) src(%dma_wait3A_881 : memref<100000x64xf32, #tpu.memory_space<hbm>>) dst(%dma_wait3A_876 : memref<80x64xf32, #tpu.memory_space<vmem>>)
      %dma_wait3A_882 = arith.constant 10 : i32
      %dma_wait3A_883 = arith.constant 0 : i32
      %dma_wait3A_884 = arith.constant 0 : i32
      %dma_wait3A_885 = arith.constant 0 : i32
      %dma_wait3A_886 = tpu.memref_slice %arg7[%dma_wait3A_883, %dma_wait3A_884, %dma_wait3A_885] : memref<2x80x64xf32, #tpu.memory_space<vmem>> -> memref<1x80x64xf32, #tpu.memory_space<vmem>>
      %dma_wait3A_887 = tpu.memref_squeeze %dma_wait3A_886 : memref<1x80x64xf32, #tpu.memory_space<vmem>> -> memref<80x64xf32, #tpu.memory_space<vmem>>
      %dma_wait3A_888 = tpu.memref_slice %arg6[%dma_wait3A_882, %mul3A_543] : memref<21x800xi32, #tpu.memory_space<vmem>> -> memref<1x80xi32, #tpu.memory_space<vmem>>
      %dma_wait3A_889 = tpu.memref_squeeze %dma_wait3A_888 : memref<1x80xi32, #tpu.memory_space<vmem>> -> memref<80xi32, #tpu.memory_space<vmem>>
      %dma_wait3A_890 = arith.constant 0 : i32
      %dma_wait3A_891 = arith.constant 0 : i32
      %dma_wait3A_892 = tpu.memref_slice %arg3[%dma_wait3A_890, %dma_wait3A_891] : memref<100000x64xf32, #tpu.memory_space<hbm>> -> memref<100000x64xf32, #tpu.memory_space<hbm>>
      tpu.wait_indirect_dma semaphore(%arg10 : memref<!tpu.dma_semaphore, #tpu.memory_space<semaphore_mem>>) src(%dma_wait3A_892 : memref<100000x64xf32, #tpu.memory_space<hbm>>) dst(%dma_wait3A_887 : memref<80x64xf32, #tpu.memory_space<vmem>>)
      %dma_wait3A_893 = arith.constant 11 : i32
      %dma_wait3A_894 = arith.constant 0 : i32
      %dma_wait3A_895 = arith.constant 0 : i32
      %dma_wait3A_896 = arith.constant 0 : i32
      %dma_wait3A_897 = tpu.memref_slice %arg7[%dma_wait3A_894, %dma_wait3A_895, %dma_wait3A_896] : memref<2x80x64xf32, #tpu.memory_space<vmem>> -> memref<1x80x64xf32, #tpu.memory_space<vmem>>
      %dma_wait3A_898 = tpu.memref_squeeze %dma_wait3A_897 : memref<1x80x64xf32, #tpu.memory_space<vmem>> -> memref<80x64xf32, #tpu.memory_space<vmem>>
      %dma_wait3A_899 = tpu.memref_slice %arg6[%dma_wait3A_893, %mul3A_543] : memref<21x800xi32, #tpu.memory_space<vmem>> -> memref<1x80xi32, #tpu.memory_space<vmem>>
      %dma_wait3A_900 = tpu.memref_squeeze %dma_wait3A_899 : memref<1x80xi32, #tpu.memory_space<vmem>> -> memref<80xi32, #tpu.memory_space<vmem>>
      %dma_wait3A_901 = arith.constant 0 : i32
      %dma_wait3A_902 = arith.constant 0 : i32
      %dma_wait3A_903 = tpu.memref_slice %arg3[%dma_wait3A_901, %dma_wait3A_902] : memref<100000x64xf32, #tpu.memory_space<hbm>> -> memref<100000x64xf32, #tpu.memory_space<hbm>>
      tpu.wait_indirect_dma semaphore(%arg10 : memref<!tpu.dma_semaphore, #tpu.memory_space<semaphore_mem>>) src(%dma_wait3A_903 : memref<100000x64xf32, #tpu.memory_space<hbm>>) dst(%dma_wait3A_898 : memref<80x64xf32, #tpu.memory_space<vmem>>)
      %dma_wait3A_904 = arith.constant 12 : i32
      %dma_wait3A_905 = arith.constant 0 : i32
      %dma_wait3A_906 = arith.constant 0 : i32
      %dma_wait3A_907 = arith.constant 0 : i32
      %dma_wait3A_908 = tpu.memref_slice %arg7[%dma_wait3A_905, %dma_wait3A_906, %dma_wait3A_907] : memref<2x80x64xf32, #tpu.memory_space<vmem>> -> memref<1x80x64xf32, #tpu.memory_space<vmem>>
      %dma_wait3A_909 = tpu.memref_squeeze %dma_wait3A_908 : memref<1x80x64xf32, #tpu.memory_space<vmem>> -> memref<80x64xf32, #tpu.memory_space<vmem>>
      %dma_wait3A_910 = tpu.memref_slice %arg6[%dma_wait3A_904, %mul3A_543] : memref<21x800xi32, #tpu.memory_space<vmem>> -> memref<1x80xi32, #tpu.memory_space<vmem>>
      %dma_wait3A_911 = tpu.memref_squeeze %dma_wait3A_910 : memref<1x80xi32, #tpu.memory_space<vmem>> -> memref<80xi32, #tpu.memory_space<vmem>>
      %dma_wait3A_912 = arith.constant 0 : i32
      %dma_wait3A_913 = arith.constant 0 : i32
      %dma_wait3A_914 = tpu.memref_slice %arg3[%dma_wait3A_912, %dma_wait3A_913] : memref<100000x64xf32, #tpu.memory_space<hbm>> -> memref<100000x64xf32, #tpu.memory_space<hbm>>
      tpu.wait_indirect_dma semaphore(%arg10 : memref<!tpu.dma_semaphore, #tpu.memory_space<semaphore_mem>>) src(%dma_wait3A_914 : memref<100000x64xf32, #tpu.memory_space<hbm>>) dst(%dma_wait3A_909 : memref<80x64xf32, #tpu.memory_space<vmem>>)
      %dma_wait3A_915 = arith.constant 13 : i32
      %dma_wait3A_916 = arith.constant 0 : i32
      %dma_wait3A_917 = arith.constant 0 : i32
      %dma_wait3A_918 = arith.constant 0 : i32
      %dma_wait3A_919 = tpu.memref_slice %arg7[%dma_wait3A_916, %dma_wait3A_917, %dma_wait3A_918] : memref<2x80x64xf32, #tpu.memory_space<vmem>> -> memref<1x80x64xf32, #tpu.memory_space<vmem>>
      %dma_wait3A_920 = tpu.memref_squeeze %dma_wait3A_919 : memref<1x80x64xf32, #tpu.memory_space<vmem>> -> memref<80x64xf32, #tpu.memory_space<vmem>>
      %dma_wait3A_921 = tpu.memref_slice %arg6[%dma_wait3A_915, %mul3A_543] : memref<21x800xi32, #tpu.memory_space<vmem>> -> memref<1x80xi32, #tpu.memory_space<vmem>>
      %dma_wait3A_922 = tpu.memref_squeeze %dma_wait3A_921 : memref<1x80xi32, #tpu.memory_space<vmem>> -> memref<80xi32, #tpu.memory_space<vmem>>
      %dma_wait3A_923 = arith.constant 0 : i32
      %dma_wait3A_924 = arith.constant 0 : i32
      %dma_wait3A_925 = tpu.memref_slice %arg3[%dma_wait3A_923, %dma_wait3A_924] : memref<100000x64xf32, #tpu.memory_space<hbm>> -> memref<100000x64xf32, #tpu.memory_space<hbm>>
      tpu.wait_indirect_dma semaphore(%arg10 : memref<!tpu.dma_semaphore, #tpu.memory_space<semaphore_mem>>) src(%dma_wait3A_925 : memref<100000x64xf32, #tpu.memory_space<hbm>>) dst(%dma_wait3A_920 : memref<80x64xf32, #tpu.memory_space<vmem>>)
      %dma_wait3A_926 = arith.constant 14 : i32
      %dma_wait3A_927 = arith.constant 0 : i32
      %dma_wait3A_928 = arith.constant 0 : i32
      %dma_wait3A_929 = arith.constant 0 : i32
      %dma_wait3A_930 = tpu.memref_slice %arg7[%dma_wait3A_927, %dma_wait3A_928, %dma_wait3A_929] : memref<2x80x64xf32, #tpu.memory_space<vmem>> -> memref<1x80x64xf32, #tpu.memory_space<vmem>>
      %dma_wait3A_931 = tpu.memref_squeeze %dma_wait3A_930 : memref<1x80x64xf32, #tpu.memory_space<vmem>> -> memref<80x64xf32, #tpu.memory_space<vmem>>
      %dma_wait3A_932 = tpu.memref_slice %arg6[%dma_wait3A_926, %mul3A_543] : memref<21x800xi32, #tpu.memory_space<vmem>> -> memref<1x80xi32, #tpu.memory_space<vmem>>
      %dma_wait3A_933 = tpu.memref_squeeze %dma_wait3A_932 : memref<1x80xi32, #tpu.memory_space<vmem>> -> memref<80xi32, #tpu.memory_space<vmem>>
      %dma_wait3A_934 = arith.constant 0 : i32
      %dma_wait3A_935 = arith.constant 0 : i32
      %dma_wait3A_936 = tpu.memref_slice %arg3[%dma_wait3A_934, %dma_wait3A_935] : memref<100000x64xf32, #tpu.memory_space<hbm>> -> memref<100000x64xf32, #tpu.memory_space<hbm>>
      tpu.wait_indirect_dma semaphore(%arg10 : memref<!tpu.dma_semaphore, #tpu.memory_space<semaphore_mem>>) src(%dma_wait3A_936 : memref<100000x64xf32, #tpu.memory_space<hbm>>) dst(%dma_wait3A_931 : memref<80x64xf32, #tpu.memory_space<vmem>>)
      %dma_wait3A_937 = arith.constant 15 : i32
      %dma_wait3A_938 = arith.constant 0 : i32
      %dma_wait3A_939 = arith.constant 0 : i32
      %dma_wait3A_940 = arith.constant 0 : i32
      %dma_wait3A_941 = tpu.memref_slice %arg7[%dma_wait3A_938, %dma_wait3A_939, %dma_wait3A_940] : memref<2x80x64xf32, #tpu.memory_space<vmem>> -> memref<1x80x64xf32, #tpu.memory_space<vmem>>
      %dma_wait3A_942 = tpu.memref_squeeze %dma_wait3A_941 : memref<1x80x64xf32, #tpu.memory_space<vmem>> -> memref<80x64xf32, #tpu.memory_space<vmem>>
      %dma_wait3A_943 = tpu.memref_slice %arg6[%dma_wait3A_937, %mul3A_543] : memref<21x800xi32, #tpu.memory_space<vmem>> -> memref<1x80xi32, #tpu.memory_space<vmem>>
      %dma_wait3A_944 = tpu.memref_squeeze %dma_wait3A_943 : memref<1x80xi32, #tpu.memory_space<vmem>> -> memref<80xi32, #tpu.memory_space<vmem>>
      %dma_wait3A_945 = arith.constant 0 : i32
      %dma_wait3A_946 = arith.constant 0 : i32
      %dma_wait3A_947 = tpu.memref_slice %arg3[%dma_wait3A_945, %dma_wait3A_946] : memref<100000x64xf32, #tpu.memory_space<hbm>> -> memref<100000x64xf32, #tpu.memory_space<hbm>>
      tpu.wait_indirect_dma semaphore(%arg10 : memref<!tpu.dma_semaphore, #tpu.memory_space<semaphore_mem>>) src(%dma_wait3A_947 : memref<100000x64xf32, #tpu.memory_space<hbm>>) dst(%dma_wait3A_942 : memref<80x64xf32, #tpu.memory_space<vmem>>)
      %dma_wait3A_948 = arith.constant 16 : i32
      %dma_wait3A_949 = arith.constant 0 : i32
      %dma_wait3A_950 = arith.constant 0 : i32
      %dma_wait3A_951 = arith.constant 0 : i32
      %dma_wait3A_952 = tpu.memref_slice %arg7[%dma_wait3A_949, %dma_wait3A_950, %dma_wait3A_951] : memref<2x80x64xf32, #tpu.memory_space<vmem>> -> memref<1x80x64xf32, #tpu.memory_space<vmem>>
      %dma_wait3A_953 = tpu.memref_squeeze %dma_wait3A_952 : memref<1x80x64xf32, #tpu.memory_space<vmem>> -> memref<80x64xf32, #tpu.memory_space<vmem>>
      %dma_wait3A_954 = tpu.memref_slice %arg6[%dma_wait3A_948, %mul3A_543] : memref<21x800xi32, #tpu.memory_space<vmem>> -> memref<1x80xi32, #tpu.memory_space<vmem>>
      %dma_wait3A_955 = tpu.memref_squeeze %dma_wait3A_954 : memref<1x80xi32, #tpu.memory_space<vmem>> -> memref<80xi32, #tpu.memory_space<vmem>>
      %dma_wait3A_956 = arith.constant 0 : i32
      %dma_wait3A_957 = arith.constant 0 : i32
      %dma_wait3A_958 = tpu.memref_slice %arg3[%dma_wait3A_956, %dma_wait3A_957] : memref<100000x64xf32, #tpu.memory_space<hbm>> -> memref<100000x64xf32, #tpu.memory_space<hbm>>
      tpu.wait_indirect_dma semaphore(%arg10 : memref<!tpu.dma_semaphore, #tpu.memory_space<semaphore_mem>>) src(%dma_wait3A_958 : memref<100000x64xf32, #tpu.memory_space<hbm>>) dst(%dma_wait3A_953 : memref<80x64xf32, #tpu.memory_space<vmem>>)
      %dma_wait3A_959 = arith.constant 17 : i32
      %dma_wait3A_960 = arith.constant 0 : i32
      %dma_wait3A_961 = arith.constant 0 : i32
      %dma_wait3A_962 = arith.constant 0 : i32
      %dma_wait3A_963 = tpu.memref_slice %arg7[%dma_wait3A_960, %dma_wait3A_961, %dma_wait3A_962] : memref<2x80x64xf32, #tpu.memory_space<vmem>> -> memref<1x80x64xf32, #tpu.memory_space<vmem>>
      %dma_wait3A_964 = tpu.memref_squeeze %dma_wait3A_963 : memref<1x80x64xf32, #tpu.memory_space<vmem>> -> memref<80x64xf32, #tpu.memory_space<vmem>>
      %dma_wait3A_965 = tpu.memref_slice %arg6[%dma_wait3A_959, %mul3A_543] : memref<21x800xi32, #tpu.memory_space<vmem>> -> memref<1x80xi32, #tpu.memory_space<vmem>>
      %dma_wait3A_966 = tpu.memref_squeeze %dma_wait3A_965 : memref<1x80xi32, #tpu.memory_space<vmem>> -> memref<80xi32, #tpu.memory_space<vmem>>
      %dma_wait3A_967 = arith.constant 0 : i32
      %dma_wait3A_968 = arith.constant 0 : i32
      %dma_wait3A_969 = tpu.memref_slice %arg3[%dma_wait3A_967, %dma_wait3A_968] : memref<100000x64xf32, #tpu.memory_space<hbm>> -> memref<100000x64xf32, #tpu.memory_space<hbm>>
      tpu.wait_indirect_dma semaphore(%arg10 : memref<!tpu.dma_semaphore, #tpu.memory_space<semaphore_mem>>) src(%dma_wait3A_969 : memref<100000x64xf32, #tpu.memory_space<hbm>>) dst(%dma_wait3A_964 : memref<80x64xf32, #tpu.memory_space<vmem>>)
      %dma_wait3A_970 = arith.constant 18 : i32
      %dma_wait3A_971 = arith.constant 0 : i32
      %dma_wait3A_972 = arith.constant 0 : i32
      %dma_wait3A_973 = arith.constant 0 : i32
      %dma_wait3A_974 = tpu.memref_slice %arg7[%dma_wait3A_971, %dma_wait3A_972, %dma_wait3A_973] : memref<2x80x64xf32, #tpu.memory_space<vmem>> -> memref<1x80x64xf32, #tpu.memory_space<vmem>>
      %dma_wait3A_975 = tpu.memref_squeeze %dma_wait3A_974 : memref<1x80x64xf32, #tpu.memory_space<vmem>> -> memref<80x64xf32, #tpu.memory_space<vmem>>
      %dma_wait3A_976 = tpu.memref_slice %arg6[%dma_wait3A_970, %mul3A_543] : memref<21x800xi32, #tpu.memory_space<vmem>> -> memref<1x80xi32, #tpu.memory_space<vmem>>
      %dma_wait3A_977 = tpu.memref_squeeze %dma_wait3A_976 : memref<1x80xi32, #tpu.memory_space<vmem>> -> memref<80xi32, #tpu.memory_space<vmem>>
      %dma_wait3A_978 = arith.constant 0 : i32
      %dma_wait3A_979 = arith.constant 0 : i32
      %dma_wait3A_980 = tpu.memref_slice %arg3[%dma_wait3A_978, %dma_wait3A_979] : memref<100000x64xf32, #tpu.memory_space<hbm>> -> memref<100000x64xf32, #tpu.memory_space<hbm>>
      tpu.wait_indirect_dma semaphore(%arg10 : memref<!tpu.dma_semaphore, #tpu.memory_space<semaphore_mem>>) src(%dma_wait3A_980 : memref<100000x64xf32, #tpu.memory_space<hbm>>) dst(%dma_wait3A_975 : memref<80x64xf32, #tpu.memory_space<vmem>>)
      %dma_wait3A_981 = arith.constant 19 : i32
      %dma_wait3A_982 = arith.constant 0 : i32
      %dma_wait3A_983 = arith.constant 0 : i32
      %dma_wait3A_984 = arith.constant 0 : i32
      %dma_wait3A_985 = tpu.memref_slice %arg7[%dma_wait3A_982, %dma_wait3A_983, %dma_wait3A_984] : memref<2x80x64xf32, #tpu.memory_space<vmem>> -> memref<1x80x64xf32, #tpu.memory_space<vmem>>
      %dma_wait3A_986 = tpu.memref_squeeze %dma_wait3A_985 : memref<1x80x64xf32, #tpu.memory_space<vmem>> -> memref<80x64xf32, #tpu.memory_space<vmem>>
      %dma_wait3A_987 = tpu.memref_slice %arg6[%dma_wait3A_981, %mul3A_543] : memref<21x800xi32, #tpu.memory_space<vmem>> -> memref<1x80xi32, #tpu.memory_space<vmem>>
      %dma_wait3A_988 = tpu.memref_squeeze %dma_wait3A_987 : memref<1x80xi32, #tpu.memory_space<vmem>> -> memref<80xi32, #tpu.memory_space<vmem>>
      %dma_wait3A_989 = arith.constant 0 : i32
      %dma_wait3A_990 = arith.constant 0 : i32
      %dma_wait3A_991 = tpu.memref_slice %arg3[%dma_wait3A_989, %dma_wait3A_990] : memref<100000x64xf32, #tpu.memory_space<hbm>> -> memref<100000x64xf32, #tpu.memory_space<hbm>>
      tpu.wait_indirect_dma semaphore(%arg10 : memref<!tpu.dma_semaphore, #tpu.memory_space<semaphore_mem>>) src(%dma_wait3A_991 : memref<100000x64xf32, #tpu.memory_space<hbm>>) dst(%dma_wait3A_986 : memref<80x64xf32, #tpu.memory_space<vmem>>)
      %dma_wait3A_992 = arith.constant 20 : i32
      %dma_wait3A_993 = arith.constant 0 : i32
      %dma_wait3A_994 = arith.constant 0 : i32
      %dma_wait3A_995 = arith.constant 0 : i32
      %dma_wait3A_996 = tpu.memref_slice %arg7[%dma_wait3A_993, %dma_wait3A_994, %dma_wait3A_995] : memref<2x80x64xf32, #tpu.memory_space<vmem>> -> memref<1x80x64xf32, #tpu.memory_space<vmem>>
      %dma_wait3A_997 = tpu.memref_squeeze %dma_wait3A_996 : memref<1x80x64xf32, #tpu.memory_space<vmem>> -> memref<80x64xf32, #tpu.memory_space<vmem>>
      %dma_wait3A_998 = tpu.memref_slice %arg6[%dma_wait3A_992, %mul3A_543] : memref<21x800xi32, #tpu.memory_space<vmem>> -> memref<1x80xi32, #tpu.memory_space<vmem>>
      %dma_wait3A_999 = tpu.memref_squeeze %dma_wait3A_998 : memref<1x80xi32, #tpu.memory_space<vmem>> -> memref<80xi32, #tpu.memory_space<vmem>>
      %dma_wait3A_1000 = arith.constant 0 : i32
      %dma_wait3A_1001 = arith.constant 0 : i32
      %dma_wait3A_1002 = tpu.memref_slice %arg4[%dma_wait3A_1000, %dma_wait3A_1001] : memref<18432x64xf32, #tpu.memory_space<hbm>> -> memref<18432x64xf32, #tpu.memory_space<hbm>>
      tpu.wait_indirect_dma semaphore(%arg10 : memref<!tpu.dma_semaphore, #tpu.memory_space<semaphore_mem>>) src(%dma_wait3A_1002 : memref<18432x64xf32, #tpu.memory_space<hbm>>) dst(%dma_wait3A_997 : memref<80x64xf32, #tpu.memory_space<vmem>>)
      %add3A_1003 = arith.addi %mul3A_2, %mul3A_543 : i32
      %dma_start3A_1004 = arith.constant 0 : i32
      %dma_start3A_1005 = arith.constant 0 : i32
      %dma_start3A_1006 = arith.constant 0 : i32
      %dma_start3A_1007 = tpu.memref_slice %arg7[%dma_start3A_1004, %dma_start3A_1005, %dma_start3A_1006] : memref<2x80x64xf32, #tpu.memory_space<vmem>> -> memref<1x80x64xf32, #tpu.memory_space<vmem>>
      %dma_start3A_1008 = tpu.memref_squeeze %dma_start3A_1007 : memref<1x80x64xf32, #tpu.memory_space<vmem>> -> memref<80x64xf32, #tpu.memory_space<vmem>>
      %dma_start3A_1009 = arith.constant 0 : i32
      %dma_start3A_1010 = tpu.memref_slice %arg5[%add3A_1003, %dma_start3A_1009] : memref<25600x64xf32, #tpu.memory_space<hbm>> -> memref<80x64xf32, #tpu.memory_space<hbm>>
      %dma_start3A_1011 = arith.constant 0 : i32
      %dma_start3A_1012 = tpu.memref_slice %arg5[%add3A_1003, %dma_start3A_1011] : memref<25600x64xf32, #tpu.memory_space<hbm>> -> memref<80x64xf32, #tpu.memory_space<hbm>>
      %dma_start3A_1013 = arith.constant 0 : i32
      %dma_start3A_1014 = arith.constant 0 : i32
      %dma_start3A_1015 = tpu.memref_slice %arg7[%dma_start3A_1004, %dma_start3A_1013, %dma_start3A_1014] : memref<2x80x64xf32, #tpu.memory_space<vmem>> -> memref<1x80x64xf32, #tpu.memory_space<vmem>>
      %dma_start3A_1016 = tpu.memref_squeeze %dma_start3A_1015 : memref<1x80x64xf32, #tpu.memory_space<vmem>> -> memref<80x64xf32, #tpu.memory_space<vmem>>
      tpu.enqueue_dma source(%dma_start3A_1016 : memref<80x64xf32, #tpu.memory_space<vmem>>) target(%dma_start3A_1012 : memref<80x64xf32, #tpu.memory_space<hbm>>) target_semaphore(%arg12 : memref<!tpu.dma_semaphore, #tpu.memory_space<semaphore_mem>>)
      %mul3A_1017 = arith.constant 2 : i32
      %mul3A_1018 = arith.muli %scan3A_537, %mul3A_1017 : i32
      %add3A_1019 = arith.constant 1 : i32
      %add3A_1020 = arith.addi %mul3A_1018, %add3A_1019 : i32
      %mul3A_1021 = arith.constant 80 : i32
      %mul3A_1022 = arith.muli %add3A_1020, %mul3A_1021 : i32
      %dma_wait3A_1023 = arith.constant 0 : i32
      %dma_wait3A_1024 = arith.constant 1 : i32
      %dma_wait3A_1025 = arith.constant 0 : i32
      %dma_wait3A_1026 = arith.constant 0 : i32
      %dma_wait3A_1027 = tpu.memref_slice %arg7[%dma_wait3A_1024, %dma_wait3A_1025, %dma_wait3A_1026] : memref<2x80x64xf32, #tpu.memory_space<vmem>> -> memref<1x80x64xf32, #tpu.memory_space<vmem>>
      %dma_wait3A_1028 = tpu.memref_squeeze %dma_wait3A_1027 : memref<1x80x64xf32, #tpu.memory_space<vmem>> -> memref<80x64xf32, #tpu.memory_space<vmem>>
      %dma_wait3A_1029 = tpu.memref_slice %arg6[%dma_wait3A_1023, %mul3A_1022] : memref<21x800xi32, #tpu.memory_space<vmem>> -> memref<1x80xi32, #tpu.memory_space<vmem>>
      %dma_wait3A_1030 = tpu.memref_squeeze %dma_wait3A_1029 : memref<1x80xi32, #tpu.memory_space<vmem>> -> memref<80xi32, #tpu.memory_space<vmem>>
      %dma_wait3A_1031 = arith.constant 0 : i32
      %dma_wait3A_1032 = arith.constant 0 : i32
      %dma_wait3A_1033 = tpu.memref_slice %arg3[%dma_wait3A_1031, %dma_wait3A_1032] : memref<100000x64xf32, #tpu.memory_space<hbm>> -> memref<100000x64xf32, #tpu.memory_space<hbm>>
      tpu.wait_indirect_dma semaphore(%arg9 : memref<!tpu.dma_semaphore, #tpu.memory_space<semaphore_mem>>) src(%dma_wait3A_1033 : memref<100000x64xf32, #tpu.memory_space<hbm>>) dst(%dma_wait3A_1028 : memref<80x64xf32, #tpu.memory_space<vmem>>)
      %dma_start3A_1034 = arith.constant 1 : i32
      %dma_start3A_1035 = arith.constant 1 : i32
      %dma_start3A_1036 = arith.constant 0 : i32
      %dma_start3A_1037 = arith.constant 0 : i32
      %dma_start3A_1038 = tpu.memref_slice %arg7[%dma_start3A_1035, %dma_start3A_1036, %dma_start3A_1037] : memref<2x80x64xf32, #tpu.memory_space<vmem>> -> memref<1x80x64xf32, #tpu.memory_space<vmem>>
      %dma_start3A_1039 = tpu.memref_squeeze %dma_start3A_1038 : memref<1x80x64xf32, #tpu.memory_space<vmem>> -> memref<80x64xf32, #tpu.memory_space<vmem>>
      %dma_start3A_1040 = tpu.memref_slice %arg6[%dma_start3A_1034, %mul3A_1022] : memref<21x800xi32, #tpu.memory_space<vmem>> -> memref<1x80xi32, #tpu.memory_space<vmem>>
      %dma_start3A_1041 = tpu.memref_squeeze %dma_start3A_1040 : memref<1x80xi32, #tpu.memory_space<vmem>> -> memref<80xi32, #tpu.memory_space<vmem>>
      %dma_start3A_1042 = arith.constant 0 : i32
      %dma_start3A_1043 = arith.constant 0 : i32
      %dma_start3A_1044 = tpu.memref_slice %arg3[%dma_start3A_1042, %dma_start3A_1043] : memref<100000x64xf32, #tpu.memory_space<hbm>> -> memref<100000x64xf32, #tpu.memory_space<hbm>>
      tpu.enqueue_indirect_dma source(%dma_start3A_1044 : memref<100000x64xf32, #tpu.memory_space<hbm>>) target(%dma_start3A_1039 : memref<80x64xf32, #tpu.memory_space<vmem>>) offsets(%dma_start3A_1041 : memref<80xi32, #tpu.memory_space<vmem>>) semaphore(%arg11 : memref<!tpu.dma_semaphore, #tpu.memory_space<semaphore_mem>>) {add = true}
      %dma_start3A_1045 = arith.constant 2 : i32
      %dma_start3A_1046 = arith.constant 1 : i32
      %dma_start3A_1047 = arith.constant 0 : i32
      %dma_start3A_1048 = arith.constant 0 : i32
      %dma_start3A_1049 = tpu.memref_slice %arg7[%dma_start3A_1046, %dma_start3A_1047, %dma_start3A_1048] : memref<2x80x64xf32, #tpu.memory_space<vmem>> -> memref<1x80x64xf32, #tpu.memory_space<vmem>>
      %dma_start3A_1050 = tpu.memref_squeeze %dma_start3A_1049 : memref<1x80x64xf32, #tpu.memory_space<vmem>> -> memref<80x64xf32, #tpu.memory_space<vmem>>
      %dma_start3A_1051 = tpu.memref_slice %arg6[%dma_start3A_1045, %mul3A_1022] : memref<21x800xi32, #tpu.memory_space<vmem>> -> memref<1x80xi32, #tpu.memory_space<vmem>>
      %dma_start3A_1052 = tpu.memref_squeeze %dma_start3A_1051 : memref<1x80xi32, #tpu.memory_space<vmem>> -> memref<80xi32, #tpu.memory_space<vmem>>
      %dma_start3A_1053 = arith.constant 0 : i32
      %dma_start3A_1054 = arith.constant 0 : i32
      %dma_start3A_1055 = tpu.memref_slice %arg3[%dma_start3A_1053, %dma_start3A_1054] : memref<100000x64xf32, #tpu.memory_space<hbm>> -> memref<100000x64xf32, #tpu.memory_space<hbm>>
      tpu.enqueue_indirect_dma source(%dma_start3A_1055 : memref<100000x64xf32, #tpu.memory_space<hbm>>) target(%dma_start3A_1050 : memref<80x64xf32, #tpu.memory_space<vmem>>) offsets(%dma_start3A_1052 : memref<80xi32, #tpu.memory_space<vmem>>) semaphore(%arg11 : memref<!tpu.dma_semaphore, #tpu.memory_space<semaphore_mem>>) {add = true}
      %dma_start3A_1056 = arith.constant 3 : i32
      %dma_start3A_1057 = arith.constant 1 : i32
      %dma_start3A_1058 = arith.constant 0 : i32
      %dma_start3A_1059 = arith.constant 0 : i32
      %dma_start3A_1060 = tpu.memref_slice %arg7[%dma_start3A_1057, %dma_start3A_1058, %dma_start3A_1059] : memref<2x80x64xf32, #tpu.memory_space<vmem>> -> memref<1x80x64xf32, #tpu.memory_space<vmem>>
      %dma_start3A_1061 = tpu.memref_squeeze %dma_start3A_1060 : memref<1x80x64xf32, #tpu.memory_space<vmem>> -> memref<80x64xf32, #tpu.memory_space<vmem>>
      %dma_start3A_1062 = tpu.memref_slice %arg6[%dma_start3A_1056, %mul3A_1022] : memref<21x800xi32, #tpu.memory_space<vmem>> -> memref<1x80xi32, #tpu.memory_space<vmem>>
      %dma_start3A_1063 = tpu.memref_squeeze %dma_start3A_1062 : memref<1x80xi32, #tpu.memory_space<vmem>> -> memref<80xi32, #tpu.memory_space<vmem>>
      %dma_start3A_1064 = arith.constant 0 : i32
      %dma_start3A_1065 = arith.constant 0 : i32
      %dma_start3A_1066 = tpu.memref_slice %arg3[%dma_start3A_1064, %dma_start3A_1065] : memref<100000x64xf32, #tpu.memory_space<hbm>> -> memref<100000x64xf32, #tpu.memory_space<hbm>>
      tpu.enqueue_indirect_dma source(%dma_start3A_1066 : memref<100000x64xf32, #tpu.memory_space<hbm>>) target(%dma_start3A_1061 : memref<80x64xf32, #tpu.memory_space<vmem>>) offsets(%dma_start3A_1063 : memref<80xi32, #tpu.memory_space<vmem>>) semaphore(%arg11 : memref<!tpu.dma_semaphore, #tpu.memory_space<semaphore_mem>>) {add = true}
      %dma_start3A_1067 = arith.constant 4 : i32
      %dma_start3A_1068 = arith.constant 1 : i32
      %dma_start3A_1069 = arith.constant 0 : i32
      %dma_start3A_1070 = arith.constant 0 : i32
      %dma_start3A_1071 = tpu.memref_slice %arg7[%dma_start3A_1068, %dma_start3A_1069, %dma_start3A_1070] : memref<2x80x64xf32, #tpu.memory_space<vmem>> -> memref<1x80x64xf32, #tpu.memory_space<vmem>>
      %dma_start3A_1072 = tpu.memref_squeeze %dma_start3A_1071 : memref<1x80x64xf32, #tpu.memory_space<vmem>> -> memref<80x64xf32, #tpu.memory_space<vmem>>
      %dma_start3A_1073 = tpu.memref_slice %arg6[%dma_start3A_1067, %mul3A_1022] : memref<21x800xi32, #tpu.memory_space<vmem>> -> memref<1x80xi32, #tpu.memory_space<vmem>>
      %dma_start3A_1074 = tpu.memref_squeeze %dma_start3A_1073 : memref<1x80xi32, #tpu.memory_space<vmem>> -> memref<80xi32, #tpu.memory_space<vmem>>
      %dma_start3A_1075 = arith.constant 0 : i32
      %dma_start3A_1076 = arith.constant 0 : i32
      %dma_start3A_1077 = tpu.memref_slice %arg3[%dma_start3A_1075, %dma_start3A_1076] : memref<100000x64xf32, #tpu.memory_space<hbm>> -> memref<100000x64xf32, #tpu.memory_space<hbm>>
      tpu.enqueue_indirect_dma source(%dma_start3A_1077 : memref<100000x64xf32, #tpu.memory_space<hbm>>) target(%dma_start3A_1072 : memref<80x64xf32, #tpu.memory_space<vmem>>) offsets(%dma_start3A_1074 : memref<80xi32, #tpu.memory_space<vmem>>) semaphore(%arg11 : memref<!tpu.dma_semaphore, #tpu.memory_space<semaphore_mem>>) {add = true}
      %dma_start3A_1078 = arith.constant 5 : i32
      %dma_start3A_1079 = arith.constant 1 : i32
      %dma_start3A_1080 = arith.constant 0 : i32
      %dma_start3A_1081 = arith.constant 0 : i32
      %dma_start3A_1082 = tpu.memref_slice %arg7[%dma_start3A_1079, %dma_start3A_1080, %dma_start3A_1081] : memref<2x80x64xf32, #tpu.memory_space<vmem>> -> memref<1x80x64xf32, #tpu.memory_space<vmem>>
      %dma_start3A_1083 = tpu.memref_squeeze %dma_start3A_1082 : memref<1x80x64xf32, #tpu.memory_space<vmem>> -> memref<80x64xf32, #tpu.memory_space<vmem>>
      %dma_start3A_1084 = tpu.memref_slice %arg6[%dma_start3A_1078, %mul3A_1022] : memref<21x800xi32, #tpu.memory_space<vmem>> -> memref<1x80xi32, #tpu.memory_space<vmem>>
      %dma_start3A_1085 = tpu.memref_squeeze %dma_start3A_1084 : memref<1x80xi32, #tpu.memory_space<vmem>> -> memref<80xi32, #tpu.memory_space<vmem>>
      %dma_start3A_1086 = arith.constant 0 : i32
      %dma_start3A_1087 = arith.constant 0 : i32
      %dma_start3A_1088 = tpu.memref_slice %arg3[%dma_start3A_1086, %dma_start3A_1087] : memref<100000x64xf32, #tpu.memory_space<hbm>> -> memref<100000x64xf32, #tpu.memory_space<hbm>>
      tpu.enqueue_indirect_dma source(%dma_start3A_1088 : memref<100000x64xf32, #tpu.memory_space<hbm>>) target(%dma_start3A_1083 : memref<80x64xf32, #tpu.memory_space<vmem>>) offsets(%dma_start3A_1085 : memref<80xi32, #tpu.memory_space<vmem>>) semaphore(%arg11 : memref<!tpu.dma_semaphore, #tpu.memory_space<semaphore_mem>>) {add = true}
      %dma_start3A_1089 = arith.constant 6 : i32
      %dma_start3A_1090 = arith.constant 1 : i32
      %dma_start3A_1091 = arith.constant 0 : i32
      %dma_start3A_1092 = arith.constant 0 : i32
      %dma_start3A_1093 = tpu.memref_slice %arg7[%dma_start3A_1090, %dma_start3A_1091, %dma_start3A_1092] : memref<2x80x64xf32, #tpu.memory_space<vmem>> -> memref<1x80x64xf32, #tpu.memory_space<vmem>>
      %dma_start3A_1094 = tpu.memref_squeeze %dma_start3A_1093 : memref<1x80x64xf32, #tpu.memory_space<vmem>> -> memref<80x64xf32, #tpu.memory_space<vmem>>
      %dma_start3A_1095 = tpu.memref_slice %arg6[%dma_start3A_1089, %mul3A_1022] : memref<21x800xi32, #tpu.memory_space<vmem>> -> memref<1x80xi32, #tpu.memory_space<vmem>>
      %dma_start3A_1096 = tpu.memref_squeeze %dma_start3A_1095 : memref<1x80xi32, #tpu.memory_space<vmem>> -> memref<80xi32, #tpu.memory_space<vmem>>
      %dma_start3A_1097 = arith.constant 0 : i32
      %dma_start3A_1098 = arith.constant 0 : i32
      %dma_start3A_1099 = tpu.memref_slice %arg3[%dma_start3A_1097, %dma_start3A_1098] : memref<100000x64xf32, #tpu.memory_space<hbm>> -> memref<100000x64xf32, #tpu.memory_space<hbm>>
      tpu.enqueue_indirect_dma source(%dma_start3A_1099 : memref<100000x64xf32, #tpu.memory_space<hbm>>) target(%dma_start3A_1094 : memref<80x64xf32, #tpu.memory_space<vmem>>) offsets(%dma_start3A_1096 : memref<80xi32, #tpu.memory_space<vmem>>) semaphore(%arg11 : memref<!tpu.dma_semaphore, #tpu.memory_space<semaphore_mem>>) {add = true}
      %dma_start3A_1100 = arith.constant 7 : i32
      %dma_start3A_1101 = arith.constant 1 : i32
      %dma_start3A_1102 = arith.constant 0 : i32
      %dma_start3A_1103 = arith.constant 0 : i32
      %dma_start3A_1104 = tpu.memref_slice %arg7[%dma_start3A_1101, %dma_start3A_1102, %dma_start3A_1103] : memref<2x80x64xf32, #tpu.memory_space<vmem>> -> memref<1x80x64xf32, #tpu.memory_space<vmem>>
      %dma_start3A_1105 = tpu.memref_squeeze %dma_start3A_1104 : memref<1x80x64xf32, #tpu.memory_space<vmem>> -> memref<80x64xf32, #tpu.memory_space<vmem>>
      %dma_start3A_1106 = tpu.memref_slice %arg6[%dma_start3A_1100, %mul3A_1022] : memref<21x800xi32, #tpu.memory_space<vmem>> -> memref<1x80xi32, #tpu.memory_space<vmem>>
      %dma_start3A_1107 = tpu.memref_squeeze %dma_start3A_1106 : memref<1x80xi32, #tpu.memory_space<vmem>> -> memref<80xi32, #tpu.memory_space<vmem>>
      %dma_start3A_1108 = arith.constant 0 : i32
      %dma_start3A_1109 = arith.constant 0 : i32
      %dma_start3A_1110 = tpu.memref_slice %arg3[%dma_start3A_1108, %dma_start3A_1109] : memref<100000x64xf32, #tpu.memory_space<hbm>> -> memref<100000x64xf32, #tpu.memory_space<hbm>>
      tpu.enqueue_indirect_dma source(%dma_start3A_1110 : memref<100000x64xf32, #tpu.memory_space<hbm>>) target(%dma_start3A_1105 : memref<80x64xf32, #tpu.memory_space<vmem>>) offsets(%dma_start3A_1107 : memref<80xi32, #tpu.memory_space<vmem>>) semaphore(%arg11 : memref<!tpu.dma_semaphore, #tpu.memory_space<semaphore_mem>>) {add = true}
      %dma_start3A_1111 = arith.constant 8 : i32
      %dma_start3A_1112 = arith.constant 1 : i32
      %dma_start3A_1113 = arith.constant 0 : i32
      %dma_start3A_1114 = arith.constant 0 : i32
      %dma_start3A_1115 = tpu.memref_slice %arg7[%dma_start3A_1112, %dma_start3A_1113, %dma_start3A_1114] : memref<2x80x64xf32, #tpu.memory_space<vmem>> -> memref<1x80x64xf32, #tpu.memory_space<vmem>>
      %dma_start3A_1116 = tpu.memref_squeeze %dma_start3A_1115 : memref<1x80x64xf32, #tpu.memory_space<vmem>> -> memref<80x64xf32, #tpu.memory_space<vmem>>
      %dma_start3A_1117 = tpu.memref_slice %arg6[%dma_start3A_1111, %mul3A_1022] : memref<21x800xi32, #tpu.memory_space<vmem>> -> memref<1x80xi32, #tpu.memory_space<vmem>>
      %dma_start3A_1118 = tpu.memref_squeeze %dma_start3A_1117 : memref<1x80xi32, #tpu.memory_space<vmem>> -> memref<80xi32, #tpu.memory_space<vmem>>
      %dma_start3A_1119 = arith.constant 0 : i32
      %dma_start3A_1120 = arith.constant 0 : i32
      %dma_start3A_1121 = tpu.memref_slice %arg3[%dma_start3A_1119, %dma_start3A_1120] : memref<100000x64xf32, #tpu.memory_space<hbm>> -> memref<100000x64xf32, #tpu.memory_space<hbm>>
      tpu.enqueue_indirect_dma source(%dma_start3A_1121 : memref<100000x64xf32, #tpu.memory_space<hbm>>) target(%dma_start3A_1116 : memref<80x64xf32, #tpu.memory_space<vmem>>) offsets(%dma_start3A_1118 : memref<80xi32, #tpu.memory_space<vmem>>) semaphore(%arg11 : memref<!tpu.dma_semaphore, #tpu.memory_space<semaphore_mem>>) {add = true}
      %dma_start3A_1122 = arith.constant 9 : i32
      %dma_start3A_1123 = arith.constant 1 : i32
      %dma_start3A_1124 = arith.constant 0 : i32
      %dma_start3A_1125 = arith.constant 0 : i32
      %dma_start3A_1126 = tpu.memref_slice %arg7[%dma_start3A_1123, %dma_start3A_1124, %dma_start3A_1125] : memref<2x80x64xf32, #tpu.memory_space<vmem>> -> memref<1x80x64xf32, #tpu.memory_space<vmem>>
      %dma_start3A_1127 = tpu.memref_squeeze %dma_start3A_1126 : memref<1x80x64xf32, #tpu.memory_space<vmem>> -> memref<80x64xf32, #tpu.memory_space<vmem>>
      %dma_start3A_1128 = tpu.memref_slice %arg6[%dma_start3A_1122, %mul3A_1022] : memref<21x800xi32, #tpu.memory_space<vmem>> -> memref<1x80xi32, #tpu.memory_space<vmem>>
      %dma_start3A_1129 = tpu.memref_squeeze %dma_start3A_1128 : memref<1x80xi32, #tpu.memory_space<vmem>> -> memref<80xi32, #tpu.memory_space<vmem>>
      %dma_start3A_1130 = arith.constant 0 : i32
      %dma_start3A_1131 = arith.constant 0 : i32
      %dma_start3A_1132 = tpu.memref_slice %arg3[%dma_start3A_1130, %dma_start3A_1131] : memref<100000x64xf32, #tpu.memory_space<hbm>> -> memref<100000x64xf32, #tpu.memory_space<hbm>>
      tpu.enqueue_indirect_dma source(%dma_start3A_1132 : memref<100000x64xf32, #tpu.memory_space<hbm>>) target(%dma_start3A_1127 : memref<80x64xf32, #tpu.memory_space<vmem>>) offsets(%dma_start3A_1129 : memref<80xi32, #tpu.memory_space<vmem>>) semaphore(%arg11 : memref<!tpu.dma_semaphore, #tpu.memory_space<semaphore_mem>>) {add = true}
      %dma_start3A_1133 = arith.constant 10 : i32
      %dma_start3A_1134 = arith.constant 1 : i32
      %dma_start3A_1135 = arith.constant 0 : i32
      %dma_start3A_1136 = arith.constant 0 : i32
      %dma_start3A_1137 = tpu.memref_slice %arg7[%dma_start3A_1134, %dma_start3A_1135, %dma_start3A_1136] : memref<2x80x64xf32, #tpu.memory_space<vmem>> -> memref<1x80x64xf32, #tpu.memory_space<vmem>>
      %dma_start3A_1138 = tpu.memref_squeeze %dma_start3A_1137 : memref<1x80x64xf32, #tpu.memory_space<vmem>> -> memref<80x64xf32, #tpu.memory_space<vmem>>
      %dma_start3A_1139 = tpu.memref_slice %arg6[%dma_start3A_1133, %mul3A_1022] : memref<21x800xi32, #tpu.memory_space<vmem>> -> memref<1x80xi32, #tpu.memory_space<vmem>>
      %dma_start3A_1140 = tpu.memref_squeeze %dma_start3A_1139 : memref<1x80xi32, #tpu.memory_space<vmem>> -> memref<80xi32, #tpu.memory_space<vmem>>
      %dma_start3A_1141 = arith.constant 0 : i32
      %dma_start3A_1142 = arith.constant 0 : i32
      %dma_start3A_1143 = tpu.memref_slice %arg3[%dma_start3A_1141, %dma_start3A_1142] : memref<100000x64xf32, #tpu.memory_space<hbm>> -> memref<100000x64xf32, #tpu.memory_space<hbm>>
      tpu.enqueue_indirect_dma source(%dma_start3A_1143 : memref<100000x64xf32, #tpu.memory_space<hbm>>) target(%dma_start3A_1138 : memref<80x64xf32, #tpu.memory_space<vmem>>) offsets(%dma_start3A_1140 : memref<80xi32, #tpu.memory_space<vmem>>) semaphore(%arg11 : memref<!tpu.dma_semaphore, #tpu.memory_space<semaphore_mem>>) {add = true}
      %dma_start3A_1144 = arith.constant 11 : i32
      %dma_start3A_1145 = arith.constant 1 : i32
      %dma_start3A_1146 = arith.constant 0 : i32
      %dma_start3A_1147 = arith.constant 0 : i32
      %dma_start3A_1148 = tpu.memref_slice %arg7[%dma_start3A_1145, %dma_start3A_1146, %dma_start3A_1147] : memref<2x80x64xf32, #tpu.memory_space<vmem>> -> memref<1x80x64xf32, #tpu.memory_space<vmem>>
      %dma_start3A_1149 = tpu.memref_squeeze %dma_start3A_1148 : memref<1x80x64xf32, #tpu.memory_space<vmem>> -> memref<80x64xf32, #tpu.memory_space<vmem>>
      %dma_start3A_1150 = tpu.memref_slice %arg6[%dma_start3A_1144, %mul3A_1022] : memref<21x800xi32, #tpu.memory_space<vmem>> -> memref<1x80xi32, #tpu.memory_space<vmem>>
      %dma_start3A_1151 = tpu.memref_squeeze %dma_start3A_1150 : memref<1x80xi32, #tpu.memory_space<vmem>> -> memref<80xi32, #tpu.memory_space<vmem>>
      %dma_start3A_1152 = arith.constant 0 : i32
      %dma_start3A_1153 = arith.constant 0 : i32
      %dma_start3A_1154 = tpu.memref_slice %arg3[%dma_start3A_1152, %dma_start3A_1153] : memref<100000x64xf32, #tpu.memory_space<hbm>> -> memref<100000x64xf32, #tpu.memory_space<hbm>>
      tpu.enqueue_indirect_dma source(%dma_start3A_1154 : memref<100000x64xf32, #tpu.memory_space<hbm>>) target(%dma_start3A_1149 : memref<80x64xf32, #tpu.memory_space<vmem>>) offsets(%dma_start3A_1151 : memref<80xi32, #tpu.memory_space<vmem>>) semaphore(%arg11 : memref<!tpu.dma_semaphore, #tpu.memory_space<semaphore_mem>>) {add = true}
      %dma_start3A_1155 = arith.constant 12 : i32
      %dma_start3A_1156 = arith.constant 1 : i32
      %dma_start3A_1157 = arith.constant 0 : i32
      %dma_start3A_1158 = arith.constant 0 : i32
      %dma_start3A_1159 = tpu.memref_slice %arg7[%dma_start3A_1156, %dma_start3A_1157, %dma_start3A_1158] : memref<2x80x64xf32, #tpu.memory_space<vmem>> -> memref<1x80x64xf32, #tpu.memory_space<vmem>>
      %dma_start3A_1160 = tpu.memref_squeeze %dma_start3A_1159 : memref<1x80x64xf32, #tpu.memory_space<vmem>> -> memref<80x64xf32, #tpu.memory_space<vmem>>
      %dma_start3A_1161 = tpu.memref_slice %arg6[%dma_start3A_1155, %mul3A_1022] : memref<21x800xi32, #tpu.memory_space<vmem>> -> memref<1x80xi32, #tpu.memory_space<vmem>>
      %dma_start3A_1162 = tpu.memref_squeeze %dma_start3A_1161 : memref<1x80xi32, #tpu.memory_space<vmem>> -> memref<80xi32, #tpu.memory_space<vmem>>
      %dma_start3A_1163 = arith.constant 0 : i32
      %dma_start3A_1164 = arith.constant 0 : i32
      %dma_start3A_1165 = tpu.memref_slice %arg3[%dma_start3A_1163, %dma_start3A_1164] : memref<100000x64xf32, #tpu.memory_space<hbm>> -> memref<100000x64xf32, #tpu.memory_space<hbm>>
      tpu.enqueue_indirect_dma source(%dma_start3A_1165 : memref<100000x64xf32, #tpu.memory_space<hbm>>) target(%dma_start3A_1160 : memref<80x64xf32, #tpu.memory_space<vmem>>) offsets(%dma_start3A_1162 : memref<80xi32, #tpu.memory_space<vmem>>) semaphore(%arg11 : memref<!tpu.dma_semaphore, #tpu.memory_space<semaphore_mem>>) {add = true}
      %dma_start3A_1166 = arith.constant 13 : i32
      %dma_start3A_1167 = arith.constant 1 : i32
      %dma_start3A_1168 = arith.constant 0 : i32
      %dma_start3A_1169 = arith.constant 0 : i32
      %dma_start3A_1170 = tpu.memref_slice %arg7[%dma_start3A_1167, %dma_start3A_1168, %dma_start3A_1169] : memref<2x80x64xf32, #tpu.memory_space<vmem>> -> memref<1x80x64xf32, #tpu.memory_space<vmem>>
      %dma_start3A_1171 = tpu.memref_squeeze %dma_start3A_1170 : memref<1x80x64xf32, #tpu.memory_space<vmem>> -> memref<80x64xf32, #tpu.memory_space<vmem>>
      %dma_start3A_1172 = tpu.memref_slice %arg6[%dma_start3A_1166, %mul3A_1022] : memref<21x800xi32, #tpu.memory_space<vmem>> -> memref<1x80xi32, #tpu.memory_space<vmem>>
      %dma_start3A_1173 = tpu.memref_squeeze %dma_start3A_1172 : memref<1x80xi32, #tpu.memory_space<vmem>> -> memref<80xi32, #tpu.memory_space<vmem>>
      %dma_start3A_1174 = arith.constant 0 : i32
      %dma_start3A_1175 = arith.constant 0 : i32
      %dma_start3A_1176 = tpu.memref_slice %arg3[%dma_start3A_1174, %dma_start3A_1175] : memref<100000x64xf32, #tpu.memory_space<hbm>> -> memref<100000x64xf32, #tpu.memory_space<hbm>>
      tpu.enqueue_indirect_dma source(%dma_start3A_1176 : memref<100000x64xf32, #tpu.memory_space<hbm>>) target(%dma_start3A_1171 : memref<80x64xf32, #tpu.memory_space<vmem>>) offsets(%dma_start3A_1173 : memref<80xi32, #tpu.memory_space<vmem>>) semaphore(%arg11 : memref<!tpu.dma_semaphore, #tpu.memory_space<semaphore_mem>>) {add = true}
      %dma_start3A_1177 = arith.constant 14 : i32
      %dma_start3A_1178 = arith.constant 1 : i32
      %dma_start3A_1179 = arith.constant 0 : i32
      %dma_start3A_1180 = arith.constant 0 : i32
      %dma_start3A_1181 = tpu.memref_slice %arg7[%dma_start3A_1178, %dma_start3A_1179, %dma_start3A_1180] : memref<2x80x64xf32, #tpu.memory_space<vmem>> -> memref<1x80x64xf32, #tpu.memory_space<vmem>>
      %dma_start3A_1182 = tpu.memref_squeeze %dma_start3A_1181 : memref<1x80x64xf32, #tpu.memory_space<vmem>> -> memref<80x64xf32, #tpu.memory_space<vmem>>
      %dma_start3A_1183 = tpu.memref_slice %arg6[%dma_start3A_1177, %mul3A_1022] : memref<21x800xi32, #tpu.memory_space<vmem>> -> memref<1x80xi32, #tpu.memory_space<vmem>>
      %dma_start3A_1184 = tpu.memref_squeeze %dma_start3A_1183 : memref<1x80xi32, #tpu.memory_space<vmem>> -> memref<80xi32, #tpu.memory_space<vmem>>
      %dma_start3A_1185 = arith.constant 0 : i32
      %dma_start3A_1186 = arith.constant 0 : i32
      %dma_start3A_1187 = tpu.memref_slice %arg3[%dma_start3A_1185, %dma_start3A_1186] : memref<100000x64xf32, #tpu.memory_space<hbm>> -> memref<100000x64xf32, #tpu.memory_space<hbm>>
      tpu.enqueue_indirect_dma source(%dma_start3A_1187 : memref<100000x64xf32, #tpu.memory_space<hbm>>) target(%dma_start3A_1182 : memref<80x64xf32, #tpu.memory_space<vmem>>) offsets(%dma_start3A_1184 : memref<80xi32, #tpu.memory_space<vmem>>) semaphore(%arg11 : memref<!tpu.dma_semaphore, #tpu.memory_space<semaphore_mem>>) {add = true}
      %dma_start3A_1188 = arith.constant 15 : i32
      %dma_start3A_1189 = arith.constant 1 : i32
      %dma_start3A_1190 = arith.constant 0 : i32
      %dma_start3A_1191 = arith.constant 0 : i32
      %dma_start3A_1192 = tpu.memref_slice %arg7[%dma_start3A_1189, %dma_start3A_1190, %dma_start3A_1191] : memref<2x80x64xf32, #tpu.memory_space<vmem>> -> memref<1x80x64xf32, #tpu.memory_space<vmem>>
      %dma_start3A_1193 = tpu.memref_squeeze %dma_start3A_1192 : memref<1x80x64xf32, #tpu.memory_space<vmem>> -> memref<80x64xf32, #tpu.memory_space<vmem>>
      %dma_start3A_1194 = tpu.memref_slice %arg6[%dma_start3A_1188, %mul3A_1022] : memref<21x800xi32, #tpu.memory_space<vmem>> -> memref<1x80xi32, #tpu.memory_space<vmem>>
      %dma_start3A_1195 = tpu.memref_squeeze %dma_start3A_1194 : memref<1x80xi32, #tpu.memory_space<vmem>> -> memref<80xi32, #tpu.memory_space<vmem>>
      %dma_start3A_1196 = arith.constant 0 : i32
      %dma_start3A_1197 = arith.constant 0 : i32
      %dma_start3A_1198 = tpu.memref_slice %arg3[%dma_start3A_1196, %dma_start3A_1197] : memref<100000x64xf32, #tpu.memory_space<hbm>> -> memref<100000x64xf32, #tpu.memory_space<hbm>>
      tpu.enqueue_indirect_dma source(%dma_start3A_1198 : memref<100000x64xf32, #tpu.memory_space<hbm>>) target(%dma_start3A_1193 : memref<80x64xf32, #tpu.memory_space<vmem>>) offsets(%dma_start3A_1195 : memref<80xi32, #tpu.memory_space<vmem>>) semaphore(%arg11 : memref<!tpu.dma_semaphore, #tpu.memory_space<semaphore_mem>>) {add = true}
      %dma_start3A_1199 = arith.constant 16 : i32
      %dma_start3A_1200 = arith.constant 1 : i32
      %dma_start3A_1201 = arith.constant 0 : i32
      %dma_start3A_1202 = arith.constant 0 : i32
      %dma_start3A_1203 = tpu.memref_slice %arg7[%dma_start3A_1200, %dma_start3A_1201, %dma_start3A_1202] : memref<2x80x64xf32, #tpu.memory_space<vmem>> -> memref<1x80x64xf32, #tpu.memory_space<vmem>>
      %dma_start3A_1204 = tpu.memref_squeeze %dma_start3A_1203 : memref<1x80x64xf32, #tpu.memory_space<vmem>> -> memref<80x64xf32, #tpu.memory_space<vmem>>
      %dma_start3A_1205 = tpu.memref_slice %arg6[%dma_start3A_1199, %mul3A_1022] : memref<21x800xi32, #tpu.memory_space<vmem>> -> memref<1x80xi32, #tpu.memory_space<vmem>>
      %dma_start3A_1206 = tpu.memref_squeeze %dma_start3A_1205 : memref<1x80xi32, #tpu.memory_space<vmem>> -> memref<80xi32, #tpu.memory_space<vmem>>
      %dma_start3A_1207 = arith.constant 0 : i32
      %dma_start3A_1208 = arith.constant 0 : i32
      %dma_start3A_1209 = tpu.memref_slice %arg3[%dma_start3A_1207, %dma_start3A_1208] : memref<100000x64xf32, #tpu.memory_space<hbm>> -> memref<100000x64xf32, #tpu.memory_space<hbm>>
      tpu.enqueue_indirect_dma source(%dma_start3A_1209 : memref<100000x64xf32, #tpu.memory_space<hbm>>) target(%dma_start3A_1204 : memref<80x64xf32, #tpu.memory_space<vmem>>) offsets(%dma_start3A_1206 : memref<80xi32, #tpu.memory_space<vmem>>) semaphore(%arg11 : memref<!tpu.dma_semaphore, #tpu.memory_space<semaphore_mem>>) {add = true}
      %dma_start3A_1210 = arith.constant 17 : i32
      %dma_start3A_1211 = arith.constant 1 : i32
      %dma_start3A_1212 = arith.constant 0 : i32
      %dma_start3A_1213 = arith.constant 0 : i32
      %dma_start3A_1214 = tpu.memref_slice %arg7[%dma_start3A_1211, %dma_start3A_1212, %dma_start3A_1213] : memref<2x80x64xf32, #tpu.memory_space<vmem>> -> memref<1x80x64xf32, #tpu.memory_space<vmem>>
      %dma_start3A_1215 = tpu.memref_squeeze %dma_start3A_1214 : memref<1x80x64xf32, #tpu.memory_space<vmem>> -> memref<80x64xf32, #tpu.memory_space<vmem>>
      %dma_start3A_1216 = tpu.memref_slice %arg6[%dma_start3A_1210, %mul3A_1022] : memref<21x800xi32, #tpu.memory_space<vmem>> -> memref<1x80xi32, #tpu.memory_space<vmem>>
      %dma_start3A_1217 = tpu.memref_squeeze %dma_start3A_1216 : memref<1x80xi32, #tpu.memory_space<vmem>> -> memref<80xi32, #tpu.memory_space<vmem>>
      %dma_start3A_1218 = arith.constant 0 : i32
      %dma_start3A_1219 = arith.constant 0 : i32
      %dma_start3A_1220 = tpu.memref_slice %arg3[%dma_start3A_1218, %dma_start3A_1219] : memref<100000x64xf32, #tpu.memory_space<hbm>> -> memref<100000x64xf32, #tpu.memory_space<hbm>>
      tpu.enqueue_indirect_dma source(%dma_start3A_1220 : memref<100000x64xf32, #tpu.memory_space<hbm>>) target(%dma_start3A_1215 : memref<80x64xf32, #tpu.memory_space<vmem>>) offsets(%dma_start3A_1217 : memref<80xi32, #tpu.memory_space<vmem>>) semaphore(%arg11 : memref<!tpu.dma_semaphore, #tpu.memory_space<semaphore_mem>>) {add = true}
      %dma_start3A_1221 = arith.constant 18 : i32
      %dma_start3A_1222 = arith.constant 1 : i32
      %dma_start3A_1223 = arith.constant 0 : i32
      %dma_start3A_1224 = arith.constant 0 : i32
      %dma_start3A_1225 = tpu.memref_slice %arg7[%dma_start3A_1222, %dma_start3A_1223, %dma_start3A_1224] : memref<2x80x64xf32, #tpu.memory_space<vmem>> -> memref<1x80x64xf32, #tpu.memory_space<vmem>>
      %dma_start3A_1226 = tpu.memref_squeeze %dma_start3A_1225 : memref<1x80x64xf32, #tpu.memory_space<vmem>> -> memref<80x64xf32, #tpu.memory_space<vmem>>
      %dma_start3A_1227 = tpu.memref_slice %arg6[%dma_start3A_1221, %mul3A_1022] : memref<21x800xi32, #tpu.memory_space<vmem>> -> memref<1x80xi32, #tpu.memory_space<vmem>>
      %dma_start3A_1228 = tpu.memref_squeeze %dma_start3A_1227 : memref<1x80xi32, #tpu.memory_space<vmem>> -> memref<80xi32, #tpu.memory_space<vmem>>
      %dma_start3A_1229 = arith.constant 0 : i32
      %dma_start3A_1230 = arith.constant 0 : i32
      %dma_start3A_1231 = tpu.memref_slice %arg3[%dma_start3A_1229, %dma_start3A_1230] : memref<100000x64xf32, #tpu.memory_space<hbm>> -> memref<100000x64xf32, #tpu.memory_space<hbm>>
      tpu.enqueue_indirect_dma source(%dma_start3A_1231 : memref<100000x64xf32, #tpu.memory_space<hbm>>) target(%dma_start3A_1226 : memref<80x64xf32, #tpu.memory_space<vmem>>) offsets(%dma_start3A_1228 : memref<80xi32, #tpu.memory_space<vmem>>) semaphore(%arg11 : memref<!tpu.dma_semaphore, #tpu.memory_space<semaphore_mem>>) {add = true}
      %dma_start3A_1232 = arith.constant 19 : i32
      %dma_start3A_1233 = arith.constant 1 : i32
      %dma_start3A_1234 = arith.constant 0 : i32
      %dma_start3A_1235 = arith.constant 0 : i32
      %dma_start3A_1236 = tpu.memref_slice %arg7[%dma_start3A_1233, %dma_start3A_1234, %dma_start3A_1235] : memref<2x80x64xf32, #tpu.memory_space<vmem>> -> memref<1x80x64xf32, #tpu.memory_space<vmem>>
      %dma_start3A_1237 = tpu.memref_squeeze %dma_start3A_1236 : memref<1x80x64xf32, #tpu.memory_space<vmem>> -> memref<80x64xf32, #tpu.memory_space<vmem>>
      %dma_start3A_1238 = tpu.memref_slice %arg6[%dma_start3A_1232, %mul3A_1022] : memref<21x800xi32, #tpu.memory_space<vmem>> -> memref<1x80xi32, #tpu.memory_space<vmem>>
      %dma_start3A_1239 = tpu.memref_squeeze %dma_start3A_1238 : memref<1x80xi32, #tpu.memory_space<vmem>> -> memref<80xi32, #tpu.memory_space<vmem>>
      %dma_start3A_1240 = arith.constant 0 : i32
      %dma_start3A_1241 = arith.constant 0 : i32
      %dma_start3A_1242 = tpu.memref_slice %arg3[%dma_start3A_1240, %dma_start3A_1241] : memref<100000x64xf32, #tpu.memory_space<hbm>> -> memref<100000x64xf32, #tpu.memory_space<hbm>>
      tpu.enqueue_indirect_dma source(%dma_start3A_1242 : memref<100000x64xf32, #tpu.memory_space<hbm>>) target(%dma_start3A_1237 : memref<80x64xf32, #tpu.memory_space<vmem>>) offsets(%dma_start3A_1239 : memref<80xi32, #tpu.memory_space<vmem>>) semaphore(%arg11 : memref<!tpu.dma_semaphore, #tpu.memory_space<semaphore_mem>>) {add = true}
      %dma_start3A_1243 = arith.constant 20 : i32
      %dma_start3A_1244 = arith.constant 1 : i32
      %dma_start3A_1245 = arith.constant 0 : i32
      %dma_start3A_1246 = arith.constant 0 : i32
      %dma_start3A_1247 = tpu.memref_slice %arg7[%dma_start3A_1244, %dma_start3A_1245, %dma_start3A_1246] : memref<2x80x64xf32, #tpu.memory_space<vmem>> -> memref<1x80x64xf32, #tpu.memory_space<vmem>>
      %dma_start3A_1248 = tpu.memref_squeeze %dma_start3A_1247 : memref<1x80x64xf32, #tpu.memory_space<vmem>> -> memref<80x64xf32, #tpu.memory_space<vmem>>
      %dma_start3A_1249 = tpu.memref_slice %arg6[%dma_start3A_1243, %mul3A_1022] : memref<21x800xi32, #tpu.memory_space<vmem>> -> memref<1x80xi32, #tpu.memory_space<vmem>>
      %dma_start3A_1250 = tpu.memref_squeeze %dma_start3A_1249 : memref<1x80xi32, #tpu.memory_space<vmem>> -> memref<80xi32, #tpu.memory_space<vmem>>
      %dma_start3A_1251 = arith.constant 0 : i32
      %dma_start3A_1252 = arith.constant 0 : i32
      %dma_start3A_1253 = tpu.memref_slice %arg4[%dma_start3A_1251, %dma_start3A_1252] : memref<18432x64xf32, #tpu.memory_space<hbm>> -> memref<18432x64xf32, #tpu.memory_space<hbm>>
      tpu.enqueue_indirect_dma source(%dma_start3A_1253 : memref<18432x64xf32, #tpu.memory_space<hbm>>) target(%dma_start3A_1248 : memref<80x64xf32, #tpu.memory_space<vmem>>) offsets(%dma_start3A_1250 : memref<80xi32, #tpu.memory_space<vmem>>) semaphore(%arg11 : memref<!tpu.dma_semaphore, #tpu.memory_space<semaphore_mem>>) {add = true}
      %ge3A_1254 = arith.constant 1 : i32
      %ge3A_1255 = arith.cmpi sge, %add3A_1020, %ge3A_1254 : i32
      %convert_element_type3A_1256 = arith.extui %ge3A_1255 : i1 to i32
      %cond3A_1257 = arith.constant 0 : i32
      %cond3A_1258 = arith.cmpi ne, %convert_element_type3A_1256, %cond3A_1257 : i32
      scf.if %cond3A_1258 {
        %sub3A = arith.constant 1 : i32
        %sub3A_1500 = arith.subi %add3A_1020, %sub3A : i32
        %mul3A_1501 = arith.constant 80 : i32
        %mul3A_1502 = arith.muli %sub3A_1500, %mul3A_1501 : i32
        %add3A_1503 = arith.addi %mul3A_2, %mul3A_1502 : i32
        %dma_wait3A_1504 = arith.constant 0 : i32
        %dma_wait3A_1505 = arith.constant 0 : i32
        %dma_wait3A_1506 = arith.constant 0 : i32
        %dma_wait3A_1507 = tpu.memref_slice %arg7[%dma_wait3A_1504, %dma_wait3A_1505, %dma_wait3A_1506] : memref<2x80x64xf32, #tpu.memory_space<vmem>> -> memref<1x80x64xf32, #tpu.memory_space<vmem>>
        %dma_wait3A_1508 = tpu.memref_squeeze %dma_wait3A_1507 : memref<1x80x64xf32, #tpu.memory_space<vmem>> -> memref<80x64xf32, #tpu.memory_space<vmem>>
        %dma_wait3A_1509 = arith.constant 0 : i32
        %dma_wait3A_1510 = tpu.memref_slice %arg5[%add3A_1503, %dma_wait3A_1509] : memref<25600x64xf32, #tpu.memory_space<hbm>> -> memref<80x64xf32, #tpu.memory_space<hbm>>
        %dma_wait3A_1511 = arith.constant 0 : i32
        %dma_wait3A_1512 = tpu.memref_slice %arg5[%add3A_1503, %dma_wait3A_1511] : memref<25600x64xf32, #tpu.memory_space<hbm>> -> memref<80x64xf32, #tpu.memory_space<hbm>>
        %dma_wait3A_1513 = arith.constant 0 : i32
        %dma_wait3A_1514 = arith.constant 0 : i32
        %dma_wait3A_1515 = tpu.memref_slice %arg7[%dma_wait3A_1504, %dma_wait3A_1513, %dma_wait3A_1514] : memref<2x80x64xf32, #tpu.memory_space<vmem>> -> memref<1x80x64xf32, #tpu.memory_space<vmem>>
        %dma_wait3A_1516 = tpu.memref_squeeze %dma_wait3A_1515 : memref<1x80x64xf32, #tpu.memory_space<vmem>> -> memref<80x64xf32, #tpu.memory_space<vmem>>
        tpu.wait_dma2 semaphore(%arg12 : memref<!tpu.dma_semaphore, #tpu.memory_space<semaphore_mem>>) src(%dma_wait3A_1516 : memref<80x64xf32, #tpu.memory_space<vmem>>) dst(%dma_wait3A_1512 : memref<80x64xf32, #tpu.memory_space<hbm>>)
      } else {
      }
      %add3A_1259 = arith.constant 1 : i32
      %add3A_1260 = arith.addi %add3A_1020, %add3A_1259 : i32
      %lt3A_1261 = arith.constant 10 : i32
      %lt3A_1262 = arith.cmpi slt, %add3A_1260, %lt3A_1261 : i32
      %convert_element_type3A_1263 = arith.extui %lt3A_1262 : i1 to i32
      %cond3A_1264 = arith.constant 0 : i32
      %cond3A_1265 = arith.cmpi ne, %convert_element_type3A_1263, %cond3A_1264 : i32
      scf.if %cond3A_1265 {
        %add3A_1500 = arith.constant 1 : i32
        %add3A_1501 = arith.addi %add3A_1020, %add3A_1500 : i32
        %mul3A_1502 = arith.constant 80 : i32
        %mul3A_1503 = arith.muli %add3A_1501, %mul3A_1502 : i32
        %dma_start3A_1504 = arith.constant 0 : i32
        %dma_start3A_1505 = arith.constant 0 : i32
        %dma_start3A_1506 = arith.constant 0 : i32
        %dma_start3A_1507 = arith.constant 0 : i32
        %dma_start3A_1508 = tpu.memref_slice %arg7[%dma_start3A_1505, %dma_start3A_1506, %dma_start3A_1507] : memref<2x80x64xf32, #tpu.memory_space<vmem>> -> memref<1x80x64xf32, #tpu.memory_space<vmem>>
        %dma_start3A_1509 = tpu.memref_squeeze %dma_start3A_1508 : memref<1x80x64xf32, #tpu.memory_space<vmem>> -> memref<80x64xf32, #tpu.memory_space<vmem>>
        %dma_start3A_1510 = tpu.memref_slice %arg6[%dma_start3A_1504, %mul3A_1503] : memref<21x800xi32, #tpu.memory_space<vmem>> -> memref<1x80xi32, #tpu.memory_space<vmem>>
        %dma_start3A_1511 = tpu.memref_squeeze %dma_start3A_1510 : memref<1x80xi32, #tpu.memory_space<vmem>> -> memref<80xi32, #tpu.memory_space<vmem>>
        %dma_start3A_1512 = arith.constant 0 : i32
        %dma_start3A_1513 = arith.constant 0 : i32
        %dma_start3A_1514 = tpu.memref_slice %arg3[%dma_start3A_1512, %dma_start3A_1513] : memref<100000x64xf32, #tpu.memory_space<hbm>> -> memref<100000x64xf32, #tpu.memory_space<hbm>>
        tpu.enqueue_indirect_dma source(%dma_start3A_1514 : memref<100000x64xf32, #tpu.memory_space<hbm>>) target(%dma_start3A_1509 : memref<80x64xf32, #tpu.memory_space<vmem>>) offsets(%dma_start3A_1511 : memref<80xi32, #tpu.memory_space<vmem>>) semaphore(%arg8 : memref<!tpu.dma_semaphore, #tpu.memory_space<semaphore_mem>>)
      } else {
      }
      %dma_wait3A_1266 = arith.constant 1 : i32
      %dma_wait3A_1267 = arith.constant 1 : i32
      %dma_wait3A_1268 = arith.constant 0 : i32
      %dma_wait3A_1269 = arith.constant 0 : i32
      %dma_wait3A_1270 = tpu.memref_slice %arg7[%dma_wait3A_1267, %dma_wait3A_1268, %dma_wait3A_1269] : memref<2x80x64xf32, #tpu.memory_space<vmem>> -> memref<1x80x64xf32, #tpu.memory_space<vmem>>
      %dma_wait3A_1271 = tpu.memref_squeeze %dma_wait3A_1270 : memref<1x80x64xf32, #tpu.memory_space<vmem>> -> memref<80x64xf32, #tpu.memory_space<vmem>>
      %dma_wait3A_1272 = tpu.memref_slice %arg6[%dma_wait3A_1266, %mul3A_1022] : memref<21x800xi32, #tpu.memory_space<vmem>> -> memref<1x80xi32, #tpu.memory_space<vmem>>
      %dma_wait3A_1273 = tpu.memref_squeeze %dma_wait3A_1272 : memref<1x80xi32, #tpu.memory_space<vmem>> -> memref<80xi32, #tpu.memory_space<vmem>>
      %dma_wait3A_1274 = arith.constant 0 : i32
      %dma_wait3A_1275 = arith.constant 0 : i32
      %dma_wait3A_1276 = tpu.memref_slice %arg3[%dma_wait3A_1274, %dma_wait3A_1275] : memref<100000x64xf32, #tpu.memory_space<hbm>> -> memref<100000x64xf32, #tpu.memory_space<hbm>>
      tpu.wait_indirect_dma semaphore(%arg11 : memref<!tpu.dma_semaphore, #tpu.memory_space<semaphore_mem>>) src(%dma_wait3A_1276 : memref<100000x64xf32, #tpu.memory_space<hbm>>) dst(%dma_wait3A_1271 : memref<80x64xf32, #tpu.memory_space<vmem>>)
      %dma_wait3A_1277 = arith.constant 2 : i32
      %dma_wait3A_1278 = arith.constant 1 : i32
      %dma_wait3A_1279 = arith.constant 0 : i32
      %dma_wait3A_1280 = arith.constant 0 : i32
      %dma_wait3A_1281 = tpu.memref_slice %arg7[%dma_wait3A_1278, %dma_wait3A_1279, %dma_wait3A_1280] : memref<2x80x64xf32, #tpu.memory_space<vmem>> -> memref<1x80x64xf32, #tpu.memory_space<vmem>>
      %dma_wait3A_1282 = tpu.memref_squeeze %dma_wait3A_1281 : memref<1x80x64xf32, #tpu.memory_space<vmem>> -> memref<80x64xf32, #tpu.memory_space<vmem>>
      %dma_wait3A_1283 = tpu.memref_slice %arg6[%dma_wait3A_1277, %mul3A_1022] : memref<21x800xi32, #tpu.memory_space<vmem>> -> memref<1x80xi32, #tpu.memory_space<vmem>>
      %dma_wait3A_1284 = tpu.memref_squeeze %dma_wait3A_1283 : memref<1x80xi32, #tpu.memory_space<vmem>> -> memref<80xi32, #tpu.memory_space<vmem>>
      %dma_wait3A_1285 = arith.constant 0 : i32
      %dma_wait3A_1286 = arith.constant 0 : i32
      %dma_wait3A_1287 = tpu.memref_slice %arg3[%dma_wait3A_1285, %dma_wait3A_1286] : memref<100000x64xf32, #tpu.memory_space<hbm>> -> memref<100000x64xf32, #tpu.memory_space<hbm>>
      tpu.wait_indirect_dma semaphore(%arg11 : memref<!tpu.dma_semaphore, #tpu.memory_space<semaphore_mem>>) src(%dma_wait3A_1287 : memref<100000x64xf32, #tpu.memory_space<hbm>>) dst(%dma_wait3A_1282 : memref<80x64xf32, #tpu.memory_space<vmem>>)
      %dma_wait3A_1288 = arith.constant 3 : i32
      %dma_wait3A_1289 = arith.constant 1 : i32
      %dma_wait3A_1290 = arith.constant 0 : i32
      %dma_wait3A_1291 = arith.constant 0 : i32
      %dma_wait3A_1292 = tpu.memref_slice %arg7[%dma_wait3A_1289, %dma_wait3A_1290, %dma_wait3A_1291] : memref<2x80x64xf32, #tpu.memory_space<vmem>> -> memref<1x80x64xf32, #tpu.memory_space<vmem>>
      %dma_wait3A_1293 = tpu.memref_squeeze %dma_wait3A_1292 : memref<1x80x64xf32, #tpu.memory_space<vmem>> -> memref<80x64xf32, #tpu.memory_space<vmem>>
      %dma_wait3A_1294 = tpu.memref_slice %arg6[%dma_wait3A_1288, %mul3A_1022] : memref<21x800xi32, #tpu.memory_space<vmem>> -> memref<1x80xi32, #tpu.memory_space<vmem>>
      %dma_wait3A_1295 = tpu.memref_squeeze %dma_wait3A_1294 : memref<1x80xi32, #tpu.memory_space<vmem>> -> memref<80xi32, #tpu.memory_space<vmem>>
      %dma_wait3A_1296 = arith.constant 0 : i32
      %dma_wait3A_1297 = arith.constant 0 : i32
      %dma_wait3A_1298 = tpu.memref_slice %arg3[%dma_wait3A_1296, %dma_wait3A_1297] : memref<100000x64xf32, #tpu.memory_space<hbm>> -> memref<100000x64xf32, #tpu.memory_space<hbm>>
      tpu.wait_indirect_dma semaphore(%arg11 : memref<!tpu.dma_semaphore, #tpu.memory_space<semaphore_mem>>) src(%dma_wait3A_1298 : memref<100000x64xf32, #tpu.memory_space<hbm>>) dst(%dma_wait3A_1293 : memref<80x64xf32, #tpu.memory_space<vmem>>)
      %dma_wait3A_1299 = arith.constant 4 : i32
      %dma_wait3A_1300 = arith.constant 1 : i32
      %dma_wait3A_1301 = arith.constant 0 : i32
      %dma_wait3A_1302 = arith.constant 0 : i32
      %dma_wait3A_1303 = tpu.memref_slice %arg7[%dma_wait3A_1300, %dma_wait3A_1301, %dma_wait3A_1302] : memref<2x80x64xf32, #tpu.memory_space<vmem>> -> memref<1x80x64xf32, #tpu.memory_space<vmem>>
      %dma_wait3A_1304 = tpu.memref_squeeze %dma_wait3A_1303 : memref<1x80x64xf32, #tpu.memory_space<vmem>> -> memref<80x64xf32, #tpu.memory_space<vmem>>
      %dma_wait3A_1305 = tpu.memref_slice %arg6[%dma_wait3A_1299, %mul3A_1022] : memref<21x800xi32, #tpu.memory_space<vmem>> -> memref<1x80xi32, #tpu.memory_space<vmem>>
      %dma_wait3A_1306 = tpu.memref_squeeze %dma_wait3A_1305 : memref<1x80xi32, #tpu.memory_space<vmem>> -> memref<80xi32, #tpu.memory_space<vmem>>
      %dma_wait3A_1307 = arith.constant 0 : i32
      %dma_wait3A_1308 = arith.constant 0 : i32
      %dma_wait3A_1309 = tpu.memref_slice %arg3[%dma_wait3A_1307, %dma_wait3A_1308] : memref<100000x64xf32, #tpu.memory_space<hbm>> -> memref<100000x64xf32, #tpu.memory_space<hbm>>
      tpu.wait_indirect_dma semaphore(%arg11 : memref<!tpu.dma_semaphore, #tpu.memory_space<semaphore_mem>>) src(%dma_wait3A_1309 : memref<100000x64xf32, #tpu.memory_space<hbm>>) dst(%dma_wait3A_1304 : memref<80x64xf32, #tpu.memory_space<vmem>>)
      %dma_wait3A_1310 = arith.constant 5 : i32
      %dma_wait3A_1311 = arith.constant 1 : i32
      %dma_wait3A_1312 = arith.constant 0 : i32
      %dma_wait3A_1313 = arith.constant 0 : i32
      %dma_wait3A_1314 = tpu.memref_slice %arg7[%dma_wait3A_1311, %dma_wait3A_1312, %dma_wait3A_1313] : memref<2x80x64xf32, #tpu.memory_space<vmem>> -> memref<1x80x64xf32, #tpu.memory_space<vmem>>
      %dma_wait3A_1315 = tpu.memref_squeeze %dma_wait3A_1314 : memref<1x80x64xf32, #tpu.memory_space<vmem>> -> memref<80x64xf32, #tpu.memory_space<vmem>>
      %dma_wait3A_1316 = tpu.memref_slice %arg6[%dma_wait3A_1310, %mul3A_1022] : memref<21x800xi32, #tpu.memory_space<vmem>> -> memref<1x80xi32, #tpu.memory_space<vmem>>
      %dma_wait3A_1317 = tpu.memref_squeeze %dma_wait3A_1316 : memref<1x80xi32, #tpu.memory_space<vmem>> -> memref<80xi32, #tpu.memory_space<vmem>>
      %dma_wait3A_1318 = arith.constant 0 : i32
      %dma_wait3A_1319 = arith.constant 0 : i32
      %dma_wait3A_1320 = tpu.memref_slice %arg3[%dma_wait3A_1318, %dma_wait3A_1319] : memref<100000x64xf32, #tpu.memory_space<hbm>> -> memref<100000x64xf32, #tpu.memory_space<hbm>>
      tpu.wait_indirect_dma semaphore(%arg11 : memref<!tpu.dma_semaphore, #tpu.memory_space<semaphore_mem>>) src(%dma_wait3A_1320 : memref<100000x64xf32, #tpu.memory_space<hbm>>) dst(%dma_wait3A_1315 : memref<80x64xf32, #tpu.memory_space<vmem>>)
      %dma_wait3A_1321 = arith.constant 6 : i32
      %dma_wait3A_1322 = arith.constant 1 : i32
      %dma_wait3A_1323 = arith.constant 0 : i32
      %dma_wait3A_1324 = arith.constant 0 : i32
      %dma_wait3A_1325 = tpu.memref_slice %arg7[%dma_wait3A_1322, %dma_wait3A_1323, %dma_wait3A_1324] : memref<2x80x64xf32, #tpu.memory_space<vmem>> -> memref<1x80x64xf32, #tpu.memory_space<vmem>>
      %dma_wait3A_1326 = tpu.memref_squeeze %dma_wait3A_1325 : memref<1x80x64xf32, #tpu.memory_space<vmem>> -> memref<80x64xf32, #tpu.memory_space<vmem>>
      %dma_wait3A_1327 = tpu.memref_slice %arg6[%dma_wait3A_1321, %mul3A_1022] : memref<21x800xi32, #tpu.memory_space<vmem>> -> memref<1x80xi32, #tpu.memory_space<vmem>>
      %dma_wait3A_1328 = tpu.memref_squeeze %dma_wait3A_1327 : memref<1x80xi32, #tpu.memory_space<vmem>> -> memref<80xi32, #tpu.memory_space<vmem>>
      %dma_wait3A_1329 = arith.constant 0 : i32
      %dma_wait3A_1330 = arith.constant 0 : i32
      %dma_wait3A_1331 = tpu.memref_slice %arg3[%dma_wait3A_1329, %dma_wait3A_1330] : memref<100000x64xf32, #tpu.memory_space<hbm>> -> memref<100000x64xf32, #tpu.memory_space<hbm>>
      tpu.wait_indirect_dma semaphore(%arg11 : memref<!tpu.dma_semaphore, #tpu.memory_space<semaphore_mem>>) src(%dma_wait3A_1331 : memref<100000x64xf32, #tpu.memory_space<hbm>>) dst(%dma_wait3A_1326 : memref<80x64xf32, #tpu.memory_space<vmem>>)
      %dma_wait3A_1332 = arith.constant 7 : i32
      %dma_wait3A_1333 = arith.constant 1 : i32
      %dma_wait3A_1334 = arith.constant 0 : i32
      %dma_wait3A_1335 = arith.constant 0 : i32
      %dma_wait3A_1336 = tpu.memref_slice %arg7[%dma_wait3A_1333, %dma_wait3A_1334, %dma_wait3A_1335] : memref<2x80x64xf32, #tpu.memory_space<vmem>> -> memref<1x80x64xf32, #tpu.memory_space<vmem>>
      %dma_wait3A_1337 = tpu.memref_squeeze %dma_wait3A_1336 : memref<1x80x64xf32, #tpu.memory_space<vmem>> -> memref<80x64xf32, #tpu.memory_space<vmem>>
      %dma_wait3A_1338 = tpu.memref_slice %arg6[%dma_wait3A_1332, %mul3A_1022] : memref<21x800xi32, #tpu.memory_space<vmem>> -> memref<1x80xi32, #tpu.memory_space<vmem>>
      %dma_wait3A_1339 = tpu.memref_squeeze %dma_wait3A_1338 : memref<1x80xi32, #tpu.memory_space<vmem>> -> memref<80xi32, #tpu.memory_space<vmem>>
      %dma_wait3A_1340 = arith.constant 0 : i32
      %dma_wait3A_1341 = arith.constant 0 : i32
      %dma_wait3A_1342 = tpu.memref_slice %arg3[%dma_wait3A_1340, %dma_wait3A_1341] : memref<100000x64xf32, #tpu.memory_space<hbm>> -> memref<100000x64xf32, #tpu.memory_space<hbm>>
      tpu.wait_indirect_dma semaphore(%arg11 : memref<!tpu.dma_semaphore, #tpu.memory_space<semaphore_mem>>) src(%dma_wait3A_1342 : memref<100000x64xf32, #tpu.memory_space<hbm>>) dst(%dma_wait3A_1337 : memref<80x64xf32, #tpu.memory_space<vmem>>)
      %dma_wait3A_1343 = arith.constant 8 : i32
      %dma_wait3A_1344 = arith.constant 1 : i32
      %dma_wait3A_1345 = arith.constant 0 : i32
      %dma_wait3A_1346 = arith.constant 0 : i32
      %dma_wait3A_1347 = tpu.memref_slice %arg7[%dma_wait3A_1344, %dma_wait3A_1345, %dma_wait3A_1346] : memref<2x80x64xf32, #tpu.memory_space<vmem>> -> memref<1x80x64xf32, #tpu.memory_space<vmem>>
      %dma_wait3A_1348 = tpu.memref_squeeze %dma_wait3A_1347 : memref<1x80x64xf32, #tpu.memory_space<vmem>> -> memref<80x64xf32, #tpu.memory_space<vmem>>
      %dma_wait3A_1349 = tpu.memref_slice %arg6[%dma_wait3A_1343, %mul3A_1022] : memref<21x800xi32, #tpu.memory_space<vmem>> -> memref<1x80xi32, #tpu.memory_space<vmem>>
      %dma_wait3A_1350 = tpu.memref_squeeze %dma_wait3A_1349 : memref<1x80xi32, #tpu.memory_space<vmem>> -> memref<80xi32, #tpu.memory_space<vmem>>
      %dma_wait3A_1351 = arith.constant 0 : i32
      %dma_wait3A_1352 = arith.constant 0 : i32
      %dma_wait3A_1353 = tpu.memref_slice %arg3[%dma_wait3A_1351, %dma_wait3A_1352] : memref<100000x64xf32, #tpu.memory_space<hbm>> -> memref<100000x64xf32, #tpu.memory_space<hbm>>
      tpu.wait_indirect_dma semaphore(%arg11 : memref<!tpu.dma_semaphore, #tpu.memory_space<semaphore_mem>>) src(%dma_wait3A_1353 : memref<100000x64xf32, #tpu.memory_space<hbm>>) dst(%dma_wait3A_1348 : memref<80x64xf32, #tpu.memory_space<vmem>>)
      %dma_wait3A_1354 = arith.constant 9 : i32
      %dma_wait3A_1355 = arith.constant 1 : i32
      %dma_wait3A_1356 = arith.constant 0 : i32
      %dma_wait3A_1357 = arith.constant 0 : i32
      %dma_wait3A_1358 = tpu.memref_slice %arg7[%dma_wait3A_1355, %dma_wait3A_1356, %dma_wait3A_1357] : memref<2x80x64xf32, #tpu.memory_space<vmem>> -> memref<1x80x64xf32, #tpu.memory_space<vmem>>
      %dma_wait3A_1359 = tpu.memref_squeeze %dma_wait3A_1358 : memref<1x80x64xf32, #tpu.memory_space<vmem>> -> memref<80x64xf32, #tpu.memory_space<vmem>>
      %dma_wait3A_1360 = tpu.memref_slice %arg6[%dma_wait3A_1354, %mul3A_1022] : memref<21x800xi32, #tpu.memory_space<vmem>> -> memref<1x80xi32, #tpu.memory_space<vmem>>
      %dma_wait3A_1361 = tpu.memref_squeeze %dma_wait3A_1360 : memref<1x80xi32, #tpu.memory_space<vmem>> -> memref<80xi32, #tpu.memory_space<vmem>>
      %dma_wait3A_1362 = arith.constant 0 : i32
      %dma_wait3A_1363 = arith.constant 0 : i32
      %dma_wait3A_1364 = tpu.memref_slice %arg3[%dma_wait3A_1362, %dma_wait3A_1363] : memref<100000x64xf32, #tpu.memory_space<hbm>> -> memref<100000x64xf32, #tpu.memory_space<hbm>>
      tpu.wait_indirect_dma semaphore(%arg11 : memref<!tpu.dma_semaphore, #tpu.memory_space<semaphore_mem>>) src(%dma_wait3A_1364 : memref<100000x64xf32, #tpu.memory_space<hbm>>) dst(%dma_wait3A_1359 : memref<80x64xf32, #tpu.memory_space<vmem>>)
      %dma_wait3A_1365 = arith.constant 10 : i32
      %dma_wait3A_1366 = arith.constant 1 : i32
      %dma_wait3A_1367 = arith.constant 0 : i32
      %dma_wait3A_1368 = arith.constant 0 : i32
      %dma_wait3A_1369 = tpu.memref_slice %arg7[%dma_wait3A_1366, %dma_wait3A_1367, %dma_wait3A_1368] : memref<2x80x64xf32, #tpu.memory_space<vmem>> -> memref<1x80x64xf32, #tpu.memory_space<vmem>>
      %dma_wait3A_1370 = tpu.memref_squeeze %dma_wait3A_1369 : memref<1x80x64xf32, #tpu.memory_space<vmem>> -> memref<80x64xf32, #tpu.memory_space<vmem>>
      %dma_wait3A_1371 = tpu.memref_slice %arg6[%dma_wait3A_1365, %mul3A_1022] : memref<21x800xi32, #tpu.memory_space<vmem>> -> memref<1x80xi32, #tpu.memory_space<vmem>>
      %dma_wait3A_1372 = tpu.memref_squeeze %dma_wait3A_1371 : memref<1x80xi32, #tpu.memory_space<vmem>> -> memref<80xi32, #tpu.memory_space<vmem>>
      %dma_wait3A_1373 = arith.constant 0 : i32
      %dma_wait3A_1374 = arith.constant 0 : i32
      %dma_wait3A_1375 = tpu.memref_slice %arg3[%dma_wait3A_1373, %dma_wait3A_1374] : memref<100000x64xf32, #tpu.memory_space<hbm>> -> memref<100000x64xf32, #tpu.memory_space<hbm>>
      tpu.wait_indirect_dma semaphore(%arg11 : memref<!tpu.dma_semaphore, #tpu.memory_space<semaphore_mem>>) src(%dma_wait3A_1375 : memref<100000x64xf32, #tpu.memory_space<hbm>>) dst(%dma_wait3A_1370 : memref<80x64xf32, #tpu.memory_space<vmem>>)
      %dma_wait3A_1376 = arith.constant 11 : i32
      %dma_wait3A_1377 = arith.constant 1 : i32
      %dma_wait3A_1378 = arith.constant 0 : i32
      %dma_wait3A_1379 = arith.constant 0 : i32
      %dma_wait3A_1380 = tpu.memref_slice %arg7[%dma_wait3A_1377, %dma_wait3A_1378, %dma_wait3A_1379] : memref<2x80x64xf32, #tpu.memory_space<vmem>> -> memref<1x80x64xf32, #tpu.memory_space<vmem>>
      %dma_wait3A_1381 = tpu.memref_squeeze %dma_wait3A_1380 : memref<1x80x64xf32, #tpu.memory_space<vmem>> -> memref<80x64xf32, #tpu.memory_space<vmem>>
      %dma_wait3A_1382 = tpu.memref_slice %arg6[%dma_wait3A_1376, %mul3A_1022] : memref<21x800xi32, #tpu.memory_space<vmem>> -> memref<1x80xi32, #tpu.memory_space<vmem>>
      %dma_wait3A_1383 = tpu.memref_squeeze %dma_wait3A_1382 : memref<1x80xi32, #tpu.memory_space<vmem>> -> memref<80xi32, #tpu.memory_space<vmem>>
      %dma_wait3A_1384 = arith.constant 0 : i32
      %dma_wait3A_1385 = arith.constant 0 : i32
      %dma_wait3A_1386 = tpu.memref_slice %arg3[%dma_wait3A_1384, %dma_wait3A_1385] : memref<100000x64xf32, #tpu.memory_space<hbm>> -> memref<100000x64xf32, #tpu.memory_space<hbm>>
      tpu.wait_indirect_dma semaphore(%arg11 : memref<!tpu.dma_semaphore, #tpu.memory_space<semaphore_mem>>) src(%dma_wait3A_1386 : memref<100000x64xf32, #tpu.memory_space<hbm>>) dst(%dma_wait3A_1381 : memref<80x64xf32, #tpu.memory_space<vmem>>)
      %dma_wait3A_1387 = arith.constant 12 : i32
      %dma_wait3A_1388 = arith.constant 1 : i32
      %dma_wait3A_1389 = arith.constant 0 : i32
      %dma_wait3A_1390 = arith.constant 0 : i32
      %dma_wait3A_1391 = tpu.memref_slice %arg7[%dma_wait3A_1388, %dma_wait3A_1389, %dma_wait3A_1390] : memref<2x80x64xf32, #tpu.memory_space<vmem>> -> memref<1x80x64xf32, #tpu.memory_space<vmem>>
      %dma_wait3A_1392 = tpu.memref_squeeze %dma_wait3A_1391 : memref<1x80x64xf32, #tpu.memory_space<vmem>> -> memref<80x64xf32, #tpu.memory_space<vmem>>
      %dma_wait3A_1393 = tpu.memref_slice %arg6[%dma_wait3A_1387, %mul3A_1022] : memref<21x800xi32, #tpu.memory_space<vmem>> -> memref<1x80xi32, #tpu.memory_space<vmem>>
      %dma_wait3A_1394 = tpu.memref_squeeze %dma_wait3A_1393 : memref<1x80xi32, #tpu.memory_space<vmem>> -> memref<80xi32, #tpu.memory_space<vmem>>
      %dma_wait3A_1395 = arith.constant 0 : i32
      %dma_wait3A_1396 = arith.constant 0 : i32
      %dma_wait3A_1397 = tpu.memref_slice %arg3[%dma_wait3A_1395, %dma_wait3A_1396] : memref<100000x64xf32, #tpu.memory_space<hbm>> -> memref<100000x64xf32, #tpu.memory_space<hbm>>
      tpu.wait_indirect_dma semaphore(%arg11 : memref<!tpu.dma_semaphore, #tpu.memory_space<semaphore_mem>>) src(%dma_wait3A_1397 : memref<100000x64xf32, #tpu.memory_space<hbm>>) dst(%dma_wait3A_1392 : memref<80x64xf32, #tpu.memory_space<vmem>>)
      %dma_wait3A_1398 = arith.constant 13 : i32
      %dma_wait3A_1399 = arith.constant 1 : i32
      %dma_wait3A_1400 = arith.constant 0 : i32
      %dma_wait3A_1401 = arith.constant 0 : i32
      %dma_wait3A_1402 = tpu.memref_slice %arg7[%dma_wait3A_1399, %dma_wait3A_1400, %dma_wait3A_1401] : memref<2x80x64xf32, #tpu.memory_space<vmem>> -> memref<1x80x64xf32, #tpu.memory_space<vmem>>
      %dma_wait3A_1403 = tpu.memref_squeeze %dma_wait3A_1402 : memref<1x80x64xf32, #tpu.memory_space<vmem>> -> memref<80x64xf32, #tpu.memory_space<vmem>>
      %dma_wait3A_1404 = tpu.memref_slice %arg6[%dma_wait3A_1398, %mul3A_1022] : memref<21x800xi32, #tpu.memory_space<vmem>> -> memref<1x80xi32, #tpu.memory_space<vmem>>
      %dma_wait3A_1405 = tpu.memref_squeeze %dma_wait3A_1404 : memref<1x80xi32, #tpu.memory_space<vmem>> -> memref<80xi32, #tpu.memory_space<vmem>>
      %dma_wait3A_1406 = arith.constant 0 : i32
      %dma_wait3A_1407 = arith.constant 0 : i32
      %dma_wait3A_1408 = tpu.memref_slice %arg3[%dma_wait3A_1406, %dma_wait3A_1407] : memref<100000x64xf32, #tpu.memory_space<hbm>> -> memref<100000x64xf32, #tpu.memory_space<hbm>>
      tpu.wait_indirect_dma semaphore(%arg11 : memref<!tpu.dma_semaphore, #tpu.memory_space<semaphore_mem>>) src(%dma_wait3A_1408 : memref<100000x64xf32, #tpu.memory_space<hbm>>) dst(%dma_wait3A_1403 : memref<80x64xf32, #tpu.memory_space<vmem>>)
      %dma_wait3A_1409 = arith.constant 14 : i32
      %dma_wait3A_1410 = arith.constant 1 : i32
      %dma_wait3A_1411 = arith.constant 0 : i32
      %dma_wait3A_1412 = arith.constant 0 : i32
      %dma_wait3A_1413 = tpu.memref_slice %arg7[%dma_wait3A_1410, %dma_wait3A_1411, %dma_wait3A_1412] : memref<2x80x64xf32, #tpu.memory_space<vmem>> -> memref<1x80x64xf32, #tpu.memory_space<vmem>>
      %dma_wait3A_1414 = tpu.memref_squeeze %dma_wait3A_1413 : memref<1x80x64xf32, #tpu.memory_space<vmem>> -> memref<80x64xf32, #tpu.memory_space<vmem>>
      %dma_wait3A_1415 = tpu.memref_slice %arg6[%dma_wait3A_1409, %mul3A_1022] : memref<21x800xi32, #tpu.memory_space<vmem>> -> memref<1x80xi32, #tpu.memory_space<vmem>>
      %dma_wait3A_1416 = tpu.memref_squeeze %dma_wait3A_1415 : memref<1x80xi32, #tpu.memory_space<vmem>> -> memref<80xi32, #tpu.memory_space<vmem>>
      %dma_wait3A_1417 = arith.constant 0 : i32
      %dma_wait3A_1418 = arith.constant 0 : i32
      %dma_wait3A_1419 = tpu.memref_slice %arg3[%dma_wait3A_1417, %dma_wait3A_1418] : memref<100000x64xf32, #tpu.memory_space<hbm>> -> memref<100000x64xf32, #tpu.memory_space<hbm>>
      tpu.wait_indirect_dma semaphore(%arg11 : memref<!tpu.dma_semaphore, #tpu.memory_space<semaphore_mem>>) src(%dma_wait3A_1419 : memref<100000x64xf32, #tpu.memory_space<hbm>>) dst(%dma_wait3A_1414 : memref<80x64xf32, #tpu.memory_space<vmem>>)
      %dma_wait3A_1420 = arith.constant 15 : i32
      %dma_wait3A_1421 = arith.constant 1 : i32
      %dma_wait3A_1422 = arith.constant 0 : i32
      %dma_wait3A_1423 = arith.constant 0 : i32
      %dma_wait3A_1424 = tpu.memref_slice %arg7[%dma_wait3A_1421, %dma_wait3A_1422, %dma_wait3A_1423] : memref<2x80x64xf32, #tpu.memory_space<vmem>> -> memref<1x80x64xf32, #tpu.memory_space<vmem>>
      %dma_wait3A_1425 = tpu.memref_squeeze %dma_wait3A_1424 : memref<1x80x64xf32, #tpu.memory_space<vmem>> -> memref<80x64xf32, #tpu.memory_space<vmem>>
      %dma_wait3A_1426 = tpu.memref_slice %arg6[%dma_wait3A_1420, %mul3A_1022] : memref<21x800xi32, #tpu.memory_space<vmem>> -> memref<1x80xi32, #tpu.memory_space<vmem>>
      %dma_wait3A_1427 = tpu.memref_squeeze %dma_wait3A_1426 : memref<1x80xi32, #tpu.memory_space<vmem>> -> memref<80xi32, #tpu.memory_space<vmem>>
      %dma_wait3A_1428 = arith.constant 0 : i32
      %dma_wait3A_1429 = arith.constant 0 : i32
      %dma_wait3A_1430 = tpu.memref_slice %arg3[%dma_wait3A_1428, %dma_wait3A_1429] : memref<100000x64xf32, #tpu.memory_space<hbm>> -> memref<100000x64xf32, #tpu.memory_space<hbm>>
      tpu.wait_indirect_dma semaphore(%arg11 : memref<!tpu.dma_semaphore, #tpu.memory_space<semaphore_mem>>) src(%dma_wait3A_1430 : memref<100000x64xf32, #tpu.memory_space<hbm>>) dst(%dma_wait3A_1425 : memref<80x64xf32, #tpu.memory_space<vmem>>)
      %dma_wait3A_1431 = arith.constant 16 : i32
      %dma_wait3A_1432 = arith.constant 1 : i32
      %dma_wait3A_1433 = arith.constant 0 : i32
      %dma_wait3A_1434 = arith.constant 0 : i32
      %dma_wait3A_1435 = tpu.memref_slice %arg7[%dma_wait3A_1432, %dma_wait3A_1433, %dma_wait3A_1434] : memref<2x80x64xf32, #tpu.memory_space<vmem>> -> memref<1x80x64xf32, #tpu.memory_space<vmem>>
      %dma_wait3A_1436 = tpu.memref_squeeze %dma_wait3A_1435 : memref<1x80x64xf32, #tpu.memory_space<vmem>> -> memref<80x64xf32, #tpu.memory_space<vmem>>
      %dma_wait3A_1437 = tpu.memref_slice %arg6[%dma_wait3A_1431, %mul3A_1022] : memref<21x800xi32, #tpu.memory_space<vmem>> -> memref<1x80xi32, #tpu.memory_space<vmem>>
      %dma_wait3A_1438 = tpu.memref_squeeze %dma_wait3A_1437 : memref<1x80xi32, #tpu.memory_space<vmem>> -> memref<80xi32, #tpu.memory_space<vmem>>
      %dma_wait3A_1439 = arith.constant 0 : i32
      %dma_wait3A_1440 = arith.constant 0 : i32
      %dma_wait3A_1441 = tpu.memref_slice %arg3[%dma_wait3A_1439, %dma_wait3A_1440] : memref<100000x64xf32, #tpu.memory_space<hbm>> -> memref<100000x64xf32, #tpu.memory_space<hbm>>
      tpu.wait_indirect_dma semaphore(%arg11 : memref<!tpu.dma_semaphore, #tpu.memory_space<semaphore_mem>>) src(%dma_wait3A_1441 : memref<100000x64xf32, #tpu.memory_space<hbm>>) dst(%dma_wait3A_1436 : memref<80x64xf32, #tpu.memory_space<vmem>>)
      %dma_wait3A_1442 = arith.constant 17 : i32
      %dma_wait3A_1443 = arith.constant 1 : i32
      %dma_wait3A_1444 = arith.constant 0 : i32
      %dma_wait3A_1445 = arith.constant 0 : i32
      %dma_wait3A_1446 = tpu.memref_slice %arg7[%dma_wait3A_1443, %dma_wait3A_1444, %dma_wait3A_1445] : memref<2x80x64xf32, #tpu.memory_space<vmem>> -> memref<1x80x64xf32, #tpu.memory_space<vmem>>
      %dma_wait3A_1447 = tpu.memref_squeeze %dma_wait3A_1446 : memref<1x80x64xf32, #tpu.memory_space<vmem>> -> memref<80x64xf32, #tpu.memory_space<vmem>>
      %dma_wait3A_1448 = tpu.memref_slice %arg6[%dma_wait3A_1442, %mul3A_1022] : memref<21x800xi32, #tpu.memory_space<vmem>> -> memref<1x80xi32, #tpu.memory_space<vmem>>
      %dma_wait3A_1449 = tpu.memref_squeeze %dma_wait3A_1448 : memref<1x80xi32, #tpu.memory_space<vmem>> -> memref<80xi32, #tpu.memory_space<vmem>>
      %dma_wait3A_1450 = arith.constant 0 : i32
      %dma_wait3A_1451 = arith.constant 0 : i32
      %dma_wait3A_1452 = tpu.memref_slice %arg3[%dma_wait3A_1450, %dma_wait3A_1451] : memref<100000x64xf32, #tpu.memory_space<hbm>> -> memref<100000x64xf32, #tpu.memory_space<hbm>>
      tpu.wait_indirect_dma semaphore(%arg11 : memref<!tpu.dma_semaphore, #tpu.memory_space<semaphore_mem>>) src(%dma_wait3A_1452 : memref<100000x64xf32, #tpu.memory_space<hbm>>) dst(%dma_wait3A_1447 : memref<80x64xf32, #tpu.memory_space<vmem>>)
      %dma_wait3A_1453 = arith.constant 18 : i32
      %dma_wait3A_1454 = arith.constant 1 : i32
      %dma_wait3A_1455 = arith.constant 0 : i32
      %dma_wait3A_1456 = arith.constant 0 : i32
      %dma_wait3A_1457 = tpu.memref_slice %arg7[%dma_wait3A_1454, %dma_wait3A_1455, %dma_wait3A_1456] : memref<2x80x64xf32, #tpu.memory_space<vmem>> -> memref<1x80x64xf32, #tpu.memory_space<vmem>>
      %dma_wait3A_1458 = tpu.memref_squeeze %dma_wait3A_1457 : memref<1x80x64xf32, #tpu.memory_space<vmem>> -> memref<80x64xf32, #tpu.memory_space<vmem>>
      %dma_wait3A_1459 = tpu.memref_slice %arg6[%dma_wait3A_1453, %mul3A_1022] : memref<21x800xi32, #tpu.memory_space<vmem>> -> memref<1x80xi32, #tpu.memory_space<vmem>>
      %dma_wait3A_1460 = tpu.memref_squeeze %dma_wait3A_1459 : memref<1x80xi32, #tpu.memory_space<vmem>> -> memref<80xi32, #tpu.memory_space<vmem>>
      %dma_wait3A_1461 = arith.constant 0 : i32
      %dma_wait3A_1462 = arith.constant 0 : i32
      %dma_wait3A_1463 = tpu.memref_slice %arg3[%dma_wait3A_1461, %dma_wait3A_1462] : memref<100000x64xf32, #tpu.memory_space<hbm>> -> memref<100000x64xf32, #tpu.memory_space<hbm>>
      tpu.wait_indirect_dma semaphore(%arg11 : memref<!tpu.dma_semaphore, #tpu.memory_space<semaphore_mem>>) src(%dma_wait3A_1463 : memref<100000x64xf32, #tpu.memory_space<hbm>>) dst(%dma_wait3A_1458 : memref<80x64xf32, #tpu.memory_space<vmem>>)
      %dma_wait3A_1464 = arith.constant 19 : i32
      %dma_wait3A_1465 = arith.constant 1 : i32
      %dma_wait3A_1466 = arith.constant 0 : i32
      %dma_wait3A_1467 = arith.constant 0 : i32
      %dma_wait3A_1468 = tpu.memref_slice %arg7[%dma_wait3A_1465, %dma_wait3A_1466, %dma_wait3A_1467] : memref<2x80x64xf32, #tpu.memory_space<vmem>> -> memref<1x80x64xf32, #tpu.memory_space<vmem>>
      %dma_wait3A_1469 = tpu.memref_squeeze %dma_wait3A_1468 : memref<1x80x64xf32, #tpu.memory_space<vmem>> -> memref<80x64xf32, #tpu.memory_space<vmem>>
      %dma_wait3A_1470 = tpu.memref_slice %arg6[%dma_wait3A_1464, %mul3A_1022] : memref<21x800xi32, #tpu.memory_space<vmem>> -> memref<1x80xi32, #tpu.memory_space<vmem>>
      %dma_wait3A_1471 = tpu.memref_squeeze %dma_wait3A_1470 : memref<1x80xi32, #tpu.memory_space<vmem>> -> memref<80xi32, #tpu.memory_space<vmem>>
      %dma_wait3A_1472 = arith.constant 0 : i32
      %dma_wait3A_1473 = arith.constant 0 : i32
      %dma_wait3A_1474 = tpu.memref_slice %arg3[%dma_wait3A_1472, %dma_wait3A_1473] : memref<100000x64xf32, #tpu.memory_space<hbm>> -> memref<100000x64xf32, #tpu.memory_space<hbm>>
      tpu.wait_indirect_dma semaphore(%arg11 : memref<!tpu.dma_semaphore, #tpu.memory_space<semaphore_mem>>) src(%dma_wait3A_1474 : memref<100000x64xf32, #tpu.memory_space<hbm>>) dst(%dma_wait3A_1469 : memref<80x64xf32, #tpu.memory_space<vmem>>)
      %dma_wait3A_1475 = arith.constant 20 : i32
      %dma_wait3A_1476 = arith.constant 1 : i32
      %dma_wait3A_1477 = arith.constant 0 : i32
      %dma_wait3A_1478 = arith.constant 0 : i32
      %dma_wait3A_1479 = tpu.memref_slice %arg7[%dma_wait3A_1476, %dma_wait3A_1477, %dma_wait3A_1478] : memref<2x80x64xf32, #tpu.memory_space<vmem>> -> memref<1x80x64xf32, #tpu.memory_space<vmem>>
      %dma_wait3A_1480 = tpu.memref_squeeze %dma_wait3A_1479 : memref<1x80x64xf32, #tpu.memory_space<vmem>> -> memref<80x64xf32, #tpu.memory_space<vmem>>
      %dma_wait3A_1481 = tpu.memref_slice %arg6[%dma_wait3A_1475, %mul3A_1022] : memref<21x800xi32, #tpu.memory_space<vmem>> -> memref<1x80xi32, #tpu.memory_space<vmem>>
      %dma_wait3A_1482 = tpu.memref_squeeze %dma_wait3A_1481 : memref<1x80xi32, #tpu.memory_space<vmem>> -> memref<80xi32, #tpu.memory_space<vmem>>
      %dma_wait3A_1483 = arith.constant 0 : i32
      %dma_wait3A_1484 = arith.constant 0 : i32
      %dma_wait3A_1485 = tpu.memref_slice %arg4[%dma_wait3A_1483, %dma_wait3A_1484] : memref<18432x64xf32, #tpu.memory_space<hbm>> -> memref<18432x64xf32, #tpu.memory_space<hbm>>
      tpu.wait_indirect_dma semaphore(%arg11 : memref<!tpu.dma_semaphore, #tpu.memory_space<semaphore_mem>>) src(%dma_wait3A_1485 : memref<18432x64xf32, #tpu.memory_space<hbm>>) dst(%dma_wait3A_1480 : memref<80x64xf32, #tpu.memory_space<vmem>>)
      %add3A_1486 = arith.addi %mul3A_2, %mul3A_1022 : i32
      %dma_start3A_1487 = arith.constant 1 : i32
      %dma_start3A_1488 = arith.constant 0 : i32
      %dma_start3A_1489 = arith.constant 0 : i32
      %dma_start3A_1490 = tpu.memref_slice %arg7[%dma_start3A_1487, %dma_start3A_1488, %dma_start3A_1489] : memref<2x80x64xf32, #tpu.memory_space<vmem>> -> memref<1x80x64xf32, #tpu.memory_space<vmem>>
      %dma_start3A_1491 = tpu.memref_squeeze %dma_start3A_1490 : memref<1x80x64xf32, #tpu.memory_space<vmem>> -> memref<80x64xf32, #tpu.memory_space<vmem>>
      %dma_start3A_1492 = arith.constant 0 : i32
      %dma_start3A_1493 = tpu.memref_slice %arg5[%add3A_1486, %dma_start3A_1492] : memref<25600x64xf32, #tpu.memory_space<hbm>> -> memref<80x64xf32, #tpu.memory_space<hbm>>
      %dma_start3A_1494 = arith.constant 0 : i32
      %dma_start3A_1495 = tpu.memref_slice %arg5[%add3A_1486, %dma_start3A_1494] : memref<25600x64xf32, #tpu.memory_space<hbm>> -> memref<80x64xf32, #tpu.memory_space<hbm>>
      %dma_start3A_1496 = arith.constant 0 : i32
      %dma_start3A_1497 = arith.constant 0 : i32
      %dma_start3A_1498 = tpu.memref_slice %arg7[%dma_start3A_1487, %dma_start3A_1496, %dma_start3A_1497] : memref<2x80x64xf32, #tpu.memory_space<vmem>> -> memref<1x80x64xf32, #tpu.memory_space<vmem>>
      %dma_start3A_1499 = tpu.memref_squeeze %dma_start3A_1498 : memref<1x80x64xf32, #tpu.memory_space<vmem>> -> memref<80x64xf32, #tpu.memory_space<vmem>>
      tpu.enqueue_dma source(%dma_start3A_1499 : memref<80x64xf32, #tpu.memory_space<vmem>>) target(%dma_start3A_1495 : memref<80x64xf32, #tpu.memory_space<hbm>>) target_semaphore(%arg13 : memref<!tpu.dma_semaphore, #tpu.memory_space<semaphore_mem>>)
    }
    %scan3A_521 = arith.constant 5 : i32
    %add3A_522 = arith.constant 720 : i32
    %add3A_523 = arith.addi %mul3A_2, %add3A_522 : i32
    %dma_wait3A_524 = arith.constant 1 : i32
    %dma_wait3A_525 = arith.constant 0 : i32
    %dma_wait3A_526 = arith.constant 0 : i32
    %dma_wait3A_527 = tpu.memref_slice %arg7[%dma_wait3A_524, %dma_wait3A_525, %dma_wait3A_526] : memref<2x80x64xf32, #tpu.memory_space<vmem>> -> memref<1x80x64xf32, #tpu.memory_space<vmem>>
    %dma_wait3A_528 = tpu.memref_squeeze %dma_wait3A_527 : memref<1x80x64xf32, #tpu.memory_space<vmem>> -> memref<80x64xf32, #tpu.memory_space<vmem>>
    %dma_wait3A_529 = arith.constant 0 : i32
    %dma_wait3A_530 = tpu.memref_slice %arg5[%add3A_523, %dma_wait3A_529] : memref<25600x64xf32, #tpu.memory_space<hbm>> -> memref<80x64xf32, #tpu.memory_space<hbm>>
    %dma_wait3A_531 = arith.constant 0 : i32
    %dma_wait3A_532 = tpu.memref_slice %arg5[%add3A_523, %dma_wait3A_531] : memref<25600x64xf32, #tpu.memory_space<hbm>> -> memref<80x64xf32, #tpu.memory_space<hbm>>
    %dma_wait3A_533 = arith.constant 0 : i32
    %dma_wait3A_534 = arith.constant 0 : i32
    %dma_wait3A_535 = tpu.memref_slice %arg7[%dma_wait3A_524, %dma_wait3A_533, %dma_wait3A_534] : memref<2x80x64xf32, #tpu.memory_space<vmem>> -> memref<1x80x64xf32, #tpu.memory_space<vmem>>
    %dma_wait3A_536 = tpu.memref_squeeze %dma_wait3A_535 : memref<1x80x64xf32, #tpu.memory_space<vmem>> -> memref<80x64xf32, #tpu.memory_space<vmem>>
    tpu.wait_dma2 semaphore(%arg13 : memref<!tpu.dma_semaphore, #tpu.memory_space<semaphore_mem>>) src(%dma_wait3A_536 : memref<80x64xf32, #tpu.memory_space<vmem>>) dst(%dma_wait3A_532 : memref<80x64xf32, #tpu.memory_space<hbm>>)
    return
  }
}

#map = affine_map<(d0, d1) -> (0, 0)>
module attributes {stable_mosaic.version = 14 : i64} {
  func.func @body(%arg0: i32, %arg1: i32, %arg2: memref<21x25600xi32, #tpu.memory_space<hbm>>, %arg3: memref<100000x64xf32, #tpu.memory_space<hbm>>, %arg4: memref<18432x64xf32, #tpu.memory_space<hbm>>, %arg5: memref<25600x64xf32, #tpu.memory_space<hbm>>, %arg6: memref<21x800xi32, #tpu.memory_space<vmem>>, %arg7: memref<2x80x64xf32, #tpu.memory_space<vmem>>, %arg8: memref<!tpu.dma_semaphore, #tpu.memory_space<semaphore_mem>>, %arg9: memref<!tpu.dma_semaphore, #tpu.memory_space<semaphore_mem>>, %arg10: memref<!tpu.dma_semaphore, #tpu.memory_space<semaphore_mem>>, %arg11: memref<!tpu.dma_semaphore, #tpu.memory_space<semaphore_mem>>, %arg12: memref<!tpu.dma_semaphore, #tpu.memory_space<semaphore_mem>>, %arg13: memref<!tpu.dma_semaphore, #tpu.memory_space<semaphore_mem>>, %arg14: memref<!tpu.dma_semaphore, #tpu.memory_space<semaphore_mem>>) attributes {dimension_semantics = [#tpu.dimension_semantics<core_parallel>, #tpu.dimension_semantics<subcore_parallel>], iteration_bounds = array<i64: 2, 16>, scalar_prefetch = 0 : i64, scratch_operands = 9 : i64, tpu.core_type = #tpu.core_type<sc_vector_subcore>, window_params = [{transform_indices = #map}, {transform_indices = #map}, {transform_indices = #map}, {transform_indices = #map}]} {
    %mul3A = arith.constant 2 : i32
    %mul3A_0 = arith.muli %arg1, %mul3A : i32
    %add3A = arith.addi %mul3A_0, %arg0 : i32
    %mul3A_1 = arith.constant 800 : i32
    %mul3A_2 = arith.muli %add3A, %mul3A_1 : i32
    %dma_start3A = arith.constant 0 : i32
    %dma_start3A_3 = arith.constant 0 : i32
    %dma_start3A_4 = arith.constant 0 : i32
    %dma_start3A_5 = tpu.memref_slice %arg6[%dma_start3A_3, %dma_start3A_4] : memref<21x800xi32, #tpu.memory_space<vmem>> -> memref<1x800xi32, #tpu.memory_space<vmem>>
    %dma_start3A_6 = tpu.memref_squeeze %dma_start3A_5 : memref<1x800xi32, #tpu.memory_space<vmem>> -> memref<800xi32, #tpu.memory_space<vmem>>
    %dma_start3A_7 = tpu.memref_slice %arg2[%dma_start3A, %mul3A_2] : memref<21x25600xi32, #tpu.memory_space<hbm>> -> memref<1x800xi32, #tpu.memory_space<hbm>>
    %dma_start3A_8 = tpu.memref_squeeze %dma_start3A_7 : memref<1x800xi32, #tpu.memory_space<hbm>> -> memref<800xi32, #tpu.memory_space<hbm>>
    %dma_start3A_9 = arith.constant 0 : i32
    %dma_start3A_10 = tpu.memref_slice %arg6[%dma_start3A_3, %dma_start3A_9] : memref<21x800xi32, #tpu.memory_space<vmem>> -> memref<1x800xi32, #tpu.memory_space<vmem>>
    %dma_start3A_11 = tpu.memref_squeeze %dma_start3A_10 : memref<1x800xi32, #tpu.memory_space<vmem>> -> memref<800xi32, #tpu.memory_space<vmem>>
    %dma_start3A_12 = tpu.memref_slice %arg2[%dma_start3A, %mul3A_2] : memref<21x25600xi32, #tpu.memory_space<hbm>> -> memref<1x800xi32, #tpu.memory_space<hbm>>
    %dma_start3A_13 = tpu.memref_squeeze %dma_start3A_12 : memref<1x800xi32, #tpu.memory_space<hbm>> -> memref<800xi32, #tpu.memory_space<hbm>>
    tpu.enqueue_dma source(%dma_start3A_13 : memref<800xi32, #tpu.memory_space<hbm>>) target(%dma_start3A_11 : memref<800xi32, #tpu.memory_space<vmem>>) target_semaphore(%arg14 : memref<!tpu.dma_semaphore, #tpu.memory_space<semaphore_mem>>)
    %dma_wait3A = arith.constant 0 : i32
    %dma_wait3A_14 = arith.constant 0 : i32
    %dma_wait3A_15 = arith.constant 0 : i32
    %dma_wait3A_16 = tpu.memref_slice %arg6[%dma_wait3A_14, %dma_wait3A_15] : memref<21x800xi32, #tpu.memory_space<vmem>> -> memref<1x800xi32, #tpu.memory_space<vmem>>
    %dma_wait3A_17 = tpu.memref_squeeze %dma_wait3A_16 : memref<1x800xi32, #tpu.memory_space<vmem>> -> memref<800xi32, #tpu.memory_space<vmem>>
    %dma_wait3A_18 = tpu.memref_slice %arg2[%dma_wait3A, %mul3A_2] : memref<21x25600xi32, #tpu.memory_space<hbm>> -> memref<1x800xi32, #tpu.memory_space<hbm>>
    %dma_wait3A_19 = tpu.memref_squeeze %dma_wait3A_18 : memref<1x800xi32, #tpu.memory_space<hbm>> -> memref<800xi32, #tpu.memory_space<hbm>>
    %dma_wait3A_20 = arith.constant 0 : i32
    %dma_wait3A_21 = tpu.memref_slice %arg6[%dma_wait3A_14, %dma_wait3A_20] : memref<21x800xi32, #tpu.memory_space<vmem>> -> memref<1x800xi32, #tpu.memory_space<vmem>>
    %dma_wait3A_22 = tpu.memref_squeeze %dma_wait3A_21 : memref<1x800xi32, #tpu.memory_space<vmem>> -> memref<800xi32, #tpu.memory_space<vmem>>
    %dma_wait3A_23 = tpu.memref_slice %arg2[%dma_wait3A, %mul3A_2] : memref<21x25600xi32, #tpu.memory_space<hbm>> -> memref<1x800xi32, #tpu.memory_space<hbm>>
    %dma_wait3A_24 = tpu.memref_squeeze %dma_wait3A_23 : memref<1x800xi32, #tpu.memory_space<hbm>> -> memref<800xi32, #tpu.memory_space<hbm>>
    tpu.wait_dma2 semaphore(%arg14 : memref<!tpu.dma_semaphore, #tpu.memory_space<semaphore_mem>>) src(%dma_wait3A_24 : memref<800xi32, #tpu.memory_space<hbm>>) dst(%dma_wait3A_22 : memref<800xi32, #tpu.memory_space<vmem>>)
    %dma_start3A_25 = arith.constant 0 : i32
    %dma_start3A_26 = arith.constant 0 : i32
    %dma_start3A_27 = arith.constant 0 : i32
    %dma_start3A_28 = arith.constant 0 : i32
    %dma_start3A_29 = tpu.memref_slice %arg7[%dma_start3A_26, %dma_start3A_27, %dma_start3A_28] : memref<2x80x64xf32, #tpu.memory_space<vmem>> -> memref<1x80x64xf32, #tpu.memory_space<vmem>>
    %dma_start3A_30 = tpu.memref_squeeze %dma_start3A_29 : memref<1x80x64xf32, #tpu.memory_space<vmem>> -> memref<80x64xf32, #tpu.memory_space<vmem>>
    %dma_start3A_31 = arith.constant 0 : i32
    %dma_start3A_32 = tpu.memref_slice %arg6[%dma_start3A_25, %dma_start3A_31] : memref<21x800xi32, #tpu.memory_space<vmem>> -> memref<1x80xi32, #tpu.memory_space<vmem>>
    %dma_start3A_33 = tpu.memref_squeeze %dma_start3A_32 : memref<1x80xi32, #tpu.memory_space<vmem>> -> memref<80xi32, #tpu.memory_space<vmem>>
    %dma_start3A_34 = arith.constant 0 : i32
    %dma_start3A_35 = arith.constant 0 : i32
    %dma_start3A_36 = tpu.memref_slice %arg3[%dma_start3A_34, %dma_start3A_35] : memref<100000x64xf32, #tpu.memory_space<hbm>> -> memref<100000x64xf32, #tpu.memory_space<hbm>>
    tpu.enqueue_indirect_dma source(%dma_start3A_36 : memref<100000x64xf32, #tpu.memory_space<hbm>>) target(%dma_start3A_30 : memref<80x64xf32, #tpu.memory_space<vmem>>) offsets(%dma_start3A_33 : memref<80xi32, #tpu.memory_space<vmem>>) semaphore(%arg8 : memref<!tpu.dma_semaphore, #tpu.memory_space<semaphore_mem>>)
    %dma_start3A_37 = arith.constant 1 : i32
    %dma_start3A_38 = arith.constant 1 : i32
    %dma_start3A_39 = arith.constant 0 : i32
    %dma_start3A_40 = tpu.memref_slice %arg6[%dma_start3A_38, %dma_start3A_39] : memref<21x800xi32, #tpu.memory_space<vmem>> -> memref<1x800xi32, #tpu.memory_space<vmem>>
    %dma_start3A_41 = tpu.memref_squeeze %dma_start3A_40 : memref<1x800xi32, #tpu.memory_space<vmem>> -> memref<800xi32, #tpu.memory_space<vmem>>
    %dma_start3A_42 = tpu.memref_slice %arg2[%dma_start3A_37, %mul3A_2] : memref<21x25600xi32, #tpu.memory_space<hbm>> -> memref<1x800xi32, #tpu.memory_space<hbm>>
    %dma_start3A_43 = tpu.memref_squeeze %dma_start3A_42 : memref<1x800xi32, #tpu.memory_space<hbm>> -> memref<800xi32, #tpu.memory_space<hbm>>
    %dma_start3A_44 = arith.constant 0 : i32
    %dma_start3A_45 = tpu.memref_slice %arg6[%dma_start3A_38, %dma_start3A_44] : memref<21x800xi32, #tpu.memory_space<vmem>> -> memref<1x800xi32, #tpu.memory_space<vmem>>
    %dma_start3A_46 = tpu.memref_squeeze %dma_start3A_45 : memref<1x800xi32, #tpu.memory_space<vmem>> -> memref<800xi32, #tpu.memory_space<vmem>>
    %dma_start3A_47 = tpu.memref_slice %arg2[%dma_start3A_37, %mul3A_2] : memref<21x25600xi32, #tpu.memory_space<hbm>> -> memref<1x800xi32, #tpu.memory_space<hbm>>
    %dma_start3A_48 = tpu.memref_squeeze %dma_start3A_47 : memref<1x800xi32, #tpu.memory_space<hbm>> -> memref<800xi32, #tpu.memory_space<hbm>>
    tpu.enqueue_dma source(%dma_start3A_48 : memref<800xi32, #tpu.memory_space<hbm>>) target(%dma_start3A_46 : memref<800xi32, #tpu.memory_space<vmem>>) target_semaphore(%arg14 : memref<!tpu.dma_semaphore, #tpu.memory_space<semaphore_mem>>)
    %dma_start3A_49 = arith.constant 2 : i32
    %dma_start3A_50 = arith.constant 2 : i32
    %dma_start3A_51 = arith.constant 0 : i32
    %dma_start3A_52 = tpu.memref_slice %arg6[%dma_start3A_50, %dma_start3A_51] : memref<21x800xi32, #tpu.memory_space<vmem>> -> memref<1x800xi32, #tpu.memory_space<vmem>>
    %dma_start3A_53 = tpu.memref_squeeze %dma_start3A_52 : memref<1x800xi32, #tpu.memory_space<vmem>> -> memref<800xi32, #tpu.memory_space<vmem>>
    %dma_start3A_54 = tpu.memref_slice %arg2[%dma_start3A_49, %mul3A_2] : memref<21x25600xi32, #tpu.memory_space<hbm>> -> memref<1x800xi32, #tpu.memory_space<hbm>>
    %dma_start3A_55 = tpu.memref_squeeze %dma_start3A_54 : memref<1x800xi32, #tpu.memory_space<hbm>> -> memref<800xi32, #tpu.memory_space<hbm>>
    %dma_start3A_56 = arith.constant 0 : i32
    %dma_start3A_57 = tpu.memref_slice %arg6[%dma_start3A_50, %dma_start3A_56] : memref<21x800xi32, #tpu.memory_space<vmem>> -> memref<1x800xi32, #tpu.memory_space<vmem>>
    %dma_start3A_58 = tpu.memref_squeeze %dma_start3A_57 : memref<1x800xi32, #tpu.memory_space<vmem>> -> memref<800xi32, #tpu.memory_space<vmem>>
    %dma_start3A_59 = tpu.memref_slice %arg2[%dma_start3A_49, %mul3A_2] : memref<21x25600xi32, #tpu.memory_space<hbm>> -> memref<1x800xi32, #tpu.memory_space<hbm>>
    %dma_start3A_60 = tpu.memref_squeeze %dma_start3A_59 : memref<1x800xi32, #tpu.memory_space<hbm>> -> memref<800xi32, #tpu.memory_space<hbm>>
    tpu.enqueue_dma source(%dma_start3A_60 : memref<800xi32, #tpu.memory_space<hbm>>) target(%dma_start3A_58 : memref<800xi32, #tpu.memory_space<vmem>>) target_semaphore(%arg14 : memref<!tpu.dma_semaphore, #tpu.memory_space<semaphore_mem>>)
    %dma_start3A_61 = arith.constant 3 : i32
    %dma_start3A_62 = arith.constant 3 : i32
    %dma_start3A_63 = arith.constant 0 : i32
    %dma_start3A_64 = tpu.memref_slice %arg6[%dma_start3A_62, %dma_start3A_63] : memref<21x800xi32, #tpu.memory_space<vmem>> -> memref<1x800xi32, #tpu.memory_space<vmem>>
    %dma_start3A_65 = tpu.memref_squeeze %dma_start3A_64 : memref<1x800xi32, #tpu.memory_space<vmem>> -> memref<800xi32, #tpu.memory_space<vmem>>
    %dma_start3A_66 = tpu.memref_slice %arg2[%dma_start3A_61, %mul3A_2] : memref<21x25600xi32, #tpu.memory_space<hbm>> -> memref<1x800xi32, #tpu.memory_space<hbm>>
    %dma_start3A_67 = tpu.memref_squeeze %dma_start3A_66 : memref<1x800xi32, #tpu.memory_space<hbm>> -> memref<800xi32, #tpu.memory_space<hbm>>
    %dma_start3A_68 = arith.constant 0 : i32
    %dma_start3A_69 = tpu.memref_slice %arg6[%dma_start3A_62, %dma_start3A_68] : memref<21x800xi32, #tpu.memory_space<vmem>> -> memref<1x800xi32, #tpu.memory_space<vmem>>
    %dma_start3A_70 = tpu.memref_squeeze %dma_start3A_69 : memref<1x800xi32, #tpu.memory_space<vmem>> -> memref<800xi32, #tpu.memory_space<vmem>>
    %dma_start3A_71 = tpu.memref_slice %arg2[%dma_start3A_61, %mul3A_2] : memref<21x25600xi32, #tpu.memory_space<hbm>> -> memref<1x800xi32, #tpu.memory_space<hbm>>
    %dma_start3A_72 = tpu.memref_squeeze %dma_start3A_71 : memref<1x800xi32, #tpu.memory_space<hbm>> -> memref<800xi32, #tpu.memory_space<hbm>>
    tpu.enqueue_dma source(%dma_start3A_72 : memref<800xi32, #tpu.memory_space<hbm>>) target(%dma_start3A_70 : memref<800xi32, #tpu.memory_space<vmem>>) target_semaphore(%arg14 : memref<!tpu.dma_semaphore, #tpu.memory_space<semaphore_mem>>)
    %dma_start3A_73 = arith.constant 4 : i32
    %dma_start3A_74 = arith.constant 4 : i32
    %dma_start3A_75 = arith.constant 0 : i32
    %dma_start3A_76 = tpu.memref_slice %arg6[%dma_start3A_74, %dma_start3A_75] : memref<21x800xi32, #tpu.memory_space<vmem>> -> memref<1x800xi32, #tpu.memory_space<vmem>>
    %dma_start3A_77 = tpu.memref_squeeze %dma_start3A_76 : memref<1x800xi32, #tpu.memory_space<vmem>> -> memref<800xi32, #tpu.memory_space<vmem>>
    %dma_start3A_78 = tpu.memref_slice %arg2[%dma_start3A_73, %mul3A_2] : memref<21x25600xi32, #tpu.memory_space<hbm>> -> memref<1x800xi32, #tpu.memory_space<hbm>>
    %dma_start3A_79 = tpu.memref_squeeze %dma_start3A_78 : memref<1x800xi32, #tpu.memory_space<hbm>> -> memref<800xi32, #tpu.memory_space<hbm>>
    %dma_start3A_80 = arith.constant 0 : i32
    %dma_start3A_81 = tpu.memref_slice %arg6[%dma_start3A_74, %dma_start3A_80] : memref<21x800xi32, #tpu.memory_space<vmem>> -> memref<1x800xi32, #tpu.memory_space<vmem>>
    %dma_start3A_82 = tpu.memref_squeeze %dma_start3A_81 : memref<1x800xi32, #tpu.memory_space<vmem>> -> memref<800xi32, #tpu.memory_space<vmem>>
    %dma_start3A_83 = tpu.memref_slice %arg2[%dma_start3A_73, %mul3A_2] : memref<21x25600xi32, #tpu.memory_space<hbm>> -> memref<1x800xi32, #tpu.memory_space<hbm>>
    %dma_start3A_84 = tpu.memref_squeeze %dma_start3A_83 : memref<1x800xi32, #tpu.memory_space<hbm>> -> memref<800xi32, #tpu.memory_space<hbm>>
    tpu.enqueue_dma source(%dma_start3A_84 : memref<800xi32, #tpu.memory_space<hbm>>) target(%dma_start3A_82 : memref<800xi32, #tpu.memory_space<vmem>>) target_semaphore(%arg14 : memref<!tpu.dma_semaphore, #tpu.memory_space<semaphore_mem>>)
    %dma_start3A_85 = arith.constant 5 : i32
    %dma_start3A_86 = arith.constant 5 : i32
    %dma_start3A_87 = arith.constant 0 : i32
    %dma_start3A_88 = tpu.memref_slice %arg6[%dma_start3A_86, %dma_start3A_87] : memref<21x800xi32, #tpu.memory_space<vmem>> -> memref<1x800xi32, #tpu.memory_space<vmem>>
    %dma_start3A_89 = tpu.memref_squeeze %dma_start3A_88 : memref<1x800xi32, #tpu.memory_space<vmem>> -> memref<800xi32, #tpu.memory_space<vmem>>
    %dma_start3A_90 = tpu.memref_slice %arg2[%dma_start3A_85, %mul3A_2] : memref<21x25600xi32, #tpu.memory_space<hbm>> -> memref<1x800xi32, #tpu.memory_space<hbm>>
    %dma_start3A_91 = tpu.memref_squeeze %dma_start3A_90 : memref<1x800xi32, #tpu.memory_space<hbm>> -> memref<800xi32, #tpu.memory_space<hbm>>
    %dma_start3A_92 = arith.constant 0 : i32
    %dma_start3A_93 = tpu.memref_slice %arg6[%dma_start3A_86, %dma_start3A_92] : memref<21x800xi32, #tpu.memory_space<vmem>> -> memref<1x800xi32, #tpu.memory_space<vmem>>
    %dma_start3A_94 = tpu.memref_squeeze %dma_start3A_93 : memref<1x800xi32, #tpu.memory_space<vmem>> -> memref<800xi32, #tpu.memory_space<vmem>>
    %dma_start3A_95 = tpu.memref_slice %arg2[%dma_start3A_85, %mul3A_2] : memref<21x25600xi32, #tpu.memory_space<hbm>> -> memref<1x800xi32, #tpu.memory_space<hbm>>
    %dma_start3A_96 = tpu.memref_squeeze %dma_start3A_95 : memref<1x800xi32, #tpu.memory_space<hbm>> -> memref<800xi32, #tpu.memory_space<hbm>>
    tpu.enqueue_dma source(%dma_start3A_96 : memref<800xi32, #tpu.memory_space<hbm>>) target(%dma_start3A_94 : memref<800xi32, #tpu.memory_space<vmem>>) target_semaphore(%arg14 : memref<!tpu.dma_semaphore, #tpu.memory_space<semaphore_mem>>)
    %dma_start3A_97 = arith.constant 6 : i32
    %dma_start3A_98 = arith.constant 6 : i32
    %dma_start3A_99 = arith.constant 0 : i32
    %dma_start3A_100 = tpu.memref_slice %arg6[%dma_start3A_98, %dma_start3A_99] : memref<21x800xi32, #tpu.memory_space<vmem>> -> memref<1x800xi32, #tpu.memory_space<vmem>>
    %dma_start3A_101 = tpu.memref_squeeze %dma_start3A_100 : memref<1x800xi32, #tpu.memory_space<vmem>> -> memref<800xi32, #tpu.memory_space<vmem>>
    %dma_start3A_102 = tpu.memref_slice %arg2[%dma_start3A_97, %mul3A_2] : memref<21x25600xi32, #tpu.memory_space<hbm>> -> memref<1x800xi32, #tpu.memory_space<hbm>>
    %dma_start3A_103 = tpu.memref_squeeze %dma_start3A_102 : memref<1x800xi32, #tpu.memory_space<hbm>> -> memref<800xi32, #tpu.memory_space<hbm>>
    %dma_start3A_104 = arith.constant 0 : i32
    %dma_start3A_105 = tpu.memref_slice %arg6[%dma_start3A_98, %dma_start3A_104] : memref<21x800xi32, #tpu.memory_space<vmem>> -> memref<1x800xi32, #tpu.memory_space<vmem>>
    %dma_start3A_106 = tpu.memref_squeeze %dma_start3A_105 : memref<1x800xi32, #tpu.memory_space<vmem>> -> memref<800xi32, #tpu.memory_space<vmem>>
    %dma_start3A_107 = tpu.memref_slice %arg2[%dma_start3A_97, %mul3A_2] : memref<21x25600xi32, #tpu.memory_space<hbm>> -> memref<1x800xi32, #tpu.memory_space<hbm>>
    %dma_start3A_108 = tpu.memref_squeeze %dma_start3A_107 : memref<1x800xi32, #tpu.memory_space<hbm>> -> memref<800xi32, #tpu.memory_space<hbm>>
    tpu.enqueue_dma source(%dma_start3A_108 : memref<800xi32, #tpu.memory_space<hbm>>) target(%dma_start3A_106 : memref<800xi32, #tpu.memory_space<vmem>>) target_semaphore(%arg14 : memref<!tpu.dma_semaphore, #tpu.memory_space<semaphore_mem>>)
    %dma_start3A_109 = arith.constant 7 : i32
    %dma_start3A_110 = arith.constant 7 : i32
    %dma_start3A_111 = arith.constant 0 : i32
    %dma_start3A_112 = tpu.memref_slice %arg6[%dma_start3A_110, %dma_start3A_111] : memref<21x800xi32, #tpu.memory_space<vmem>> -> memref<1x800xi32, #tpu.memory_space<vmem>>
    %dma_start3A_113 = tpu.memref_squeeze %dma_start3A_112 : memref<1x800xi32, #tpu.memory_space<vmem>> -> memref<800xi32, #tpu.memory_space<vmem>>
    %dma_start3A_114 = tpu.memref_slice %arg2[%dma_start3A_109, %mul3A_2] : memref<21x25600xi32, #tpu.memory_space<hbm>> -> memref<1x800xi32, #tpu.memory_space<hbm>>
    %dma_start3A_115 = tpu.memref_squeeze %dma_start3A_114 : memref<1x800xi32, #tpu.memory_space<hbm>> -> memref<800xi32, #tpu.memory_space<hbm>>
    %dma_start3A_116 = arith.constant 0 : i32
    %dma_start3A_117 = tpu.memref_slice %arg6[%dma_start3A_110, %dma_start3A_116] : memref<21x800xi32, #tpu.memory_space<vmem>> -> memref<1x800xi32, #tpu.memory_space<vmem>>
    %dma_start3A_118 = tpu.memref_squeeze %dma_start3A_117 : memref<1x800xi32, #tpu.memory_space<vmem>> -> memref<800xi32, #tpu.memory_space<vmem>>
    %dma_start3A_119 = tpu.memref_slice %arg2[%dma_start3A_109, %mul3A_2] : memref<21x25600xi32, #tpu.memory_space<hbm>> -> memref<1x800xi32, #tpu.memory_space<hbm>>
    %dma_start3A_120 = tpu.memref_squeeze %dma_start3A_119 : memref<1x800xi32, #tpu.memory_space<hbm>> -> memref<800xi32, #tpu.memory_space<hbm>>
    tpu.enqueue_dma source(%dma_start3A_120 : memref<800xi32, #tpu.memory_space<hbm>>) target(%dma_start3A_118 : memref<800xi32, #tpu.memory_space<vmem>>) target_semaphore(%arg14 : memref<!tpu.dma_semaphore, #tpu.memory_space<semaphore_mem>>)
    %dma_start3A_121 = arith.constant 8 : i32
    %dma_start3A_122 = arith.constant 8 : i32
    %dma_start3A_123 = arith.constant 0 : i32
    %dma_start3A_124 = tpu.memref_slice %arg6[%dma_start3A_122, %dma_start3A_123] : memref<21x800xi32, #tpu.memory_space<vmem>> -> memref<1x800xi32, #tpu.memory_space<vmem>>
    %dma_start3A_125 = tpu.memref_squeeze %dma_start3A_124 : memref<1x800xi32, #tpu.memory_space<vmem>> -> memref<800xi32, #tpu.memory_space<vmem>>
    %dma_start3A_126 = tpu.memref_slice %arg2[%dma_start3A_121, %mul3A_2] : memref<21x25600xi32, #tpu.memory_space<hbm>> -> memref<1x800xi32, #tpu.memory_space<hbm>>
    %dma_start3A_127 = tpu.memref_squeeze %dma_start3A_126 : memref<1x800xi32, #tpu.memory_space<hbm>> -> memref<800xi32, #tpu.memory_space<hbm>>
    %dma_start3A_128 = arith.constant 0 : i32
    %dma_start3A_129 = tpu.memref_slice %arg6[%dma_start3A_122, %dma_start3A_128] : memref<21x800xi32, #tpu.memory_space<vmem>> -> memref<1x800xi32, #tpu.memory_space<vmem>>
    %dma_start3A_130 = tpu.memref_squeeze %dma_start3A_129 : memref<1x800xi32, #tpu.memory_space<vmem>> -> memref<800xi32, #tpu.memory_space<vmem>>
    %dma_start3A_131 = tpu.memref_slice %arg2[%dma_start3A_121, %mul3A_2] : memref<21x25600xi32, #tpu.memory_space<hbm>> -> memref<1x800xi32, #tpu.memory_space<hbm>>
    %dma_start3A_132 = tpu.memref_squeeze %dma_start3A_131 : memref<1x800xi32, #tpu.memory_space<hbm>> -> memref<800xi32, #tpu.memory_space<hbm>>
    tpu.enqueue_dma source(%dma_start3A_132 : memref<800xi32, #tpu.memory_space<hbm>>) target(%dma_start3A_130 : memref<800xi32, #tpu.memory_space<vmem>>) target_semaphore(%arg14 : memref<!tpu.dma_semaphore, #tpu.memory_space<semaphore_mem>>)
    %dma_start3A_133 = arith.constant 9 : i32
    %dma_start3A_134 = arith.constant 9 : i32
    %dma_start3A_135 = arith.constant 0 : i32
    %dma_start3A_136 = tpu.memref_slice %arg6[%dma_start3A_134, %dma_start3A_135] : memref<21x800xi32, #tpu.memory_space<vmem>> -> memref<1x800xi32, #tpu.memory_space<vmem>>
    %dma_start3A_137 = tpu.memref_squeeze %dma_start3A_136 : memref<1x800xi32, #tpu.memory_space<vmem>> -> memref<800xi32, #tpu.memory_space<vmem>>
    %dma_start3A_138 = tpu.memref_slice %arg2[%dma_start3A_133, %mul3A_2] : memref<21x25600xi32, #tpu.memory_space<hbm>> -> memref<1x800xi32, #tpu.memory_space<hbm>>
    %dma_start3A_139 = tpu.memref_squeeze %dma_start3A_138 : memref<1x800xi32, #tpu.memory_space<hbm>> -> memref<800xi32, #tpu.memory_space<hbm>>
    %dma_start3A_140 = arith.constant 0 : i32
    %dma_start3A_141 = tpu.memref_slice %arg6[%dma_start3A_134, %dma_start3A_140] : memref<21x800xi32, #tpu.memory_space<vmem>> -> memref<1x800xi32, #tpu.memory_space<vmem>>
    %dma_start3A_142 = tpu.memref_squeeze %dma_start3A_141 : memref<1x800xi32, #tpu.memory_space<vmem>> -> memref<800xi32, #tpu.memory_space<vmem>>
    %dma_start3A_143 = tpu.memref_slice %arg2[%dma_start3A_133, %mul3A_2] : memref<21x25600xi32, #tpu.memory_space<hbm>> -> memref<1x800xi32, #tpu.memory_space<hbm>>
    %dma_start3A_144 = tpu.memref_squeeze %dma_start3A_143 : memref<1x800xi32, #tpu.memory_space<hbm>> -> memref<800xi32, #tpu.memory_space<hbm>>
    tpu.enqueue_dma source(%dma_start3A_144 : memref<800xi32, #tpu.memory_space<hbm>>) target(%dma_start3A_142 : memref<800xi32, #tpu.memory_space<vmem>>) target_semaphore(%arg14 : memref<!tpu.dma_semaphore, #tpu.memory_space<semaphore_mem>>)
    %dma_start3A_145 = arith.constant 10 : i32
    %dma_start3A_146 = arith.constant 10 : i32
    %dma_start3A_147 = arith.constant 0 : i32
    %dma_start3A_148 = tpu.memref_slice %arg6[%dma_start3A_146, %dma_start3A_147] : memref<21x800xi32, #tpu.memory_space<vmem>> -> memref<1x800xi32, #tpu.memory_space<vmem>>
    %dma_start3A_149 = tpu.memref_squeeze %dma_start3A_148 : memref<1x800xi32, #tpu.memory_space<vmem>> -> memref<800xi32, #tpu.memory_space<vmem>>
    %dma_start3A_150 = tpu.memref_slice %arg2[%dma_start3A_145, %mul3A_2] : memref<21x25600xi32, #tpu.memory_space<hbm>> -> memref<1x800xi32, #tpu.memory_space<hbm>>
    %dma_start3A_151 = tpu.memref_squeeze %dma_start3A_150 : memref<1x800xi32, #tpu.memory_space<hbm>> -> memref<800xi32, #tpu.memory_space<hbm>>
    %dma_start3A_152 = arith.constant 0 : i32
    %dma_start3A_153 = tpu.memref_slice %arg6[%dma_start3A_146, %dma_start3A_152] : memref<21x800xi32, #tpu.memory_space<vmem>> -> memref<1x800xi32, #tpu.memory_space<vmem>>
    %dma_start3A_154 = tpu.memref_squeeze %dma_start3A_153 : memref<1x800xi32, #tpu.memory_space<vmem>> -> memref<800xi32, #tpu.memory_space<vmem>>
    %dma_start3A_155 = tpu.memref_slice %arg2[%dma_start3A_145, %mul3A_2] : memref<21x25600xi32, #tpu.memory_space<hbm>> -> memref<1x800xi32, #tpu.memory_space<hbm>>
    %dma_start3A_156 = tpu.memref_squeeze %dma_start3A_155 : memref<1x800xi32, #tpu.memory_space<hbm>> -> memref<800xi32, #tpu.memory_space<hbm>>
    tpu.enqueue_dma source(%dma_start3A_156 : memref<800xi32, #tpu.memory_space<hbm>>) target(%dma_start3A_154 : memref<800xi32, #tpu.memory_space<vmem>>) target_semaphore(%arg14 : memref<!tpu.dma_semaphore, #tpu.memory_space<semaphore_mem>>)
    %dma_start3A_157 = arith.constant 11 : i32
    %dma_start3A_158 = arith.constant 11 : i32
    %dma_start3A_159 = arith.constant 0 : i32
    %dma_start3A_160 = tpu.memref_slice %arg6[%dma_start3A_158, %dma_start3A_159] : memref<21x800xi32, #tpu.memory_space<vmem>> -> memref<1x800xi32, #tpu.memory_space<vmem>>
    %dma_start3A_161 = tpu.memref_squeeze %dma_start3A_160 : memref<1x800xi32, #tpu.memory_space<vmem>> -> memref<800xi32, #tpu.memory_space<vmem>>
    %dma_start3A_162 = tpu.memref_slice %arg2[%dma_start3A_157, %mul3A_2] : memref<21x25600xi32, #tpu.memory_space<hbm>> -> memref<1x800xi32, #tpu.memory_space<hbm>>
    %dma_start3A_163 = tpu.memref_squeeze %dma_start3A_162 : memref<1x800xi32, #tpu.memory_space<hbm>> -> memref<800xi32, #tpu.memory_space<hbm>>
    %dma_start3A_164 = arith.constant 0 : i32
    %dma_start3A_165 = tpu.memref_slice %arg6[%dma_start3A_158, %dma_start3A_164] : memref<21x800xi32, #tpu.memory_space<vmem>> -> memref<1x800xi32, #tpu.memory_space<vmem>>
    %dma_start3A_166 = tpu.memref_squeeze %dma_start3A_165 : memref<1x800xi32, #tpu.memory_space<vmem>> -> memref<800xi32, #tpu.memory_space<vmem>>
    %dma_start3A_167 = tpu.memref_slice %arg2[%dma_start3A_157, %mul3A_2] : memref<21x25600xi32, #tpu.memory_space<hbm>> -> memref<1x800xi32, #tpu.memory_space<hbm>>
    %dma_start3A_168 = tpu.memref_squeeze %dma_start3A_167 : memref<1x800xi32, #tpu.memory_space<hbm>> -> memref<800xi32, #tpu.memory_space<hbm>>
    tpu.enqueue_dma source(%dma_start3A_168 : memref<800xi32, #tpu.memory_space<hbm>>) target(%dma_start3A_166 : memref<800xi32, #tpu.memory_space<vmem>>) target_semaphore(%arg14 : memref<!tpu.dma_semaphore, #tpu.memory_space<semaphore_mem>>)
    %dma_start3A_169 = arith.constant 12 : i32
    %dma_start3A_170 = arith.constant 12 : i32
    %dma_start3A_171 = arith.constant 0 : i32
    %dma_start3A_172 = tpu.memref_slice %arg6[%dma_start3A_170, %dma_start3A_171] : memref<21x800xi32, #tpu.memory_space<vmem>> -> memref<1x800xi32, #tpu.memory_space<vmem>>
    %dma_start3A_173 = tpu.memref_squeeze %dma_start3A_172 : memref<1x800xi32, #tpu.memory_space<vmem>> -> memref<800xi32, #tpu.memory_space<vmem>>
    %dma_start3A_174 = tpu.memref_slice %arg2[%dma_start3A_169, %mul3A_2] : memref<21x25600xi32, #tpu.memory_space<hbm>> -> memref<1x800xi32, #tpu.memory_space<hbm>>
    %dma_start3A_175 = tpu.memref_squeeze %dma_start3A_174 : memref<1x800xi32, #tpu.memory_space<hbm>> -> memref<800xi32, #tpu.memory_space<hbm>>
    %dma_start3A_176 = arith.constant 0 : i32
    %dma_start3A_177 = tpu.memref_slice %arg6[%dma_start3A_170, %dma_start3A_176] : memref<21x800xi32, #tpu.memory_space<vmem>> -> memref<1x800xi32, #tpu.memory_space<vmem>>
    %dma_start3A_178 = tpu.memref_squeeze %dma_start3A_177 : memref<1x800xi32, #tpu.memory_space<vmem>> -> memref<800xi32, #tpu.memory_space<vmem>>
    %dma_start3A_179 = tpu.memref_slice %arg2[%dma_start3A_169, %mul3A_2] : memref<21x25600xi32, #tpu.memory_space<hbm>> -> memref<1x800xi32, #tpu.memory_space<hbm>>
    %dma_start3A_180 = tpu.memref_squeeze %dma_start3A_179 : memref<1x800xi32, #tpu.memory_space<hbm>> -> memref<800xi32, #tpu.memory_space<hbm>>
    tpu.enqueue_dma source(%dma_start3A_180 : memref<800xi32, #tpu.memory_space<hbm>>) target(%dma_start3A_178 : memref<800xi32, #tpu.memory_space<vmem>>) target_semaphore(%arg14 : memref<!tpu.dma_semaphore, #tpu.memory_space<semaphore_mem>>)
    %dma_start3A_181 = arith.constant 13 : i32
    %dma_start3A_182 = arith.constant 13 : i32
    %dma_start3A_183 = arith.constant 0 : i32
    %dma_start3A_184 = tpu.memref_slice %arg6[%dma_start3A_182, %dma_start3A_183] : memref<21x800xi32, #tpu.memory_space<vmem>> -> memref<1x800xi32, #tpu.memory_space<vmem>>
    %dma_start3A_185 = tpu.memref_squeeze %dma_start3A_184 : memref<1x800xi32, #tpu.memory_space<vmem>> -> memref<800xi32, #tpu.memory_space<vmem>>
    %dma_start3A_186 = tpu.memref_slice %arg2[%dma_start3A_181, %mul3A_2] : memref<21x25600xi32, #tpu.memory_space<hbm>> -> memref<1x800xi32, #tpu.memory_space<hbm>>
    %dma_start3A_187 = tpu.memref_squeeze %dma_start3A_186 : memref<1x800xi32, #tpu.memory_space<hbm>> -> memref<800xi32, #tpu.memory_space<hbm>>
    %dma_start3A_188 = arith.constant 0 : i32
    %dma_start3A_189 = tpu.memref_slice %arg6[%dma_start3A_182, %dma_start3A_188] : memref<21x800xi32, #tpu.memory_space<vmem>> -> memref<1x800xi32, #tpu.memory_space<vmem>>
    %dma_start3A_190 = tpu.memref_squeeze %dma_start3A_189 : memref<1x800xi32, #tpu.memory_space<vmem>> -> memref<800xi32, #tpu.memory_space<vmem>>
    %dma_start3A_191 = tpu.memref_slice %arg2[%dma_start3A_181, %mul3A_2] : memref<21x25600xi32, #tpu.memory_space<hbm>> -> memref<1x800xi32, #tpu.memory_space<hbm>>
    %dma_start3A_192 = tpu.memref_squeeze %dma_start3A_191 : memref<1x800xi32, #tpu.memory_space<hbm>> -> memref<800xi32, #tpu.memory_space<hbm>>
    tpu.enqueue_dma source(%dma_start3A_192 : memref<800xi32, #tpu.memory_space<hbm>>) target(%dma_start3A_190 : memref<800xi32, #tpu.memory_space<vmem>>) target_semaphore(%arg14 : memref<!tpu.dma_semaphore, #tpu.memory_space<semaphore_mem>>)
    %dma_start3A_193 = arith.constant 14 : i32
    %dma_start3A_194 = arith.constant 14 : i32
    %dma_start3A_195 = arith.constant 0 : i32
    %dma_start3A_196 = tpu.memref_slice %arg6[%dma_start3A_194, %dma_start3A_195] : memref<21x800xi32, #tpu.memory_space<vmem>> -> memref<1x800xi32, #tpu.memory_space<vmem>>
    %dma_start3A_197 = tpu.memref_squeeze %dma_start3A_196 : memref<1x800xi32, #tpu.memory_space<vmem>> -> memref<800xi32, #tpu.memory_space<vmem>>
    %dma_start3A_198 = tpu.memref_slice %arg2[%dma_start3A_193, %mul3A_2] : memref<21x25600xi32, #tpu.memory_space<hbm>> -> memref<1x800xi32, #tpu.memory_space<hbm>>
    %dma_start3A_199 = tpu.memref_squeeze %dma_start3A_198 : memref<1x800xi32, #tpu.memory_space<hbm>> -> memref<800xi32, #tpu.memory_space<hbm>>
    %dma_start3A_200 = arith.constant 0 : i32
    %dma_start3A_201 = tpu.memref_slice %arg6[%dma_start3A_194, %dma_start3A_200] : memref<21x800xi32, #tpu.memory_space<vmem>> -> memref<1x800xi32, #tpu.memory_space<vmem>>
    %dma_start3A_202 = tpu.memref_squeeze %dma_start3A_201 : memref<1x800xi32, #tpu.memory_space<vmem>> -> memref<800xi32, #tpu.memory_space<vmem>>
    %dma_start3A_203 = tpu.memref_slice %arg2[%dma_start3A_193, %mul3A_2] : memref<21x25600xi32, #tpu.memory_space<hbm>> -> memref<1x800xi32, #tpu.memory_space<hbm>>
    %dma_start3A_204 = tpu.memref_squeeze %dma_start3A_203 : memref<1x800xi32, #tpu.memory_space<hbm>> -> memref<800xi32, #tpu.memory_space<hbm>>
    tpu.enqueue_dma source(%dma_start3A_204 : memref<800xi32, #tpu.memory_space<hbm>>) target(%dma_start3A_202 : memref<800xi32, #tpu.memory_space<vmem>>) target_semaphore(%arg14 : memref<!tpu.dma_semaphore, #tpu.memory_space<semaphore_mem>>)
    %dma_start3A_205 = arith.constant 15 : i32
    %dma_start3A_206 = arith.constant 15 : i32
    %dma_start3A_207 = arith.constant 0 : i32
    %dma_start3A_208 = tpu.memref_slice %arg6[%dma_start3A_206, %dma_start3A_207] : memref<21x800xi32, #tpu.memory_space<vmem>> -> memref<1x800xi32, #tpu.memory_space<vmem>>
    %dma_start3A_209 = tpu.memref_squeeze %dma_start3A_208 : memref<1x800xi32, #tpu.memory_space<vmem>> -> memref<800xi32, #tpu.memory_space<vmem>>
    %dma_start3A_210 = tpu.memref_slice %arg2[%dma_start3A_205, %mul3A_2] : memref<21x25600xi32, #tpu.memory_space<hbm>> -> memref<1x800xi32, #tpu.memory_space<hbm>>
    %dma_start3A_211 = tpu.memref_squeeze %dma_start3A_210 : memref<1x800xi32, #tpu.memory_space<hbm>> -> memref<800xi32, #tpu.memory_space<hbm>>
    %dma_start3A_212 = arith.constant 0 : i32
    %dma_start3A_213 = tpu.memref_slice %arg6[%dma_start3A_206, %dma_start3A_212] : memref<21x800xi32, #tpu.memory_space<vmem>> -> memref<1x800xi32, #tpu.memory_space<vmem>>
    %dma_start3A_214 = tpu.memref_squeeze %dma_start3A_213 : memref<1x800xi32, #tpu.memory_space<vmem>> -> memref<800xi32, #tpu.memory_space<vmem>>
    %dma_start3A_215 = tpu.memref_slice %arg2[%dma_start3A_205, %mul3A_2] : memref<21x25600xi32, #tpu.memory_space<hbm>> -> memref<1x800xi32, #tpu.memory_space<hbm>>
    %dma_start3A_216 = tpu.memref_squeeze %dma_start3A_215 : memref<1x800xi32, #tpu.memory_space<hbm>> -> memref<800xi32, #tpu.memory_space<hbm>>
    tpu.enqueue_dma source(%dma_start3A_216 : memref<800xi32, #tpu.memory_space<hbm>>) target(%dma_start3A_214 : memref<800xi32, #tpu.memory_space<vmem>>) target_semaphore(%arg14 : memref<!tpu.dma_semaphore, #tpu.memory_space<semaphore_mem>>)
    %dma_start3A_217 = arith.constant 16 : i32
    %dma_start3A_218 = arith.constant 16 : i32
    %dma_start3A_219 = arith.constant 0 : i32
    %dma_start3A_220 = tpu.memref_slice %arg6[%dma_start3A_218, %dma_start3A_219] : memref<21x800xi32, #tpu.memory_space<vmem>> -> memref<1x800xi32, #tpu.memory_space<vmem>>
    %dma_start3A_221 = tpu.memref_squeeze %dma_start3A_220 : memref<1x800xi32, #tpu.memory_space<vmem>> -> memref<800xi32, #tpu.memory_space<vmem>>
    %dma_start3A_222 = tpu.memref_slice %arg2[%dma_start3A_217, %mul3A_2] : memref<21x25600xi32, #tpu.memory_space<hbm>> -> memref<1x800xi32, #tpu.memory_space<hbm>>
    %dma_start3A_223 = tpu.memref_squeeze %dma_start3A_222 : memref<1x800xi32, #tpu.memory_space<hbm>> -> memref<800xi32, #tpu.memory_space<hbm>>
    %dma_start3A_224 = arith.constant 0 : i32
    %dma_start3A_225 = tpu.memref_slice %arg6[%dma_start3A_218, %dma_start3A_224] : memref<21x800xi32, #tpu.memory_space<vmem>> -> memref<1x800xi32, #tpu.memory_space<vmem>>
    %dma_start3A_226 = tpu.memref_squeeze %dma_start3A_225 : memref<1x800xi32, #tpu.memory_space<vmem>> -> memref<800xi32, #tpu.memory_space<vmem>>
    %dma_start3A_227 = tpu.memref_slice %arg2[%dma_start3A_217, %mul3A_2] : memref<21x25600xi32, #tpu.memory_space<hbm>> -> memref<1x800xi32, #tpu.memory_space<hbm>>
    %dma_start3A_228 = tpu.memref_squeeze %dma_start3A_227 : memref<1x800xi32, #tpu.memory_space<hbm>> -> memref<800xi32, #tpu.memory_space<hbm>>
    tpu.enqueue_dma source(%dma_start3A_228 : memref<800xi32, #tpu.memory_space<hbm>>) target(%dma_start3A_226 : memref<800xi32, #tpu.memory_space<vmem>>) target_semaphore(%arg14 : memref<!tpu.dma_semaphore, #tpu.memory_space<semaphore_mem>>)
    %dma_start3A_229 = arith.constant 17 : i32
    %dma_start3A_230 = arith.constant 17 : i32
    %dma_start3A_231 = arith.constant 0 : i32
    %dma_start3A_232 = tpu.memref_slice %arg6[%dma_start3A_230, %dma_start3A_231] : memref<21x800xi32, #tpu.memory_space<vmem>> -> memref<1x800xi32, #tpu.memory_space<vmem>>
    %dma_start3A_233 = tpu.memref_squeeze %dma_start3A_232 : memref<1x800xi32, #tpu.memory_space<vmem>> -> memref<800xi32, #tpu.memory_space<vmem>>
    %dma_start3A_234 = tpu.memref_slice %arg2[%dma_start3A_229, %mul3A_2] : memref<21x25600xi32, #tpu.memory_space<hbm>> -> memref<1x800xi32, #tpu.memory_space<hbm>>
    %dma_start3A_235 = tpu.memref_squeeze %dma_start3A_234 : memref<1x800xi32, #tpu.memory_space<hbm>> -> memref<800xi32, #tpu.memory_space<hbm>>
    %dma_start3A_236 = arith.constant 0 : i32
    %dma_start3A_237 = tpu.memref_slice %arg6[%dma_start3A_230, %dma_start3A_236] : memref<21x800xi32, #tpu.memory_space<vmem>> -> memref<1x800xi32, #tpu.memory_space<vmem>>
    %dma_start3A_238 = tpu.memref_squeeze %dma_start3A_237 : memref<1x800xi32, #tpu.memory_space<vmem>> -> memref<800xi32, #tpu.memory_space<vmem>>
    %dma_start3A_239 = tpu.memref_slice %arg2[%dma_start3A_229, %mul3A_2] : memref<21x25600xi32, #tpu.memory_space<hbm>> -> memref<1x800xi32, #tpu.memory_space<hbm>>
    %dma_start3A_240 = tpu.memref_squeeze %dma_start3A_239 : memref<1x800xi32, #tpu.memory_space<hbm>> -> memref<800xi32, #tpu.memory_space<hbm>>
    tpu.enqueue_dma source(%dma_start3A_240 : memref<800xi32, #tpu.memory_space<hbm>>) target(%dma_start3A_238 : memref<800xi32, #tpu.memory_space<vmem>>) target_semaphore(%arg14 : memref<!tpu.dma_semaphore, #tpu.memory_space<semaphore_mem>>)
    %dma_start3A_241 = arith.constant 18 : i32
    %dma_start3A_242 = arith.constant 18 : i32
    %dma_start3A_243 = arith.constant 0 : i32
    %dma_start3A_244 = tpu.memref_slice %arg6[%dma_start3A_242, %dma_start3A_243] : memref<21x800xi32, #tpu.memory_space<vmem>> -> memref<1x800xi32, #tpu.memory_space<vmem>>
    %dma_start3A_245 = tpu.memref_squeeze %dma_start3A_244 : memref<1x800xi32, #tpu.memory_space<vmem>> -> memref<800xi32, #tpu.memory_space<vmem>>
    %dma_start3A_246 = tpu.memref_slice %arg2[%dma_start3A_241, %mul3A_2] : memref<21x25600xi32, #tpu.memory_space<hbm>> -> memref<1x800xi32, #tpu.memory_space<hbm>>
    %dma_start3A_247 = tpu.memref_squeeze %dma_start3A_246 : memref<1x800xi32, #tpu.memory_space<hbm>> -> memref<800xi32, #tpu.memory_space<hbm>>
    %dma_start3A_248 = arith.constant 0 : i32
    %dma_start3A_249 = tpu.memref_slice %arg6[%dma_start3A_242, %dma_start3A_248] : memref<21x800xi32, #tpu.memory_space<vmem>> -> memref<1x800xi32, #tpu.memory_space<vmem>>
    %dma_start3A_250 = tpu.memref_squeeze %dma_start3A_249 : memref<1x800xi32, #tpu.memory_space<vmem>> -> memref<800xi32, #tpu.memory_space<vmem>>
    %dma_start3A_251 = tpu.memref_slice %arg2[%dma_start3A_241, %mul3A_2] : memref<21x25600xi32, #tpu.memory_space<hbm>> -> memref<1x800xi32, #tpu.memory_space<hbm>>
    %dma_start3A_252 = tpu.memref_squeeze %dma_start3A_251 : memref<1x800xi32, #tpu.memory_space<hbm>> -> memref<800xi32, #tpu.memory_space<hbm>>
    tpu.enqueue_dma source(%dma_start3A_252 : memref<800xi32, #tpu.memory_space<hbm>>) target(%dma_start3A_250 : memref<800xi32, #tpu.memory_space<vmem>>) target_semaphore(%arg14 : memref<!tpu.dma_semaphore, #tpu.memory_space<semaphore_mem>>)
    %dma_start3A_253 = arith.constant 19 : i32
    %dma_start3A_254 = arith.constant 19 : i32
    %dma_start3A_255 = arith.constant 0 : i32
    %dma_start3A_256 = tpu.memref_slice %arg6[%dma_start3A_254, %dma_start3A_255] : memref<21x800xi32, #tpu.memory_space<vmem>> -> memref<1x800xi32, #tpu.memory_space<vmem>>
    %dma_start3A_257 = tpu.memref_squeeze %dma_start3A_256 : memref<1x800xi32, #tpu.memory_space<vmem>> -> memref<800xi32, #tpu.memory_space<vmem>>
    %dma_start3A_258 = tpu.memref_slice %arg2[%dma_start3A_253, %mul3A_2] : memref<21x25600xi32, #tpu.memory_space<hbm>> -> memref<1x800xi32, #tpu.memory_space<hbm>>
    %dma_start3A_259 = tpu.memref_squeeze %dma_start3A_258 : memref<1x800xi32, #tpu.memory_space<hbm>> -> memref<800xi32, #tpu.memory_space<hbm>>
    %dma_start3A_260 = arith.constant 0 : i32
    %dma_start3A_261 = tpu.memref_slice %arg6[%dma_start3A_254, %dma_start3A_260] : memref<21x800xi32, #tpu.memory_space<vmem>> -> memref<1x800xi32, #tpu.memory_space<vmem>>
    %dma_start3A_262 = tpu.memref_squeeze %dma_start3A_261 : memref<1x800xi32, #tpu.memory_space<vmem>> -> memref<800xi32, #tpu.memory_space<vmem>>
    %dma_start3A_263 = tpu.memref_slice %arg2[%dma_start3A_253, %mul3A_2] : memref<21x25600xi32, #tpu.memory_space<hbm>> -> memref<1x800xi32, #tpu.memory_space<hbm>>
    %dma_start3A_264 = tpu.memref_squeeze %dma_start3A_263 : memref<1x800xi32, #tpu.memory_space<hbm>> -> memref<800xi32, #tpu.memory_space<hbm>>
    tpu.enqueue_dma source(%dma_start3A_264 : memref<800xi32, #tpu.memory_space<hbm>>) target(%dma_start3A_262 : memref<800xi32, #tpu.memory_space<vmem>>) target_semaphore(%arg14 : memref<!tpu.dma_semaphore, #tpu.memory_space<semaphore_mem>>)
    %dma_start3A_265 = arith.constant 20 : i32
    %dma_start3A_266 = arith.constant 20 : i32
    %dma_start3A_267 = arith.constant 0 : i32
    %dma_start3A_268 = tpu.memref_slice %arg6[%dma_start3A_266, %dma_start3A_267] : memref<21x800xi32, #tpu.memory_space<vmem>> -> memref<1x800xi32, #tpu.memory_space<vmem>>
    %dma_start3A_269 = tpu.memref_squeeze %dma_start3A_268 : memref<1x800xi32, #tpu.memory_space<vmem>> -> memref<800xi32, #tpu.memory_space<vmem>>
    %dma_start3A_270 = tpu.memref_slice %arg2[%dma_start3A_265, %mul3A_2] : memref<21x25600xi32, #tpu.memory_space<hbm>> -> memref<1x800xi32, #tpu.memory_space<hbm>>
    %dma_start3A_271 = tpu.memref_squeeze %dma_start3A_270 : memref<1x800xi32, #tpu.memory_space<hbm>> -> memref<800xi32, #tpu.memory_space<hbm>>
    %dma_start3A_272 = arith.constant 0 : i32
    %dma_start3A_273 = tpu.memref_slice %arg6[%dma_start3A_266, %dma_start3A_272] : memref<21x800xi32, #tpu.memory_space<vmem>> -> memref<1x800xi32, #tpu.memory_space<vmem>>
    %dma_start3A_274 = tpu.memref_squeeze %dma_start3A_273 : memref<1x800xi32, #tpu.memory_space<vmem>> -> memref<800xi32, #tpu.memory_space<vmem>>
    %dma_start3A_275 = tpu.memref_slice %arg2[%dma_start3A_265, %mul3A_2] : memref<21x25600xi32, #tpu.memory_space<hbm>> -> memref<1x800xi32, #tpu.memory_space<hbm>>
    %dma_start3A_276 = tpu.memref_squeeze %dma_start3A_275 : memref<1x800xi32, #tpu.memory_space<hbm>> -> memref<800xi32, #tpu.memory_space<hbm>>
    tpu.enqueue_dma source(%dma_start3A_276 : memref<800xi32, #tpu.memory_space<hbm>>) target(%dma_start3A_274 : memref<800xi32, #tpu.memory_space<vmem>>) target_semaphore(%arg14 : memref<!tpu.dma_semaphore, #tpu.memory_space<semaphore_mem>>)
    %dma_wait3A_277 = arith.constant 1 : i32
    %dma_wait3A_278 = arith.constant 1 : i32
    %dma_wait3A_279 = arith.constant 0 : i32
    %dma_wait3A_280 = tpu.memref_slice %arg6[%dma_wait3A_278, %dma_wait3A_279] : memref<21x800xi32, #tpu.memory_space<vmem>> -> memref<1x800xi32, #tpu.memory_space<vmem>>
    %dma_wait3A_281 = tpu.memref_squeeze %dma_wait3A_280 : memref<1x800xi32, #tpu.memory_space<vmem>> -> memref<800xi32, #tpu.memory_space<vmem>>
    %dma_wait3A_282 = tpu.memref_slice %arg2[%dma_wait3A_277, %mul3A_2] : memref<21x25600xi32, #tpu.memory_space<hbm>> -> memref<1x800xi32, #tpu.memory_space<hbm>>
    %dma_wait3A_283 = tpu.memref_squeeze %dma_wait3A_282 : memref<1x800xi32, #tpu.memory_space<hbm>> -> memref<800xi32, #tpu.memory_space<hbm>>
    %dma_wait3A_284 = arith.constant 0 : i32
    %dma_wait3A_285 = tpu.memref_slice %arg6[%dma_wait3A_278, %dma_wait3A_284] : memref<21x800xi32, #tpu.memory_space<vmem>> -> memref<1x800xi32, #tpu.memory_space<vmem>>
    %dma_wait3A_286 = tpu.memref_squeeze %dma_wait3A_285 : memref<1x800xi32, #tpu.memory_space<vmem>> -> memref<800xi32, #tpu.memory_space<vmem>>
    %dma_wait3A_287 = tpu.memref_slice %arg2[%dma_wait3A_277, %mul3A_2] : memref<21x25600xi32, #tpu.memory_space<hbm>> -> memref<1x800xi32, #tpu.memory_space<hbm>>
    %dma_wait3A_288 = tpu.memref_squeeze %dma_wait3A_287 : memref<1x800xi32, #tpu.memory_space<hbm>> -> memref<800xi32, #tpu.memory_space<hbm>>
    tpu.wait_dma2 semaphore(%arg14 : memref<!tpu.dma_semaphore, #tpu.memory_space<semaphore_mem>>) src(%dma_wait3A_288 : memref<800xi32, #tpu.memory_space<hbm>>) dst(%dma_wait3A_286 : memref<800xi32, #tpu.memory_space<vmem>>)
    %dma_wait3A_289 = arith.constant 2 : i32
    %dma_wait3A_290 = arith.constant 2 : i32
    %dma_wait3A_291 = arith.constant 0 : i32
    %dma_wait3A_292 = tpu.memref_slice %arg6[%dma_wait3A_290, %dma_wait3A_291] : memref<21x800xi32, #tpu.memory_space<vmem>> -> memref<1x800xi32, #tpu.memory_space<vmem>>
    %dma_wait3A_293 = tpu.memref_squeeze %dma_wait3A_292 : memref<1x800xi32, #tpu.memory_space<vmem>> -> memref<800xi32, #tpu.memory_space<vmem>>
    %dma_wait3A_294 = tpu.memref_slice %arg2[%dma_wait3A_289, %mul3A_2] : memref<21x25600xi32, #tpu.memory_space<hbm>> -> memref<1x800xi32, #tpu.memory_space<hbm>>
    %dma_wait3A_295 = tpu.memref_squeeze %dma_wait3A_294 : memref<1x800xi32, #tpu.memory_space<hbm>> -> memref<800xi32, #tpu.memory_space<hbm>>
    %dma_wait3A_296 = arith.constant 0 : i32
    %dma_wait3A_297 = tpu.memref_slice %arg6[%dma_wait3A_290, %dma_wait3A_296] : memref<21x800xi32, #tpu.memory_space<vmem>> -> memref<1x800xi32, #tpu.memory_space<vmem>>
    %dma_wait3A_298 = tpu.memref_squeeze %dma_wait3A_297 : memref<1x800xi32, #tpu.memory_space<vmem>> -> memref<800xi32, #tpu.memory_space<vmem>>
    %dma_wait3A_299 = tpu.memref_slice %arg2[%dma_wait3A_289, %mul3A_2] : memref<21x25600xi32, #tpu.memory_space<hbm>> -> memref<1x800xi32, #tpu.memory_space<hbm>>
    %dma_wait3A_300 = tpu.memref_squeeze %dma_wait3A_299 : memref<1x800xi32, #tpu.memory_space<hbm>> -> memref<800xi32, #tpu.memory_space<hbm>>
    tpu.wait_dma2 semaphore(%arg14 : memref<!tpu.dma_semaphore, #tpu.memory_space<semaphore_mem>>) src(%dma_wait3A_300 : memref<800xi32, #tpu.memory_space<hbm>>) dst(%dma_wait3A_298 : memref<800xi32, #tpu.memory_space<vmem>>)
    %dma_wait3A_301 = arith.constant 3 : i32
    %dma_wait3A_302 = arith.constant 3 : i32
    %dma_wait3A_303 = arith.constant 0 : i32
    %dma_wait3A_304 = tpu.memref_slice %arg6[%dma_wait3A_302, %dma_wait3A_303] : memref<21x800xi32, #tpu.memory_space<vmem>> -> memref<1x800xi32, #tpu.memory_space<vmem>>
    %dma_wait3A_305 = tpu.memref_squeeze %dma_wait3A_304 : memref<1x800xi32, #tpu.memory_space<vmem>> -> memref<800xi32, #tpu.memory_space<vmem>>
    %dma_wait3A_306 = tpu.memref_slice %arg2[%dma_wait3A_301, %mul3A_2] : memref<21x25600xi32, #tpu.memory_space<hbm>> -> memref<1x800xi32, #tpu.memory_space<hbm>>
    %dma_wait3A_307 = tpu.memref_squeeze %dma_wait3A_306 : memref<1x800xi32, #tpu.memory_space<hbm>> -> memref<800xi32, #tpu.memory_space<hbm>>
    %dma_wait3A_308 = arith.constant 0 : i32
    %dma_wait3A_309 = tpu.memref_slice %arg6[%dma_wait3A_302, %dma_wait3A_308] : memref<21x800xi32, #tpu.memory_space<vmem>> -> memref<1x800xi32, #tpu.memory_space<vmem>>
    %dma_wait3A_310 = tpu.memref_squeeze %dma_wait3A_309 : memref<1x800xi32, #tpu.memory_space<vmem>> -> memref<800xi32, #tpu.memory_space<vmem>>
    %dma_wait3A_311 = tpu.memref_slice %arg2[%dma_wait3A_301, %mul3A_2] : memref<21x25600xi32, #tpu.memory_space<hbm>> -> memref<1x800xi32, #tpu.memory_space<hbm>>
    %dma_wait3A_312 = tpu.memref_squeeze %dma_wait3A_311 : memref<1x800xi32, #tpu.memory_space<hbm>> -> memref<800xi32, #tpu.memory_space<hbm>>
    tpu.wait_dma2 semaphore(%arg14 : memref<!tpu.dma_semaphore, #tpu.memory_space<semaphore_mem>>) src(%dma_wait3A_312 : memref<800xi32, #tpu.memory_space<hbm>>) dst(%dma_wait3A_310 : memref<800xi32, #tpu.memory_space<vmem>>)
    %dma_wait3A_313 = arith.constant 4 : i32
    %dma_wait3A_314 = arith.constant 4 : i32
    %dma_wait3A_315 = arith.constant 0 : i32
    %dma_wait3A_316 = tpu.memref_slice %arg6[%dma_wait3A_314, %dma_wait3A_315] : memref<21x800xi32, #tpu.memory_space<vmem>> -> memref<1x800xi32, #tpu.memory_space<vmem>>
    %dma_wait3A_317 = tpu.memref_squeeze %dma_wait3A_316 : memref<1x800xi32, #tpu.memory_space<vmem>> -> memref<800xi32, #tpu.memory_space<vmem>>
    %dma_wait3A_318 = tpu.memref_slice %arg2[%dma_wait3A_313, %mul3A_2] : memref<21x25600xi32, #tpu.memory_space<hbm>> -> memref<1x800xi32, #tpu.memory_space<hbm>>
    %dma_wait3A_319 = tpu.memref_squeeze %dma_wait3A_318 : memref<1x800xi32, #tpu.memory_space<hbm>> -> memref<800xi32, #tpu.memory_space<hbm>>
    %dma_wait3A_320 = arith.constant 0 : i32
    %dma_wait3A_321 = tpu.memref_slice %arg6[%dma_wait3A_314, %dma_wait3A_320] : memref<21x800xi32, #tpu.memory_space<vmem>> -> memref<1x800xi32, #tpu.memory_space<vmem>>
    %dma_wait3A_322 = tpu.memref_squeeze %dma_wait3A_321 : memref<1x800xi32, #tpu.memory_space<vmem>> -> memref<800xi32, #tpu.memory_space<vmem>>
    %dma_wait3A_323 = tpu.memref_slice %arg2[%dma_wait3A_313, %mul3A_2] : memref<21x25600xi32, #tpu.memory_space<hbm>> -> memref<1x800xi32, #tpu.memory_space<hbm>>
    %dma_wait3A_324 = tpu.memref_squeeze %dma_wait3A_323 : memref<1x800xi32, #tpu.memory_space<hbm>> -> memref<800xi32, #tpu.memory_space<hbm>>
    tpu.wait_dma2 semaphore(%arg14 : memref<!tpu.dma_semaphore, #tpu.memory_space<semaphore_mem>>) src(%dma_wait3A_324 : memref<800xi32, #tpu.memory_space<hbm>>) dst(%dma_wait3A_322 : memref<800xi32, #tpu.memory_space<vmem>>)
    %dma_wait3A_325 = arith.constant 5 : i32
    %dma_wait3A_326 = arith.constant 5 : i32
    %dma_wait3A_327 = arith.constant 0 : i32
    %dma_wait3A_328 = tpu.memref_slice %arg6[%dma_wait3A_326, %dma_wait3A_327] : memref<21x800xi32, #tpu.memory_space<vmem>> -> memref<1x800xi32, #tpu.memory_space<vmem>>
    %dma_wait3A_329 = tpu.memref_squeeze %dma_wait3A_328 : memref<1x800xi32, #tpu.memory_space<vmem>> -> memref<800xi32, #tpu.memory_space<vmem>>
    %dma_wait3A_330 = tpu.memref_slice %arg2[%dma_wait3A_325, %mul3A_2] : memref<21x25600xi32, #tpu.memory_space<hbm>> -> memref<1x800xi32, #tpu.memory_space<hbm>>
    %dma_wait3A_331 = tpu.memref_squeeze %dma_wait3A_330 : memref<1x800xi32, #tpu.memory_space<hbm>> -> memref<800xi32, #tpu.memory_space<hbm>>
    %dma_wait3A_332 = arith.constant 0 : i32
    %dma_wait3A_333 = tpu.memref_slice %arg6[%dma_wait3A_326, %dma_wait3A_332] : memref<21x800xi32, #tpu.memory_space<vmem>> -> memref<1x800xi32, #tpu.memory_space<vmem>>
    %dma_wait3A_334 = tpu.memref_squeeze %dma_wait3A_333 : memref<1x800xi32, #tpu.memory_space<vmem>> -> memref<800xi32, #tpu.memory_space<vmem>>
    %dma_wait3A_335 = tpu.memref_slice %arg2[%dma_wait3A_325, %mul3A_2] : memref<21x25600xi32, #tpu.memory_space<hbm>> -> memref<1x800xi32, #tpu.memory_space<hbm>>
    %dma_wait3A_336 = tpu.memref_squeeze %dma_wait3A_335 : memref<1x800xi32, #tpu.memory_space<hbm>> -> memref<800xi32, #tpu.memory_space<hbm>>
    tpu.wait_dma2 semaphore(%arg14 : memref<!tpu.dma_semaphore, #tpu.memory_space<semaphore_mem>>) src(%dma_wait3A_336 : memref<800xi32, #tpu.memory_space<hbm>>) dst(%dma_wait3A_334 : memref<800xi32, #tpu.memory_space<vmem>>)
    %dma_wait3A_337 = arith.constant 6 : i32
    %dma_wait3A_338 = arith.constant 6 : i32
    %dma_wait3A_339 = arith.constant 0 : i32
    %dma_wait3A_340 = tpu.memref_slice %arg6[%dma_wait3A_338, %dma_wait3A_339] : memref<21x800xi32, #tpu.memory_space<vmem>> -> memref<1x800xi32, #tpu.memory_space<vmem>>
    %dma_wait3A_341 = tpu.memref_squeeze %dma_wait3A_340 : memref<1x800xi32, #tpu.memory_space<vmem>> -> memref<800xi32, #tpu.memory_space<vmem>>
    %dma_wait3A_342 = tpu.memref_slice %arg2[%dma_wait3A_337, %mul3A_2] : memref<21x25600xi32, #tpu.memory_space<hbm>> -> memref<1x800xi32, #tpu.memory_space<hbm>>
    %dma_wait3A_343 = tpu.memref_squeeze %dma_wait3A_342 : memref<1x800xi32, #tpu.memory_space<hbm>> -> memref<800xi32, #tpu.memory_space<hbm>>
    %dma_wait3A_344 = arith.constant 0 : i32
    %dma_wait3A_345 = tpu.memref_slice %arg6[%dma_wait3A_338, %dma_wait3A_344] : memref<21x800xi32, #tpu.memory_space<vmem>> -> memref<1x800xi32, #tpu.memory_space<vmem>>
    %dma_wait3A_346 = tpu.memref_squeeze %dma_wait3A_345 : memref<1x800xi32, #tpu.memory_space<vmem>> -> memref<800xi32, #tpu.memory_space<vmem>>
    %dma_wait3A_347 = tpu.memref_slice %arg2[%dma_wait3A_337, %mul3A_2] : memref<21x25600xi32, #tpu.memory_space<hbm>> -> memref<1x800xi32, #tpu.memory_space<hbm>>
    %dma_wait3A_348 = tpu.memref_squeeze %dma_wait3A_347 : memref<1x800xi32, #tpu.memory_space<hbm>> -> memref<800xi32, #tpu.memory_space<hbm>>
    tpu.wait_dma2 semaphore(%arg14 : memref<!tpu.dma_semaphore, #tpu.memory_space<semaphore_mem>>) src(%dma_wait3A_348 : memref<800xi32, #tpu.memory_space<hbm>>) dst(%dma_wait3A_346 : memref<800xi32, #tpu.memory_space<vmem>>)
    %dma_wait3A_349 = arith.constant 7 : i32
    %dma_wait3A_350 = arith.constant 7 : i32
    %dma_wait3A_351 = arith.constant 0 : i32
    %dma_wait3A_352 = tpu.memref_slice %arg6[%dma_wait3A_350, %dma_wait3A_351] : memref<21x800xi32, #tpu.memory_space<vmem>> -> memref<1x800xi32, #tpu.memory_space<vmem>>
    %dma_wait3A_353 = tpu.memref_squeeze %dma_wait3A_352 : memref<1x800xi32, #tpu.memory_space<vmem>> -> memref<800xi32, #tpu.memory_space<vmem>>
    %dma_wait3A_354 = tpu.memref_slice %arg2[%dma_wait3A_349, %mul3A_2] : memref<21x25600xi32, #tpu.memory_space<hbm>> -> memref<1x800xi32, #tpu.memory_space<hbm>>
    %dma_wait3A_355 = tpu.memref_squeeze %dma_wait3A_354 : memref<1x800xi32, #tpu.memory_space<hbm>> -> memref<800xi32, #tpu.memory_space<hbm>>
    %dma_wait3A_356 = arith.constant 0 : i32
    %dma_wait3A_357 = tpu.memref_slice %arg6[%dma_wait3A_350, %dma_wait3A_356] : memref<21x800xi32, #tpu.memory_space<vmem>> -> memref<1x800xi32, #tpu.memory_space<vmem>>
    %dma_wait3A_358 = tpu.memref_squeeze %dma_wait3A_357 : memref<1x800xi32, #tpu.memory_space<vmem>> -> memref<800xi32, #tpu.memory_space<vmem>>
    %dma_wait3A_359 = tpu.memref_slice %arg2[%dma_wait3A_349, %mul3A_2] : memref<21x25600xi32, #tpu.memory_space<hbm>> -> memref<1x800xi32, #tpu.memory_space<hbm>>
    %dma_wait3A_360 = tpu.memref_squeeze %dma_wait3A_359 : memref<1x800xi32, #tpu.memory_space<hbm>> -> memref<800xi32, #tpu.memory_space<hbm>>
    tpu.wait_dma2 semaphore(%arg14 : memref<!tpu.dma_semaphore, #tpu.memory_space<semaphore_mem>>) src(%dma_wait3A_360 : memref<800xi32, #tpu.memory_space<hbm>>) dst(%dma_wait3A_358 : memref<800xi32, #tpu.memory_space<vmem>>)
    %dma_wait3A_361 = arith.constant 8 : i32
    %dma_wait3A_362 = arith.constant 8 : i32
    %dma_wait3A_363 = arith.constant 0 : i32
    %dma_wait3A_364 = tpu.memref_slice %arg6[%dma_wait3A_362, %dma_wait3A_363] : memref<21x800xi32, #tpu.memory_space<vmem>> -> memref<1x800xi32, #tpu.memory_space<vmem>>
    %dma_wait3A_365 = tpu.memref_squeeze %dma_wait3A_364 : memref<1x800xi32, #tpu.memory_space<vmem>> -> memref<800xi32, #tpu.memory_space<vmem>>
    %dma_wait3A_366 = tpu.memref_slice %arg2[%dma_wait3A_361, %mul3A_2] : memref<21x25600xi32, #tpu.memory_space<hbm>> -> memref<1x800xi32, #tpu.memory_space<hbm>>
    %dma_wait3A_367 = tpu.memref_squeeze %dma_wait3A_366 : memref<1x800xi32, #tpu.memory_space<hbm>> -> memref<800xi32, #tpu.memory_space<hbm>>
    %dma_wait3A_368 = arith.constant 0 : i32
    %dma_wait3A_369 = tpu.memref_slice %arg6[%dma_wait3A_362, %dma_wait3A_368] : memref<21x800xi32, #tpu.memory_space<vmem>> -> memref<1x800xi32, #tpu.memory_space<vmem>>
    %dma_wait3A_370 = tpu.memref_squeeze %dma_wait3A_369 : memref<1x800xi32, #tpu.memory_space<vmem>> -> memref<800xi32, #tpu.memory_space<vmem>>
    %dma_wait3A_371 = tpu.memref_slice %arg2[%dma_wait3A_361, %mul3A_2] : memref<21x25600xi32, #tpu.memory_space<hbm>> -> memref<1x800xi32, #tpu.memory_space<hbm>>
    %dma_wait3A_372 = tpu.memref_squeeze %dma_wait3A_371 : memref<1x800xi32, #tpu.memory_space<hbm>> -> memref<800xi32, #tpu.memory_space<hbm>>
    tpu.wait_dma2 semaphore(%arg14 : memref<!tpu.dma_semaphore, #tpu.memory_space<semaphore_mem>>) src(%dma_wait3A_372 : memref<800xi32, #tpu.memory_space<hbm>>) dst(%dma_wait3A_370 : memref<800xi32, #tpu.memory_space<vmem>>)
    %dma_wait3A_373 = arith.constant 9 : i32
    %dma_wait3A_374 = arith.constant 9 : i32
    %dma_wait3A_375 = arith.constant 0 : i32
    %dma_wait3A_376 = tpu.memref_slice %arg6[%dma_wait3A_374, %dma_wait3A_375] : memref<21x800xi32, #tpu.memory_space<vmem>> -> memref<1x800xi32, #tpu.memory_space<vmem>>
    %dma_wait3A_377 = tpu.memref_squeeze %dma_wait3A_376 : memref<1x800xi32, #tpu.memory_space<vmem>> -> memref<800xi32, #tpu.memory_space<vmem>>
    %dma_wait3A_378 = tpu.memref_slice %arg2[%dma_wait3A_373, %mul3A_2] : memref<21x25600xi32, #tpu.memory_space<hbm>> -> memref<1x800xi32, #tpu.memory_space<hbm>>
    %dma_wait3A_379 = tpu.memref_squeeze %dma_wait3A_378 : memref<1x800xi32, #tpu.memory_space<hbm>> -> memref<800xi32, #tpu.memory_space<hbm>>
    %dma_wait3A_380 = arith.constant 0 : i32
    %dma_wait3A_381 = tpu.memref_slice %arg6[%dma_wait3A_374, %dma_wait3A_380] : memref<21x800xi32, #tpu.memory_space<vmem>> -> memref<1x800xi32, #tpu.memory_space<vmem>>
    %dma_wait3A_382 = tpu.memref_squeeze %dma_wait3A_381 : memref<1x800xi32, #tpu.memory_space<vmem>> -> memref<800xi32, #tpu.memory_space<vmem>>
    %dma_wait3A_383 = tpu.memref_slice %arg2[%dma_wait3A_373, %mul3A_2] : memref<21x25600xi32, #tpu.memory_space<hbm>> -> memref<1x800xi32, #tpu.memory_space<hbm>>
    %dma_wait3A_384 = tpu.memref_squeeze %dma_wait3A_383 : memref<1x800xi32, #tpu.memory_space<hbm>> -> memref<800xi32, #tpu.memory_space<hbm>>
    tpu.wait_dma2 semaphore(%arg14 : memref<!tpu.dma_semaphore, #tpu.memory_space<semaphore_mem>>) src(%dma_wait3A_384 : memref<800xi32, #tpu.memory_space<hbm>>) dst(%dma_wait3A_382 : memref<800xi32, #tpu.memory_space<vmem>>)
    %dma_wait3A_385 = arith.constant 10 : i32
    %dma_wait3A_386 = arith.constant 10 : i32
    %dma_wait3A_387 = arith.constant 0 : i32
    %dma_wait3A_388 = tpu.memref_slice %arg6[%dma_wait3A_386, %dma_wait3A_387] : memref<21x800xi32, #tpu.memory_space<vmem>> -> memref<1x800xi32, #tpu.memory_space<vmem>>
    %dma_wait3A_389 = tpu.memref_squeeze %dma_wait3A_388 : memref<1x800xi32, #tpu.memory_space<vmem>> -> memref<800xi32, #tpu.memory_space<vmem>>
    %dma_wait3A_390 = tpu.memref_slice %arg2[%dma_wait3A_385, %mul3A_2] : memref<21x25600xi32, #tpu.memory_space<hbm>> -> memref<1x800xi32, #tpu.memory_space<hbm>>
    %dma_wait3A_391 = tpu.memref_squeeze %dma_wait3A_390 : memref<1x800xi32, #tpu.memory_space<hbm>> -> memref<800xi32, #tpu.memory_space<hbm>>
    %dma_wait3A_392 = arith.constant 0 : i32
    %dma_wait3A_393 = tpu.memref_slice %arg6[%dma_wait3A_386, %dma_wait3A_392] : memref<21x800xi32, #tpu.memory_space<vmem>> -> memref<1x800xi32, #tpu.memory_space<vmem>>
    %dma_wait3A_394 = tpu.memref_squeeze %dma_wait3A_393 : memref<1x800xi32, #tpu.memory_space<vmem>> -> memref<800xi32, #tpu.memory_space<vmem>>
    %dma_wait3A_395 = tpu.memref_slice %arg2[%dma_wait3A_385, %mul3A_2] : memref<21x25600xi32, #tpu.memory_space<hbm>> -> memref<1x800xi32, #tpu.memory_space<hbm>>
    %dma_wait3A_396 = tpu.memref_squeeze %dma_wait3A_395 : memref<1x800xi32, #tpu.memory_space<hbm>> -> memref<800xi32, #tpu.memory_space<hbm>>
    tpu.wait_dma2 semaphore(%arg14 : memref<!tpu.dma_semaphore, #tpu.memory_space<semaphore_mem>>) src(%dma_wait3A_396 : memref<800xi32, #tpu.memory_space<hbm>>) dst(%dma_wait3A_394 : memref<800xi32, #tpu.memory_space<vmem>>)
    %dma_wait3A_397 = arith.constant 11 : i32
    %dma_wait3A_398 = arith.constant 11 : i32
    %dma_wait3A_399 = arith.constant 0 : i32
    %dma_wait3A_400 = tpu.memref_slice %arg6[%dma_wait3A_398, %dma_wait3A_399] : memref<21x800xi32, #tpu.memory_space<vmem>> -> memref<1x800xi32, #tpu.memory_space<vmem>>
    %dma_wait3A_401 = tpu.memref_squeeze %dma_wait3A_400 : memref<1x800xi32, #tpu.memory_space<vmem>> -> memref<800xi32, #tpu.memory_space<vmem>>
    %dma_wait3A_402 = tpu.memref_slice %arg2[%dma_wait3A_397, %mul3A_2] : memref<21x25600xi32, #tpu.memory_space<hbm>> -> memref<1x800xi32, #tpu.memory_space<hbm>>
    %dma_wait3A_403 = tpu.memref_squeeze %dma_wait3A_402 : memref<1x800xi32, #tpu.memory_space<hbm>> -> memref<800xi32, #tpu.memory_space<hbm>>
    %dma_wait3A_404 = arith.constant 0 : i32
    %dma_wait3A_405 = tpu.memref_slice %arg6[%dma_wait3A_398, %dma_wait3A_404] : memref<21x800xi32, #tpu.memory_space<vmem>> -> memref<1x800xi32, #tpu.memory_space<vmem>>
    %dma_wait3A_406 = tpu.memref_squeeze %dma_wait3A_405 : memref<1x800xi32, #tpu.memory_space<vmem>> -> memref<800xi32, #tpu.memory_space<vmem>>
    %dma_wait3A_407 = tpu.memref_slice %arg2[%dma_wait3A_397, %mul3A_2] : memref<21x25600xi32, #tpu.memory_space<hbm>> -> memref<1x800xi32, #tpu.memory_space<hbm>>
    %dma_wait3A_408 = tpu.memref_squeeze %dma_wait3A_407 : memref<1x800xi32, #tpu.memory_space<hbm>> -> memref<800xi32, #tpu.memory_space<hbm>>
    tpu.wait_dma2 semaphore(%arg14 : memref<!tpu.dma_semaphore, #tpu.memory_space<semaphore_mem>>) src(%dma_wait3A_408 : memref<800xi32, #tpu.memory_space<hbm>>) dst(%dma_wait3A_406 : memref<800xi32, #tpu.memory_space<vmem>>)
    %dma_wait3A_409 = arith.constant 12 : i32
    %dma_wait3A_410 = arith.constant 12 : i32
    %dma_wait3A_411 = arith.constant 0 : i32
    %dma_wait3A_412 = tpu.memref_slice %arg6[%dma_wait3A_410, %dma_wait3A_411] : memref<21x800xi32, #tpu.memory_space<vmem>> -> memref<1x800xi32, #tpu.memory_space<vmem>>
    %dma_wait3A_413 = tpu.memref_squeeze %dma_wait3A_412 : memref<1x800xi32, #tpu.memory_space<vmem>> -> memref<800xi32, #tpu.memory_space<vmem>>
    %dma_wait3A_414 = tpu.memref_slice %arg2[%dma_wait3A_409, %mul3A_2] : memref<21x25600xi32, #tpu.memory_space<hbm>> -> memref<1x800xi32, #tpu.memory_space<hbm>>
    %dma_wait3A_415 = tpu.memref_squeeze %dma_wait3A_414 : memref<1x800xi32, #tpu.memory_space<hbm>> -> memref<800xi32, #tpu.memory_space<hbm>>
    %dma_wait3A_416 = arith.constant 0 : i32
    %dma_wait3A_417 = tpu.memref_slice %arg6[%dma_wait3A_410, %dma_wait3A_416] : memref<21x800xi32, #tpu.memory_space<vmem>> -> memref<1x800xi32, #tpu.memory_space<vmem>>
    %dma_wait3A_418 = tpu.memref_squeeze %dma_wait3A_417 : memref<1x800xi32, #tpu.memory_space<vmem>> -> memref<800xi32, #tpu.memory_space<vmem>>
    %dma_wait3A_419 = tpu.memref_slice %arg2[%dma_wait3A_409, %mul3A_2] : memref<21x25600xi32, #tpu.memory_space<hbm>> -> memref<1x800xi32, #tpu.memory_space<hbm>>
    %dma_wait3A_420 = tpu.memref_squeeze %dma_wait3A_419 : memref<1x800xi32, #tpu.memory_space<hbm>> -> memref<800xi32, #tpu.memory_space<hbm>>
    tpu.wait_dma2 semaphore(%arg14 : memref<!tpu.dma_semaphore, #tpu.memory_space<semaphore_mem>>) src(%dma_wait3A_420 : memref<800xi32, #tpu.memory_space<hbm>>) dst(%dma_wait3A_418 : memref<800xi32, #tpu.memory_space<vmem>>)
    %dma_wait3A_421 = arith.constant 13 : i32
    %dma_wait3A_422 = arith.constant 13 : i32
    %dma_wait3A_423 = arith.constant 0 : i32
    %dma_wait3A_424 = tpu.memref_slice %arg6[%dma_wait3A_422, %dma_wait3A_423] : memref<21x800xi32, #tpu.memory_space<vmem>> -> memref<1x800xi32, #tpu.memory_space<vmem>>
    %dma_wait3A_425 = tpu.memref_squeeze %dma_wait3A_424 : memref<1x800xi32, #tpu.memory_space<vmem>> -> memref<800xi32, #tpu.memory_space<vmem>>
    %dma_wait3A_426 = tpu.memref_slice %arg2[%dma_wait3A_421, %mul3A_2] : memref<21x25600xi32, #tpu.memory_space<hbm>> -> memref<1x800xi32, #tpu.memory_space<hbm>>
    %dma_wait3A_427 = tpu.memref_squeeze %dma_wait3A_426 : memref<1x800xi32, #tpu.memory_space<hbm>> -> memref<800xi32, #tpu.memory_space<hbm>>
    %dma_wait3A_428 = arith.constant 0 : i32
    %dma_wait3A_429 = tpu.memref_slice %arg6[%dma_wait3A_422, %dma_wait3A_428] : memref<21x800xi32, #tpu.memory_space<vmem>> -> memref<1x800xi32, #tpu.memory_space<vmem>>
    %dma_wait3A_430 = tpu.memref_squeeze %dma_wait3A_429 : memref<1x800xi32, #tpu.memory_space<vmem>> -> memref<800xi32, #tpu.memory_space<vmem>>
    %dma_wait3A_431 = tpu.memref_slice %arg2[%dma_wait3A_421, %mul3A_2] : memref<21x25600xi32, #tpu.memory_space<hbm>> -> memref<1x800xi32, #tpu.memory_space<hbm>>
    %dma_wait3A_432 = tpu.memref_squeeze %dma_wait3A_431 : memref<1x800xi32, #tpu.memory_space<hbm>> -> memref<800xi32, #tpu.memory_space<hbm>>
    tpu.wait_dma2 semaphore(%arg14 : memref<!tpu.dma_semaphore, #tpu.memory_space<semaphore_mem>>) src(%dma_wait3A_432 : memref<800xi32, #tpu.memory_space<hbm>>) dst(%dma_wait3A_430 : memref<800xi32, #tpu.memory_space<vmem>>)
    %dma_wait3A_433 = arith.constant 14 : i32
    %dma_wait3A_434 = arith.constant 14 : i32
    %dma_wait3A_435 = arith.constant 0 : i32
    %dma_wait3A_436 = tpu.memref_slice %arg6[%dma_wait3A_434, %dma_wait3A_435] : memref<21x800xi32, #tpu.memory_space<vmem>> -> memref<1x800xi32, #tpu.memory_space<vmem>>
    %dma_wait3A_437 = tpu.memref_squeeze %dma_wait3A_436 : memref<1x800xi32, #tpu.memory_space<vmem>> -> memref<800xi32, #tpu.memory_space<vmem>>
    %dma_wait3A_438 = tpu.memref_slice %arg2[%dma_wait3A_433, %mul3A_2] : memref<21x25600xi32, #tpu.memory_space<hbm>> -> memref<1x800xi32, #tpu.memory_space<hbm>>
    %dma_wait3A_439 = tpu.memref_squeeze %dma_wait3A_438 : memref<1x800xi32, #tpu.memory_space<hbm>> -> memref<800xi32, #tpu.memory_space<hbm>>
    %dma_wait3A_440 = arith.constant 0 : i32
    %dma_wait3A_441 = tpu.memref_slice %arg6[%dma_wait3A_434, %dma_wait3A_440] : memref<21x800xi32, #tpu.memory_space<vmem>> -> memref<1x800xi32, #tpu.memory_space<vmem>>
    %dma_wait3A_442 = tpu.memref_squeeze %dma_wait3A_441 : memref<1x800xi32, #tpu.memory_space<vmem>> -> memref<800xi32, #tpu.memory_space<vmem>>
    %dma_wait3A_443 = tpu.memref_slice %arg2[%dma_wait3A_433, %mul3A_2] : memref<21x25600xi32, #tpu.memory_space<hbm>> -> memref<1x800xi32, #tpu.memory_space<hbm>>
    %dma_wait3A_444 = tpu.memref_squeeze %dma_wait3A_443 : memref<1x800xi32, #tpu.memory_space<hbm>> -> memref<800xi32, #tpu.memory_space<hbm>>
    tpu.wait_dma2 semaphore(%arg14 : memref<!tpu.dma_semaphore, #tpu.memory_space<semaphore_mem>>) src(%dma_wait3A_444 : memref<800xi32, #tpu.memory_space<hbm>>) dst(%dma_wait3A_442 : memref<800xi32, #tpu.memory_space<vmem>>)
    %dma_wait3A_445 = arith.constant 15 : i32
    %dma_wait3A_446 = arith.constant 15 : i32
    %dma_wait3A_447 = arith.constant 0 : i32
    %dma_wait3A_448 = tpu.memref_slice %arg6[%dma_wait3A_446, %dma_wait3A_447] : memref<21x800xi32, #tpu.memory_space<vmem>> -> memref<1x800xi32, #tpu.memory_space<vmem>>
    %dma_wait3A_449 = tpu.memref_squeeze %dma_wait3A_448 : memref<1x800xi32, #tpu.memory_space<vmem>> -> memref<800xi32, #tpu.memory_space<vmem>>
    %dma_wait3A_450 = tpu.memref_slice %arg2[%dma_wait3A_445, %mul3A_2] : memref<21x25600xi32, #tpu.memory_space<hbm>> -> memref<1x800xi32, #tpu.memory_space<hbm>>
    %dma_wait3A_451 = tpu.memref_squeeze %dma_wait3A_450 : memref<1x800xi32, #tpu.memory_space<hbm>> -> memref<800xi32, #tpu.memory_space<hbm>>
    %dma_wait3A_452 = arith.constant 0 : i32
    %dma_wait3A_453 = tpu.memref_slice %arg6[%dma_wait3A_446, %dma_wait3A_452] : memref<21x800xi32, #tpu.memory_space<vmem>> -> memref<1x800xi32, #tpu.memory_space<vmem>>
    %dma_wait3A_454 = tpu.memref_squeeze %dma_wait3A_453 : memref<1x800xi32, #tpu.memory_space<vmem>> -> memref<800xi32, #tpu.memory_space<vmem>>
    %dma_wait3A_455 = tpu.memref_slice %arg2[%dma_wait3A_445, %mul3A_2] : memref<21x25600xi32, #tpu.memory_space<hbm>> -> memref<1x800xi32, #tpu.memory_space<hbm>>
    %dma_wait3A_456 = tpu.memref_squeeze %dma_wait3A_455 : memref<1x800xi32, #tpu.memory_space<hbm>> -> memref<800xi32, #tpu.memory_space<hbm>>
    tpu.wait_dma2 semaphore(%arg14 : memref<!tpu.dma_semaphore, #tpu.memory_space<semaphore_mem>>) src(%dma_wait3A_456 : memref<800xi32, #tpu.memory_space<hbm>>) dst(%dma_wait3A_454 : memref<800xi32, #tpu.memory_space<vmem>>)
    %dma_wait3A_457 = arith.constant 16 : i32
    %dma_wait3A_458 = arith.constant 16 : i32
    %dma_wait3A_459 = arith.constant 0 : i32
    %dma_wait3A_460 = tpu.memref_slice %arg6[%dma_wait3A_458, %dma_wait3A_459] : memref<21x800xi32, #tpu.memory_space<vmem>> -> memref<1x800xi32, #tpu.memory_space<vmem>>
    %dma_wait3A_461 = tpu.memref_squeeze %dma_wait3A_460 : memref<1x800xi32, #tpu.memory_space<vmem>> -> memref<800xi32, #tpu.memory_space<vmem>>
    %dma_wait3A_462 = tpu.memref_slice %arg2[%dma_wait3A_457, %mul3A_2] : memref<21x25600xi32, #tpu.memory_space<hbm>> -> memref<1x800xi32, #tpu.memory_space<hbm>>
    %dma_wait3A_463 = tpu.memref_squeeze %dma_wait3A_462 : memref<1x800xi32, #tpu.memory_space<hbm>> -> memref<800xi32, #tpu.memory_space<hbm>>
    %dma_wait3A_464 = arith.constant 0 : i32
    %dma_wait3A_465 = tpu.memref_slice %arg6[%dma_wait3A_458, %dma_wait3A_464] : memref<21x800xi32, #tpu.memory_space<vmem>> -> memref<1x800xi32, #tpu.memory_space<vmem>>
    %dma_wait3A_466 = tpu.memref_squeeze %dma_wait3A_465 : memref<1x800xi32, #tpu.memory_space<vmem>> -> memref<800xi32, #tpu.memory_space<vmem>>
    %dma_wait3A_467 = tpu.memref_slice %arg2[%dma_wait3A_457, %mul3A_2] : memref<21x25600xi32, #tpu.memory_space<hbm>> -> memref<1x800xi32, #tpu.memory_space<hbm>>
    %dma_wait3A_468 = tpu.memref_squeeze %dma_wait3A_467 : memref<1x800xi32, #tpu.memory_space<hbm>> -> memref<800xi32, #tpu.memory_space<hbm>>
    tpu.wait_dma2 semaphore(%arg14 : memref<!tpu.dma_semaphore, #tpu.memory_space<semaphore_mem>>) src(%dma_wait3A_468 : memref<800xi32, #tpu.memory_space<hbm>>) dst(%dma_wait3A_466 : memref<800xi32, #tpu.memory_space<vmem>>)
    %dma_wait3A_469 = arith.constant 17 : i32
    %dma_wait3A_470 = arith.constant 17 : i32
    %dma_wait3A_471 = arith.constant 0 : i32
    %dma_wait3A_472 = tpu.memref_slice %arg6[%dma_wait3A_470, %dma_wait3A_471] : memref<21x800xi32, #tpu.memory_space<vmem>> -> memref<1x800xi32, #tpu.memory_space<vmem>>
    %dma_wait3A_473 = tpu.memref_squeeze %dma_wait3A_472 : memref<1x800xi32, #tpu.memory_space<vmem>> -> memref<800xi32, #tpu.memory_space<vmem>>
    %dma_wait3A_474 = tpu.memref_slice %arg2[%dma_wait3A_469, %mul3A_2] : memref<21x25600xi32, #tpu.memory_space<hbm>> -> memref<1x800xi32, #tpu.memory_space<hbm>>
    %dma_wait3A_475 = tpu.memref_squeeze %dma_wait3A_474 : memref<1x800xi32, #tpu.memory_space<hbm>> -> memref<800xi32, #tpu.memory_space<hbm>>
    %dma_wait3A_476 = arith.constant 0 : i32
    %dma_wait3A_477 = tpu.memref_slice %arg6[%dma_wait3A_470, %dma_wait3A_476] : memref<21x800xi32, #tpu.memory_space<vmem>> -> memref<1x800xi32, #tpu.memory_space<vmem>>
    %dma_wait3A_478 = tpu.memref_squeeze %dma_wait3A_477 : memref<1x800xi32, #tpu.memory_space<vmem>> -> memref<800xi32, #tpu.memory_space<vmem>>
    %dma_wait3A_479 = tpu.memref_slice %arg2[%dma_wait3A_469, %mul3A_2] : memref<21x25600xi32, #tpu.memory_space<hbm>> -> memref<1x800xi32, #tpu.memory_space<hbm>>
    %dma_wait3A_480 = tpu.memref_squeeze %dma_wait3A_479 : memref<1x800xi32, #tpu.memory_space<hbm>> -> memref<800xi32, #tpu.memory_space<hbm>>
    tpu.wait_dma2 semaphore(%arg14 : memref<!tpu.dma_semaphore, #tpu.memory_space<semaphore_mem>>) src(%dma_wait3A_480 : memref<800xi32, #tpu.memory_space<hbm>>) dst(%dma_wait3A_478 : memref<800xi32, #tpu.memory_space<vmem>>)
    %dma_wait3A_481 = arith.constant 18 : i32
    %dma_wait3A_482 = arith.constant 18 : i32
    %dma_wait3A_483 = arith.constant 0 : i32
    %dma_wait3A_484 = tpu.memref_slice %arg6[%dma_wait3A_482, %dma_wait3A_483] : memref<21x800xi32, #tpu.memory_space<vmem>> -> memref<1x800xi32, #tpu.memory_space<vmem>>
    %dma_wait3A_485 = tpu.memref_squeeze %dma_wait3A_484 : memref<1x800xi32, #tpu.memory_space<vmem>> -> memref<800xi32, #tpu.memory_space<vmem>>
    %dma_wait3A_486 = tpu.memref_slice %arg2[%dma_wait3A_481, %mul3A_2] : memref<21x25600xi32, #tpu.memory_space<hbm>> -> memref<1x800xi32, #tpu.memory_space<hbm>>
    %dma_wait3A_487 = tpu.memref_squeeze %dma_wait3A_486 : memref<1x800xi32, #tpu.memory_space<hbm>> -> memref<800xi32, #tpu.memory_space<hbm>>
    %dma_wait3A_488 = arith.constant 0 : i32
    %dma_wait3A_489 = tpu.memref_slice %arg6[%dma_wait3A_482, %dma_wait3A_488] : memref<21x800xi32, #tpu.memory_space<vmem>> -> memref<1x800xi32, #tpu.memory_space<vmem>>
    %dma_wait3A_490 = tpu.memref_squeeze %dma_wait3A_489 : memref<1x800xi32, #tpu.memory_space<vmem>> -> memref<800xi32, #tpu.memory_space<vmem>>
    %dma_wait3A_491 = tpu.memref_slice %arg2[%dma_wait3A_481, %mul3A_2] : memref<21x25600xi32, #tpu.memory_space<hbm>> -> memref<1x800xi32, #tpu.memory_space<hbm>>
    %dma_wait3A_492 = tpu.memref_squeeze %dma_wait3A_491 : memref<1x800xi32, #tpu.memory_space<hbm>> -> memref<800xi32, #tpu.memory_space<hbm>>
    tpu.wait_dma2 semaphore(%arg14 : memref<!tpu.dma_semaphore, #tpu.memory_space<semaphore_mem>>) src(%dma_wait3A_492 : memref<800xi32, #tpu.memory_space<hbm>>) dst(%dma_wait3A_490 : memref<800xi32, #tpu.memory_space<vmem>>)
    %dma_wait3A_493 = arith.constant 19 : i32
    %dma_wait3A_494 = arith.constant 19 : i32
    %dma_wait3A_495 = arith.constant 0 : i32
    %dma_wait3A_496 = tpu.memref_slice %arg6[%dma_wait3A_494, %dma_wait3A_495] : memref<21x800xi32, #tpu.memory_space<vmem>> -> memref<1x800xi32, #tpu.memory_space<vmem>>
    %dma_wait3A_497 = tpu.memref_squeeze %dma_wait3A_496 : memref<1x800xi32, #tpu.memory_space<vmem>> -> memref<800xi32, #tpu.memory_space<vmem>>
    %dma_wait3A_498 = tpu.memref_slice %arg2[%dma_wait3A_493, %mul3A_2] : memref<21x25600xi32, #tpu.memory_space<hbm>> -> memref<1x800xi32, #tpu.memory_space<hbm>>
    %dma_wait3A_499 = tpu.memref_squeeze %dma_wait3A_498 : memref<1x800xi32, #tpu.memory_space<hbm>> -> memref<800xi32, #tpu.memory_space<hbm>>
    %dma_wait3A_500 = arith.constant 0 : i32
    %dma_wait3A_501 = tpu.memref_slice %arg6[%dma_wait3A_494, %dma_wait3A_500] : memref<21x800xi32, #tpu.memory_space<vmem>> -> memref<1x800xi32, #tpu.memory_space<vmem>>
    %dma_wait3A_502 = tpu.memref_squeeze %dma_wait3A_501 : memref<1x800xi32, #tpu.memory_space<vmem>> -> memref<800xi32, #tpu.memory_space<vmem>>
    %dma_wait3A_503 = tpu.memref_slice %arg2[%dma_wait3A_493, %mul3A_2] : memref<21x25600xi32, #tpu.memory_space<hbm>> -> memref<1x800xi32, #tpu.memory_space<hbm>>
    %dma_wait3A_504 = tpu.memref_squeeze %dma_wait3A_503 : memref<1x800xi32, #tpu.memory_space<hbm>> -> memref<800xi32, #tpu.memory_space<hbm>>
    tpu.wait_dma2 semaphore(%arg14 : memref<!tpu.dma_semaphore, #tpu.memory_space<semaphore_mem>>) src(%dma_wait3A_504 : memref<800xi32, #tpu.memory_space<hbm>>) dst(%dma_wait3A_502 : memref<800xi32, #tpu.memory_space<vmem>>)
    %dma_wait3A_505 = arith.constant 20 : i32
    %dma_wait3A_506 = arith.constant 20 : i32
    %dma_wait3A_507 = arith.constant 0 : i32
    %dma_wait3A_508 = tpu.memref_slice %arg6[%dma_wait3A_506, %dma_wait3A_507] : memref<21x800xi32, #tpu.memory_space<vmem>> -> memref<1x800xi32, #tpu.memory_space<vmem>>
    %dma_wait3A_509 = tpu.memref_squeeze %dma_wait3A_508 : memref<1x800xi32, #tpu.memory_space<vmem>> -> memref<800xi32, #tpu.memory_space<vmem>>
    %dma_wait3A_510 = tpu.memref_slice %arg2[%dma_wait3A_505, %mul3A_2] : memref<21x25600xi32, #tpu.memory_space<hbm>> -> memref<1x800xi32, #tpu.memory_space<hbm>>
    %dma_wait3A_511 = tpu.memref_squeeze %dma_wait3A_510 : memref<1x800xi32, #tpu.memory_space<hbm>> -> memref<800xi32, #tpu.memory_space<hbm>>
    %dma_wait3A_512 = arith.constant 0 : i32
    %dma_wait3A_513 = tpu.memref_slice %arg6[%dma_wait3A_506, %dma_wait3A_512] : memref<21x800xi32, #tpu.memory_space<vmem>> -> memref<1x800xi32, #tpu.memory_space<vmem>>
    %dma_wait3A_514 = tpu.memref_squeeze %dma_wait3A_513 : memref<1x800xi32, #tpu.memory_space<vmem>> -> memref<800xi32, #tpu.memory_space<vmem>>
    %dma_wait3A_515 = tpu.memref_slice %arg2[%dma_wait3A_505, %mul3A_2] : memref<21x25600xi32, #tpu.memory_space<hbm>> -> memref<1x800xi32, #tpu.memory_space<hbm>>
    %dma_wait3A_516 = tpu.memref_squeeze %dma_wait3A_515 : memref<1x800xi32, #tpu.memory_space<hbm>> -> memref<800xi32, #tpu.memory_space<hbm>>
    tpu.wait_dma2 semaphore(%arg14 : memref<!tpu.dma_semaphore, #tpu.memory_space<semaphore_mem>>) src(%dma_wait3A_516 : memref<800xi32, #tpu.memory_space<hbm>>) dst(%dma_wait3A_514 : memref<800xi32, #tpu.memory_space<vmem>>)
    %scan3A = arith.constant 0 : i32
    %scan3A_517 = arith.constant 0 : i32
    %scan3A_518 = arith.constant 5 : i32
    %scan3A_519 = arith.addi %scan3A_517, %scan3A_518 : i32
    %scan3A_520 = arith.constant 1 : i32
    scf.for %scan3A_537 = %scan3A_517 to %scan3A_519 step %scan3A_520  : i32 {
      %mul3A_538 = arith.constant 2 : i32
      %mul3A_539 = arith.muli %scan3A_537, %mul3A_538 : i32
      %add3A_540 = arith.constant 0 : i32
      %add3A_541 = arith.addi %mul3A_539, %add3A_540 : i32
      %mul3A_542 = arith.constant 80 : i32
      %mul3A_543 = arith.muli %add3A_541, %mul3A_542 : i32
      %dma_wait3A_544 = arith.constant 0 : i32
      %dma_wait3A_545 = arith.constant 0 : i32
      %dma_wait3A_546 = arith.constant 0 : i32
      %dma_wait3A_547 = arith.constant 0 : i32
      %dma_wait3A_548 = tpu.memref_slice %arg7[%dma_wait3A_545, %dma_wait3A_546, %dma_wait3A_547] : memref<2x80x64xf32, #tpu.memory_space<vmem>> -> memref<1x80x64xf32, #tpu.memory_space<vmem>>
      %dma_wait3A_549 = tpu.memref_squeeze %dma_wait3A_548 : memref<1x80x64xf32, #tpu.memory_space<vmem>> -> memref<80x64xf32, #tpu.memory_space<vmem>>
      %dma_wait3A_550 = tpu.memref_slice %arg6[%dma_wait3A_544, %mul3A_543] : memref<21x800xi32, #tpu.memory_space<vmem>> -> memref<1x80xi32, #tpu.memory_space<vmem>>
      %dma_wait3A_551 = tpu.memref_squeeze %dma_wait3A_550 : memref<1x80xi32, #tpu.memory_space<vmem>> -> memref<80xi32, #tpu.memory_space<vmem>>
      %dma_wait3A_552 = arith.constant 0 : i32
      %dma_wait3A_553 = arith.constant 0 : i32
      %dma_wait3A_554 = tpu.memref_slice %arg3[%dma_wait3A_552, %dma_wait3A_553] : memref<100000x64xf32, #tpu.memory_space<hbm>> -> memref<100000x64xf32, #tpu.memory_space<hbm>>
      tpu.wait_indirect_dma semaphore(%arg8 : memref<!tpu.dma_semaphore, #tpu.memory_space<semaphore_mem>>) src(%dma_wait3A_554 : memref<100000x64xf32, #tpu.memory_space<hbm>>) dst(%dma_wait3A_549 : memref<80x64xf32, #tpu.memory_space<vmem>>)
      %dma_start3A_555 = arith.constant 1 : i32
      %dma_start3A_556 = arith.constant 0 : i32
      %dma_start3A_557 = arith.constant 0 : i32
      %dma_start3A_558 = arith.constant 0 : i32
      %dma_start3A_559 = tpu.memref_slice %arg7[%dma_start3A_556, %dma_start3A_557, %dma_start3A_558] : memref<2x80x64xf32, #tpu.memory_space<vmem>> -> memref<1x80x64xf32, #tpu.memory_space<vmem>>
      %dma_start3A_560 = tpu.memref_squeeze %dma_start3A_559 : memref<1x80x64xf32, #tpu.memory_space<vmem>> -> memref<80x64xf32, #tpu.memory_space<vmem>>
      %dma_start3A_561 = tpu.memref_slice %arg6[%dma_start3A_555, %mul3A_543] : memref<21x800xi32, #tpu.memory_space<vmem>> -> memref<1x80xi32, #tpu.memory_space<vmem>>
      %dma_start3A_562 = tpu.memref_squeeze %dma_start3A_561 : memref<1x80xi32, #tpu.memory_space<vmem>> -> memref<80xi32, #tpu.memory_space<vmem>>
      %dma_start3A_563 = arith.constant 0 : i32
      %dma_start3A_564 = arith.constant 0 : i32
      %dma_start3A_565 = tpu.memref_slice %arg3[%dma_start3A_563, %dma_start3A_564] : memref<100000x64xf32, #tpu.memory_space<hbm>> -> memref<100000x64xf32, #tpu.memory_space<hbm>>
      tpu.enqueue_indirect_dma source(%dma_start3A_565 : memref<100000x64xf32, #tpu.memory_space<hbm>>) target(%dma_start3A_560 : memref<80x64xf32, #tpu.memory_space<vmem>>) offsets(%dma_start3A_562 : memref<80xi32, #tpu.memory_space<vmem>>) semaphore(%arg10 : memref<!tpu.dma_semaphore, #tpu.memory_space<semaphore_mem>>) {add = true}
      %dma_start3A_566 = arith.constant 2 : i32
      %dma_start3A_567 = arith.constant 0 : i32
      %dma_start3A_568 = arith.constant 0 : i32
      %dma_start3A_569 = arith.constant 0 : i32
      %dma_start3A_570 = tpu.memref_slice %arg7[%dma_start3A_567, %dma_start3A_568, %dma_start3A_569] : memref<2x80x64xf32, #tpu.memory_space<vmem>> -> memref<1x80x64xf32, #tpu.memory_space<vmem>>
      %dma_start3A_571 = tpu.memref_squeeze %dma_start3A_570 : memref<1x80x64xf32, #tpu.memory_space<vmem>> -> memref<80x64xf32, #tpu.memory_space<vmem>>
      %dma_start3A_572 = tpu.memref_slice %arg6[%dma_start3A_566, %mul3A_543] : memref<21x800xi32, #tpu.memory_space<vmem>> -> memref<1x80xi32, #tpu.memory_space<vmem>>
      %dma_start3A_573 = tpu.memref_squeeze %dma_start3A_572 : memref<1x80xi32, #tpu.memory_space<vmem>> -> memref<80xi32, #tpu.memory_space<vmem>>
      %dma_start3A_574 = arith.constant 0 : i32
      %dma_start3A_575 = arith.constant 0 : i32
      %dma_start3A_576 = tpu.memref_slice %arg3[%dma_start3A_574, %dma_start3A_575] : memref<100000x64xf32, #tpu.memory_space<hbm>> -> memref<100000x64xf32, #tpu.memory_space<hbm>>
      tpu.enqueue_indirect_dma source(%dma_start3A_576 : memref<100000x64xf32, #tpu.memory_space<hbm>>) target(%dma_start3A_571 : memref<80x64xf32, #tpu.memory_space<vmem>>) offsets(%dma_start3A_573 : memref<80xi32, #tpu.memory_space<vmem>>) semaphore(%arg10 : memref<!tpu.dma_semaphore, #tpu.memory_space<semaphore_mem>>) {add = true}
      %dma_start3A_577 = arith.constant 3 : i32
      %dma_start3A_578 = arith.constant 0 : i32
      %dma_start3A_579 = arith.constant 0 : i32
      %dma_start3A_580 = arith.constant 0 : i32
      %dma_start3A_581 = tpu.memref_slice %arg7[%dma_start3A_578, %dma_start3A_579, %dma_start3A_580] : memref<2x80x64xf32, #tpu.memory_space<vmem>> -> memref<1x80x64xf32, #tpu.memory_space<vmem>>
      %dma_start3A_582 = tpu.memref_squeeze %dma_start3A_581 : memref<1x80x64xf32, #tpu.memory_space<vmem>> -> memref<80x64xf32, #tpu.memory_space<vmem>>
      %dma_start3A_583 = tpu.memref_slice %arg6[%dma_start3A_577, %mul3A_543] : memref<21x800xi32, #tpu.memory_space<vmem>> -> memref<1x80xi32, #tpu.memory_space<vmem>>
      %dma_start3A_584 = tpu.memref_squeeze %dma_start3A_583 : memref<1x80xi32, #tpu.memory_space<vmem>> -> memref<80xi32, #tpu.memory_space<vmem>>
      %dma_start3A_585 = arith.constant 0 : i32
      %dma_start3A_586 = arith.constant 0 : i32
      %dma_start3A_587 = tpu.memref_slice %arg3[%dma_start3A_585, %dma_start3A_586] : memref<100000x64xf32, #tpu.memory_space<hbm>> -> memref<100000x64xf32, #tpu.memory_space<hbm>>
      tpu.enqueue_indirect_dma source(%dma_start3A_587 : memref<100000x64xf32, #tpu.memory_space<hbm>>) target(%dma_start3A_582 : memref<80x64xf32, #tpu.memory_space<vmem>>) offsets(%dma_start3A_584 : memref<80xi32, #tpu.memory_space<vmem>>) semaphore(%arg10 : memref<!tpu.dma_semaphore, #tpu.memory_space<semaphore_mem>>) {add = true}
      %dma_start3A_588 = arith.constant 4 : i32
      %dma_start3A_589 = arith.constant 0 : i32
      %dma_start3A_590 = arith.constant 0 : i32
      %dma_start3A_591 = arith.constant 0 : i32
      %dma_start3A_592 = tpu.memref_slice %arg7[%dma_start3A_589, %dma_start3A_590, %dma_start3A_591] : memref<2x80x64xf32, #tpu.memory_space<vmem>> -> memref<1x80x64xf32, #tpu.memory_space<vmem>>
      %dma_start3A_593 = tpu.memref_squeeze %dma_start3A_592 : memref<1x80x64xf32, #tpu.memory_space<vmem>> -> memref<80x64xf32, #tpu.memory_space<vmem>>
      %dma_start3A_594 = tpu.memref_slice %arg6[%dma_start3A_588, %mul3A_543] : memref<21x800xi32, #tpu.memory_space<vmem>> -> memref<1x80xi32, #tpu.memory_space<vmem>>
      %dma_start3A_595 = tpu.memref_squeeze %dma_start3A_594 : memref<1x80xi32, #tpu.memory_space<vmem>> -> memref<80xi32, #tpu.memory_space<vmem>>
      %dma_start3A_596 = arith.constant 0 : i32
      %dma_start3A_597 = arith.constant 0 : i32
      %dma_start3A_598 = tpu.memref_slice %arg3[%dma_start3A_596, %dma_start3A_597] : memref<100000x64xf32, #tpu.memory_space<hbm>> -> memref<100000x64xf32, #tpu.memory_space<hbm>>
      tpu.enqueue_indirect_dma source(%dma_start3A_598 : memref<100000x64xf32, #tpu.memory_space<hbm>>) target(%dma_start3A_593 : memref<80x64xf32, #tpu.memory_space<vmem>>) offsets(%dma_start3A_595 : memref<80xi32, #tpu.memory_space<vmem>>) semaphore(%arg10 : memref<!tpu.dma_semaphore, #tpu.memory_space<semaphore_mem>>) {add = true}
      %dma_start3A_599 = arith.constant 5 : i32
      %dma_start3A_600 = arith.constant 0 : i32
      %dma_start3A_601 = arith.constant 0 : i32
      %dma_start3A_602 = arith.constant 0 : i32
      %dma_start3A_603 = tpu.memref_slice %arg7[%dma_start3A_600, %dma_start3A_601, %dma_start3A_602] : memref<2x80x64xf32, #tpu.memory_space<vmem>> -> memref<1x80x64xf32, #tpu.memory_space<vmem>>
      %dma_start3A_604 = tpu.memref_squeeze %dma_start3A_603 : memref<1x80x64xf32, #tpu.memory_space<vmem>> -> memref<80x64xf32, #tpu.memory_space<vmem>>
      %dma_start3A_605 = tpu.memref_slice %arg6[%dma_start3A_599, %mul3A_543] : memref<21x800xi32, #tpu.memory_space<vmem>> -> memref<1x80xi32, #tpu.memory_space<vmem>>
      %dma_start3A_606 = tpu.memref_squeeze %dma_start3A_605 : memref<1x80xi32, #tpu.memory_space<vmem>> -> memref<80xi32, #tpu.memory_space<vmem>>
      %dma_start3A_607 = arith.constant 0 : i32
      %dma_start3A_608 = arith.constant 0 : i32
      %dma_start3A_609 = tpu.memref_slice %arg3[%dma_start3A_607, %dma_start3A_608] : memref<100000x64xf32, #tpu.memory_space<hbm>> -> memref<100000x64xf32, #tpu.memory_space<hbm>>
      tpu.enqueue_indirect_dma source(%dma_start3A_609 : memref<100000x64xf32, #tpu.memory_space<hbm>>) target(%dma_start3A_604 : memref<80x64xf32, #tpu.memory_space<vmem>>) offsets(%dma_start3A_606 : memref<80xi32, #tpu.memory_space<vmem>>) semaphore(%arg10 : memref<!tpu.dma_semaphore, #tpu.memory_space<semaphore_mem>>) {add = true}
      %dma_start3A_610 = arith.constant 6 : i32
      %dma_start3A_611 = arith.constant 0 : i32
      %dma_start3A_612 = arith.constant 0 : i32
      %dma_start3A_613 = arith.constant 0 : i32
      %dma_start3A_614 = tpu.memref_slice %arg7[%dma_start3A_611, %dma_start3A_612, %dma_start3A_613] : memref<2x80x64xf32, #tpu.memory_space<vmem>> -> memref<1x80x64xf32, #tpu.memory_space<vmem>>
      %dma_start3A_615 = tpu.memref_squeeze %dma_start3A_614 : memref<1x80x64xf32, #tpu.memory_space<vmem>> -> memref<80x64xf32, #tpu.memory_space<vmem>>
      %dma_start3A_616 = tpu.memref_slice %arg6[%dma_start3A_610, %mul3A_543] : memref<21x800xi32, #tpu.memory_space<vmem>> -> memref<1x80xi32, #tpu.memory_space<vmem>>
      %dma_start3A_617 = tpu.memref_squeeze %dma_start3A_616 : memref<1x80xi32, #tpu.memory_space<vmem>> -> memref<80xi32, #tpu.memory_space<vmem>>
      %dma_start3A_618 = arith.constant 0 : i32
      %dma_start3A_619 = arith.constant 0 : i32
      %dma_start3A_620 = tpu.memref_slice %arg3[%dma_start3A_618, %dma_start3A_619] : memref<100000x64xf32, #tpu.memory_space<hbm>> -> memref<100000x64xf32, #tpu.memory_space<hbm>>
      tpu.enqueue_indirect_dma source(%dma_start3A_620 : memref<100000x64xf32, #tpu.memory_space<hbm>>) target(%dma_start3A_615 : memref<80x64xf32, #tpu.memory_space<vmem>>) offsets(%dma_start3A_617 : memref<80xi32, #tpu.memory_space<vmem>>) semaphore(%arg10 : memref<!tpu.dma_semaphore, #tpu.memory_space<semaphore_mem>>) {add = true}
      %dma_start3A_621 = arith.constant 7 : i32
      %dma_start3A_622 = arith.constant 0 : i32
      %dma_start3A_623 = arith.constant 0 : i32
      %dma_start3A_624 = arith.constant 0 : i32
      %dma_start3A_625 = tpu.memref_slice %arg7[%dma_start3A_622, %dma_start3A_623, %dma_start3A_624] : memref<2x80x64xf32, #tpu.memory_space<vmem>> -> memref<1x80x64xf32, #tpu.memory_space<vmem>>
      %dma_start3A_626 = tpu.memref_squeeze %dma_start3A_625 : memref<1x80x64xf32, #tpu.memory_space<vmem>> -> memref<80x64xf32, #tpu.memory_space<vmem>>
      %dma_start3A_627 = tpu.memref_slice %arg6[%dma_start3A_621, %mul3A_543] : memref<21x800xi32, #tpu.memory_space<vmem>> -> memref<1x80xi32, #tpu.memory_space<vmem>>
      %dma_start3A_628 = tpu.memref_squeeze %dma_start3A_627 : memref<1x80xi32, #tpu.memory_space<vmem>> -> memref<80xi32, #tpu.memory_space<vmem>>
      %dma_start3A_629 = arith.constant 0 : i32
      %dma_start3A_630 = arith.constant 0 : i32
      %dma_start3A_631 = tpu.memref_slice %arg3[%dma_start3A_629, %dma_start3A_630] : memref<100000x64xf32, #tpu.memory_space<hbm>> -> memref<100000x64xf32, #tpu.memory_space<hbm>>
      tpu.enqueue_indirect_dma source(%dma_start3A_631 : memref<100000x64xf32, #tpu.memory_space<hbm>>) target(%dma_start3A_626 : memref<80x64xf32, #tpu.memory_space<vmem>>) offsets(%dma_start3A_628 : memref<80xi32, #tpu.memory_space<vmem>>) semaphore(%arg10 : memref<!tpu.dma_semaphore, #tpu.memory_space<semaphore_mem>>) {add = true}
      %dma_start3A_632 = arith.constant 8 : i32
      %dma_start3A_633 = arith.constant 0 : i32
      %dma_start3A_634 = arith.constant 0 : i32
      %dma_start3A_635 = arith.constant 0 : i32
      %dma_start3A_636 = tpu.memref_slice %arg7[%dma_start3A_633, %dma_start3A_634, %dma_start3A_635] : memref<2x80x64xf32, #tpu.memory_space<vmem>> -> memref<1x80x64xf32, #tpu.memory_space<vmem>>
      %dma_start3A_637 = tpu.memref_squeeze %dma_start3A_636 : memref<1x80x64xf32, #tpu.memory_space<vmem>> -> memref<80x64xf32, #tpu.memory_space<vmem>>
      %dma_start3A_638 = tpu.memref_slice %arg6[%dma_start3A_632, %mul3A_543] : memref<21x800xi32, #tpu.memory_space<vmem>> -> memref<1x80xi32, #tpu.memory_space<vmem>>
      %dma_start3A_639 = tpu.memref_squeeze %dma_start3A_638 : memref<1x80xi32, #tpu.memory_space<vmem>> -> memref<80xi32, #tpu.memory_space<vmem>>
      %dma_start3A_640 = arith.constant 0 : i32
      %dma_start3A_641 = arith.constant 0 : i32
      %dma_start3A_642 = tpu.memref_slice %arg3[%dma_start3A_640, %dma_start3A_641] : memref<100000x64xf32, #tpu.memory_space<hbm>> -> memref<100000x64xf32, #tpu.memory_space<hbm>>
      tpu.enqueue_indirect_dma source(%dma_start3A_642 : memref<100000x64xf32, #tpu.memory_space<hbm>>) target(%dma_start3A_637 : memref<80x64xf32, #tpu.memory_space<vmem>>) offsets(%dma_start3A_639 : memref<80xi32, #tpu.memory_space<vmem>>) semaphore(%arg10 : memref<!tpu.dma_semaphore, #tpu.memory_space<semaphore_mem>>) {add = true}
      %dma_start3A_643 = arith.constant 9 : i32
      %dma_start3A_644 = arith.constant 0 : i32
      %dma_start3A_645 = arith.constant 0 : i32
      %dma_start3A_646 = arith.constant 0 : i32
      %dma_start3A_647 = tpu.memref_slice %arg7[%dma_start3A_644, %dma_start3A_645, %dma_start3A_646] : memref<2x80x64xf32, #tpu.memory_space<vmem>> -> memref<1x80x64xf32, #tpu.memory_space<vmem>>
      %dma_start3A_648 = tpu.memref_squeeze %dma_start3A_647 : memref<1x80x64xf32, #tpu.memory_space<vmem>> -> memref<80x64xf32, #tpu.memory_space<vmem>>
      %dma_start3A_649 = tpu.memref_slice %arg6[%dma_start3A_643, %mul3A_543] : memref<21x800xi32, #tpu.memory_space<vmem>> -> memref<1x80xi32, #tpu.memory_space<vmem>>
      %dma_start3A_650 = tpu.memref_squeeze %dma_start3A_649 : memref<1x80xi32, #tpu.memory_space<vmem>> -> memref<80xi32, #tpu.memory_space<vmem>>
      %dma_start3A_651 = arith.constant 0 : i32
      %dma_start3A_652 = arith.constant 0 : i32
      %dma_start3A_653 = tpu.memref_slice %arg3[%dma_start3A_651, %dma_start3A_652] : memref<100000x64xf32, #tpu.memory_space<hbm>> -> memref<100000x64xf32, #tpu.memory_space<hbm>>
      tpu.enqueue_indirect_dma source(%dma_start3A_653 : memref<100000x64xf32, #tpu.memory_space<hbm>>) target(%dma_start3A_648 : memref<80x64xf32, #tpu.memory_space<vmem>>) offsets(%dma_start3A_650 : memref<80xi32, #tpu.memory_space<vmem>>) semaphore(%arg10 : memref<!tpu.dma_semaphore, #tpu.memory_space<semaphore_mem>>) {add = true}
      %dma_start3A_654 = arith.constant 10 : i32
      %dma_start3A_655 = arith.constant 0 : i32
      %dma_start3A_656 = arith.constant 0 : i32
      %dma_start3A_657 = arith.constant 0 : i32
      %dma_start3A_658 = tpu.memref_slice %arg7[%dma_start3A_655, %dma_start3A_656, %dma_start3A_657] : memref<2x80x64xf32, #tpu.memory_space<vmem>> -> memref<1x80x64xf32, #tpu.memory_space<vmem>>
      %dma_start3A_659 = tpu.memref_squeeze %dma_start3A_658 : memref<1x80x64xf32, #tpu.memory_space<vmem>> -> memref<80x64xf32, #tpu.memory_space<vmem>>
      %dma_start3A_660 = tpu.memref_slice %arg6[%dma_start3A_654, %mul3A_543] : memref<21x800xi32, #tpu.memory_space<vmem>> -> memref<1x80xi32, #tpu.memory_space<vmem>>
      %dma_start3A_661 = tpu.memref_squeeze %dma_start3A_660 : memref<1x80xi32, #tpu.memory_space<vmem>> -> memref<80xi32, #tpu.memory_space<vmem>>
      %dma_start3A_662 = arith.constant 0 : i32
      %dma_start3A_663 = arith.constant 0 : i32
      %dma_start3A_664 = tpu.memref_slice %arg3[%dma_start3A_662, %dma_start3A_663] : memref<100000x64xf32, #tpu.memory_space<hbm>> -> memref<100000x64xf32, #tpu.memory_space<hbm>>
      tpu.enqueue_indirect_dma source(%dma_start3A_664 : memref<100000x64xf32, #tpu.memory_space<hbm>>) target(%dma_start3A_659 : memref<80x64xf32, #tpu.memory_space<vmem>>) offsets(%dma_start3A_661 : memref<80xi32, #tpu.memory_space<vmem>>) semaphore(%arg10 : memref<!tpu.dma_semaphore, #tpu.memory_space<semaphore_mem>>) {add = true}
      %dma_start3A_665 = arith.constant 11 : i32
      %dma_start3A_666 = arith.constant 0 : i32
      %dma_start3A_667 = arith.constant 0 : i32
      %dma_start3A_668 = arith.constant 0 : i32
      %dma_start3A_669 = tpu.memref_slice %arg7[%dma_start3A_666, %dma_start3A_667, %dma_start3A_668] : memref<2x80x64xf32, #tpu.memory_space<vmem>> -> memref<1x80x64xf32, #tpu.memory_space<vmem>>
      %dma_start3A_670 = tpu.memref_squeeze %dma_start3A_669 : memref<1x80x64xf32, #tpu.memory_space<vmem>> -> memref<80x64xf32, #tpu.memory_space<vmem>>
      %dma_start3A_671 = tpu.memref_slice %arg6[%dma_start3A_665, %mul3A_543] : memref<21x800xi32, #tpu.memory_space<vmem>> -> memref<1x80xi32, #tpu.memory_space<vmem>>
      %dma_start3A_672 = tpu.memref_squeeze %dma_start3A_671 : memref<1x80xi32, #tpu.memory_space<vmem>> -> memref<80xi32, #tpu.memory_space<vmem>>
      %dma_start3A_673 = arith.constant 0 : i32
      %dma_start3A_674 = arith.constant 0 : i32
      %dma_start3A_675 = tpu.memref_slice %arg3[%dma_start3A_673, %dma_start3A_674] : memref<100000x64xf32, #tpu.memory_space<hbm>> -> memref<100000x64xf32, #tpu.memory_space<hbm>>
      tpu.enqueue_indirect_dma source(%dma_start3A_675 : memref<100000x64xf32, #tpu.memory_space<hbm>>) target(%dma_start3A_670 : memref<80x64xf32, #tpu.memory_space<vmem>>) offsets(%dma_start3A_672 : memref<80xi32, #tpu.memory_space<vmem>>) semaphore(%arg10 : memref<!tpu.dma_semaphore, #tpu.memory_space<semaphore_mem>>) {add = true}
      %dma_start3A_676 = arith.constant 12 : i32
      %dma_start3A_677 = arith.constant 0 : i32
      %dma_start3A_678 = arith.constant 0 : i32
      %dma_start3A_679 = arith.constant 0 : i32
      %dma_start3A_680 = tpu.memref_slice %arg7[%dma_start3A_677, %dma_start3A_678, %dma_start3A_679] : memref<2x80x64xf32, #tpu.memory_space<vmem>> -> memref<1x80x64xf32, #tpu.memory_space<vmem>>
      %dma_start3A_681 = tpu.memref_squeeze %dma_start3A_680 : memref<1x80x64xf32, #tpu.memory_space<vmem>> -> memref<80x64xf32, #tpu.memory_space<vmem>>
      %dma_start3A_682 = tpu.memref_slice %arg6[%dma_start3A_676, %mul3A_543] : memref<21x800xi32, #tpu.memory_space<vmem>> -> memref<1x80xi32, #tpu.memory_space<vmem>>
      %dma_start3A_683 = tpu.memref_squeeze %dma_start3A_682 : memref<1x80xi32, #tpu.memory_space<vmem>> -> memref<80xi32, #tpu.memory_space<vmem>>
      %dma_start3A_684 = arith.constant 0 : i32
      %dma_start3A_685 = arith.constant 0 : i32
      %dma_start3A_686 = tpu.memref_slice %arg3[%dma_start3A_684, %dma_start3A_685] : memref<100000x64xf32, #tpu.memory_space<hbm>> -> memref<100000x64xf32, #tpu.memory_space<hbm>>
      tpu.enqueue_indirect_dma source(%dma_start3A_686 : memref<100000x64xf32, #tpu.memory_space<hbm>>) target(%dma_start3A_681 : memref<80x64xf32, #tpu.memory_space<vmem>>) offsets(%dma_start3A_683 : memref<80xi32, #tpu.memory_space<vmem>>) semaphore(%arg10 : memref<!tpu.dma_semaphore, #tpu.memory_space<semaphore_mem>>) {add = true}
      %dma_start3A_687 = arith.constant 13 : i32
      %dma_start3A_688 = arith.constant 0 : i32
      %dma_start3A_689 = arith.constant 0 : i32
      %dma_start3A_690 = arith.constant 0 : i32
      %dma_start3A_691 = tpu.memref_slice %arg7[%dma_start3A_688, %dma_start3A_689, %dma_start3A_690] : memref<2x80x64xf32, #tpu.memory_space<vmem>> -> memref<1x80x64xf32, #tpu.memory_space<vmem>>
      %dma_start3A_692 = tpu.memref_squeeze %dma_start3A_691 : memref<1x80x64xf32, #tpu.memory_space<vmem>> -> memref<80x64xf32, #tpu.memory_space<vmem>>
      %dma_start3A_693 = tpu.memref_slice %arg6[%dma_start3A_687, %mul3A_543] : memref<21x800xi32, #tpu.memory_space<vmem>> -> memref<1x80xi32, #tpu.memory_space<vmem>>
      %dma_start3A_694 = tpu.memref_squeeze %dma_start3A_693 : memref<1x80xi32, #tpu.memory_space<vmem>> -> memref<80xi32, #tpu.memory_space<vmem>>
      %dma_start3A_695 = arith.constant 0 : i32
      %dma_start3A_696 = arith.constant 0 : i32
      %dma_start3A_697 = tpu.memref_slice %arg3[%dma_start3A_695, %dma_start3A_696] : memref<100000x64xf32, #tpu.memory_space<hbm>> -> memref<100000x64xf32, #tpu.memory_space<hbm>>
      tpu.enqueue_indirect_dma source(%dma_start3A_697 : memref<100000x64xf32, #tpu.memory_space<hbm>>) target(%dma_start3A_692 : memref<80x64xf32, #tpu.memory_space<vmem>>) offsets(%dma_start3A_694 : memref<80xi32, #tpu.memory_space<vmem>>) semaphore(%arg10 : memref<!tpu.dma_semaphore, #tpu.memory_space<semaphore_mem>>) {add = true}
      %dma_start3A_698 = arith.constant 14 : i32
      %dma_start3A_699 = arith.constant 0 : i32
      %dma_start3A_700 = arith.constant 0 : i32
      %dma_start3A_701 = arith.constant 0 : i32
      %dma_start3A_702 = tpu.memref_slice %arg7[%dma_start3A_699, %dma_start3A_700, %dma_start3A_701] : memref<2x80x64xf32, #tpu.memory_space<vmem>> -> memref<1x80x64xf32, #tpu.memory_space<vmem>>
      %dma_start3A_703 = tpu.memref_squeeze %dma_start3A_702 : memref<1x80x64xf32, #tpu.memory_space<vmem>> -> memref<80x64xf32, #tpu.memory_space<vmem>>
      %dma_start3A_704 = tpu.memref_slice %arg6[%dma_start3A_698, %mul3A_543] : memref<21x800xi32, #tpu.memory_space<vmem>> -> memref<1x80xi32, #tpu.memory_space<vmem>>
      %dma_start3A_705 = tpu.memref_squeeze %dma_start3A_704 : memref<1x80xi32, #tpu.memory_space<vmem>> -> memref<80xi32, #tpu.memory_space<vmem>>
      %dma_start3A_706 = arith.constant 0 : i32
      %dma_start3A_707 = arith.constant 0 : i32
      %dma_start3A_708 = tpu.memref_slice %arg3[%dma_start3A_706, %dma_start3A_707] : memref<100000x64xf32, #tpu.memory_space<hbm>> -> memref<100000x64xf32, #tpu.memory_space<hbm>>
      tpu.enqueue_indirect_dma source(%dma_start3A_708 : memref<100000x64xf32, #tpu.memory_space<hbm>>) target(%dma_start3A_703 : memref<80x64xf32, #tpu.memory_space<vmem>>) offsets(%dma_start3A_705 : memref<80xi32, #tpu.memory_space<vmem>>) semaphore(%arg10 : memref<!tpu.dma_semaphore, #tpu.memory_space<semaphore_mem>>) {add = true}
      %dma_start3A_709 = arith.constant 15 : i32
      %dma_start3A_710 = arith.constant 0 : i32
      %dma_start3A_711 = arith.constant 0 : i32
      %dma_start3A_712 = arith.constant 0 : i32
      %dma_start3A_713 = tpu.memref_slice %arg7[%dma_start3A_710, %dma_start3A_711, %dma_start3A_712] : memref<2x80x64xf32, #tpu.memory_space<vmem>> -> memref<1x80x64xf32, #tpu.memory_space<vmem>>
      %dma_start3A_714 = tpu.memref_squeeze %dma_start3A_713 : memref<1x80x64xf32, #tpu.memory_space<vmem>> -> memref<80x64xf32, #tpu.memory_space<vmem>>
      %dma_start3A_715 = tpu.memref_slice %arg6[%dma_start3A_709, %mul3A_543] : memref<21x800xi32, #tpu.memory_space<vmem>> -> memref<1x80xi32, #tpu.memory_space<vmem>>
      %dma_start3A_716 = tpu.memref_squeeze %dma_start3A_715 : memref<1x80xi32, #tpu.memory_space<vmem>> -> memref<80xi32, #tpu.memory_space<vmem>>
      %dma_start3A_717 = arith.constant 0 : i32
      %dma_start3A_718 = arith.constant 0 : i32
      %dma_start3A_719 = tpu.memref_slice %arg3[%dma_start3A_717, %dma_start3A_718] : memref<100000x64xf32, #tpu.memory_space<hbm>> -> memref<100000x64xf32, #tpu.memory_space<hbm>>
      tpu.enqueue_indirect_dma source(%dma_start3A_719 : memref<100000x64xf32, #tpu.memory_space<hbm>>) target(%dma_start3A_714 : memref<80x64xf32, #tpu.memory_space<vmem>>) offsets(%dma_start3A_716 : memref<80xi32, #tpu.memory_space<vmem>>) semaphore(%arg10 : memref<!tpu.dma_semaphore, #tpu.memory_space<semaphore_mem>>) {add = true}
      %dma_start3A_720 = arith.constant 16 : i32
      %dma_start3A_721 = arith.constant 0 : i32
      %dma_start3A_722 = arith.constant 0 : i32
      %dma_start3A_723 = arith.constant 0 : i32
      %dma_start3A_724 = tpu.memref_slice %arg7[%dma_start3A_721, %dma_start3A_722, %dma_start3A_723] : memref<2x80x64xf32, #tpu.memory_space<vmem>> -> memref<1x80x64xf32, #tpu.memory_space<vmem>>
      %dma_start3A_725 = tpu.memref_squeeze %dma_start3A_724 : memref<1x80x64xf32, #tpu.memory_space<vmem>> -> memref<80x64xf32, #tpu.memory_space<vmem>>
      %dma_start3A_726 = tpu.memref_slice %arg6[%dma_start3A_720, %mul3A_543] : memref<21x800xi32, #tpu.memory_space<vmem>> -> memref<1x80xi32, #tpu.memory_space<vmem>>
      %dma_start3A_727 = tpu.memref_squeeze %dma_start3A_726 : memref<1x80xi32, #tpu.memory_space<vmem>> -> memref<80xi32, #tpu.memory_space<vmem>>
      %dma_start3A_728 = arith.constant 0 : i32
      %dma_start3A_729 = arith.constant 0 : i32
      %dma_start3A_730 = tpu.memref_slice %arg3[%dma_start3A_728, %dma_start3A_729] : memref<100000x64xf32, #tpu.memory_space<hbm>> -> memref<100000x64xf32, #tpu.memory_space<hbm>>
      tpu.enqueue_indirect_dma source(%dma_start3A_730 : memref<100000x64xf32, #tpu.memory_space<hbm>>) target(%dma_start3A_725 : memref<80x64xf32, #tpu.memory_space<vmem>>) offsets(%dma_start3A_727 : memref<80xi32, #tpu.memory_space<vmem>>) semaphore(%arg10 : memref<!tpu.dma_semaphore, #tpu.memory_space<semaphore_mem>>) {add = true}
      %dma_start3A_731 = arith.constant 17 : i32
      %dma_start3A_732 = arith.constant 0 : i32
      %dma_start3A_733 = arith.constant 0 : i32
      %dma_start3A_734 = arith.constant 0 : i32
      %dma_start3A_735 = tpu.memref_slice %arg7[%dma_start3A_732, %dma_start3A_733, %dma_start3A_734] : memref<2x80x64xf32, #tpu.memory_space<vmem>> -> memref<1x80x64xf32, #tpu.memory_space<vmem>>
      %dma_start3A_736 = tpu.memref_squeeze %dma_start3A_735 : memref<1x80x64xf32, #tpu.memory_space<vmem>> -> memref<80x64xf32, #tpu.memory_space<vmem>>
      %dma_start3A_737 = tpu.memref_slice %arg6[%dma_start3A_731, %mul3A_543] : memref<21x800xi32, #tpu.memory_space<vmem>> -> memref<1x80xi32, #tpu.memory_space<vmem>>
      %dma_start3A_738 = tpu.memref_squeeze %dma_start3A_737 : memref<1x80xi32, #tpu.memory_space<vmem>> -> memref<80xi32, #tpu.memory_space<vmem>>
      %dma_start3A_739 = arith.constant 0 : i32
      %dma_start3A_740 = arith.constant 0 : i32
      %dma_start3A_741 = tpu.memref_slice %arg3[%dma_start3A_739, %dma_start3A_740] : memref<100000x64xf32, #tpu.memory_space<hbm>> -> memref<100000x64xf32, #tpu.memory_space<hbm>>
      tpu.enqueue_indirect_dma source(%dma_start3A_741 : memref<100000x64xf32, #tpu.memory_space<hbm>>) target(%dma_start3A_736 : memref<80x64xf32, #tpu.memory_space<vmem>>) offsets(%dma_start3A_738 : memref<80xi32, #tpu.memory_space<vmem>>) semaphore(%arg10 : memref<!tpu.dma_semaphore, #tpu.memory_space<semaphore_mem>>) {add = true}
      %dma_start3A_742 = arith.constant 18 : i32
      %dma_start3A_743 = arith.constant 0 : i32
      %dma_start3A_744 = arith.constant 0 : i32
      %dma_start3A_745 = arith.constant 0 : i32
      %dma_start3A_746 = tpu.memref_slice %arg7[%dma_start3A_743, %dma_start3A_744, %dma_start3A_745] : memref<2x80x64xf32, #tpu.memory_space<vmem>> -> memref<1x80x64xf32, #tpu.memory_space<vmem>>
      %dma_start3A_747 = tpu.memref_squeeze %dma_start3A_746 : memref<1x80x64xf32, #tpu.memory_space<vmem>> -> memref<80x64xf32, #tpu.memory_space<vmem>>
      %dma_start3A_748 = tpu.memref_slice %arg6[%dma_start3A_742, %mul3A_543] : memref<21x800xi32, #tpu.memory_space<vmem>> -> memref<1x80xi32, #tpu.memory_space<vmem>>
      %dma_start3A_749 = tpu.memref_squeeze %dma_start3A_748 : memref<1x80xi32, #tpu.memory_space<vmem>> -> memref<80xi32, #tpu.memory_space<vmem>>
      %dma_start3A_750 = arith.constant 0 : i32
      %dma_start3A_751 = arith.constant 0 : i32
      %dma_start3A_752 = tpu.memref_slice %arg3[%dma_start3A_750, %dma_start3A_751] : memref<100000x64xf32, #tpu.memory_space<hbm>> -> memref<100000x64xf32, #tpu.memory_space<hbm>>
      tpu.enqueue_indirect_dma source(%dma_start3A_752 : memref<100000x64xf32, #tpu.memory_space<hbm>>) target(%dma_start3A_747 : memref<80x64xf32, #tpu.memory_space<vmem>>) offsets(%dma_start3A_749 : memref<80xi32, #tpu.memory_space<vmem>>) semaphore(%arg10 : memref<!tpu.dma_semaphore, #tpu.memory_space<semaphore_mem>>) {add = true}
      %dma_start3A_753 = arith.constant 19 : i32
      %dma_start3A_754 = arith.constant 0 : i32
      %dma_start3A_755 = arith.constant 0 : i32
      %dma_start3A_756 = arith.constant 0 : i32
      %dma_start3A_757 = tpu.memref_slice %arg7[%dma_start3A_754, %dma_start3A_755, %dma_start3A_756] : memref<2x80x64xf32, #tpu.memory_space<vmem>> -> memref<1x80x64xf32, #tpu.memory_space<vmem>>
      %dma_start3A_758 = tpu.memref_squeeze %dma_start3A_757 : memref<1x80x64xf32, #tpu.memory_space<vmem>> -> memref<80x64xf32, #tpu.memory_space<vmem>>
      %dma_start3A_759 = tpu.memref_slice %arg6[%dma_start3A_753, %mul3A_543] : memref<21x800xi32, #tpu.memory_space<vmem>> -> memref<1x80xi32, #tpu.memory_space<vmem>>
      %dma_start3A_760 = tpu.memref_squeeze %dma_start3A_759 : memref<1x80xi32, #tpu.memory_space<vmem>> -> memref<80xi32, #tpu.memory_space<vmem>>
      %dma_start3A_761 = arith.constant 0 : i32
      %dma_start3A_762 = arith.constant 0 : i32
      %dma_start3A_763 = tpu.memref_slice %arg3[%dma_start3A_761, %dma_start3A_762] : memref<100000x64xf32, #tpu.memory_space<hbm>> -> memref<100000x64xf32, #tpu.memory_space<hbm>>
      tpu.enqueue_indirect_dma source(%dma_start3A_763 : memref<100000x64xf32, #tpu.memory_space<hbm>>) target(%dma_start3A_758 : memref<80x64xf32, #tpu.memory_space<vmem>>) offsets(%dma_start3A_760 : memref<80xi32, #tpu.memory_space<vmem>>) semaphore(%arg10 : memref<!tpu.dma_semaphore, #tpu.memory_space<semaphore_mem>>) {add = true}
      %dma_start3A_764 = arith.constant 20 : i32
      %dma_start3A_765 = arith.constant 0 : i32
      %dma_start3A_766 = arith.constant 0 : i32
      %dma_start3A_767 = arith.constant 0 : i32
      %dma_start3A_768 = tpu.memref_slice %arg7[%dma_start3A_765, %dma_start3A_766, %dma_start3A_767] : memref<2x80x64xf32, #tpu.memory_space<vmem>> -> memref<1x80x64xf32, #tpu.memory_space<vmem>>
      %dma_start3A_769 = tpu.memref_squeeze %dma_start3A_768 : memref<1x80x64xf32, #tpu.memory_space<vmem>> -> memref<80x64xf32, #tpu.memory_space<vmem>>
      %dma_start3A_770 = tpu.memref_slice %arg6[%dma_start3A_764, %mul3A_543] : memref<21x800xi32, #tpu.memory_space<vmem>> -> memref<1x80xi32, #tpu.memory_space<vmem>>
      %dma_start3A_771 = tpu.memref_squeeze %dma_start3A_770 : memref<1x80xi32, #tpu.memory_space<vmem>> -> memref<80xi32, #tpu.memory_space<vmem>>
      %dma_start3A_772 = arith.constant 0 : i32
      %dma_start3A_773 = arith.constant 0 : i32
      %dma_start3A_774 = tpu.memref_slice %arg4[%dma_start3A_772, %dma_start3A_773] : memref<18432x64xf32, #tpu.memory_space<hbm>> -> memref<18432x64xf32, #tpu.memory_space<hbm>>
      tpu.enqueue_indirect_dma source(%dma_start3A_774 : memref<18432x64xf32, #tpu.memory_space<hbm>>) target(%dma_start3A_769 : memref<80x64xf32, #tpu.memory_space<vmem>>) offsets(%dma_start3A_771 : memref<80xi32, #tpu.memory_space<vmem>>) semaphore(%arg10 : memref<!tpu.dma_semaphore, #tpu.memory_space<semaphore_mem>>) {add = true}
      %ge3A = arith.constant 1 : i32
      %ge3A_775 = arith.cmpi sge, %add3A_541, %ge3A : i32
      %convert_element_type3A = arith.extui %ge3A_775 : i1 to i32
      %cond3A = arith.constant 0 : i32
      %cond3A_776 = arith.cmpi ne, %convert_element_type3A, %cond3A : i32
      scf.if %cond3A_776 {
        %sub3A = arith.constant 1 : i32
        %sub3A_1500 = arith.subi %add3A_541, %sub3A : i32
        %mul3A_1501 = arith.constant 80 : i32
        %mul3A_1502 = arith.muli %sub3A_1500, %mul3A_1501 : i32
        %add3A_1503 = arith.addi %mul3A_2, %mul3A_1502 : i32
        %dma_wait3A_1504 = arith.constant 1 : i32
        %dma_wait3A_1505 = arith.constant 0 : i32
        %dma_wait3A_1506 = arith.constant 0 : i32
        %dma_wait3A_1507 = tpu.memref_slice %arg7[%dma_wait3A_1504, %dma_wait3A_1505, %dma_wait3A_1506] : memref<2x80x64xf32, #tpu.memory_space<vmem>> -> memref<1x80x64xf32, #tpu.memory_space<vmem>>
        %dma_wait3A_1508 = tpu.memref_squeeze %dma_wait3A_1507 : memref<1x80x64xf32, #tpu.memory_space<vmem>> -> memref<80x64xf32, #tpu.memory_space<vmem>>
        %dma_wait3A_1509 = arith.constant 0 : i32
        %dma_wait3A_1510 = tpu.memref_slice %arg5[%add3A_1503, %dma_wait3A_1509] : memref<25600x64xf32, #tpu.memory_space<hbm>> -> memref<80x64xf32, #tpu.memory_space<hbm>>
        %dma_wait3A_1511 = arith.constant 0 : i32
        %dma_wait3A_1512 = tpu.memref_slice %arg5[%add3A_1503, %dma_wait3A_1511] : memref<25600x64xf32, #tpu.memory_space<hbm>> -> memref<80x64xf32, #tpu.memory_space<hbm>>
        %dma_wait3A_1513 = arith.constant 0 : i32
        %dma_wait3A_1514 = arith.constant 0 : i32
        %dma_wait3A_1515 = tpu.memref_slice %arg7[%dma_wait3A_1504, %dma_wait3A_1513, %dma_wait3A_1514] : memref<2x80x64xf32, #tpu.memory_space<vmem>> -> memref<1x80x64xf32, #tpu.memory_space<vmem>>
        %dma_wait3A_1516 = tpu.memref_squeeze %dma_wait3A_1515 : memref<1x80x64xf32, #tpu.memory_space<vmem>> -> memref<80x64xf32, #tpu.memory_space<vmem>>
        tpu.wait_dma2 semaphore(%arg13 : memref<!tpu.dma_semaphore, #tpu.memory_space<semaphore_mem>>) src(%dma_wait3A_1516 : memref<80x64xf32, #tpu.memory_space<vmem>>) dst(%dma_wait3A_1512 : memref<80x64xf32, #tpu.memory_space<hbm>>)
      } else {
      }
      %add3A_777 = arith.constant 1 : i32
      %add3A_778 = arith.addi %add3A_541, %add3A_777 : i32
      %lt3A = arith.constant 10 : i32
      %lt3A_779 = arith.cmpi slt, %add3A_778, %lt3A : i32
      %convert_element_type3A_780 = arith.extui %lt3A_779 : i1 to i32
      %cond3A_781 = arith.constant 0 : i32
      %cond3A_782 = arith.cmpi ne, %convert_element_type3A_780, %cond3A_781 : i32
      scf.if %cond3A_782 {
        %add3A_1500 = arith.constant 1 : i32
        %add3A_1501 = arith.addi %add3A_541, %add3A_1500 : i32
        %mul3A_1502 = arith.constant 80 : i32
        %mul3A_1503 = arith.muli %add3A_1501, %mul3A_1502 : i32
        %dma_start3A_1504 = arith.constant 0 : i32
        %dma_start3A_1505 = arith.constant 1 : i32
        %dma_start3A_1506 = arith.constant 0 : i32
        %dma_start3A_1507 = arith.constant 0 : i32
        %dma_start3A_1508 = tpu.memref_slice %arg7[%dma_start3A_1505, %dma_start3A_1506, %dma_start3A_1507] : memref<2x80x64xf32, #tpu.memory_space<vmem>> -> memref<1x80x64xf32, #tpu.memory_space<vmem>>
        %dma_start3A_1509 = tpu.memref_squeeze %dma_start3A_1508 : memref<1x80x64xf32, #tpu.memory_space<vmem>> -> memref<80x64xf32, #tpu.memory_space<vmem>>
        %dma_start3A_1510 = tpu.memref_slice %arg6[%dma_start3A_1504, %mul3A_1503] : memref<21x800xi32, #tpu.memory_space<vmem>> -> memref<1x80xi32, #tpu.memory_space<vmem>>
        %dma_start3A_1511 = tpu.memref_squeeze %dma_start3A_1510 : memref<1x80xi32, #tpu.memory_space<vmem>> -> memref<80xi32, #tpu.memory_space<vmem>>
        %dma_start3A_1512 = arith.constant 0 : i32
        %dma_start3A_1513 = arith.constant 0 : i32
        %dma_start3A_1514 = tpu.memref_slice %arg3[%dma_start3A_1512, %dma_start3A_1513] : memref<100000x64xf32, #tpu.memory_space<hbm>> -> memref<100000x64xf32, #tpu.memory_space<hbm>>
        tpu.enqueue_indirect_dma source(%dma_start3A_1514 : memref<100000x64xf32, #tpu.memory_space<hbm>>) target(%dma_start3A_1509 : memref<80x64xf32, #tpu.memory_space<vmem>>) offsets(%dma_start3A_1511 : memref<80xi32, #tpu.memory_space<vmem>>) semaphore(%arg9 : memref<!tpu.dma_semaphore, #tpu.memory_space<semaphore_mem>>)
      } else {
      }
      %dma_wait3A_783 = arith.constant 1 : i32
      %dma_wait3A_784 = arith.constant 0 : i32
      %dma_wait3A_785 = arith.constant 0 : i32
      %dma_wait3A_786 = arith.constant 0 : i32
      %dma_wait3A_787 = tpu.memref_slice %arg7[%dma_wait3A_784, %dma_wait3A_785, %dma_wait3A_786] : memref<2x80x64xf32, #tpu.memory_space<vmem>> -> memref<1x80x64xf32, #tpu.memory_space<vmem>>
      %dma_wait3A_788 = tpu.memref_squeeze %dma_wait3A_787 : memref<1x80x64xf32, #tpu.memory_space<vmem>> -> memref<80x64xf32, #tpu.memory_space<vmem>>
      %dma_wait3A_789 = tpu.memref_slice %arg6[%dma_wait3A_783, %mul3A_543] : memref<21x800xi32, #tpu.memory_space<vmem>> -> memref<1x80xi32, #tpu.memory_space<vmem>>
      %dma_wait3A_790 = tpu.memref_squeeze %dma_wait3A_789 : memref<1x80xi32, #tpu.memory_space<vmem>> -> memref<80xi32, #tpu.memory_space<vmem>>
      %dma_wait3A_791 = arith.constant 0 : i32
      %dma_wait3A_792 = arith.constant 0 : i32
      %dma_wait3A_793 = tpu.memref_slice %arg3[%dma_wait3A_791, %dma_wait3A_792] : memref<100000x64xf32, #tpu.memory_space<hbm>> -> memref<100000x64xf32, #tpu.memory_space<hbm>>
      tpu.wait_indirect_dma semaphore(%arg10 : memref<!tpu.dma_semaphore, #tpu.memory_space<semaphore_mem>>) src(%dma_wait3A_793 : memref<100000x64xf32, #tpu.memory_space<hbm>>) dst(%dma_wait3A_788 : memref<80x64xf32, #tpu.memory_space<vmem>>)
      %dma_wait3A_794 = arith.constant 2 : i32
      %dma_wait3A_795 = arith.constant 0 : i32
      %dma_wait3A_796 = arith.constant 0 : i32
      %dma_wait3A_797 = arith.constant 0 : i32
      %dma_wait3A_798 = tpu.memref_slice %arg7[%dma_wait3A_795, %dma_wait3A_796, %dma_wait3A_797] : memref<2x80x64xf32, #tpu.memory_space<vmem>> -> memref<1x80x64xf32, #tpu.memory_space<vmem>>
      %dma_wait3A_799 = tpu.memref_squeeze %dma_wait3A_798 : memref<1x80x64xf32, #tpu.memory_space<vmem>> -> memref<80x64xf32, #tpu.memory_space<vmem>>
      %dma_wait3A_800 = tpu.memref_slice %arg6[%dma_wait3A_794, %mul3A_543] : memref<21x800xi32, #tpu.memory_space<vmem>> -> memref<1x80xi32, #tpu.memory_space<vmem>>
      %dma_wait3A_801 = tpu.memref_squeeze %dma_wait3A_800 : memref<1x80xi32, #tpu.memory_space<vmem>> -> memref<80xi32, #tpu.memory_space<vmem>>
      %dma_wait3A_802 = arith.constant 0 : i32
      %dma_wait3A_803 = arith.constant 0 : i32
      %dma_wait3A_804 = tpu.memref_slice %arg3[%dma_wait3A_802, %dma_wait3A_803] : memref<100000x64xf32, #tpu.memory_space<hbm>> -> memref<100000x64xf32, #tpu.memory_space<hbm>>
      tpu.wait_indirect_dma semaphore(%arg10 : memref<!tpu.dma_semaphore, #tpu.memory_space<semaphore_mem>>) src(%dma_wait3A_804 : memref<100000x64xf32, #tpu.memory_space<hbm>>) dst(%dma_wait3A_799 : memref<80x64xf32, #tpu.memory_space<vmem>>)
      %dma_wait3A_805 = arith.constant 3 : i32
      %dma_wait3A_806 = arith.constant 0 : i32
      %dma_wait3A_807 = arith.constant 0 : i32
      %dma_wait3A_808 = arith.constant 0 : i32
      %dma_wait3A_809 = tpu.memref_slice %arg7[%dma_wait3A_806, %dma_wait3A_807, %dma_wait3A_808] : memref<2x80x64xf32, #tpu.memory_space<vmem>> -> memref<1x80x64xf32, #tpu.memory_space<vmem>>
      %dma_wait3A_810 = tpu.memref_squeeze %dma_wait3A_809 : memref<1x80x64xf32, #tpu.memory_space<vmem>> -> memref<80x64xf32, #tpu.memory_space<vmem>>
      %dma_wait3A_811 = tpu.memref_slice %arg6[%dma_wait3A_805, %mul3A_543] : memref<21x800xi32, #tpu.memory_space<vmem>> -> memref<1x80xi32, #tpu.memory_space<vmem>>
      %dma_wait3A_812 = tpu.memref_squeeze %dma_wait3A_811 : memref<1x80xi32, #tpu.memory_space<vmem>> -> memref<80xi32, #tpu.memory_space<vmem>>
      %dma_wait3A_813 = arith.constant 0 : i32
      %dma_wait3A_814 = arith.constant 0 : i32
      %dma_wait3A_815 = tpu.memref_slice %arg3[%dma_wait3A_813, %dma_wait3A_814] : memref<100000x64xf32, #tpu.memory_space<hbm>> -> memref<100000x64xf32, #tpu.memory_space<hbm>>
      tpu.wait_indirect_dma semaphore(%arg10 : memref<!tpu.dma_semaphore, #tpu.memory_space<semaphore_mem>>) src(%dma_wait3A_815 : memref<100000x64xf32, #tpu.memory_space<hbm>>) dst(%dma_wait3A_810 : memref<80x64xf32, #tpu.memory_space<vmem>>)
      %dma_wait3A_816 = arith.constant 4 : i32
      %dma_wait3A_817 = arith.constant 0 : i32
      %dma_wait3A_818 = arith.constant 0 : i32
      %dma_wait3A_819 = arith.constant 0 : i32
      %dma_wait3A_820 = tpu.memref_slice %arg7[%dma_wait3A_817, %dma_wait3A_818, %dma_wait3A_819] : memref<2x80x64xf32, #tpu.memory_space<vmem>> -> memref<1x80x64xf32, #tpu.memory_space<vmem>>
      %dma_wait3A_821 = tpu.memref_squeeze %dma_wait3A_820 : memref<1x80x64xf32, #tpu.memory_space<vmem>> -> memref<80x64xf32, #tpu.memory_space<vmem>>
      %dma_wait3A_822 = tpu.memref_slice %arg6[%dma_wait3A_816, %mul3A_543] : memref<21x800xi32, #tpu.memory_space<vmem>> -> memref<1x80xi32, #tpu.memory_space<vmem>>
      %dma_wait3A_823 = tpu.memref_squeeze %dma_wait3A_822 : memref<1x80xi32, #tpu.memory_space<vmem>> -> memref<80xi32, #tpu.memory_space<vmem>>
      %dma_wait3A_824 = arith.constant 0 : i32
      %dma_wait3A_825 = arith.constant 0 : i32
      %dma_wait3A_826 = tpu.memref_slice %arg3[%dma_wait3A_824, %dma_wait3A_825] : memref<100000x64xf32, #tpu.memory_space<hbm>> -> memref<100000x64xf32, #tpu.memory_space<hbm>>
      tpu.wait_indirect_dma semaphore(%arg10 : memref<!tpu.dma_semaphore, #tpu.memory_space<semaphore_mem>>) src(%dma_wait3A_826 : memref<100000x64xf32, #tpu.memory_space<hbm>>) dst(%dma_wait3A_821 : memref<80x64xf32, #tpu.memory_space<vmem>>)
      %dma_wait3A_827 = arith.constant 5 : i32
      %dma_wait3A_828 = arith.constant 0 : i32
      %dma_wait3A_829 = arith.constant 0 : i32
      %dma_wait3A_830 = arith.constant 0 : i32
      %dma_wait3A_831 = tpu.memref_slice %arg7[%dma_wait3A_828, %dma_wait3A_829, %dma_wait3A_830] : memref<2x80x64xf32, #tpu.memory_space<vmem>> -> memref<1x80x64xf32, #tpu.memory_space<vmem>>
      %dma_wait3A_832 = tpu.memref_squeeze %dma_wait3A_831 : memref<1x80x64xf32, #tpu.memory_space<vmem>> -> memref<80x64xf32, #tpu.memory_space<vmem>>
      %dma_wait3A_833 = tpu.memref_slice %arg6[%dma_wait3A_827, %mul3A_543] : memref<21x800xi32, #tpu.memory_space<vmem>> -> memref<1x80xi32, #tpu.memory_space<vmem>>
      %dma_wait3A_834 = tpu.memref_squeeze %dma_wait3A_833 : memref<1x80xi32, #tpu.memory_space<vmem>> -> memref<80xi32, #tpu.memory_space<vmem>>
      %dma_wait3A_835 = arith.constant 0 : i32
      %dma_wait3A_836 = arith.constant 0 : i32
      %dma_wait3A_837 = tpu.memref_slice %arg3[%dma_wait3A_835, %dma_wait3A_836] : memref<100000x64xf32, #tpu.memory_space<hbm>> -> memref<100000x64xf32, #tpu.memory_space<hbm>>
      tpu.wait_indirect_dma semaphore(%arg10 : memref<!tpu.dma_semaphore, #tpu.memory_space<semaphore_mem>>) src(%dma_wait3A_837 : memref<100000x64xf32, #tpu.memory_space<hbm>>) dst(%dma_wait3A_832 : memref<80x64xf32, #tpu.memory_space<vmem>>)
      %dma_wait3A_838 = arith.constant 6 : i32
      %dma_wait3A_839 = arith.constant 0 : i32
      %dma_wait3A_840 = arith.constant 0 : i32
      %dma_wait3A_841 = arith.constant 0 : i32
      %dma_wait3A_842 = tpu.memref_slice %arg7[%dma_wait3A_839, %dma_wait3A_840, %dma_wait3A_841] : memref<2x80x64xf32, #tpu.memory_space<vmem>> -> memref<1x80x64xf32, #tpu.memory_space<vmem>>
      %dma_wait3A_843 = tpu.memref_squeeze %dma_wait3A_842 : memref<1x80x64xf32, #tpu.memory_space<vmem>> -> memref<80x64xf32, #tpu.memory_space<vmem>>
      %dma_wait3A_844 = tpu.memref_slice %arg6[%dma_wait3A_838, %mul3A_543] : memref<21x800xi32, #tpu.memory_space<vmem>> -> memref<1x80xi32, #tpu.memory_space<vmem>>
      %dma_wait3A_845 = tpu.memref_squeeze %dma_wait3A_844 : memref<1x80xi32, #tpu.memory_space<vmem>> -> memref<80xi32, #tpu.memory_space<vmem>>
      %dma_wait3A_846 = arith.constant 0 : i32
      %dma_wait3A_847 = arith.constant 0 : i32
      %dma_wait3A_848 = tpu.memref_slice %arg3[%dma_wait3A_846, %dma_wait3A_847] : memref<100000x64xf32, #tpu.memory_space<hbm>> -> memref<100000x64xf32, #tpu.memory_space<hbm>>
      tpu.wait_indirect_dma semaphore(%arg10 : memref<!tpu.dma_semaphore, #tpu.memory_space<semaphore_mem>>) src(%dma_wait3A_848 : memref<100000x64xf32, #tpu.memory_space<hbm>>) dst(%dma_wait3A_843 : memref<80x64xf32, #tpu.memory_space<vmem>>)
      %dma_wait3A_849 = arith.constant 7 : i32
      %dma_wait3A_850 = arith.constant 0 : i32
      %dma_wait3A_851 = arith.constant 0 : i32
      %dma_wait3A_852 = arith.constant 0 : i32
      %dma_wait3A_853 = tpu.memref_slice %arg7[%dma_wait3A_850, %dma_wait3A_851, %dma_wait3A_852] : memref<2x80x64xf32, #tpu.memory_space<vmem>> -> memref<1x80x64xf32, #tpu.memory_space<vmem>>
      %dma_wait3A_854 = tpu.memref_squeeze %dma_wait3A_853 : memref<1x80x64xf32, #tpu.memory_space<vmem>> -> memref<80x64xf32, #tpu.memory_space<vmem>>
      %dma_wait3A_855 = tpu.memref_slice %arg6[%dma_wait3A_849, %mul3A_543] : memref<21x800xi32, #tpu.memory_space<vmem>> -> memref<1x80xi32, #tpu.memory_space<vmem>>
      %dma_wait3A_856 = tpu.memref_squeeze %dma_wait3A_855 : memref<1x80xi32, #tpu.memory_space<vmem>> -> memref<80xi32, #tpu.memory_space<vmem>>
      %dma_wait3A_857 = arith.constant 0 : i32
      %dma_wait3A_858 = arith.constant 0 : i32
      %dma_wait3A_859 = tpu.memref_slice %arg3[%dma_wait3A_857, %dma_wait3A_858] : memref<100000x64xf32, #tpu.memory_space<hbm>> -> memref<100000x64xf32, #tpu.memory_space<hbm>>
      tpu.wait_indirect_dma semaphore(%arg10 : memref<!tpu.dma_semaphore, #tpu.memory_space<semaphore_mem>>) src(%dma_wait3A_859 : memref<100000x64xf32, #tpu.memory_space<hbm>>) dst(%dma_wait3A_854 : memref<80x64xf32, #tpu.memory_space<vmem>>)
      %dma_wait3A_860 = arith.constant 8 : i32
      %dma_wait3A_861 = arith.constant 0 : i32
      %dma_wait3A_862 = arith.constant 0 : i32
      %dma_wait3A_863 = arith.constant 0 : i32
      %dma_wait3A_864 = tpu.memref_slice %arg7[%dma_wait3A_861, %dma_wait3A_862, %dma_wait3A_863] : memref<2x80x64xf32, #tpu.memory_space<vmem>> -> memref<1x80x64xf32, #tpu.memory_space<vmem>>
      %dma_wait3A_865 = tpu.memref_squeeze %dma_wait3A_864 : memref<1x80x64xf32, #tpu.memory_space<vmem>> -> memref<80x64xf32, #tpu.memory_space<vmem>>
      %dma_wait3A_866 = tpu.memref_slice %arg6[%dma_wait3A_860, %mul3A_543] : memref<21x800xi32, #tpu.memory_space<vmem>> -> memref<1x80xi32, #tpu.memory_space<vmem>>
      %dma_wait3A_867 = tpu.memref_squeeze %dma_wait3A_866 : memref<1x80xi32, #tpu.memory_space<vmem>> -> memref<80xi32, #tpu.memory_space<vmem>>
      %dma_wait3A_868 = arith.constant 0 : i32
      %dma_wait3A_869 = arith.constant 0 : i32
      %dma_wait3A_870 = tpu.memref_slice %arg3[%dma_wait3A_868, %dma_wait3A_869] : memref<100000x64xf32, #tpu.memory_space<hbm>> -> memref<100000x64xf32, #tpu.memory_space<hbm>>
      tpu.wait_indirect_dma semaphore(%arg10 : memref<!tpu.dma_semaphore, #tpu.memory_space<semaphore_mem>>) src(%dma_wait3A_870 : memref<100000x64xf32, #tpu.memory_space<hbm>>) dst(%dma_wait3A_865 : memref<80x64xf32, #tpu.memory_space<vmem>>)
      %dma_wait3A_871 = arith.constant 9 : i32
      %dma_wait3A_872 = arith.constant 0 : i32
      %dma_wait3A_873 = arith.constant 0 : i32
      %dma_wait3A_874 = arith.constant 0 : i32
      %dma_wait3A_875 = tpu.memref_slice %arg7[%dma_wait3A_872, %dma_wait3A_873, %dma_wait3A_874] : memref<2x80x64xf32, #tpu.memory_space<vmem>> -> memref<1x80x64xf32, #tpu.memory_space<vmem>>
      %dma_wait3A_876 = tpu.memref_squeeze %dma_wait3A_875 : memref<1x80x64xf32, #tpu.memory_space<vmem>> -> memref<80x64xf32, #tpu.memory_space<vmem>>
      %dma_wait3A_877 = tpu.memref_slice %arg6[%dma_wait3A_871, %mul3A_543] : memref<21x800xi32, #tpu.memory_space<vmem>> -> memref<1x80xi32, #tpu.memory_space<vmem>>
      %dma_wait3A_878 = tpu.memref_squeeze %dma_wait3A_877 : memref<1x80xi32, #tpu.memory_space<vmem>> -> memref<80xi32, #tpu.memory_space<vmem>>
      %dma_wait3A_879 = arith.constant 0 : i32
      %dma_wait3A_880 = arith.constant 0 : i32
      %dma_wait3A_881 = tpu.memref_slice %arg3[%dma_wait3A_879, %dma_wait3A_880] : memref<100000x64xf32, #tpu.memory_space<hbm>> -> memref<100000x64xf32, #tpu.memory_space<hbm>>
      tpu.wait_indirect_dma semaphore(%arg10 : memref<!tpu.dma_semaphore, #tpu.memory_space<semaphore_mem>>) src(%dma_wait3A_881 : memref<100000x64xf32, #tpu.memory_space<hbm>>) dst(%dma_wait3A_876 : memref<80x64xf32, #tpu.memory_space<vmem>>)
      %dma_wait3A_882 = arith.constant 10 : i32
      %dma_wait3A_883 = arith.constant 0 : i32
      %dma_wait3A_884 = arith.constant 0 : i32
      %dma_wait3A_885 = arith.constant 0 : i32
      %dma_wait3A_886 = tpu.memref_slice %arg7[%dma_wait3A_883, %dma_wait3A_884, %dma_wait3A_885] : memref<2x80x64xf32, #tpu.memory_space<vmem>> -> memref<1x80x64xf32, #tpu.memory_space<vmem>>
      %dma_wait3A_887 = tpu.memref_squeeze %dma_wait3A_886 : memref<1x80x64xf32, #tpu.memory_space<vmem>> -> memref<80x64xf32, #tpu.memory_space<vmem>>
      %dma_wait3A_888 = tpu.memref_slice %arg6[%dma_wait3A_882, %mul3A_543] : memref<21x800xi32, #tpu.memory_space<vmem>> -> memref<1x80xi32, #tpu.memory_space<vmem>>
      %dma_wait3A_889 = tpu.memref_squeeze %dma_wait3A_888 : memref<1x80xi32, #tpu.memory_space<vmem>> -> memref<80xi32, #tpu.memory_space<vmem>>
      %dma_wait3A_890 = arith.constant 0 : i32
      %dma_wait3A_891 = arith.constant 0 : i32
      %dma_wait3A_892 = tpu.memref_slice %arg3[%dma_wait3A_890, %dma_wait3A_891] : memref<100000x64xf32, #tpu.memory_space<hbm>> -> memref<100000x64xf32, #tpu.memory_space<hbm>>
      tpu.wait_indirect_dma semaphore(%arg10 : memref<!tpu.dma_semaphore, #tpu.memory_space<semaphore_mem>>) src(%dma_wait3A_892 : memref<100000x64xf32, #tpu.memory_space<hbm>>) dst(%dma_wait3A_887 : memref<80x64xf32, #tpu.memory_space<vmem>>)
      %dma_wait3A_893 = arith.constant 11 : i32
      %dma_wait3A_894 = arith.constant 0 : i32
      %dma_wait3A_895 = arith.constant 0 : i32
      %dma_wait3A_896 = arith.constant 0 : i32
      %dma_wait3A_897 = tpu.memref_slice %arg7[%dma_wait3A_894, %dma_wait3A_895, %dma_wait3A_896] : memref<2x80x64xf32, #tpu.memory_space<vmem>> -> memref<1x80x64xf32, #tpu.memory_space<vmem>>
      %dma_wait3A_898 = tpu.memref_squeeze %dma_wait3A_897 : memref<1x80x64xf32, #tpu.memory_space<vmem>> -> memref<80x64xf32, #tpu.memory_space<vmem>>
      %dma_wait3A_899 = tpu.memref_slice %arg6[%dma_wait3A_893, %mul3A_543] : memref<21x800xi32, #tpu.memory_space<vmem>> -> memref<1x80xi32, #tpu.memory_space<vmem>>
      %dma_wait3A_900 = tpu.memref_squeeze %dma_wait3A_899 : memref<1x80xi32, #tpu.memory_space<vmem>> -> memref<80xi32, #tpu.memory_space<vmem>>
      %dma_wait3A_901 = arith.constant 0 : i32
      %dma_wait3A_902 = arith.constant 0 : i32
      %dma_wait3A_903 = tpu.memref_slice %arg3[%dma_wait3A_901, %dma_wait3A_902] : memref<100000x64xf32, #tpu.memory_space<hbm>> -> memref<100000x64xf32, #tpu.memory_space<hbm>>
      tpu.wait_indirect_dma semaphore(%arg10 : memref<!tpu.dma_semaphore, #tpu.memory_space<semaphore_mem>>) src(%dma_wait3A_903 : memref<100000x64xf32, #tpu.memory_space<hbm>>) dst(%dma_wait3A_898 : memref<80x64xf32, #tpu.memory_space<vmem>>)
      %dma_wait3A_904 = arith.constant 12 : i32
      %dma_wait3A_905 = arith.constant 0 : i32
      %dma_wait3A_906 = arith.constant 0 : i32
      %dma_wait3A_907 = arith.constant 0 : i32
      %dma_wait3A_908 = tpu.memref_slice %arg7[%dma_wait3A_905, %dma_wait3A_906, %dma_wait3A_907] : memref<2x80x64xf32, #tpu.memory_space<vmem>> -> memref<1x80x64xf32, #tpu.memory_space<vmem>>
      %dma_wait3A_909 = tpu.memref_squeeze %dma_wait3A_908 : memref<1x80x64xf32, #tpu.memory_space<vmem>> -> memref<80x64xf32, #tpu.memory_space<vmem>>
      %dma_wait3A_910 = tpu.memref_slice %arg6[%dma_wait3A_904, %mul3A_543] : memref<21x800xi32, #tpu.memory_space<vmem>> -> memref<1x80xi32, #tpu.memory_space<vmem>>
      %dma_wait3A_911 = tpu.memref_squeeze %dma_wait3A_910 : memref<1x80xi32, #tpu.memory_space<vmem>> -> memref<80xi32, #tpu.memory_space<vmem>>
      %dma_wait3A_912 = arith.constant 0 : i32
      %dma_wait3A_913 = arith.constant 0 : i32
      %dma_wait3A_914 = tpu.memref_slice %arg3[%dma_wait3A_912, %dma_wait3A_913] : memref<100000x64xf32, #tpu.memory_space<hbm>> -> memref<100000x64xf32, #tpu.memory_space<hbm>>
      tpu.wait_indirect_dma semaphore(%arg10 : memref<!tpu.dma_semaphore, #tpu.memory_space<semaphore_mem>>) src(%dma_wait3A_914 : memref<100000x64xf32, #tpu.memory_space<hbm>>) dst(%dma_wait3A_909 : memref<80x64xf32, #tpu.memory_space<vmem>>)
      %dma_wait3A_915 = arith.constant 13 : i32
      %dma_wait3A_916 = arith.constant 0 : i32
      %dma_wait3A_917 = arith.constant 0 : i32
      %dma_wait3A_918 = arith.constant 0 : i32
      %dma_wait3A_919 = tpu.memref_slice %arg7[%dma_wait3A_916, %dma_wait3A_917, %dma_wait3A_918] : memref<2x80x64xf32, #tpu.memory_space<vmem>> -> memref<1x80x64xf32, #tpu.memory_space<vmem>>
      %dma_wait3A_920 = tpu.memref_squeeze %dma_wait3A_919 : memref<1x80x64xf32, #tpu.memory_space<vmem>> -> memref<80x64xf32, #tpu.memory_space<vmem>>
      %dma_wait3A_921 = tpu.memref_slice %arg6[%dma_wait3A_915, %mul3A_543] : memref<21x800xi32, #tpu.memory_space<vmem>> -> memref<1x80xi32, #tpu.memory_space<vmem>>
      %dma_wait3A_922 = tpu.memref_squeeze %dma_wait3A_921 : memref<1x80xi32, #tpu.memory_space<vmem>> -> memref<80xi32, #tpu.memory_space<vmem>>
      %dma_wait3A_923 = arith.constant 0 : i32
      %dma_wait3A_924 = arith.constant 0 : i32
      %dma_wait3A_925 = tpu.memref_slice %arg3[%dma_wait3A_923, %dma_wait3A_924] : memref<100000x64xf32, #tpu.memory_space<hbm>> -> memref<100000x64xf32, #tpu.memory_space<hbm>>
      tpu.wait_indirect_dma semaphore(%arg10 : memref<!tpu.dma_semaphore, #tpu.memory_space<semaphore_mem>>) src(%dma_wait3A_925 : memref<100000x64xf32, #tpu.memory_space<hbm>>) dst(%dma_wait3A_920 : memref<80x64xf32, #tpu.memory_space<vmem>>)
      %dma_wait3A_926 = arith.constant 14 : i32
      %dma_wait3A_927 = arith.constant 0 : i32
      %dma_wait3A_928 = arith.constant 0 : i32
      %dma_wait3A_929 = arith.constant 0 : i32
      %dma_wait3A_930 = tpu.memref_slice %arg7[%dma_wait3A_927, %dma_wait3A_928, %dma_wait3A_929] : memref<2x80x64xf32, #tpu.memory_space<vmem>> -> memref<1x80x64xf32, #tpu.memory_space<vmem>>
      %dma_wait3A_931 = tpu.memref_squeeze %dma_wait3A_930 : memref<1x80x64xf32, #tpu.memory_space<vmem>> -> memref<80x64xf32, #tpu.memory_space<vmem>>
      %dma_wait3A_932 = tpu.memref_slice %arg6[%dma_wait3A_926, %mul3A_543] : memref<21x800xi32, #tpu.memory_space<vmem>> -> memref<1x80xi32, #tpu.memory_space<vmem>>
      %dma_wait3A_933 = tpu.memref_squeeze %dma_wait3A_932 : memref<1x80xi32, #tpu.memory_space<vmem>> -> memref<80xi32, #tpu.memory_space<vmem>>
      %dma_wait3A_934 = arith.constant 0 : i32
      %dma_wait3A_935 = arith.constant 0 : i32
      %dma_wait3A_936 = tpu.memref_slice %arg3[%dma_wait3A_934, %dma_wait3A_935] : memref<100000x64xf32, #tpu.memory_space<hbm>> -> memref<100000x64xf32, #tpu.memory_space<hbm>>
      tpu.wait_indirect_dma semaphore(%arg10 : memref<!tpu.dma_semaphore, #tpu.memory_space<semaphore_mem>>) src(%dma_wait3A_936 : memref<100000x64xf32, #tpu.memory_space<hbm>>) dst(%dma_wait3A_931 : memref<80x64xf32, #tpu.memory_space<vmem>>)
      %dma_wait3A_937 = arith.constant 15 : i32
      %dma_wait3A_938 = arith.constant 0 : i32
      %dma_wait3A_939 = arith.constant 0 : i32
      %dma_wait3A_940 = arith.constant 0 : i32
      %dma_wait3A_941 = tpu.memref_slice %arg7[%dma_wait3A_938, %dma_wait3A_939, %dma_wait3A_940] : memref<2x80x64xf32, #tpu.memory_space<vmem>> -> memref<1x80x64xf32, #tpu.memory_space<vmem>>
      %dma_wait3A_942 = tpu.memref_squeeze %dma_wait3A_941 : memref<1x80x64xf32, #tpu.memory_space<vmem>> -> memref<80x64xf32, #tpu.memory_space<vmem>>
      %dma_wait3A_943 = tpu.memref_slice %arg6[%dma_wait3A_937, %mul3A_543] : memref<21x800xi32, #tpu.memory_space<vmem>> -> memref<1x80xi32, #tpu.memory_space<vmem>>
      %dma_wait3A_944 = tpu.memref_squeeze %dma_wait3A_943 : memref<1x80xi32, #tpu.memory_space<vmem>> -> memref<80xi32, #tpu.memory_space<vmem>>
      %dma_wait3A_945 = arith.constant 0 : i32
      %dma_wait3A_946 = arith.constant 0 : i32
      %dma_wait3A_947 = tpu.memref_slice %arg3[%dma_wait3A_945, %dma_wait3A_946] : memref<100000x64xf32, #tpu.memory_space<hbm>> -> memref<100000x64xf32, #tpu.memory_space<hbm>>
      tpu.wait_indirect_dma semaphore(%arg10 : memref<!tpu.dma_semaphore, #tpu.memory_space<semaphore_mem>>) src(%dma_wait3A_947 : memref<100000x64xf32, #tpu.memory_space<hbm>>) dst(%dma_wait3A_942 : memref<80x64xf32, #tpu.memory_space<vmem>>)
      %dma_wait3A_948 = arith.constant 16 : i32
      %dma_wait3A_949 = arith.constant 0 : i32
      %dma_wait3A_950 = arith.constant 0 : i32
      %dma_wait3A_951 = arith.constant 0 : i32
      %dma_wait3A_952 = tpu.memref_slice %arg7[%dma_wait3A_949, %dma_wait3A_950, %dma_wait3A_951] : memref<2x80x64xf32, #tpu.memory_space<vmem>> -> memref<1x80x64xf32, #tpu.memory_space<vmem>>
      %dma_wait3A_953 = tpu.memref_squeeze %dma_wait3A_952 : memref<1x80x64xf32, #tpu.memory_space<vmem>> -> memref<80x64xf32, #tpu.memory_space<vmem>>
      %dma_wait3A_954 = tpu.memref_slice %arg6[%dma_wait3A_948, %mul3A_543] : memref<21x800xi32, #tpu.memory_space<vmem>> -> memref<1x80xi32, #tpu.memory_space<vmem>>
      %dma_wait3A_955 = tpu.memref_squeeze %dma_wait3A_954 : memref<1x80xi32, #tpu.memory_space<vmem>> -> memref<80xi32, #tpu.memory_space<vmem>>
      %dma_wait3A_956 = arith.constant 0 : i32
      %dma_wait3A_957 = arith.constant 0 : i32
      %dma_wait3A_958 = tpu.memref_slice %arg3[%dma_wait3A_956, %dma_wait3A_957] : memref<100000x64xf32, #tpu.memory_space<hbm>> -> memref<100000x64xf32, #tpu.memory_space<hbm>>
      tpu.wait_indirect_dma semaphore(%arg10 : memref<!tpu.dma_semaphore, #tpu.memory_space<semaphore_mem>>) src(%dma_wait3A_958 : memref<100000x64xf32, #tpu.memory_space<hbm>>) dst(%dma_wait3A_953 : memref<80x64xf32, #tpu.memory_space<vmem>>)
      %dma_wait3A_959 = arith.constant 17 : i32
      %dma_wait3A_960 = arith.constant 0 : i32
      %dma_wait3A_961 = arith.constant 0 : i32
      %dma_wait3A_962 = arith.constant 0 : i32
      %dma_wait3A_963 = tpu.memref_slice %arg7[%dma_wait3A_960, %dma_wait3A_961, %dma_wait3A_962] : memref<2x80x64xf32, #tpu.memory_space<vmem>> -> memref<1x80x64xf32, #tpu.memory_space<vmem>>
      %dma_wait3A_964 = tpu.memref_squeeze %dma_wait3A_963 : memref<1x80x64xf32, #tpu.memory_space<vmem>> -> memref<80x64xf32, #tpu.memory_space<vmem>>
      %dma_wait3A_965 = tpu.memref_slice %arg6[%dma_wait3A_959, %mul3A_543] : memref<21x800xi32, #tpu.memory_space<vmem>> -> memref<1x80xi32, #tpu.memory_space<vmem>>
      %dma_wait3A_966 = tpu.memref_squeeze %dma_wait3A_965 : memref<1x80xi32, #tpu.memory_space<vmem>> -> memref<80xi32, #tpu.memory_space<vmem>>
      %dma_wait3A_967 = arith.constant 0 : i32
      %dma_wait3A_968 = arith.constant 0 : i32
      %dma_wait3A_969 = tpu.memref_slice %arg3[%dma_wait3A_967, %dma_wait3A_968] : memref<100000x64xf32, #tpu.memory_space<hbm>> -> memref<100000x64xf32, #tpu.memory_space<hbm>>
      tpu.wait_indirect_dma semaphore(%arg10 : memref<!tpu.dma_semaphore, #tpu.memory_space<semaphore_mem>>) src(%dma_wait3A_969 : memref<100000x64xf32, #tpu.memory_space<hbm>>) dst(%dma_wait3A_964 : memref<80x64xf32, #tpu.memory_space<vmem>>)
      %dma_wait3A_970 = arith.constant 18 : i32
      %dma_wait3A_971 = arith.constant 0 : i32
      %dma_wait3A_972 = arith.constant 0 : i32
      %dma_wait3A_973 = arith.constant 0 : i32
      %dma_wait3A_974 = tpu.memref_slice %arg7[%dma_wait3A_971, %dma_wait3A_972, %dma_wait3A_973] : memref<2x80x64xf32, #tpu.memory_space<vmem>> -> memref<1x80x64xf32, #tpu.memory_space<vmem>>
      %dma_wait3A_975 = tpu.memref_squeeze %dma_wait3A_974 : memref<1x80x64xf32, #tpu.memory_space<vmem>> -> memref<80x64xf32, #tpu.memory_space<vmem>>
      %dma_wait3A_976 = tpu.memref_slice %arg6[%dma_wait3A_970, %mul3A_543] : memref<21x800xi32, #tpu.memory_space<vmem>> -> memref<1x80xi32, #tpu.memory_space<vmem>>
      %dma_wait3A_977 = tpu.memref_squeeze %dma_wait3A_976 : memref<1x80xi32, #tpu.memory_space<vmem>> -> memref<80xi32, #tpu.memory_space<vmem>>
      %dma_wait3A_978 = arith.constant 0 : i32
      %dma_wait3A_979 = arith.constant 0 : i32
      %dma_wait3A_980 = tpu.memref_slice %arg3[%dma_wait3A_978, %dma_wait3A_979] : memref<100000x64xf32, #tpu.memory_space<hbm>> -> memref<100000x64xf32, #tpu.memory_space<hbm>>
      tpu.wait_indirect_dma semaphore(%arg10 : memref<!tpu.dma_semaphore, #tpu.memory_space<semaphore_mem>>) src(%dma_wait3A_980 : memref<100000x64xf32, #tpu.memory_space<hbm>>) dst(%dma_wait3A_975 : memref<80x64xf32, #tpu.memory_space<vmem>>)
      %dma_wait3A_981 = arith.constant 19 : i32
      %dma_wait3A_982 = arith.constant 0 : i32
      %dma_wait3A_983 = arith.constant 0 : i32
      %dma_wait3A_984 = arith.constant 0 : i32
      %dma_wait3A_985 = tpu.memref_slice %arg7[%dma_wait3A_982, %dma_wait3A_983, %dma_wait3A_984] : memref<2x80x64xf32, #tpu.memory_space<vmem>> -> memref<1x80x64xf32, #tpu.memory_space<vmem>>
      %dma_wait3A_986 = tpu.memref_squeeze %dma_wait3A_985 : memref<1x80x64xf32, #tpu.memory_space<vmem>> -> memref<80x64xf32, #tpu.memory_space<vmem>>
      %dma_wait3A_987 = tpu.memref_slice %arg6[%dma_wait3A_981, %mul3A_543] : memref<21x800xi32, #tpu.memory_space<vmem>> -> memref<1x80xi32, #tpu.memory_space<vmem>>
      %dma_wait3A_988 = tpu.memref_squeeze %dma_wait3A_987 : memref<1x80xi32, #tpu.memory_space<vmem>> -> memref<80xi32, #tpu.memory_space<vmem>>
      %dma_wait3A_989 = arith.constant 0 : i32
      %dma_wait3A_990 = arith.constant 0 : i32
      %dma_wait3A_991 = tpu.memref_slice %arg3[%dma_wait3A_989, %dma_wait3A_990] : memref<100000x64xf32, #tpu.memory_space<hbm>> -> memref<100000x64xf32, #tpu.memory_space<hbm>>
      tpu.wait_indirect_dma semaphore(%arg10 : memref<!tpu.dma_semaphore, #tpu.memory_space<semaphore_mem>>) src(%dma_wait3A_991 : memref<100000x64xf32, #tpu.memory_space<hbm>>) dst(%dma_wait3A_986 : memref<80x64xf32, #tpu.memory_space<vmem>>)
      %dma_wait3A_992 = arith.constant 20 : i32
      %dma_wait3A_993 = arith.constant 0 : i32
      %dma_wait3A_994 = arith.constant 0 : i32
      %dma_wait3A_995 = arith.constant 0 : i32
      %dma_wait3A_996 = tpu.memref_slice %arg7[%dma_wait3A_993, %dma_wait3A_994, %dma_wait3A_995] : memref<2x80x64xf32, #tpu.memory_space<vmem>> -> memref<1x80x64xf32, #tpu.memory_space<vmem>>
      %dma_wait3A_997 = tpu.memref_squeeze %dma_wait3A_996 : memref<1x80x64xf32, #tpu.memory_space<vmem>> -> memref<80x64xf32, #tpu.memory_space<vmem>>
      %dma_wait3A_998 = tpu.memref_slice %arg6[%dma_wait3A_992, %mul3A_543] : memref<21x800xi32, #tpu.memory_space<vmem>> -> memref<1x80xi32, #tpu.memory_space<vmem>>
      %dma_wait3A_999 = tpu.memref_squeeze %dma_wait3A_998 : memref<1x80xi32, #tpu.memory_space<vmem>> -> memref<80xi32, #tpu.memory_space<vmem>>
      %dma_wait3A_1000 = arith.constant 0 : i32
      %dma_wait3A_1001 = arith.constant 0 : i32
      %dma_wait3A_1002 = tpu.memref_slice %arg4[%dma_wait3A_1000, %dma_wait3A_1001] : memref<18432x64xf32, #tpu.memory_space<hbm>> -> memref<18432x64xf32, #tpu.memory_space<hbm>>
      tpu.wait_indirect_dma semaphore(%arg10 : memref<!tpu.dma_semaphore, #tpu.memory_space<semaphore_mem>>) src(%dma_wait3A_1002 : memref<18432x64xf32, #tpu.memory_space<hbm>>) dst(%dma_wait3A_997 : memref<80x64xf32, #tpu.memory_space<vmem>>)
      %add3A_1003 = arith.addi %mul3A_2, %mul3A_543 : i32
      %dma_start3A_1004 = arith.constant 0 : i32
      %dma_start3A_1005 = arith.constant 0 : i32
      %dma_start3A_1006 = arith.constant 0 : i32
      %dma_start3A_1007 = tpu.memref_slice %arg7[%dma_start3A_1004, %dma_start3A_1005, %dma_start3A_1006] : memref<2x80x64xf32, #tpu.memory_space<vmem>> -> memref<1x80x64xf32, #tpu.memory_space<vmem>>
      %dma_start3A_1008 = tpu.memref_squeeze %dma_start3A_1007 : memref<1x80x64xf32, #tpu.memory_space<vmem>> -> memref<80x64xf32, #tpu.memory_space<vmem>>
      %dma_start3A_1009 = arith.constant 0 : i32
      %dma_start3A_1010 = tpu.memref_slice %arg5[%add3A_1003, %dma_start3A_1009] : memref<25600x64xf32, #tpu.memory_space<hbm>> -> memref<80x64xf32, #tpu.memory_space<hbm>>
      %dma_start3A_1011 = arith.constant 0 : i32
      %dma_start3A_1012 = tpu.memref_slice %arg5[%add3A_1003, %dma_start3A_1011] : memref<25600x64xf32, #tpu.memory_space<hbm>> -> memref<80x64xf32, #tpu.memory_space<hbm>>
      %dma_start3A_1013 = arith.constant 0 : i32
      %dma_start3A_1014 = arith.constant 0 : i32
      %dma_start3A_1015 = tpu.memref_slice %arg7[%dma_start3A_1004, %dma_start3A_1013, %dma_start3A_1014] : memref<2x80x64xf32, #tpu.memory_space<vmem>> -> memref<1x80x64xf32, #tpu.memory_space<vmem>>
      %dma_start3A_1016 = tpu.memref_squeeze %dma_start3A_1015 : memref<1x80x64xf32, #tpu.memory_space<vmem>> -> memref<80x64xf32, #tpu.memory_space<vmem>>
      tpu.enqueue_dma source(%dma_start3A_1016 : memref<80x64xf32, #tpu.memory_space<vmem>>) target(%dma_start3A_1012 : memref<80x64xf32, #tpu.memory_space<hbm>>) target_semaphore(%arg12 : memref<!tpu.dma_semaphore, #tpu.memory_space<semaphore_mem>>)
      %mul3A_1017 = arith.constant 2 : i32
      %mul3A_1018 = arith.muli %scan3A_537, %mul3A_1017 : i32
      %add3A_1019 = arith.constant 1 : i32
      %add3A_1020 = arith.addi %mul3A_1018, %add3A_1019 : i32
      %mul3A_1021 = arith.constant 80 : i32
      %mul3A_1022 = arith.muli %add3A_1020, %mul3A_1021 : i32
      %dma_wait3A_1023 = arith.constant 0 : i32
      %dma_wait3A_1024 = arith.constant 1 : i32
      %dma_wait3A_1025 = arith.constant 0 : i32
      %dma_wait3A_1026 = arith.constant 0 : i32
      %dma_wait3A_1027 = tpu.memref_slice %arg7[%dma_wait3A_1024, %dma_wait3A_1025, %dma_wait3A_1026] : memref<2x80x64xf32, #tpu.memory_space<vmem>> -> memref<1x80x64xf32, #tpu.memory_space<vmem>>
      %dma_wait3A_1028 = tpu.memref_squeeze %dma_wait3A_1027 : memref<1x80x64xf32, #tpu.memory_space<vmem>> -> memref<80x64xf32, #tpu.memory_space<vmem>>
      %dma_wait3A_1029 = tpu.memref_slice %arg6[%dma_wait3A_1023, %mul3A_1022] : memref<21x800xi32, #tpu.memory_space<vmem>> -> memref<1x80xi32, #tpu.memory_space<vmem>>
      %dma_wait3A_1030 = tpu.memref_squeeze %dma_wait3A_1029 : memref<1x80xi32, #tpu.memory_space<vmem>> -> memref<80xi32, #tpu.memory_space<vmem>>
      %dma_wait3A_1031 = arith.constant 0 : i32
      %dma_wait3A_1032 = arith.constant 0 : i32
      %dma_wait3A_1033 = tpu.memref_slice %arg3[%dma_wait3A_1031, %dma_wait3A_1032] : memref<100000x64xf32, #tpu.memory_space<hbm>> -> memref<100000x64xf32, #tpu.memory_space<hbm>>
      tpu.wait_indirect_dma semaphore(%arg9 : memref<!tpu.dma_semaphore, #tpu.memory_space<semaphore_mem>>) src(%dma_wait3A_1033 : memref<100000x64xf32, #tpu.memory_space<hbm>>) dst(%dma_wait3A_1028 : memref<80x64xf32, #tpu.memory_space<vmem>>)
      %dma_start3A_1034 = arith.constant 1 : i32
      %dma_start3A_1035 = arith.constant 1 : i32
      %dma_start3A_1036 = arith.constant 0 : i32
      %dma_start3A_1037 = arith.constant 0 : i32
      %dma_start3A_1038 = tpu.memref_slice %arg7[%dma_start3A_1035, %dma_start3A_1036, %dma_start3A_1037] : memref<2x80x64xf32, #tpu.memory_space<vmem>> -> memref<1x80x64xf32, #tpu.memory_space<vmem>>
      %dma_start3A_1039 = tpu.memref_squeeze %dma_start3A_1038 : memref<1x80x64xf32, #tpu.memory_space<vmem>> -> memref<80x64xf32, #tpu.memory_space<vmem>>
      %dma_start3A_1040 = tpu.memref_slice %arg6[%dma_start3A_1034, %mul3A_1022] : memref<21x800xi32, #tpu.memory_space<vmem>> -> memref<1x80xi32, #tpu.memory_space<vmem>>
      %dma_start3A_1041 = tpu.memref_squeeze %dma_start3A_1040 : memref<1x80xi32, #tpu.memory_space<vmem>> -> memref<80xi32, #tpu.memory_space<vmem>>
      %dma_start3A_1042 = arith.constant 0 : i32
      %dma_start3A_1043 = arith.constant 0 : i32
      %dma_start3A_1044 = tpu.memref_slice %arg3[%dma_start3A_1042, %dma_start3A_1043] : memref<100000x64xf32, #tpu.memory_space<hbm>> -> memref<100000x64xf32, #tpu.memory_space<hbm>>
      tpu.enqueue_indirect_dma source(%dma_start3A_1044 : memref<100000x64xf32, #tpu.memory_space<hbm>>) target(%dma_start3A_1039 : memref<80x64xf32, #tpu.memory_space<vmem>>) offsets(%dma_start3A_1041 : memref<80xi32, #tpu.memory_space<vmem>>) semaphore(%arg11 : memref<!tpu.dma_semaphore, #tpu.memory_space<semaphore_mem>>) {add = true}
      %dma_start3A_1045 = arith.constant 2 : i32
      %dma_start3A_1046 = arith.constant 1 : i32
      %dma_start3A_1047 = arith.constant 0 : i32
      %dma_start3A_1048 = arith.constant 0 : i32
      %dma_start3A_1049 = tpu.memref_slice %arg7[%dma_start3A_1046, %dma_start3A_1047, %dma_start3A_1048] : memref<2x80x64xf32, #tpu.memory_space<vmem>> -> memref<1x80x64xf32, #tpu.memory_space<vmem>>
      %dma_start3A_1050 = tpu.memref_squeeze %dma_start3A_1049 : memref<1x80x64xf32, #tpu.memory_space<vmem>> -> memref<80x64xf32, #tpu.memory_space<vmem>>
      %dma_start3A_1051 = tpu.memref_slice %arg6[%dma_start3A_1045, %mul3A_1022] : memref<21x800xi32, #tpu.memory_space<vmem>> -> memref<1x80xi32, #tpu.memory_space<vmem>>
      %dma_start3A_1052 = tpu.memref_squeeze %dma_start3A_1051 : memref<1x80xi32, #tpu.memory_space<vmem>> -> memref<80xi32, #tpu.memory_space<vmem>>
      %dma_start3A_1053 = arith.constant 0 : i32
      %dma_start3A_1054 = arith.constant 0 : i32
      %dma_start3A_1055 = tpu.memref_slice %arg3[%dma_start3A_1053, %dma_start3A_1054] : memref<100000x64xf32, #tpu.memory_space<hbm>> -> memref<100000x64xf32, #tpu.memory_space<hbm>>
      tpu.enqueue_indirect_dma source(%dma_start3A_1055 : memref<100000x64xf32, #tpu.memory_space<hbm>>) target(%dma_start3A_1050 : memref<80x64xf32, #tpu.memory_space<vmem>>) offsets(%dma_start3A_1052 : memref<80xi32, #tpu.memory_space<vmem>>) semaphore(%arg11 : memref<!tpu.dma_semaphore, #tpu.memory_space<semaphore_mem>>) {add = true}
      %dma_start3A_1056 = arith.constant 3 : i32
      %dma_start3A_1057 = arith.constant 1 : i32
      %dma_start3A_1058 = arith.constant 0 : i32
      %dma_start3A_1059 = arith.constant 0 : i32
      %dma_start3A_1060 = tpu.memref_slice %arg7[%dma_start3A_1057, %dma_start3A_1058, %dma_start3A_1059] : memref<2x80x64xf32, #tpu.memory_space<vmem>> -> memref<1x80x64xf32, #tpu.memory_space<vmem>>
      %dma_start3A_1061 = tpu.memref_squeeze %dma_start3A_1060 : memref<1x80x64xf32, #tpu.memory_space<vmem>> -> memref<80x64xf32, #tpu.memory_space<vmem>>
      %dma_start3A_1062 = tpu.memref_slice %arg6[%dma_start3A_1056, %mul3A_1022] : memref<21x800xi32, #tpu.memory_space<vmem>> -> memref<1x80xi32, #tpu.memory_space<vmem>>
      %dma_start3A_1063 = tpu.memref_squeeze %dma_start3A_1062 : memref<1x80xi32, #tpu.memory_space<vmem>> -> memref<80xi32, #tpu.memory_space<vmem>>
      %dma_start3A_1064 = arith.constant 0 : i32
      %dma_start3A_1065 = arith.constant 0 : i32
      %dma_start3A_1066 = tpu.memref_slice %arg3[%dma_start3A_1064, %dma_start3A_1065] : memref<100000x64xf32, #tpu.memory_space<hbm>> -> memref<100000x64xf32, #tpu.memory_space<hbm>>
      tpu.enqueue_indirect_dma source(%dma_start3A_1066 : memref<100000x64xf32, #tpu.memory_space<hbm>>) target(%dma_start3A_1061 : memref<80x64xf32, #tpu.memory_space<vmem>>) offsets(%dma_start3A_1063 : memref<80xi32, #tpu.memory_space<vmem>>) semaphore(%arg11 : memref<!tpu.dma_semaphore, #tpu.memory_space<semaphore_mem>>) {add = true}
      %dma_start3A_1067 = arith.constant 4 : i32
      %dma_start3A_1068 = arith.constant 1 : i32
      %dma_start3A_1069 = arith.constant 0 : i32
      %dma_start3A_1070 = arith.constant 0 : i32
      %dma_start3A_1071 = tpu.memref_slice %arg7[%dma_start3A_1068, %dma_start3A_1069, %dma_start3A_1070] : memref<2x80x64xf32, #tpu.memory_space<vmem>> -> memref<1x80x64xf32, #tpu.memory_space<vmem>>
      %dma_start3A_1072 = tpu.memref_squeeze %dma_start3A_1071 : memref<1x80x64xf32, #tpu.memory_space<vmem>> -> memref<80x64xf32, #tpu.memory_space<vmem>>
      %dma_start3A_1073 = tpu.memref_slice %arg6[%dma_start3A_1067, %mul3A_1022] : memref<21x800xi32, #tpu.memory_space<vmem>> -> memref<1x80xi32, #tpu.memory_space<vmem>>
      %dma_start3A_1074 = tpu.memref_squeeze %dma_start3A_1073 : memref<1x80xi32, #tpu.memory_space<vmem>> -> memref<80xi32, #tpu.memory_space<vmem>>
      %dma_start3A_1075 = arith.constant 0 : i32
      %dma_start3A_1076 = arith.constant 0 : i32
      %dma_start3A_1077 = tpu.memref_slice %arg3[%dma_start3A_1075, %dma_start3A_1076] : memref<100000x64xf32, #tpu.memory_space<hbm>> -> memref<100000x64xf32, #tpu.memory_space<hbm>>
      tpu.enqueue_indirect_dma source(%dma_start3A_1077 : memref<100000x64xf32, #tpu.memory_space<hbm>>) target(%dma_start3A_1072 : memref<80x64xf32, #tpu.memory_space<vmem>>) offsets(%dma_start3A_1074 : memref<80xi32, #tpu.memory_space<vmem>>) semaphore(%arg11 : memref<!tpu.dma_semaphore, #tpu.memory_space<semaphore_mem>>) {add = true}
      %dma_start3A_1078 = arith.constant 5 : i32
      %dma_start3A_1079 = arith.constant 1 : i32
      %dma_start3A_1080 = arith.constant 0 : i32
      %dma_start3A_1081 = arith.constant 0 : i32
      %dma_start3A_1082 = tpu.memref_slice %arg7[%dma_start3A_1079, %dma_start3A_1080, %dma_start3A_1081] : memref<2x80x64xf32, #tpu.memory_space<vmem>> -> memref<1x80x64xf32, #tpu.memory_space<vmem>>
      %dma_start3A_1083 = tpu.memref_squeeze %dma_start3A_1082 : memref<1x80x64xf32, #tpu.memory_space<vmem>> -> memref<80x64xf32, #tpu.memory_space<vmem>>
      %dma_start3A_1084 = tpu.memref_slice %arg6[%dma_start3A_1078, %mul3A_1022] : memref<21x800xi32, #tpu.memory_space<vmem>> -> memref<1x80xi32, #tpu.memory_space<vmem>>
      %dma_start3A_1085 = tpu.memref_squeeze %dma_start3A_1084 : memref<1x80xi32, #tpu.memory_space<vmem>> -> memref<80xi32, #tpu.memory_space<vmem>>
      %dma_start3A_1086 = arith.constant 0 : i32
      %dma_start3A_1087 = arith.constant 0 : i32
      %dma_start3A_1088 = tpu.memref_slice %arg3[%dma_start3A_1086, %dma_start3A_1087] : memref<100000x64xf32, #tpu.memory_space<hbm>> -> memref<100000x64xf32, #tpu.memory_space<hbm>>
      tpu.enqueue_indirect_dma source(%dma_start3A_1088 : memref<100000x64xf32, #tpu.memory_space<hbm>>) target(%dma_start3A_1083 : memref<80x64xf32, #tpu.memory_space<vmem>>) offsets(%dma_start3A_1085 : memref<80xi32, #tpu.memory_space<vmem>>) semaphore(%arg11 : memref<!tpu.dma_semaphore, #tpu.memory_space<semaphore_mem>>) {add = true}
      %dma_start3A_1089 = arith.constant 6 : i32
      %dma_start3A_1090 = arith.constant 1 : i32
      %dma_start3A_1091 = arith.constant 0 : i32
      %dma_start3A_1092 = arith.constant 0 : i32
      %dma_start3A_1093 = tpu.memref_slice %arg7[%dma_start3A_1090, %dma_start3A_1091, %dma_start3A_1092] : memref<2x80x64xf32, #tpu.memory_space<vmem>> -> memref<1x80x64xf32, #tpu.memory_space<vmem>>
      %dma_start3A_1094 = tpu.memref_squeeze %dma_start3A_1093 : memref<1x80x64xf32, #tpu.memory_space<vmem>> -> memref<80x64xf32, #tpu.memory_space<vmem>>
      %dma_start3A_1095 = tpu.memref_slice %arg6[%dma_start3A_1089, %mul3A_1022] : memref<21x800xi32, #tpu.memory_space<vmem>> -> memref<1x80xi32, #tpu.memory_space<vmem>>
      %dma_start3A_1096 = tpu.memref_squeeze %dma_start3A_1095 : memref<1x80xi32, #tpu.memory_space<vmem>> -> memref<80xi32, #tpu.memory_space<vmem>>
      %dma_start3A_1097 = arith.constant 0 : i32
      %dma_start3A_1098 = arith.constant 0 : i32
      %dma_start3A_1099 = tpu.memref_slice %arg3[%dma_start3A_1097, %dma_start3A_1098] : memref<100000x64xf32, #tpu.memory_space<hbm>> -> memref<100000x64xf32, #tpu.memory_space<hbm>>
      tpu.enqueue_indirect_dma source(%dma_start3A_1099 : memref<100000x64xf32, #tpu.memory_space<hbm>>) target(%dma_start3A_1094 : memref<80x64xf32, #tpu.memory_space<vmem>>) offsets(%dma_start3A_1096 : memref<80xi32, #tpu.memory_space<vmem>>) semaphore(%arg11 : memref<!tpu.dma_semaphore, #tpu.memory_space<semaphore_mem>>) {add = true}
      %dma_start3A_1100 = arith.constant 7 : i32
      %dma_start3A_1101 = arith.constant 1 : i32
      %dma_start3A_1102 = arith.constant 0 : i32
      %dma_start3A_1103 = arith.constant 0 : i32
      %dma_start3A_1104 = tpu.memref_slice %arg7[%dma_start3A_1101, %dma_start3A_1102, %dma_start3A_1103] : memref<2x80x64xf32, #tpu.memory_space<vmem>> -> memref<1x80x64xf32, #tpu.memory_space<vmem>>
      %dma_start3A_1105 = tpu.memref_squeeze %dma_start3A_1104 : memref<1x80x64xf32, #tpu.memory_space<vmem>> -> memref<80x64xf32, #tpu.memory_space<vmem>>
      %dma_start3A_1106 = tpu.memref_slice %arg6[%dma_start3A_1100, %mul3A_1022] : memref<21x800xi32, #tpu.memory_space<vmem>> -> memref<1x80xi32, #tpu.memory_space<vmem>>
      %dma_start3A_1107 = tpu.memref_squeeze %dma_start3A_1106 : memref<1x80xi32, #tpu.memory_space<vmem>> -> memref<80xi32, #tpu.memory_space<vmem>>
      %dma_start3A_1108 = arith.constant 0 : i32
      %dma_start3A_1109 = arith.constant 0 : i32
      %dma_start3A_1110 = tpu.memref_slice %arg3[%dma_start3A_1108, %dma_start3A_1109] : memref<100000x64xf32, #tpu.memory_space<hbm>> -> memref<100000x64xf32, #tpu.memory_space<hbm>>
      tpu.enqueue_indirect_dma source(%dma_start3A_1110 : memref<100000x64xf32, #tpu.memory_space<hbm>>) target(%dma_start3A_1105 : memref<80x64xf32, #tpu.memory_space<vmem>>) offsets(%dma_start3A_1107 : memref<80xi32, #tpu.memory_space<vmem>>) semaphore(%arg11 : memref<!tpu.dma_semaphore, #tpu.memory_space<semaphore_mem>>) {add = true}
      %dma_start3A_1111 = arith.constant 8 : i32
      %dma_start3A_1112 = arith.constant 1 : i32
      %dma_start3A_1113 = arith.constant 0 : i32
      %dma_start3A_1114 = arith.constant 0 : i32
      %dma_start3A_1115 = tpu.memref_slice %arg7[%dma_start3A_1112, %dma_start3A_1113, %dma_start3A_1114] : memref<2x80x64xf32, #tpu.memory_space<vmem>> -> memref<1x80x64xf32, #tpu.memory_space<vmem>>
      %dma_start3A_1116 = tpu.memref_squeeze %dma_start3A_1115 : memref<1x80x64xf32, #tpu.memory_space<vmem>> -> memref<80x64xf32, #tpu.memory_space<vmem>>
      %dma_start3A_1117 = tpu.memref_slice %arg6[%dma_start3A_1111, %mul3A_1022] : memref<21x800xi32, #tpu.memory_space<vmem>> -> memref<1x80xi32, #tpu.memory_space<vmem>>
      %dma_start3A_1118 = tpu.memref_squeeze %dma_start3A_1117 : memref<1x80xi32, #tpu.memory_space<vmem>> -> memref<80xi32, #tpu.memory_space<vmem>>
      %dma_start3A_1119 = arith.constant 0 : i32
      %dma_start3A_1120 = arith.constant 0 : i32
      %dma_start3A_1121 = tpu.memref_slice %arg3[%dma_start3A_1119, %dma_start3A_1120] : memref<100000x64xf32, #tpu.memory_space<hbm>> -> memref<100000x64xf32, #tpu.memory_space<hbm>>
      tpu.enqueue_indirect_dma source(%dma_start3A_1121 : memref<100000x64xf32, #tpu.memory_space<hbm>>) target(%dma_start3A_1116 : memref<80x64xf32, #tpu.memory_space<vmem>>) offsets(%dma_start3A_1118 : memref<80xi32, #tpu.memory_space<vmem>>) semaphore(%arg11 : memref<!tpu.dma_semaphore, #tpu.memory_space<semaphore_mem>>) {add = true}
      %dma_start3A_1122 = arith.constant 9 : i32
      %dma_start3A_1123 = arith.constant 1 : i32
      %dma_start3A_1124 = arith.constant 0 : i32
      %dma_start3A_1125 = arith.constant 0 : i32
      %dma_start3A_1126 = tpu.memref_slice %arg7[%dma_start3A_1123, %dma_start3A_1124, %dma_start3A_1125] : memref<2x80x64xf32, #tpu.memory_space<vmem>> -> memref<1x80x64xf32, #tpu.memory_space<vmem>>
      %dma_start3A_1127 = tpu.memref_squeeze %dma_start3A_1126 : memref<1x80x64xf32, #tpu.memory_space<vmem>> -> memref<80x64xf32, #tpu.memory_space<vmem>>
      %dma_start3A_1128 = tpu.memref_slice %arg6[%dma_start3A_1122, %mul3A_1022] : memref<21x800xi32, #tpu.memory_space<vmem>> -> memref<1x80xi32, #tpu.memory_space<vmem>>
      %dma_start3A_1129 = tpu.memref_squeeze %dma_start3A_1128 : memref<1x80xi32, #tpu.memory_space<vmem>> -> memref<80xi32, #tpu.memory_space<vmem>>
      %dma_start3A_1130 = arith.constant 0 : i32
      %dma_start3A_1131 = arith.constant 0 : i32
      %dma_start3A_1132 = tpu.memref_slice %arg3[%dma_start3A_1130, %dma_start3A_1131] : memref<100000x64xf32, #tpu.memory_space<hbm>> -> memref<100000x64xf32, #tpu.memory_space<hbm>>
      tpu.enqueue_indirect_dma source(%dma_start3A_1132 : memref<100000x64xf32, #tpu.memory_space<hbm>>) target(%dma_start3A_1127 : memref<80x64xf32, #tpu.memory_space<vmem>>) offsets(%dma_start3A_1129 : memref<80xi32, #tpu.memory_space<vmem>>) semaphore(%arg11 : memref<!tpu.dma_semaphore, #tpu.memory_space<semaphore_mem>>) {add = true}
      %dma_start3A_1133 = arith.constant 10 : i32
      %dma_start3A_1134 = arith.constant 1 : i32
      %dma_start3A_1135 = arith.constant 0 : i32
      %dma_start3A_1136 = arith.constant 0 : i32
      %dma_start3A_1137 = tpu.memref_slice %arg7[%dma_start3A_1134, %dma_start3A_1135, %dma_start3A_1136] : memref<2x80x64xf32, #tpu.memory_space<vmem>> -> memref<1x80x64xf32, #tpu.memory_space<vmem>>
      %dma_start3A_1138 = tpu.memref_squeeze %dma_start3A_1137 : memref<1x80x64xf32, #tpu.memory_space<vmem>> -> memref<80x64xf32, #tpu.memory_space<vmem>>
      %dma_start3A_1139 = tpu.memref_slice %arg6[%dma_start3A_1133, %mul3A_1022] : memref<21x800xi32, #tpu.memory_space<vmem>> -> memref<1x80xi32, #tpu.memory_space<vmem>>
      %dma_start3A_1140 = tpu.memref_squeeze %dma_start3A_1139 : memref<1x80xi32, #tpu.memory_space<vmem>> -> memref<80xi32, #tpu.memory_space<vmem>>
      %dma_start3A_1141 = arith.constant 0 : i32
      %dma_start3A_1142 = arith.constant 0 : i32
      %dma_start3A_1143 = tpu.memref_slice %arg3[%dma_start3A_1141, %dma_start3A_1142] : memref<100000x64xf32, #tpu.memory_space<hbm>> -> memref<100000x64xf32, #tpu.memory_space<hbm>>
      tpu.enqueue_indirect_dma source(%dma_start3A_1143 : memref<100000x64xf32, #tpu.memory_space<hbm>>) target(%dma_start3A_1138 : memref<80x64xf32, #tpu.memory_space<vmem>>) offsets(%dma_start3A_1140 : memref<80xi32, #tpu.memory_space<vmem>>) semaphore(%arg11 : memref<!tpu.dma_semaphore, #tpu.memory_space<semaphore_mem>>) {add = true}
      %dma_start3A_1144 = arith.constant 11 : i32
      %dma_start3A_1145 = arith.constant 1 : i32
      %dma_start3A_1146 = arith.constant 0 : i32
      %dma_start3A_1147 = arith.constant 0 : i32
      %dma_start3A_1148 = tpu.memref_slice %arg7[%dma_start3A_1145, %dma_start3A_1146, %dma_start3A_1147] : memref<2x80x64xf32, #tpu.memory_space<vmem>> -> memref<1x80x64xf32, #tpu.memory_space<vmem>>
      %dma_start3A_1149 = tpu.memref_squeeze %dma_start3A_1148 : memref<1x80x64xf32, #tpu.memory_space<vmem>> -> memref<80x64xf32, #tpu.memory_space<vmem>>
      %dma_start3A_1150 = tpu.memref_slice %arg6[%dma_start3A_1144, %mul3A_1022] : memref<21x800xi32, #tpu.memory_space<vmem>> -> memref<1x80xi32, #tpu.memory_space<vmem>>
      %dma_start3A_1151 = tpu.memref_squeeze %dma_start3A_1150 : memref<1x80xi32, #tpu.memory_space<vmem>> -> memref<80xi32, #tpu.memory_space<vmem>>
      %dma_start3A_1152 = arith.constant 0 : i32
      %dma_start3A_1153 = arith.constant 0 : i32
      %dma_start3A_1154 = tpu.memref_slice %arg3[%dma_start3A_1152, %dma_start3A_1153] : memref<100000x64xf32, #tpu.memory_space<hbm>> -> memref<100000x64xf32, #tpu.memory_space<hbm>>
      tpu.enqueue_indirect_dma source(%dma_start3A_1154 : memref<100000x64xf32, #tpu.memory_space<hbm>>) target(%dma_start3A_1149 : memref<80x64xf32, #tpu.memory_space<vmem>>) offsets(%dma_start3A_1151 : memref<80xi32, #tpu.memory_space<vmem>>) semaphore(%arg11 : memref<!tpu.dma_semaphore, #tpu.memory_space<semaphore_mem>>) {add = true}
      %dma_start3A_1155 = arith.constant 12 : i32
      %dma_start3A_1156 = arith.constant 1 : i32
      %dma_start3A_1157 = arith.constant 0 : i32
      %dma_start3A_1158 = arith.constant 0 : i32
      %dma_start3A_1159 = tpu.memref_slice %arg7[%dma_start3A_1156, %dma_start3A_1157, %dma_start3A_1158] : memref<2x80x64xf32, #tpu.memory_space<vmem>> -> memref<1x80x64xf32, #tpu.memory_space<vmem>>
      %dma_start3A_1160 = tpu.memref_squeeze %dma_start3A_1159 : memref<1x80x64xf32, #tpu.memory_space<vmem>> -> memref<80x64xf32, #tpu.memory_space<vmem>>
      %dma_start3A_1161 = tpu.memref_slice %arg6[%dma_start3A_1155, %mul3A_1022] : memref<21x800xi32, #tpu.memory_space<vmem>> -> memref<1x80xi32, #tpu.memory_space<vmem>>
      %dma_start3A_1162 = tpu.memref_squeeze %dma_start3A_1161 : memref<1x80xi32, #tpu.memory_space<vmem>> -> memref<80xi32, #tpu.memory_space<vmem>>
      %dma_start3A_1163 = arith.constant 0 : i32
      %dma_start3A_1164 = arith.constant 0 : i32
      %dma_start3A_1165 = tpu.memref_slice %arg3[%dma_start3A_1163, %dma_start3A_1164] : memref<100000x64xf32, #tpu.memory_space<hbm>> -> memref<100000x64xf32, #tpu.memory_space<hbm>>
      tpu.enqueue_indirect_dma source(%dma_start3A_1165 : memref<100000x64xf32, #tpu.memory_space<hbm>>) target(%dma_start3A_1160 : memref<80x64xf32, #tpu.memory_space<vmem>>) offsets(%dma_start3A_1162 : memref<80xi32, #tpu.memory_space<vmem>>) semaphore(%arg11 : memref<!tpu.dma_semaphore, #tpu.memory_space<semaphore_mem>>) {add = true}
      %dma_start3A_1166 = arith.constant 13 : i32
      %dma_start3A_1167 = arith.constant 1 : i32
      %dma_start3A_1168 = arith.constant 0 : i32
      %dma_start3A_1169 = arith.constant 0 : i32
      %dma_start3A_1170 = tpu.memref_slice %arg7[%dma_start3A_1167, %dma_start3A_1168, %dma_start3A_1169] : memref<2x80x64xf32, #tpu.memory_space<vmem>> -> memref<1x80x64xf32, #tpu.memory_space<vmem>>
      %dma_start3A_1171 = tpu.memref_squeeze %dma_start3A_1170 : memref<1x80x64xf32, #tpu.memory_space<vmem>> -> memref<80x64xf32, #tpu.memory_space<vmem>>
      %dma_start3A_1172 = tpu.memref_slice %arg6[%dma_start3A_1166, %mul3A_1022] : memref<21x800xi32, #tpu.memory_space<vmem>> -> memref<1x80xi32, #tpu.memory_space<vmem>>
      %dma_start3A_1173 = tpu.memref_squeeze %dma_start3A_1172 : memref<1x80xi32, #tpu.memory_space<vmem>> -> memref<80xi32, #tpu.memory_space<vmem>>
      %dma_start3A_1174 = arith.constant 0 : i32
      %dma_start3A_1175 = arith.constant 0 : i32
      %dma_start3A_1176 = tpu.memref_slice %arg3[%dma_start3A_1174, %dma_start3A_1175] : memref<100000x64xf32, #tpu.memory_space<hbm>> -> memref<100000x64xf32, #tpu.memory_space<hbm>>
      tpu.enqueue_indirect_dma source(%dma_start3A_1176 : memref<100000x64xf32, #tpu.memory_space<hbm>>) target(%dma_start3A_1171 : memref<80x64xf32, #tpu.memory_space<vmem>>) offsets(%dma_start3A_1173 : memref<80xi32, #tpu.memory_space<vmem>>) semaphore(%arg11 : memref<!tpu.dma_semaphore, #tpu.memory_space<semaphore_mem>>) {add = true}
      %dma_start3A_1177 = arith.constant 14 : i32
      %dma_start3A_1178 = arith.constant 1 : i32
      %dma_start3A_1179 = arith.constant 0 : i32
      %dma_start3A_1180 = arith.constant 0 : i32
      %dma_start3A_1181 = tpu.memref_slice %arg7[%dma_start3A_1178, %dma_start3A_1179, %dma_start3A_1180] : memref<2x80x64xf32, #tpu.memory_space<vmem>> -> memref<1x80x64xf32, #tpu.memory_space<vmem>>
      %dma_start3A_1182 = tpu.memref_squeeze %dma_start3A_1181 : memref<1x80x64xf32, #tpu.memory_space<vmem>> -> memref<80x64xf32, #tpu.memory_space<vmem>>
      %dma_start3A_1183 = tpu.memref_slice %arg6[%dma_start3A_1177, %mul3A_1022] : memref<21x800xi32, #tpu.memory_space<vmem>> -> memref<1x80xi32, #tpu.memory_space<vmem>>
      %dma_start3A_1184 = tpu.memref_squeeze %dma_start3A_1183 : memref<1x80xi32, #tpu.memory_space<vmem>> -> memref<80xi32, #tpu.memory_space<vmem>>
      %dma_start3A_1185 = arith.constant 0 : i32
      %dma_start3A_1186 = arith.constant 0 : i32
      %dma_start3A_1187 = tpu.memref_slice %arg3[%dma_start3A_1185, %dma_start3A_1186] : memref<100000x64xf32, #tpu.memory_space<hbm>> -> memref<100000x64xf32, #tpu.memory_space<hbm>>
      tpu.enqueue_indirect_dma source(%dma_start3A_1187 : memref<100000x64xf32, #tpu.memory_space<hbm>>) target(%dma_start3A_1182 : memref<80x64xf32, #tpu.memory_space<vmem>>) offsets(%dma_start3A_1184 : memref<80xi32, #tpu.memory_space<vmem>>) semaphore(%arg11 : memref<!tpu.dma_semaphore, #tpu.memory_space<semaphore_mem>>) {add = true}
      %dma_start3A_1188 = arith.constant 15 : i32
      %dma_start3A_1189 = arith.constant 1 : i32
      %dma_start3A_1190 = arith.constant 0 : i32
      %dma_start3A_1191 = arith.constant 0 : i32
      %dma_start3A_1192 = tpu.memref_slice %arg7[%dma_start3A_1189, %dma_start3A_1190, %dma_start3A_1191] : memref<2x80x64xf32, #tpu.memory_space<vmem>> -> memref<1x80x64xf32, #tpu.memory_space<vmem>>
      %dma_start3A_1193 = tpu.memref_squeeze %dma_start3A_1192 : memref<1x80x64xf32, #tpu.memory_space<vmem>> -> memref<80x64xf32, #tpu.memory_space<vmem>>
      %dma_start3A_1194 = tpu.memref_slice %arg6[%dma_start3A_1188, %mul3A_1022] : memref<21x800xi32, #tpu.memory_space<vmem>> -> memref<1x80xi32, #tpu.memory_space<vmem>>
      %dma_start3A_1195 = tpu.memref_squeeze %dma_start3A_1194 : memref<1x80xi32, #tpu.memory_space<vmem>> -> memref<80xi32, #tpu.memory_space<vmem>>
      %dma_start3A_1196 = arith.constant 0 : i32
      %dma_start3A_1197 = arith.constant 0 : i32
      %dma_start3A_1198 = tpu.memref_slice %arg3[%dma_start3A_1196, %dma_start3A_1197] : memref<100000x64xf32, #tpu.memory_space<hbm>> -> memref<100000x64xf32, #tpu.memory_space<hbm>>
      tpu.enqueue_indirect_dma source(%dma_start3A_1198 : memref<100000x64xf32, #tpu.memory_space<hbm>>) target(%dma_start3A_1193 : memref<80x64xf32, #tpu.memory_space<vmem>>) offsets(%dma_start3A_1195 : memref<80xi32, #tpu.memory_space<vmem>>) semaphore(%arg11 : memref<!tpu.dma_semaphore, #tpu.memory_space<semaphore_mem>>) {add = true}
      %dma_start3A_1199 = arith.constant 16 : i32
      %dma_start3A_1200 = arith.constant 1 : i32
      %dma_start3A_1201 = arith.constant 0 : i32
      %dma_start3A_1202 = arith.constant 0 : i32
      %dma_start3A_1203 = tpu.memref_slice %arg7[%dma_start3A_1200, %dma_start3A_1201, %dma_start3A_1202] : memref<2x80x64xf32, #tpu.memory_space<vmem>> -> memref<1x80x64xf32, #tpu.memory_space<vmem>>
      %dma_start3A_1204 = tpu.memref_squeeze %dma_start3A_1203 : memref<1x80x64xf32, #tpu.memory_space<vmem>> -> memref<80x64xf32, #tpu.memory_space<vmem>>
      %dma_start3A_1205 = tpu.memref_slice %arg6[%dma_start3A_1199, %mul3A_1022] : memref<21x800xi32, #tpu.memory_space<vmem>> -> memref<1x80xi32, #tpu.memory_space<vmem>>
      %dma_start3A_1206 = tpu.memref_squeeze %dma_start3A_1205 : memref<1x80xi32, #tpu.memory_space<vmem>> -> memref<80xi32, #tpu.memory_space<vmem>>
      %dma_start3A_1207 = arith.constant 0 : i32
      %dma_start3A_1208 = arith.constant 0 : i32
      %dma_start3A_1209 = tpu.memref_slice %arg3[%dma_start3A_1207, %dma_start3A_1208] : memref<100000x64xf32, #tpu.memory_space<hbm>> -> memref<100000x64xf32, #tpu.memory_space<hbm>>
      tpu.enqueue_indirect_dma source(%dma_start3A_1209 : memref<100000x64xf32, #tpu.memory_space<hbm>>) target(%dma_start3A_1204 : memref<80x64xf32, #tpu.memory_space<vmem>>) offsets(%dma_start3A_1206 : memref<80xi32, #tpu.memory_space<vmem>>) semaphore(%arg11 : memref<!tpu.dma_semaphore, #tpu.memory_space<semaphore_mem>>) {add = true}
      %dma_start3A_1210 = arith.constant 17 : i32
      %dma_start3A_1211 = arith.constant 1 : i32
      %dma_start3A_1212 = arith.constant 0 : i32
      %dma_start3A_1213 = arith.constant 0 : i32
      %dma_start3A_1214 = tpu.memref_slice %arg7[%dma_start3A_1211, %dma_start3A_1212, %dma_start3A_1213] : memref<2x80x64xf32, #tpu.memory_space<vmem>> -> memref<1x80x64xf32, #tpu.memory_space<vmem>>
      %dma_start3A_1215 = tpu.memref_squeeze %dma_start3A_1214 : memref<1x80x64xf32, #tpu.memory_space<vmem>> -> memref<80x64xf32, #tpu.memory_space<vmem>>
      %dma_start3A_1216 = tpu.memref_slice %arg6[%dma_start3A_1210, %mul3A_1022] : memref<21x800xi32, #tpu.memory_space<vmem>> -> memref<1x80xi32, #tpu.memory_space<vmem>>
      %dma_start3A_1217 = tpu.memref_squeeze %dma_start3A_1216 : memref<1x80xi32, #tpu.memory_space<vmem>> -> memref<80xi32, #tpu.memory_space<vmem>>
      %dma_start3A_1218 = arith.constant 0 : i32
      %dma_start3A_1219 = arith.constant 0 : i32
      %dma_start3A_1220 = tpu.memref_slice %arg3[%dma_start3A_1218, %dma_start3A_1219] : memref<100000x64xf32, #tpu.memory_space<hbm>> -> memref<100000x64xf32, #tpu.memory_space<hbm>>
      tpu.enqueue_indirect_dma source(%dma_start3A_1220 : memref<100000x64xf32, #tpu.memory_space<hbm>>) target(%dma_start3A_1215 : memref<80x64xf32, #tpu.memory_space<vmem>>) offsets(%dma_start3A_1217 : memref<80xi32, #tpu.memory_space<vmem>>) semaphore(%arg11 : memref<!tpu.dma_semaphore, #tpu.memory_space<semaphore_mem>>) {add = true}
      %dma_start3A_1221 = arith.constant 18 : i32
      %dma_start3A_1222 = arith.constant 1 : i32
      %dma_start3A_1223 = arith.constant 0 : i32
      %dma_start3A_1224 = arith.constant 0 : i32
      %dma_start3A_1225 = tpu.memref_slice %arg7[%dma_start3A_1222, %dma_start3A_1223, %dma_start3A_1224] : memref<2x80x64xf32, #tpu.memory_space<vmem>> -> memref<1x80x64xf32, #tpu.memory_space<vmem>>
      %dma_start3A_1226 = tpu.memref_squeeze %dma_start3A_1225 : memref<1x80x64xf32, #tpu.memory_space<vmem>> -> memref<80x64xf32, #tpu.memory_space<vmem>>
      %dma_start3A_1227 = tpu.memref_slice %arg6[%dma_start3A_1221, %mul3A_1022] : memref<21x800xi32, #tpu.memory_space<vmem>> -> memref<1x80xi32, #tpu.memory_space<vmem>>
      %dma_start3A_1228 = tpu.memref_squeeze %dma_start3A_1227 : memref<1x80xi32, #tpu.memory_space<vmem>> -> memref<80xi32, #tpu.memory_space<vmem>>
      %dma_start3A_1229 = arith.constant 0 : i32
      %dma_start3A_1230 = arith.constant 0 : i32
      %dma_start3A_1231 = tpu.memref_slice %arg3[%dma_start3A_1229, %dma_start3A_1230] : memref<100000x64xf32, #tpu.memory_space<hbm>> -> memref<100000x64xf32, #tpu.memory_space<hbm>>
      tpu.enqueue_indirect_dma source(%dma_start3A_1231 : memref<100000x64xf32, #tpu.memory_space<hbm>>) target(%dma_start3A_1226 : memref<80x64xf32, #tpu.memory_space<vmem>>) offsets(%dma_start3A_1228 : memref<80xi32, #tpu.memory_space<vmem>>) semaphore(%arg11 : memref<!tpu.dma_semaphore, #tpu.memory_space<semaphore_mem>>) {add = true}
      %dma_start3A_1232 = arith.constant 19 : i32
      %dma_start3A_1233 = arith.constant 1 : i32
      %dma_start3A_1234 = arith.constant 0 : i32
      %dma_start3A_1235 = arith.constant 0 : i32
      %dma_start3A_1236 = tpu.memref_slice %arg7[%dma_start3A_1233, %dma_start3A_1234, %dma_start3A_1235] : memref<2x80x64xf32, #tpu.memory_space<vmem>> -> memref<1x80x64xf32, #tpu.memory_space<vmem>>
      %dma_start3A_1237 = tpu.memref_squeeze %dma_start3A_1236 : memref<1x80x64xf32, #tpu.memory_space<vmem>> -> memref<80x64xf32, #tpu.memory_space<vmem>>
      %dma_start3A_1238 = tpu.memref_slice %arg6[%dma_start3A_1232, %mul3A_1022] : memref<21x800xi32, #tpu.memory_space<vmem>> -> memref<1x80xi32, #tpu.memory_space<vmem>>
      %dma_start3A_1239 = tpu.memref_squeeze %dma_start3A_1238 : memref<1x80xi32, #tpu.memory_space<vmem>> -> memref<80xi32, #tpu.memory_space<vmem>>
      %dma_start3A_1240 = arith.constant 0 : i32
      %dma_start3A_1241 = arith.constant 0 : i32
      %dma_start3A_1242 = tpu.memref_slice %arg3[%dma_start3A_1240, %dma_start3A_1241] : memref<100000x64xf32, #tpu.memory_space<hbm>> -> memref<100000x64xf32, #tpu.memory_space<hbm>>
      tpu.enqueue_indirect_dma source(%dma_start3A_1242 : memref<100000x64xf32, #tpu.memory_space<hbm>>) target(%dma_start3A_1237 : memref<80x64xf32, #tpu.memory_space<vmem>>) offsets(%dma_start3A_1239 : memref<80xi32, #tpu.memory_space<vmem>>) semaphore(%arg11 : memref<!tpu.dma_semaphore, #tpu.memory_space<semaphore_mem>>) {add = true}
      %dma_start3A_1243 = arith.constant 20 : i32
      %dma_start3A_1244 = arith.constant 1 : i32
      %dma_start3A_1245 = arith.constant 0 : i32
      %dma_start3A_1246 = arith.constant 0 : i32
      %dma_start3A_1247 = tpu.memref_slice %arg7[%dma_start3A_1244, %dma_start3A_1245, %dma_start3A_1246] : memref<2x80x64xf32, #tpu.memory_space<vmem>> -> memref<1x80x64xf32, #tpu.memory_space<vmem>>
      %dma_start3A_1248 = tpu.memref_squeeze %dma_start3A_1247 : memref<1x80x64xf32, #tpu.memory_space<vmem>> -> memref<80x64xf32, #tpu.memory_space<vmem>>
      %dma_start3A_1249 = tpu.memref_slice %arg6[%dma_start3A_1243, %mul3A_1022] : memref<21x800xi32, #tpu.memory_space<vmem>> -> memref<1x80xi32, #tpu.memory_space<vmem>>
      %dma_start3A_1250 = tpu.memref_squeeze %dma_start3A_1249 : memref<1x80xi32, #tpu.memory_space<vmem>> -> memref<80xi32, #tpu.memory_space<vmem>>
      %dma_start3A_1251 = arith.constant 0 : i32
      %dma_start3A_1252 = arith.constant 0 : i32
      %dma_start3A_1253 = tpu.memref_slice %arg4[%dma_start3A_1251, %dma_start3A_1252] : memref<18432x64xf32, #tpu.memory_space<hbm>> -> memref<18432x64xf32, #tpu.memory_space<hbm>>
      tpu.enqueue_indirect_dma source(%dma_start3A_1253 : memref<18432x64xf32, #tpu.memory_space<hbm>>) target(%dma_start3A_1248 : memref<80x64xf32, #tpu.memory_space<vmem>>) offsets(%dma_start3A_1250 : memref<80xi32, #tpu.memory_space<vmem>>) semaphore(%arg11 : memref<!tpu.dma_semaphore, #tpu.memory_space<semaphore_mem>>) {add = true}
      %ge3A_1254 = arith.constant 1 : i32
      %ge3A_1255 = arith.cmpi sge, %add3A_1020, %ge3A_1254 : i32
      %convert_element_type3A_1256 = arith.extui %ge3A_1255 : i1 to i32
      %cond3A_1257 = arith.constant 0 : i32
      %cond3A_1258 = arith.cmpi ne, %convert_element_type3A_1256, %cond3A_1257 : i32
      scf.if %cond3A_1258 {
        %sub3A = arith.constant 1 : i32
        %sub3A_1500 = arith.subi %add3A_1020, %sub3A : i32
        %mul3A_1501 = arith.constant 80 : i32
        %mul3A_1502 = arith.muli %sub3A_1500, %mul3A_1501 : i32
        %add3A_1503 = arith.addi %mul3A_2, %mul3A_1502 : i32
        %dma_wait3A_1504 = arith.constant 0 : i32
        %dma_wait3A_1505 = arith.constant 0 : i32
        %dma_wait3A_1506 = arith.constant 0 : i32
        %dma_wait3A_1507 = tpu.memref_slice %arg7[%dma_wait3A_1504, %dma_wait3A_1505, %dma_wait3A_1506] : memref<2x80x64xf32, #tpu.memory_space<vmem>> -> memref<1x80x64xf32, #tpu.memory_space<vmem>>
        %dma_wait3A_1508 = tpu.memref_squeeze %dma_wait3A_1507 : memref<1x80x64xf32, #tpu.memory_space<vmem>> -> memref<80x64xf32, #tpu.memory_space<vmem>>
        %dma_wait3A_1509 = arith.constant 0 : i32
        %dma_wait3A_1510 = tpu.memref_slice %arg5[%add3A_1503, %dma_wait3A_1509] : memref<25600x64xf32, #tpu.memory_space<hbm>> -> memref<80x64xf32, #tpu.memory_space<hbm>>
        %dma_wait3A_1511 = arith.constant 0 : i32
        %dma_wait3A_1512 = tpu.memref_slice %arg5[%add3A_1503, %dma_wait3A_1511] : memref<25600x64xf32, #tpu.memory_space<hbm>> -> memref<80x64xf32, #tpu.memory_space<hbm>>
        %dma_wait3A_1513 = arith.constant 0 : i32
        %dma_wait3A_1514 = arith.constant 0 : i32
        %dma_wait3A_1515 = tpu.memref_slice %arg7[%dma_wait3A_1504, %dma_wait3A_1513, %dma_wait3A_1514] : memref<2x80x64xf32, #tpu.memory_space<vmem>> -> memref<1x80x64xf32, #tpu.memory_space<vmem>>
        %dma_wait3A_1516 = tpu.memref_squeeze %dma_wait3A_1515 : memref<1x80x64xf32, #tpu.memory_space<vmem>> -> memref<80x64xf32, #tpu.memory_space<vmem>>
        tpu.wait_dma2 semaphore(%arg12 : memref<!tpu.dma_semaphore, #tpu.memory_space<semaphore_mem>>) src(%dma_wait3A_1516 : memref<80x64xf32, #tpu.memory_space<vmem>>) dst(%dma_wait3A_1512 : memref<80x64xf32, #tpu.memory_space<hbm>>)
      } else {
      }
      %add3A_1259 = arith.constant 1 : i32
      %add3A_1260 = arith.addi %add3A_1020, %add3A_1259 : i32
      %lt3A_1261 = arith.constant 10 : i32
      %lt3A_1262 = arith.cmpi slt, %add3A_1260, %lt3A_1261 : i32
      %convert_element_type3A_1263 = arith.extui %lt3A_1262 : i1 to i32
      %cond3A_1264 = arith.constant 0 : i32
      %cond3A_1265 = arith.cmpi ne, %convert_element_type3A_1263, %cond3A_1264 : i32
      scf.if %cond3A_1265 {
        %add3A_1500 = arith.constant 1 : i32
        %add3A_1501 = arith.addi %add3A_1020, %add3A_1500 : i32
        %mul3A_1502 = arith.constant 80 : i32
        %mul3A_1503 = arith.muli %add3A_1501, %mul3A_1502 : i32
        %dma_start3A_1504 = arith.constant 0 : i32
        %dma_start3A_1505 = arith.constant 0 : i32
        %dma_start3A_1506 = arith.constant 0 : i32
        %dma_start3A_1507 = arith.constant 0 : i32
        %dma_start3A_1508 = tpu.memref_slice %arg7[%dma_start3A_1505, %dma_start3A_1506, %dma_start3A_1507] : memref<2x80x64xf32, #tpu.memory_space<vmem>> -> memref<1x80x64xf32, #tpu.memory_space<vmem>>
        %dma_start3A_1509 = tpu.memref_squeeze %dma_start3A_1508 : memref<1x80x64xf32, #tpu.memory_space<vmem>> -> memref<80x64xf32, #tpu.memory_space<vmem>>
        %dma_start3A_1510 = tpu.memref_slice %arg6[%dma_start3A_1504, %mul3A_1503] : memref<21x800xi32, #tpu.memory_space<vmem>> -> memref<1x80xi32, #tpu.memory_space<vmem>>
        %dma_start3A_1511 = tpu.memref_squeeze %dma_start3A_1510 : memref<1x80xi32, #tpu.memory_space<vmem>> -> memref<80xi32, #tpu.memory_space<vmem>>
        %dma_start3A_1512 = arith.constant 0 : i32
        %dma_start3A_1513 = arith.constant 0 : i32
        %dma_start3A_1514 = tpu.memref_slice %arg3[%dma_start3A_1512, %dma_start3A_1513] : memref<100000x64xf32, #tpu.memory_space<hbm>> -> memref<100000x64xf32, #tpu.memory_space<hbm>>
        tpu.enqueue_indirect_dma source(%dma_start3A_1514 : memref<100000x64xf32, #tpu.memory_space<hbm>>) target(%dma_start3A_1509 : memref<80x64xf32, #tpu.memory_space<vmem>>) offsets(%dma_start3A_1511 : memref<80xi32, #tpu.memory_space<vmem>>) semaphore(%arg8 : memref<!tpu.dma_semaphore, #tpu.memory_space<semaphore_mem>>)
      } else {
      }
      %dma_wait3A_1266 = arith.constant 1 : i32
      %dma_wait3A_1267 = arith.constant 1 : i32
      %dma_wait3A_1268 = arith.constant 0 : i32
      %dma_wait3A_1269 = arith.constant 0 : i32
      %dma_wait3A_1270 = tpu.memref_slice %arg7[%dma_wait3A_1267, %dma_wait3A_1268, %dma_wait3A_1269] : memref<2x80x64xf32, #tpu.memory_space<vmem>> -> memref<1x80x64xf32, #tpu.memory_space<vmem>>
      %dma_wait3A_1271 = tpu.memref_squeeze %dma_wait3A_1270 : memref<1x80x64xf32, #tpu.memory_space<vmem>> -> memref<80x64xf32, #tpu.memory_space<vmem>>
      %dma_wait3A_1272 = tpu.memref_slice %arg6[%dma_wait3A_1266, %mul3A_1022] : memref<21x800xi32, #tpu.memory_space<vmem>> -> memref<1x80xi32, #tpu.memory_space<vmem>>
      %dma_wait3A_1273 = tpu.memref_squeeze %dma_wait3A_1272 : memref<1x80xi32, #tpu.memory_space<vmem>> -> memref<80xi32, #tpu.memory_space<vmem>>
      %dma_wait3A_1274 = arith.constant 0 : i32
      %dma_wait3A_1275 = arith.constant 0 : i32
      %dma_wait3A_1276 = tpu.memref_slice %arg3[%dma_wait3A_1274, %dma_wait3A_1275] : memref<100000x64xf32, #tpu.memory_space<hbm>> -> memref<100000x64xf32, #tpu.memory_space<hbm>>
      tpu.wait_indirect_dma semaphore(%arg11 : memref<!tpu.dma_semaphore, #tpu.memory_space<semaphore_mem>>) src(%dma_wait3A_1276 : memref<100000x64xf32, #tpu.memory_space<hbm>>) dst(%dma_wait3A_1271 : memref<80x64xf32, #tpu.memory_space<vmem>>)
      %dma_wait3A_1277 = arith.constant 2 : i32
      %dma_wait3A_1278 = arith.constant 1 : i32
      %dma_wait3A_1279 = arith.constant 0 : i32
      %dma_wait3A_1280 = arith.constant 0 : i32
      %dma_wait3A_1281 = tpu.memref_slice %arg7[%dma_wait3A_1278, %dma_wait3A_1279, %dma_wait3A_1280] : memref<2x80x64xf32, #tpu.memory_space<vmem>> -> memref<1x80x64xf32, #tpu.memory_space<vmem>>
      %dma_wait3A_1282 = tpu.memref_squeeze %dma_wait3A_1281 : memref<1x80x64xf32, #tpu.memory_space<vmem>> -> memref<80x64xf32, #tpu.memory_space<vmem>>
      %dma_wait3A_1283 = tpu.memref_slice %arg6[%dma_wait3A_1277, %mul3A_1022] : memref<21x800xi32, #tpu.memory_space<vmem>> -> memref<1x80xi32, #tpu.memory_space<vmem>>
      %dma_wait3A_1284 = tpu.memref_squeeze %dma_wait3A_1283 : memref<1x80xi32, #tpu.memory_space<vmem>> -> memref<80xi32, #tpu.memory_space<vmem>>
      %dma_wait3A_1285 = arith.constant 0 : i32
      %dma_wait3A_1286 = arith.constant 0 : i32
      %dma_wait3A_1287 = tpu.memref_slice %arg3[%dma_wait3A_1285, %dma_wait3A_1286] : memref<100000x64xf32, #tpu.memory_space<hbm>> -> memref<100000x64xf32, #tpu.memory_space<hbm>>
      tpu.wait_indirect_dma semaphore(%arg11 : memref<!tpu.dma_semaphore, #tpu.memory_space<semaphore_mem>>) src(%dma_wait3A_1287 : memref<100000x64xf32, #tpu.memory_space<hbm>>) dst(%dma_wait3A_1282 : memref<80x64xf32, #tpu.memory_space<vmem>>)
      %dma_wait3A_1288 = arith.constant 3 : i32
      %dma_wait3A_1289 = arith.constant 1 : i32
      %dma_wait3A_1290 = arith.constant 0 : i32
      %dma_wait3A_1291 = arith.constant 0 : i32
      %dma_wait3A_1292 = tpu.memref_slice %arg7[%dma_wait3A_1289, %dma_wait3A_1290, %dma_wait3A_1291] : memref<2x80x64xf32, #tpu.memory_space<vmem>> -> memref<1x80x64xf32, #tpu.memory_space<vmem>>
      %dma_wait3A_1293 = tpu.memref_squeeze %dma_wait3A_1292 : memref<1x80x64xf32, #tpu.memory_space<vmem>> -> memref<80x64xf32, #tpu.memory_space<vmem>>
      %dma_wait3A_1294 = tpu.memref_slice %arg6[%dma_wait3A_1288, %mul3A_1022] : memref<21x800xi32, #tpu.memory_space<vmem>> -> memref<1x80xi32, #tpu.memory_space<vmem>>
      %dma_wait3A_1295 = tpu.memref_squeeze %dma_wait3A_1294 : memref<1x80xi32, #tpu.memory_space<vmem>> -> memref<80xi32, #tpu.memory_space<vmem>>
      %dma_wait3A_1296 = arith.constant 0 : i32
      %dma_wait3A_1297 = arith.constant 0 : i32
      %dma_wait3A_1298 = tpu.memref_slice %arg3[%dma_wait3A_1296, %dma_wait3A_1297] : memref<100000x64xf32, #tpu.memory_space<hbm>> -> memref<100000x64xf32, #tpu.memory_space<hbm>>
      tpu.wait_indirect_dma semaphore(%arg11 : memref<!tpu.dma_semaphore, #tpu.memory_space<semaphore_mem>>) src(%dma_wait3A_1298 : memref<100000x64xf32, #tpu.memory_space<hbm>>) dst(%dma_wait3A_1293 : memref<80x64xf32, #tpu.memory_space<vmem>>)
      %dma_wait3A_1299 = arith.constant 4 : i32
      %dma_wait3A_1300 = arith.constant 1 : i32
      %dma_wait3A_1301 = arith.constant 0 : i32
      %dma_wait3A_1302 = arith.constant 0 : i32
      %dma_wait3A_1303 = tpu.memref_slice %arg7[%dma_wait3A_1300, %dma_wait3A_1301, %dma_wait3A_1302] : memref<2x80x64xf32, #tpu.memory_space<vmem>> -> memref<1x80x64xf32, #tpu.memory_space<vmem>>
      %dma_wait3A_1304 = tpu.memref_squeeze %dma_wait3A_1303 : memref<1x80x64xf32, #tpu.memory_space<vmem>> -> memref<80x64xf32, #tpu.memory_space<vmem>>
      %dma_wait3A_1305 = tpu.memref_slice %arg6[%dma_wait3A_1299, %mul3A_1022] : memref<21x800xi32, #tpu.memory_space<vmem>> -> memref<1x80xi32, #tpu.memory_space<vmem>>
      %dma_wait3A_1306 = tpu.memref_squeeze %dma_wait3A_1305 : memref<1x80xi32, #tpu.memory_space<vmem>> -> memref<80xi32, #tpu.memory_space<vmem>>
      %dma_wait3A_1307 = arith.constant 0 : i32
      %dma_wait3A_1308 = arith.constant 0 : i32
      %dma_wait3A_1309 = tpu.memref_slice %arg3[%dma_wait3A_1307, %dma_wait3A_1308] : memref<100000x64xf32, #tpu.memory_space<hbm>> -> memref<100000x64xf32, #tpu.memory_space<hbm>>
      tpu.wait_indirect_dma semaphore(%arg11 : memref<!tpu.dma_semaphore, #tpu.memory_space<semaphore_mem>>) src(%dma_wait3A_1309 : memref<100000x64xf32, #tpu.memory_space<hbm>>) dst(%dma_wait3A_1304 : memref<80x64xf32, #tpu.memory_space<vmem>>)
      %dma_wait3A_1310 = arith.constant 5 : i32
      %dma_wait3A_1311 = arith.constant 1 : i32
      %dma_wait3A_1312 = arith.constant 0 : i32
      %dma_wait3A_1313 = arith.constant 0 : i32
      %dma_wait3A_1314 = tpu.memref_slice %arg7[%dma_wait3A_1311, %dma_wait3A_1312, %dma_wait3A_1313] : memref<2x80x64xf32, #tpu.memory_space<vmem>> -> memref<1x80x64xf32, #tpu.memory_space<vmem>>
      %dma_wait3A_1315 = tpu.memref_squeeze %dma_wait3A_1314 : memref<1x80x64xf32, #tpu.memory_space<vmem>> -> memref<80x64xf32, #tpu.memory_space<vmem>>
      %dma_wait3A_1316 = tpu.memref_slice %arg6[%dma_wait3A_1310, %mul3A_1022] : memref<21x800xi32, #tpu.memory_space<vmem>> -> memref<1x80xi32, #tpu.memory_space<vmem>>
      %dma_wait3A_1317 = tpu.memref_squeeze %dma_wait3A_1316 : memref<1x80xi32, #tpu.memory_space<vmem>> -> memref<80xi32, #tpu.memory_space<vmem>>
      %dma_wait3A_1318 = arith.constant 0 : i32
      %dma_wait3A_1319 = arith.constant 0 : i32
      %dma_wait3A_1320 = tpu.memref_slice %arg3[%dma_wait3A_1318, %dma_wait3A_1319] : memref<100000x64xf32, #tpu.memory_space<hbm>> -> memref<100000x64xf32, #tpu.memory_space<hbm>>
      tpu.wait_indirect_dma semaphore(%arg11 : memref<!tpu.dma_semaphore, #tpu.memory_space<semaphore_mem>>) src(%dma_wait3A_1320 : memref<100000x64xf32, #tpu.memory_space<hbm>>) dst(%dma_wait3A_1315 : memref<80x64xf32, #tpu.memory_space<vmem>>)
      %dma_wait3A_1321 = arith.constant 6 : i32
      %dma_wait3A_1322 = arith.constant 1 : i32
      %dma_wait3A_1323 = arith.constant 0 : i32
      %dma_wait3A_1324 = arith.constant 0 : i32
      %dma_wait3A_1325 = tpu.memref_slice %arg7[%dma_wait3A_1322, %dma_wait3A_1323, %dma_wait3A_1324] : memref<2x80x64xf32, #tpu.memory_space<vmem>> -> memref<1x80x64xf32, #tpu.memory_space<vmem>>
      %dma_wait3A_1326 = tpu.memref_squeeze %dma_wait3A_1325 : memref<1x80x64xf32, #tpu.memory_space<vmem>> -> memref<80x64xf32, #tpu.memory_space<vmem>>
      %dma_wait3A_1327 = tpu.memref_slice %arg6[%dma_wait3A_1321, %mul3A_1022] : memref<21x800xi32, #tpu.memory_space<vmem>> -> memref<1x80xi32, #tpu.memory_space<vmem>>
      %dma_wait3A_1328 = tpu.memref_squeeze %dma_wait3A_1327 : memref<1x80xi32, #tpu.memory_space<vmem>> -> memref<80xi32, #tpu.memory_space<vmem>>
      %dma_wait3A_1329 = arith.constant 0 : i32
      %dma_wait3A_1330 = arith.constant 0 : i32
      %dma_wait3A_1331 = tpu.memref_slice %arg3[%dma_wait3A_1329, %dma_wait3A_1330] : memref<100000x64xf32, #tpu.memory_space<hbm>> -> memref<100000x64xf32, #tpu.memory_space<hbm>>
      tpu.wait_indirect_dma semaphore(%arg11 : memref<!tpu.dma_semaphore, #tpu.memory_space<semaphore_mem>>) src(%dma_wait3A_1331 : memref<100000x64xf32, #tpu.memory_space<hbm>>) dst(%dma_wait3A_1326 : memref<80x64xf32, #tpu.memory_space<vmem>>)
      %dma_wait3A_1332 = arith.constant 7 : i32
      %dma_wait3A_1333 = arith.constant 1 : i32
      %dma_wait3A_1334 = arith.constant 0 : i32
      %dma_wait3A_1335 = arith.constant 0 : i32
      %dma_wait3A_1336 = tpu.memref_slice %arg7[%dma_wait3A_1333, %dma_wait3A_1334, %dma_wait3A_1335] : memref<2x80x64xf32, #tpu.memory_space<vmem>> -> memref<1x80x64xf32, #tpu.memory_space<vmem>>
      %dma_wait3A_1337 = tpu.memref_squeeze %dma_wait3A_1336 : memref<1x80x64xf32, #tpu.memory_space<vmem>> -> memref<80x64xf32, #tpu.memory_space<vmem>>
      %dma_wait3A_1338 = tpu.memref_slice %arg6[%dma_wait3A_1332, %mul3A_1022] : memref<21x800xi32, #tpu.memory_space<vmem>> -> memref<1x80xi32, #tpu.memory_space<vmem>>
      %dma_wait3A_1339 = tpu.memref_squeeze %dma_wait3A_1338 : memref<1x80xi32, #tpu.memory_space<vmem>> -> memref<80xi32, #tpu.memory_space<vmem>>
      %dma_wait3A_1340 = arith.constant 0 : i32
      %dma_wait3A_1341 = arith.constant 0 : i32
      %dma_wait3A_1342 = tpu.memref_slice %arg3[%dma_wait3A_1340, %dma_wait3A_1341] : memref<100000x64xf32, #tpu.memory_space<hbm>> -> memref<100000x64xf32, #tpu.memory_space<hbm>>
      tpu.wait_indirect_dma semaphore(%arg11 : memref<!tpu.dma_semaphore, #tpu.memory_space<semaphore_mem>>) src(%dma_wait3A_1342 : memref<100000x64xf32, #tpu.memory_space<hbm>>) dst(%dma_wait3A_1337 : memref<80x64xf32, #tpu.memory_space<vmem>>)
      %dma_wait3A_1343 = arith.constant 8 : i32
      %dma_wait3A_1344 = arith.constant 1 : i32
      %dma_wait3A_1345 = arith.constant 0 : i32
      %dma_wait3A_1346 = arith.constant 0 : i32
      %dma_wait3A_1347 = tpu.memref_slice %arg7[%dma_wait3A_1344, %dma_wait3A_1345, %dma_wait3A_1346] : memref<2x80x64xf32, #tpu.memory_space<vmem>> -> memref<1x80x64xf32, #tpu.memory_space<vmem>>
      %dma_wait3A_1348 = tpu.memref_squeeze %dma_wait3A_1347 : memref<1x80x64xf32, #tpu.memory_space<vmem>> -> memref<80x64xf32, #tpu.memory_space<vmem>>
      %dma_wait3A_1349 = tpu.memref_slice %arg6[%dma_wait3A_1343, %mul3A_1022] : memref<21x800xi32, #tpu.memory_space<vmem>> -> memref<1x80xi32, #tpu.memory_space<vmem>>
      %dma_wait3A_1350 = tpu.memref_squeeze %dma_wait3A_1349 : memref<1x80xi32, #tpu.memory_space<vmem>> -> memref<80xi32, #tpu.memory_space<vmem>>
      %dma_wait3A_1351 = arith.constant 0 : i32
      %dma_wait3A_1352 = arith.constant 0 : i32
      %dma_wait3A_1353 = tpu.memref_slice %arg3[%dma_wait3A_1351, %dma_wait3A_1352] : memref<100000x64xf32, #tpu.memory_space<hbm>> -> memref<100000x64xf32, #tpu.memory_space<hbm>>
      tpu.wait_indirect_dma semaphore(%arg11 : memref<!tpu.dma_semaphore, #tpu.memory_space<semaphore_mem>>) src(%dma_wait3A_1353 : memref<100000x64xf32, #tpu.memory_space<hbm>>) dst(%dma_wait3A_1348 : memref<80x64xf32, #tpu.memory_space<vmem>>)
      %dma_wait3A_1354 = arith.constant 9 : i32
      %dma_wait3A_1355 = arith.constant 1 : i32
      %dma_wait3A_1356 = arith.constant 0 : i32
      %dma_wait3A_1357 = arith.constant 0 : i32
      %dma_wait3A_1358 = tpu.memref_slice %arg7[%dma_wait3A_1355, %dma_wait3A_1356, %dma_wait3A_1357] : memref<2x80x64xf32, #tpu.memory_space<vmem>> -> memref<1x80x64xf32, #tpu.memory_space<vmem>>
      %dma_wait3A_1359 = tpu.memref_squeeze %dma_wait3A_1358 : memref<1x80x64xf32, #tpu.memory_space<vmem>> -> memref<80x64xf32, #tpu.memory_space<vmem>>
      %dma_wait3A_1360 = tpu.memref_slice %arg6[%dma_wait3A_1354, %mul3A_1022] : memref<21x800xi32, #tpu.memory_space<vmem>> -> memref<1x80xi32, #tpu.memory_space<vmem>>
      %dma_wait3A_1361 = tpu.memref_squeeze %dma_wait3A_1360 : memref<1x80xi32, #tpu.memory_space<vmem>> -> memref<80xi32, #tpu.memory_space<vmem>>
      %dma_wait3A_1362 = arith.constant 0 : i32
      %dma_wait3A_1363 = arith.constant 0 : i32
      %dma_wait3A_1364 = tpu.memref_slice %arg3[%dma_wait3A_1362, %dma_wait3A_1363] : memref<100000x64xf32, #tpu.memory_space<hbm>> -> memref<100000x64xf32, #tpu.memory_space<hbm>>
      tpu.wait_indirect_dma semaphore(%arg11 : memref<!tpu.dma_semaphore, #tpu.memory_space<semaphore_mem>>) src(%dma_wait3A_1364 : memref<100000x64xf32, #tpu.memory_space<hbm>>) dst(%dma_wait3A_1359 : memref<80x64xf32, #tpu.memory_space<vmem>>)
      %dma_wait3A_1365 = arith.constant 10 : i32
      %dma_wait3A_1366 = arith.constant 1 : i32
      %dma_wait3A_1367 = arith.constant 0 : i32
      %dma_wait3A_1368 = arith.constant 0 : i32
      %dma_wait3A_1369 = tpu.memref_slice %arg7[%dma_wait3A_1366, %dma_wait3A_1367, %dma_wait3A_1368] : memref<2x80x64xf32, #tpu.memory_space<vmem>> -> memref<1x80x64xf32, #tpu.memory_space<vmem>>
      %dma_wait3A_1370 = tpu.memref_squeeze %dma_wait3A_1369 : memref<1x80x64xf32, #tpu.memory_space<vmem>> -> memref<80x64xf32, #tpu.memory_space<vmem>>
      %dma_wait3A_1371 = tpu.memref_slice %arg6[%dma_wait3A_1365, %mul3A_1022] : memref<21x800xi32, #tpu.memory_space<vmem>> -> memref<1x80xi32, #tpu.memory_space<vmem>>
      %dma_wait3A_1372 = tpu.memref_squeeze %dma_wait3A_1371 : memref<1x80xi32, #tpu.memory_space<vmem>> -> memref<80xi32, #tpu.memory_space<vmem>>
      %dma_wait3A_1373 = arith.constant 0 : i32
      %dma_wait3A_1374 = arith.constant 0 : i32
      %dma_wait3A_1375 = tpu.memref_slice %arg3[%dma_wait3A_1373, %dma_wait3A_1374] : memref<100000x64xf32, #tpu.memory_space<hbm>> -> memref<100000x64xf32, #tpu.memory_space<hbm>>
      tpu.wait_indirect_dma semaphore(%arg11 : memref<!tpu.dma_semaphore, #tpu.memory_space<semaphore_mem>>) src(%dma_wait3A_1375 : memref<100000x64xf32, #tpu.memory_space<hbm>>) dst(%dma_wait3A_1370 : memref<80x64xf32, #tpu.memory_space<vmem>>)
      %dma_wait3A_1376 = arith.constant 11 : i32
      %dma_wait3A_1377 = arith.constant 1 : i32
      %dma_wait3A_1378 = arith.constant 0 : i32
      %dma_wait3A_1379 = arith.constant 0 : i32
      %dma_wait3A_1380 = tpu.memref_slice %arg7[%dma_wait3A_1377, %dma_wait3A_1378, %dma_wait3A_1379] : memref<2x80x64xf32, #tpu.memory_space<vmem>> -> memref<1x80x64xf32, #tpu.memory_space<vmem>>
      %dma_wait3A_1381 = tpu.memref_squeeze %dma_wait3A_1380 : memref<1x80x64xf32, #tpu.memory_space<vmem>> -> memref<80x64xf32, #tpu.memory_space<vmem>>
      %dma_wait3A_1382 = tpu.memref_slice %arg6[%dma_wait3A_1376, %mul3A_1022] : memref<21x800xi32, #tpu.memory_space<vmem>> -> memref<1x80xi32, #tpu.memory_space<vmem>>
      %dma_wait3A_1383 = tpu.memref_squeeze %dma_wait3A_1382 : memref<1x80xi32, #tpu.memory_space<vmem>> -> memref<80xi32, #tpu.memory_space<vmem>>
      %dma_wait3A_1384 = arith.constant 0 : i32
      %dma_wait3A_1385 = arith.constant 0 : i32
      %dma_wait3A_1386 = tpu.memref_slice %arg3[%dma_wait3A_1384, %dma_wait3A_1385] : memref<100000x64xf32, #tpu.memory_space<hbm>> -> memref<100000x64xf32, #tpu.memory_space<hbm>>
      tpu.wait_indirect_dma semaphore(%arg11 : memref<!tpu.dma_semaphore, #tpu.memory_space<semaphore_mem>>) src(%dma_wait3A_1386 : memref<100000x64xf32, #tpu.memory_space<hbm>>) dst(%dma_wait3A_1381 : memref<80x64xf32, #tpu.memory_space<vmem>>)
      %dma_wait3A_1387 = arith.constant 12 : i32
      %dma_wait3A_1388 = arith.constant 1 : i32
      %dma_wait3A_1389 = arith.constant 0 : i32
      %dma_wait3A_1390 = arith.constant 0 : i32
      %dma_wait3A_1391 = tpu.memref_slice %arg7[%dma_wait3A_1388, %dma_wait3A_1389, %dma_wait3A_1390] : memref<2x80x64xf32, #tpu.memory_space<vmem>> -> memref<1x80x64xf32, #tpu.memory_space<vmem>>
      %dma_wait3A_1392 = tpu.memref_squeeze %dma_wait3A_1391 : memref<1x80x64xf32, #tpu.memory_space<vmem>> -> memref<80x64xf32, #tpu.memory_space<vmem>>
      %dma_wait3A_1393 = tpu.memref_slice %arg6[%dma_wait3A_1387, %mul3A_1022] : memref<21x800xi32, #tpu.memory_space<vmem>> -> memref<1x80xi32, #tpu.memory_space<vmem>>
      %dma_wait3A_1394 = tpu.memref_squeeze %dma_wait3A_1393 : memref<1x80xi32, #tpu.memory_space<vmem>> -> memref<80xi32, #tpu.memory_space<vmem>>
      %dma_wait3A_1395 = arith.constant 0 : i32
      %dma_wait3A_1396 = arith.constant 0 : i32
      %dma_wait3A_1397 = tpu.memref_slice %arg3[%dma_wait3A_1395, %dma_wait3A_1396] : memref<100000x64xf32, #tpu.memory_space<hbm>> -> memref<100000x64xf32, #tpu.memory_space<hbm>>
      tpu.wait_indirect_dma semaphore(%arg11 : memref<!tpu.dma_semaphore, #tpu.memory_space<semaphore_mem>>) src(%dma_wait3A_1397 : memref<100000x64xf32, #tpu.memory_space<hbm>>) dst(%dma_wait3A_1392 : memref<80x64xf32, #tpu.memory_space<vmem>>)
      %dma_wait3A_1398 = arith.constant 13 : i32
      %dma_wait3A_1399 = arith.constant 1 : i32
      %dma_wait3A_1400 = arith.constant 0 : i32
      %dma_wait3A_1401 = arith.constant 0 : i32
      %dma_wait3A_1402 = tpu.memref_slice %arg7[%dma_wait3A_1399, %dma_wait3A_1400, %dma_wait3A_1401] : memref<2x80x64xf32, #tpu.memory_space<vmem>> -> memref<1x80x64xf32, #tpu.memory_space<vmem>>
      %dma_wait3A_1403 = tpu.memref_squeeze %dma_wait3A_1402 : memref<1x80x64xf32, #tpu.memory_space<vmem>> -> memref<80x64xf32, #tpu.memory_space<vmem>>
      %dma_wait3A_1404 = tpu.memref_slice %arg6[%dma_wait3A_1398, %mul3A_1022] : memref<21x800xi32, #tpu.memory_space<vmem>> -> memref<1x80xi32, #tpu.memory_space<vmem>>
      %dma_wait3A_1405 = tpu.memref_squeeze %dma_wait3A_1404 : memref<1x80xi32, #tpu.memory_space<vmem>> -> memref<80xi32, #tpu.memory_space<vmem>>
      %dma_wait3A_1406 = arith.constant 0 : i32
      %dma_wait3A_1407 = arith.constant 0 : i32
      %dma_wait3A_1408 = tpu.memref_slice %arg3[%dma_wait3A_1406, %dma_wait3A_1407] : memref<100000x64xf32, #tpu.memory_space<hbm>> -> memref<100000x64xf32, #tpu.memory_space<hbm>>
      tpu.wait_indirect_dma semaphore(%arg11 : memref<!tpu.dma_semaphore, #tpu.memory_space<semaphore_mem>>) src(%dma_wait3A_1408 : memref<100000x64xf32, #tpu.memory_space<hbm>>) dst(%dma_wait3A_1403 : memref<80x64xf32, #tpu.memory_space<vmem>>)
      %dma_wait3A_1409 = arith.constant 14 : i32
      %dma_wait3A_1410 = arith.constant 1 : i32
      %dma_wait3A_1411 = arith.constant 0 : i32
      %dma_wait3A_1412 = arith.constant 0 : i32
      %dma_wait3A_1413 = tpu.memref_slice %arg7[%dma_wait3A_1410, %dma_wait3A_1411, %dma_wait3A_1412] : memref<2x80x64xf32, #tpu.memory_space<vmem>> -> memref<1x80x64xf32, #tpu.memory_space<vmem>>
      %dma_wait3A_1414 = tpu.memref_squeeze %dma_wait3A_1413 : memref<1x80x64xf32, #tpu.memory_space<vmem>> -> memref<80x64xf32, #tpu.memory_space<vmem>>
      %dma_wait3A_1415 = tpu.memref_slice %arg6[%dma_wait3A_1409, %mul3A_1022] : memref<21x800xi32, #tpu.memory_space<vmem>> -> memref<1x80xi32, #tpu.memory_space<vmem>>
      %dma_wait3A_1416 = tpu.memref_squeeze %dma_wait3A_1415 : memref<1x80xi32, #tpu.memory_space<vmem>> -> memref<80xi32, #tpu.memory_space<vmem>>
      %dma_wait3A_1417 = arith.constant 0 : i32
      %dma_wait3A_1418 = arith.constant 0 : i32
      %dma_wait3A_1419 = tpu.memref_slice %arg3[%dma_wait3A_1417, %dma_wait3A_1418] : memref<100000x64xf32, #tpu.memory_space<hbm>> -> memref<100000x64xf32, #tpu.memory_space<hbm>>
      tpu.wait_indirect_dma semaphore(%arg11 : memref<!tpu.dma_semaphore, #tpu.memory_space<semaphore_mem>>) src(%dma_wait3A_1419 : memref<100000x64xf32, #tpu.memory_space<hbm>>) dst(%dma_wait3A_1414 : memref<80x64xf32, #tpu.memory_space<vmem>>)
      %dma_wait3A_1420 = arith.constant 15 : i32
      %dma_wait3A_1421 = arith.constant 1 : i32
      %dma_wait3A_1422 = arith.constant 0 : i32
      %dma_wait3A_1423 = arith.constant 0 : i32
      %dma_wait3A_1424 = tpu.memref_slice %arg7[%dma_wait3A_1421, %dma_wait3A_1422, %dma_wait3A_1423] : memref<2x80x64xf32, #tpu.memory_space<vmem>> -> memref<1x80x64xf32, #tpu.memory_space<vmem>>
      %dma_wait3A_1425 = tpu.memref_squeeze %dma_wait3A_1424 : memref<1x80x64xf32, #tpu.memory_space<vmem>> -> memref<80x64xf32, #tpu.memory_space<vmem>>
      %dma_wait3A_1426 = tpu.memref_slice %arg6[%dma_wait3A_1420, %mul3A_1022] : memref<21x800xi32, #tpu.memory_space<vmem>> -> memref<1x80xi32, #tpu.memory_space<vmem>>
      %dma_wait3A_1427 = tpu.memref_squeeze %dma_wait3A_1426 : memref<1x80xi32, #tpu.memory_space<vmem>> -> memref<80xi32, #tpu.memory_space<vmem>>
      %dma_wait3A_1428 = arith.constant 0 : i32
      %dma_wait3A_1429 = arith.constant 0 : i32
      %dma_wait3A_1430 = tpu.memref_slice %arg3[%dma_wait3A_1428, %dma_wait3A_1429] : memref<100000x64xf32, #tpu.memory_space<hbm>> -> memref<100000x64xf32, #tpu.memory_space<hbm>>
      tpu.wait_indirect_dma semaphore(%arg11 : memref<!tpu.dma_semaphore, #tpu.memory_space<semaphore_mem>>) src(%dma_wait3A_1430 : memref<100000x64xf32, #tpu.memory_space<hbm>>) dst(%dma_wait3A_1425 : memref<80x64xf32, #tpu.memory_space<vmem>>)
      %dma_wait3A_1431 = arith.constant 16 : i32
      %dma_wait3A_1432 = arith.constant 1 : i32
      %dma_wait3A_1433 = arith.constant 0 : i32
      %dma_wait3A_1434 = arith.constant 0 : i32
      %dma_wait3A_1435 = tpu.memref_slice %arg7[%dma_wait3A_1432, %dma_wait3A_1433, %dma_wait3A_1434] : memref<2x80x64xf32, #tpu.memory_space<vmem>> -> memref<1x80x64xf32, #tpu.memory_space<vmem>>
      %dma_wait3A_1436 = tpu.memref_squeeze %dma_wait3A_1435 : memref<1x80x64xf32, #tpu.memory_space<vmem>> -> memref<80x64xf32, #tpu.memory_space<vmem>>
      %dma_wait3A_1437 = tpu.memref_slice %arg6[%dma_wait3A_1431, %mul3A_1022] : memref<21x800xi32, #tpu.memory_space<vmem>> -> memref<1x80xi32, #tpu.memory_space<vmem>>
      %dma_wait3A_1438 = tpu.memref_squeeze %dma_wait3A_1437 : memref<1x80xi32, #tpu.memory_space<vmem>> -> memref<80xi32, #tpu.memory_space<vmem>>
      %dma_wait3A_1439 = arith.constant 0 : i32
      %dma_wait3A_1440 = arith.constant 0 : i32
      %dma_wait3A_1441 = tpu.memref_slice %arg3[%dma_wait3A_1439, %dma_wait3A_1440] : memref<100000x64xf32, #tpu.memory_space<hbm>> -> memref<100000x64xf32, #tpu.memory_space<hbm>>
      tpu.wait_indirect_dma semaphore(%arg11 : memref<!tpu.dma_semaphore, #tpu.memory_space<semaphore_mem>>) src(%dma_wait3A_1441 : memref<100000x64xf32, #tpu.memory_space<hbm>>) dst(%dma_wait3A_1436 : memref<80x64xf32, #tpu.memory_space<vmem>>)
      %dma_wait3A_1442 = arith.constant 17 : i32
      %dma_wait3A_1443 = arith.constant 1 : i32
      %dma_wait3A_1444 = arith.constant 0 : i32
      %dma_wait3A_1445 = arith.constant 0 : i32
      %dma_wait3A_1446 = tpu.memref_slice %arg7[%dma_wait3A_1443, %dma_wait3A_1444, %dma_wait3A_1445] : memref<2x80x64xf32, #tpu.memory_space<vmem>> -> memref<1x80x64xf32, #tpu.memory_space<vmem>>
      %dma_wait3A_1447 = tpu.memref_squeeze %dma_wait3A_1446 : memref<1x80x64xf32, #tpu.memory_space<vmem>> -> memref<80x64xf32, #tpu.memory_space<vmem>>
      %dma_wait3A_1448 = tpu.memref_slice %arg6[%dma_wait3A_1442, %mul3A_1022] : memref<21x800xi32, #tpu.memory_space<vmem>> -> memref<1x80xi32, #tpu.memory_space<vmem>>
      %dma_wait3A_1449 = tpu.memref_squeeze %dma_wait3A_1448 : memref<1x80xi32, #tpu.memory_space<vmem>> -> memref<80xi32, #tpu.memory_space<vmem>>
      %dma_wait3A_1450 = arith.constant 0 : i32
      %dma_wait3A_1451 = arith.constant 0 : i32
      %dma_wait3A_1452 = tpu.memref_slice %arg3[%dma_wait3A_1450, %dma_wait3A_1451] : memref<100000x64xf32, #tpu.memory_space<hbm>> -> memref<100000x64xf32, #tpu.memory_space<hbm>>
      tpu.wait_indirect_dma semaphore(%arg11 : memref<!tpu.dma_semaphore, #tpu.memory_space<semaphore_mem>>) src(%dma_wait3A_1452 : memref<100000x64xf32, #tpu.memory_space<hbm>>) dst(%dma_wait3A_1447 : memref<80x64xf32, #tpu.memory_space<vmem>>)
      %dma_wait3A_1453 = arith.constant 18 : i32
      %dma_wait3A_1454 = arith.constant 1 : i32
      %dma_wait3A_1455 = arith.constant 0 : i32
      %dma_wait3A_1456 = arith.constant 0 : i32
      %dma_wait3A_1457 = tpu.memref_slice %arg7[%dma_wait3A_1454, %dma_wait3A_1455, %dma_wait3A_1456] : memref<2x80x64xf32, #tpu.memory_space<vmem>> -> memref<1x80x64xf32, #tpu.memory_space<vmem>>
      %dma_wait3A_1458 = tpu.memref_squeeze %dma_wait3A_1457 : memref<1x80x64xf32, #tpu.memory_space<vmem>> -> memref<80x64xf32, #tpu.memory_space<vmem>>
      %dma_wait3A_1459 = tpu.memref_slice %arg6[%dma_wait3A_1453, %mul3A_1022] : memref<21x800xi32, #tpu.memory_space<vmem>> -> memref<1x80xi32, #tpu.memory_space<vmem>>
      %dma_wait3A_1460 = tpu.memref_squeeze %dma_wait3A_1459 : memref<1x80xi32, #tpu.memory_space<vmem>> -> memref<80xi32, #tpu.memory_space<vmem>>
      %dma_wait3A_1461 = arith.constant 0 : i32
      %dma_wait3A_1462 = arith.constant 0 : i32
      %dma_wait3A_1463 = tpu.memref_slice %arg3[%dma_wait3A_1461, %dma_wait3A_1462] : memref<100000x64xf32, #tpu.memory_space<hbm>> -> memref<100000x64xf32, #tpu.memory_space<hbm>>
      tpu.wait_indirect_dma semaphore(%arg11 : memref<!tpu.dma_semaphore, #tpu.memory_space<semaphore_mem>>) src(%dma_wait3A_1463 : memref<100000x64xf32, #tpu.memory_space<hbm>>) dst(%dma_wait3A_1458 : memref<80x64xf32, #tpu.memory_space<vmem>>)
      %dma_wait3A_1464 = arith.constant 19 : i32
      %dma_wait3A_1465 = arith.constant 1 : i32
      %dma_wait3A_1466 = arith.constant 0 : i32
      %dma_wait3A_1467 = arith.constant 0 : i32
      %dma_wait3A_1468 = tpu.memref_slice %arg7[%dma_wait3A_1465, %dma_wait3A_1466, %dma_wait3A_1467] : memref<2x80x64xf32, #tpu.memory_space<vmem>> -> memref<1x80x64xf32, #tpu.memory_space<vmem>>
      %dma_wait3A_1469 = tpu.memref_squeeze %dma_wait3A_1468 : memref<1x80x64xf32, #tpu.memory_space<vmem>> -> memref<80x64xf32, #tpu.memory_space<vmem>>
      %dma_wait3A_1470 = tpu.memref_slice %arg6[%dma_wait3A_1464, %mul3A_1022] : memref<21x800xi32, #tpu.memory_space<vmem>> -> memref<1x80xi32, #tpu.memory_space<vmem>>
      %dma_wait3A_1471 = tpu.memref_squeeze %dma_wait3A_1470 : memref<1x80xi32, #tpu.memory_space<vmem>> -> memref<80xi32, #tpu.memory_space<vmem>>
      %dma_wait3A_1472 = arith.constant 0 : i32
      %dma_wait3A_1473 = arith.constant 0 : i32
      %dma_wait3A_1474 = tpu.memref_slice %arg3[%dma_wait3A_1472, %dma_wait3A_1473] : memref<100000x64xf32, #tpu.memory_space<hbm>> -> memref<100000x64xf32, #tpu.memory_space<hbm>>
      tpu.wait_indirect_dma semaphore(%arg11 : memref<!tpu.dma_semaphore, #tpu.memory_space<semaphore_mem>>) src(%dma_wait3A_1474 : memref<100000x64xf32, #tpu.memory_space<hbm>>) dst(%dma_wait3A_1469 : memref<80x64xf32, #tpu.memory_space<vmem>>)
      %dma_wait3A_1475 = arith.constant 20 : i32
      %dma_wait3A_1476 = arith.constant 1 : i32
      %dma_wait3A_1477 = arith.constant 0 : i32
      %dma_wait3A_1478 = arith.constant 0 : i32
      %dma_wait3A_1479 = tpu.memref_slice %arg7[%dma_wait3A_1476, %dma_wait3A_1477, %dma_wait3A_1478] : memref<2x80x64xf32, #tpu.memory_space<vmem>> -> memref<1x80x64xf32, #tpu.memory_space<vmem>>
      %dma_wait3A_1480 = tpu.memref_squeeze %dma_wait3A_1479 : memref<1x80x64xf32, #tpu.memory_space<vmem>> -> memref<80x64xf32, #tpu.memory_space<vmem>>
      %dma_wait3A_1481 = tpu.memref_slice %arg6[%dma_wait3A_1475, %mul3A_1022] : memref<21x800xi32, #tpu.memory_space<vmem>> -> memref<1x80xi32, #tpu.memory_space<vmem>>
      %dma_wait3A_1482 = tpu.memref_squeeze %dma_wait3A_1481 : memref<1x80xi32, #tpu.memory_space<vmem>> -> memref<80xi32, #tpu.memory_space<vmem>>
      %dma_wait3A_1483 = arith.constant 0 : i32
      %dma_wait3A_1484 = arith.constant 0 : i32
      %dma_wait3A_1485 = tpu.memref_slice %arg4[%dma_wait3A_1483, %dma_wait3A_1484] : memref<18432x64xf32, #tpu.memory_space<hbm>> -> memref<18432x64xf32, #tpu.memory_space<hbm>>
      tpu.wait_indirect_dma semaphore(%arg11 : memref<!tpu.dma_semaphore, #tpu.memory_space<semaphore_mem>>) src(%dma_wait3A_1485 : memref<18432x64xf32, #tpu.memory_space<hbm>>) dst(%dma_wait3A_1480 : memref<80x64xf32, #tpu.memory_space<vmem>>)
      %add3A_1486 = arith.addi %mul3A_2, %mul3A_1022 : i32
      %dma_start3A_1487 = arith.constant 1 : i32
      %dma_start3A_1488 = arith.constant 0 : i32
      %dma_start3A_1489 = arith.constant 0 : i32
      %dma_start3A_1490 = tpu.memref_slice %arg7[%dma_start3A_1487, %dma_start3A_1488, %dma_start3A_1489] : memref<2x80x64xf32, #tpu.memory_space<vmem>> -> memref<1x80x64xf32, #tpu.memory_space<vmem>>
      %dma_start3A_1491 = tpu.memref_squeeze %dma_start3A_1490 : memref<1x80x64xf32, #tpu.memory_space<vmem>> -> memref<80x64xf32, #tpu.memory_space<vmem>>
      %dma_start3A_1492 = arith.constant 0 : i32
      %dma_start3A_1493 = tpu.memref_slice %arg5[%add3A_1486, %dma_start3A_1492] : memref<25600x64xf32, #tpu.memory_space<hbm>> -> memref<80x64xf32, #tpu.memory_space<hbm>>
      %dma_start3A_1494 = arith.constant 0 : i32
      %dma_start3A_1495 = tpu.memref_slice %arg5[%add3A_1486, %dma_start3A_1494] : memref<25600x64xf32, #tpu.memory_space<hbm>> -> memref<80x64xf32, #tpu.memory_space<hbm>>
      %dma_start3A_1496 = arith.constant 0 : i32
      %dma_start3A_1497 = arith.constant 0 : i32
      %dma_start3A_1498 = tpu.memref_slice %arg7[%dma_start3A_1487, %dma_start3A_1496, %dma_start3A_1497] : memref<2x80x64xf32, #tpu.memory_space<vmem>> -> memref<1x80x64xf32, #tpu.memory_space<vmem>>
      %dma_start3A_1499 = tpu.memref_squeeze %dma_start3A_1498 : memref<1x80x64xf32, #tpu.memory_space<vmem>> -> memref<80x64xf32, #tpu.memory_space<vmem>>
      tpu.enqueue_dma source(%dma_start3A_1499 : memref<80x64xf32, #tpu.memory_space<vmem>>) target(%dma_start3A_1495 : memref<80x64xf32, #tpu.memory_space<hbm>>) target_semaphore(%arg13 : memref<!tpu.dma_semaphore, #tpu.memory_space<semaphore_mem>>)
    }
    %scan3A_521 = arith.constant 5 : i32
    %add3A_522 = arith.constant 720 : i32
    %add3A_523 = arith.addi %mul3A_2, %add3A_522 : i32
    %dma_wait3A_524 = arith.constant 1 : i32
    %dma_wait3A_525 = arith.constant 0 : i32
    %dma_wait3A_526 = arith.constant 0 : i32
    %dma_wait3A_527 = tpu.memref_slice %arg7[%dma_wait3A_524, %dma_wait3A_525, %dma_wait3A_526] : memref<2x80x64xf32, #tpu.memory_space<vmem>> -> memref<1x80x64xf32, #tpu.memory_space<vmem>>
    %dma_wait3A_528 = tpu.memref_squeeze %dma_wait3A_527 : memref<1x80x64xf32, #tpu.memory_space<vmem>> -> memref<80x64xf32, #tpu.memory_space<vmem>>
    %dma_wait3A_529 = arith.constant 0 : i32
    %dma_wait3A_530 = tpu.memref_slice %arg5[%add3A_523, %dma_wait3A_529] : memref<25600x64xf32, #tpu.memory_space<hbm>> -> memref<80x64xf32, #tpu.memory_space<hbm>>
    %dma_wait3A_531 = arith.constant 0 : i32
    %dma_wait3A_532 = tpu.memref_slice %arg5[%add3A_523, %dma_wait3A_531] : memref<25600x64xf32, #tpu.memory_space<hbm>> -> memref<80x64xf32, #tpu.memory_space<hbm>>
    %dma_wait3A_533 = arith.constant 0 : i32
    %dma_wait3A_534 = arith.constant 0 : i32
    %dma_wait3A_535 = tpu.memref_slice %arg7[%dma_wait3A_524, %dma_wait3A_533, %dma_wait3A_534] : memref<2x80x64xf32, #tpu.memory_space<vmem>> -> memref<1x80x64xf32, #tpu.memory_space<vmem>>
    %dma_wait3A_536 = tpu.memref_squeeze %dma_wait3A_535 : memref<1x80x64xf32, #tpu.memory_space<vmem>> -> memref<80x64xf32, #tpu.memory_space<vmem>>
    tpu.wait_dma2 semaphore(%arg13 : memref<!tpu.dma_semaphore, #tpu.memory_space<semaphore_mem>>) src(%dma_wait3A_536 : memref<80x64xf32, #tpu.memory_space<vmem>>) dst(%dma_wait3A_532 : memref<80x64xf32, #tpu.memory_space<hbm>>)
    return
  }
}

module attributes {stable_mosaic.version = 14 : i64} {
  func.func @body(%arg0: i32, %arg1: memref<3200x64xf32, #tpu.memory_space<vmem>>, %arg2: memref<3200x64xf32, #tpu.memory_space<vmem>>, %arg3: memref<1x64xf32, #tpu.memory_space<vmem>>, %arg4: memref<1x64xf32, #tpu.memory_space<vmem>>, %arg5: memref<64x64xf32, #tpu.memory_space<vmem>>, %arg6: memref<1x64xf32, #tpu.memory_space<vmem>>, %arg7: memref<64x50x64xf32, #tpu.memory_space<vmem>>) attributes {dimension_semantics = [#tpu.dimension_semantics<arbitrary>], iteration_bounds = array<i64: 8>, scalar_prefetch = 0 : i64, scratch_operands = 0 : i64, tpu.core_type = #tpu.core_type<tc>, window_params = [{transform_indices = @transform_0, window_bounds = array<i64: 3200, 64>}, {pipeline_mode = #tpu.pipeline_mode<synchronous>, transform_indices = @transform_1, window_bounds = array<i64: 3200, 64>}, {pipeline_mode = #tpu.pipeline_mode<synchronous>, transform_indices = @transform_2, window_bounds = array<i64: 1, 64>}, {pipeline_mode = #tpu.pipeline_mode<synchronous>, transform_indices = @transform_3, window_bounds = array<i64: 1, 64>}, {pipeline_mode = #tpu.pipeline_mode<synchronous>, transform_indices = @transform_4, window_bounds = array<i64: 64, 64>}, {pipeline_mode = #tpu.pipeline_mode<synchronous>, transform_indices = @transform_5, window_bounds = array<i64: 1, 64>}, {transform_indices = @transform_6, window_bounds = array<i64: 64, 50, 64>}]} {
    %get3A = arith.constant 0 : index
    %get3A_0 = arith.constant 0 : index
    %get3A_1 = vector.load %arg1[%get3A, %get3A_0] : memref<3200x64xf32, #tpu.memory_space<vmem>>, vector<3200x64xf32>
    %mul3A = arith.constant 5.000000e-02 : f32
    %mul3A_2 = vector.broadcast %mul3A : f32 to vector<3200x64xf32>
    %mul3A_3 = arith.mulf %get3A_1, %mul3A_2 : vector<3200x64xf32>
    %get3A_4 = arith.constant 0 : index
    %get3A_5 = arith.constant 0 : index
    %get3A_6 = vector.load %arg2[%get3A_4, %get3A_5] : memref<3200x64xf32, #tpu.memory_space<vmem>>, vector<3200x64xf32>
    %add3A = arith.addf %mul3A_3, %get3A_6 : vector<3200x64xf32>
    %reduce_sum3A = arith.constant dense<0.000000e+00> : vector<3200xf32>
    %reduce_sum3A_7 = vector.multi_reduction <add>, %add3A, %reduce_sum3A [1] : vector<3200x64xf32> to vector<3200xf32>
    %broadcast_in_dim3A = vector.shape_cast %reduce_sum3A_7 : vector<3200xf32> to vector<3200x1xf32>
    %div3A = arith.constant 6.400000e+01 : f32
    %div3A_8 = vector.broadcast %div3A : f32 to vector<3200x1xf32>
    %div3A_9 = arith.divf %broadcast_in_dim3A, %div3A_8 : vector<3200x1xf32>
    %sub3A = vector.broadcast %div3A_9 : vector<3200x1xf32> to vector<3200x64xf32>
    %sub3A_10 = arith.subf %add3A, %sub3A : vector<3200x64xf32>
    %mul3A_11 = arith.mulf %sub3A_10, %sub3A_10 : vector<3200x64xf32>
    %reduce_sum3A_12 = arith.constant dense<0.000000e+00> : vector<3200xf32>
    %reduce_sum3A_13 = vector.multi_reduction <add>, %mul3A_11, %reduce_sum3A_12 [1] : vector<3200x64xf32> to vector<3200xf32>
    %broadcast_in_dim3A_14 = vector.shape_cast %reduce_sum3A_13 : vector<3200xf32> to vector<3200x1xf32>
    %div3A_15 = arith.constant 6.400000e+01 : f32
    %div3A_16 = vector.broadcast %div3A_15 : f32 to vector<3200x1xf32>
    %div3A_17 = arith.divf %broadcast_in_dim3A_14, %div3A_16 : vector<3200x1xf32>
    %add3A_18 = arith.constant 9.99999974E-6 : f32
    %add3A_19 = vector.broadcast %add3A_18 : f32 to vector<3200x1xf32>
    %add3A_20 = arith.addf %div3A_17, %add3A_19 : vector<3200x1xf32>
    %rsqrt3A = math.rsqrt %add3A_20 : vector<3200x1xf32>
    %mul3A_21 = vector.broadcast %rsqrt3A : vector<3200x1xf32> to vector<3200x64xf32>
    %mul3A_22 = arith.mulf %sub3A_10, %mul3A_21 : vector<3200x64xf32>
    %get3A_23 = arith.constant 0 : index
    %get3A_24 = arith.constant 0 : index
    %get3A_25 = vector.load %arg3[%get3A_23, %get3A_24] : memref<1x64xf32, #tpu.memory_space<vmem>>, vector<1x64xf32>
    %mul3A_26 = vector.broadcast %get3A_25 : vector<1x64xf32> to vector<3200x64xf32>
    %mul3A_27 = arith.mulf %mul3A_22, %mul3A_26 : vector<3200x64xf32>
    %get3A_28 = arith.constant 0 : index
    %get3A_29 = arith.constant 0 : index
    %get3A_30 = vector.load %arg4[%get3A_28, %get3A_29] : memref<1x64xf32, #tpu.memory_space<vmem>>, vector<1x64xf32>
    %add3A_31 = vector.broadcast %get3A_30 : vector<1x64xf32> to vector<3200x64xf32>
    %add3A_32 = arith.addf %mul3A_27, %add3A_31 : vector<3200x64xf32>
    %get3A_33 = arith.constant 0 : index
    %get3A_34 = arith.constant 0 : index
    %get3A_35 = vector.load %arg5[%get3A_33, %get3A_34] : memref<64x64xf32, #tpu.memory_space<vmem>>, vector<64x64xf32>
    %dot_general3A = arith.constant dense<0.000000e+00> : vector<3200x64xf32>
    %dot_general3A_36 = tpu.matmul %add3A_32, %get3A_35, %dot_general3A {dimension_numbers = #tpu.dot_dimension_numbers<[1], [1], [0], [0], [0, 0, 1, 0], [], []>, precision = #tpu.contract_precision<fp32>, transpose_lhs_hint = false} : vector<3200x64xf32>, vector<64x64xf32>, vector<3200x64xf32> -> vector<3200x64xf32>
    %get3A_37 = arith.constant 0 : index
    %get3A_38 = arith.constant 0 : index
    %get3A_39 = vector.load %arg6[%get3A_37, %get3A_38] : memref<1x64xf32, #tpu.memory_space<vmem>>, vector<1x64xf32>
    %add3A_40 = vector.broadcast %get3A_39 : vector<1x64xf32> to vector<3200x64xf32>
    %add3A_41 = arith.addf %dot_general3A_36, %add3A_40 : vector<3200x64xf32>
    %reshape3A = vector.shape_cast %add3A_41 : vector<3200x64xf32> to vector<64x50x64xf32>
    %swap3A = arith.constant 0 : index
    %swap3A_42 = arith.constant 0 : index
    %swap3A_43 = arith.constant 0 : index
    %swap3A_44 = vector.load %arg7[%swap3A, %swap3A_42, %swap3A_43] : memref<64x50x64xf32, #tpu.memory_space<vmem>>, vector<64x50x64xf32>
    tpu.vector_store %arg7[%swap3A, %swap3A_42, %swap3A_43], %reshape3A {strides = array<i32>} : memref<64x50x64xf32, #tpu.memory_space<vmem>>, vector<64x50x64xf32>,
    return
  }
  func.func @transform_0(%arg0: i32) -> (i32, i32) {
    %c0_i32 = arith.constant 0 : i32
    %c0_i32_0 = arith.constant 0 : i32
    return %arg0, %c0_i32 : i32, i32
  }
  func.func @transform_1(%arg0: i32) -> (i32, i32) {
    %c0_i32 = arith.constant 0 : i32
    %c0_i32_0 = arith.constant 0 : i32
    %c0_i32_1 = arith.constant 0 : i32
    return %c0_i32, %c0_i32_0 : i32, i32
  }
  func.func @transform_2(%arg0: i32) -> (i32, i32) {
    %c0_i32 = arith.constant 0 : i32
    %c0_i32_0 = arith.constant 0 : i32
    %c0_i32_1 = arith.constant 0 : i32
    return %c0_i32, %c0_i32_0 : i32, i32
  }
  func.func @transform_3(%arg0: i32) -> (i32, i32) {
    %c0_i32 = arith.constant 0 : i32
    %c0_i32_0 = arith.constant 0 : i32
    %c0_i32_1 = arith.constant 0 : i32
    return %c0_i32, %c0_i32_0 : i32, i32
  }
  func.func @transform_4(%arg0: i32) -> (i32, i32) {
    %c0_i32 = arith.constant 0 : i32
    %c0_i32_0 = arith.constant 0 : i32
    %c0_i32_1 = arith.constant 0 : i32
    return %c0_i32, %c0_i32_0 : i32, i32
  }
  func.func @transform_5(%arg0: i32) -> (i32, i32) {
    %c0_i32 = arith.constant 0 : i32
    %c0_i32_0 = arith.constant 0 : i32
    %c0_i32_1 = arith.constant 0 : i32
    return %c0_i32, %c0_i32_0 : i32, i32
  }
  func.func @transform_6(%arg0: i32) -> (i32, i32, i32) {
    %c0_i32 = arith.constant 0 : i32
    %c0_i32_0 = arith.constant 0 : i32
    %c0_i32_1 = arith.constant 0 : i32
    return %arg0, %c0_i32, %c0_i32_0 : i32, i32, i32
  }
}

</mosaic_0001>

<sc_bundles>
// kernel: kernel.6.cloned.1.call-start
scs
__scs_entry_jumppad:
0x0: {  	(pc) =	sbr.rel $0x88, $3  }
0x1: {  	(tag) =	ssettag $0x0;
	lr =	simm.s32 $0x1  }
0x2: {  	[smem:$0x3F92] =	sst lr;
	_ =	strace $0xD0000000  }
0x3: {  	_ = 	snop  }
0x4: {  	_ = 	snop  }
0x5: {  	_ = 	snop  }
0x6: {  	_ = 	snop  }
0x7: {  	_ = 	snop  }
__scs_overlays_trampoline_lowered:
0x8: {  	[smem:$0x3FA1] =	sst s0  }
0x9: {  	[smem:$0x3FA2] =	sst s1  }
0xa: {  	[smem:$0x3FA3] =	sst s2  }
0xb: {  	[smem:$0x3FA4] =	sst s3  }
0xc: {  	[smem:$0x3FA5] =	sst s4  }
0xd: {  	[smem:$0x3FA6] =	sst s5  }
0xe: {  	[smem:$0x3FA7] =	sst s6  }
0xf: {  	[smem:$0x3FA8] =	sst s7  }
0x10: {  	[smem:$0x3FA9] =	sst s8  }
0x11: {  	[smem:$0x3FAA] =	sst s9;
	s0 =	simm.s32 @!p0 $0x0  }
0x12: {  	s1 =	sld [smem:$0x3F90];
	s0 =	simm.s32 @p0 $0x1  }
0x13: {  	[smem:$0x3FAB] =	sst s0;
	s0 =	simm.s32 @!p1 $0x0  }
0x14: {  	s2 =	sld [smem:$0x3F8F];
	s0 =	simm.s32 @p1 $0x1  }
0x15: {  	[smem:$0x3FAC] =	sst s0;
	s0 =	simm.s32 @!p2 $0x0  }
0x16: {  	s3 =	sld [smem:$0x3FDB];
	s0 =	simm.s32 @p2 $0x1  }
0x17: {  	s4 =	simm.s32 $0x1BF5;
	[smem:$0x3FAE] =	sst s0  }
0x18: {  	s0 =	sld [smem:$0x3F91];
	_ =	swait.ge [sflag:s4], $0x0  }
0x19: {  	s7 =	sld [smem:$0x3F92]  }
0x1a: {  	s8 =	sadd.s32 $0xFFFFE003, lr  }
0x1b: {  	s9 =	sadd.s32 $0xFFFFFEF7, lr;
	s5 =	simm.s32 $0xFFFFFFFF;
	p2 =	slt.u32 s8, $0xFFFFF086  }
0x1c: {  	p1 =	slt.u32 s9, $0xF7A;
	s5 =	simm.s32 @!p2 $0x0  }
0x1d: {  	s5 =	simm.s32 @p1 $0x1;
	p0 =	seq.s32 s7, s2  }
0x1e: {  	s7 =	smul.u32 @!p0 $0xF7A, s2;
	p2 =	seq.s32 @!p0 s5, $0x0  }
0x1f: {  	s9 =	smul.u32 $0xF7A, s1;
	s8 =	simm.s32 @!p0 $0x1BF5;
	p2 =	por !p2, p0  }
0x20: {  	[sflag:s8] =	ssyncset.s32 @!p0 $0xFFFFF086;
	s6 =	sadd.s32 @!p0 s3, s7;
	s7 =	simm.s32 @!p0 $0x108  }
0x21: {  	s3 =	sadd.s32 s3, s9;
	s6 =	sadd.s32 @!p0 $0x88, s6;
	s7 =	simm.s32 @p2 $0x1082  }
0x22: {  	[simem:s7], [sflag:s8] =	dma.local @!p0 [hbm:s6], $0xF7A  }
0x23: {  	s9 =	sor.u32 $0xD0000000, s2;
	s6 =	simm.s32 $0x108;
	_ =	swait.ge @!p0 [sflag:s8], $0x0  }
0x24: {  	s3 =	sadd.s32 $0x88, s3;
	s6 =	simm.s32 @!p1 $0x1082;
	[sflag:s4] =	ssyncset.s32 $0xFFFFF086  }
0x25: {  	[simem:s6], [sflag:s4] =	dma.local [hbm:s3], $0xF7A  }
0x26: {  	[smem:$0x3F92] =	sst s1;
	(tag) =	ssettag s2;
	_ =	strace s9  }
0x27: {  	s1 =	sld [smem:$0x3FA2]  }
0x28: {  	s2 =	sld [smem:$0x3FA3]  }
0x29: {  	s4 =	sld [smem:$0x3FA5]  }
0x2a: {  	p0 =	seq.s32 s5, $0x0;
	s5 =	sld [smem:$0x3FA6]  }
0x2b: {  	s6 =	sld [smem:$0x3FA7]  }
0x2c: {  	s7 =	sld [smem:$0x3FA8]  }
0x2d: {  	s3 =	simm.s32 $0x108;
	s8 =	sld [smem:$0x3FA9]  }
0x2e: {  	s3 =	simm.s32 @!p0 $0x1082;
	s9 =	sld [smem:$0x3FAA]  }
0x2f: {  	lr =	sadd.s32 s0, s3;
	s0 =	sld [smem:$0x3FA1]  }
0x30: {  	s3 =	sld [smem:$0x3FA4]  }
0x31: {  	[smem:$0x3FAD] =	sst s10  }
0x32: {  	s10 =	sld [smem:$0x3FAB];
	_ =	sdelay $0x3  }
0x33: {  	p0 =	seq.s32 s10, $0x1;
	s10 =	sld [smem:$0x3FAD];
	_ =	sdelay $0x3  }
0x34: {  	[smem:$0x3FAD] =	sst s10  }
0x35: {  	s10 =	sld [smem:$0x3FAC];
	_ =	sdelay $0x3  }
0x36: {  	p1 =	seq.s32 s10, $0x1;
	s10 =	sld [smem:$0x3FAD];
	_ =	sdelay $0x3  }
0x37: {  	[smem:$0x3FAD] =	sst s10  }
0x38: {  	s10 =	sld [smem:$0x3FAE]  }
0x39: {  	_ = 	snop;
	(pc) =	sbr.ind lr, $3  }
0x3a: {  	_ = 	snop  }
0x3b: {  	_ = 	snop  }
0x3c: {  	p2 =	seq.s32 s10, $0x1;
	s10 =	sld [smem:$0x3FAD]  }
0x3d: {  	_ =	shalt  }
0x3e: {  	_ =	shalt  }
0x3f: {  	_ =	shalt  }
0x40: {  	_ =	shalt  }
0x41: {  	_ =	shalt  }
0x42: {  	_ =	shalt  }
0x43: {  	_ =	shalt  }
0x44: {  	_ =	shalt  }
0x45: {  	_ =	shalt  }
0x46: {  	_ =	shalt  }
0x47: {  	_ =	shalt  }
0x48: {  	_ =	shalt  }
0x49: {  	_ =	shalt  }
0x4a: {  	_ =	shalt  }
0x4b: {  	_ =	shalt  }
0x4c: {  	_ =	shalt  }
0x4d: {  	_ =	shalt  }
0x4e: {  	_ =	shalt  }
0x4f: {  	_ =	shalt  }
0x50: {  	_ =	shalt  }
0x51: {  	_ =	shalt  }
0x52: {  	_ =	shalt  }
0x53: {  	_ =	shalt  }
0x54: {  	_ =	shalt  }
0x55: {  	_ =	shalt  }
0x56: {  	_ =	shalt  }
0x57: {  	_ =	shalt  }
0x58: {  	_ =	shalt  }
0x59: {  	_ =	shalt  }
0x5a: {  	_ =	shalt  }
0x5b: {  	_ =	shalt  }
0x5c: {  	_ =	shalt  }
0x5d: {  	_ =	shalt  }
0x5e: {  	_ =	shalt  }
0x5f: {  	_ =	shalt  }
0x60: {  	_ =	shalt  }
0x61: {  	_ =	shalt  }
0x62: {  	_ =	shalt  }
0x63: {  	_ =	shalt  }
0x64: {  	_ =	shalt  }
0x65: {  	_ =	shalt  }
0x66: {  	_ =	shalt  }
0x67: {  	_ =	shalt  }
0x68: {  	_ =	shalt  }
0x69: {  	_ =	shalt  }
0x6a: {  	_ =	shalt  }
0x6b: {  	_ =	shalt  }
0x6c: {  	_ =	shalt  }
0x6d: {  	_ =	shalt  }
0x6e: {  	_ =	shalt  }
0x6f: {  	_ =	shalt  }
0x70: {  	_ =	shalt  }
0x71: {  	_ =	shalt  }
0x72: {  	_ =	shalt  }
0x73: {  	_ =	shalt  }
0x74: {  	_ =	shalt  }
0x75: {  	_ =	shalt  }
0x76: {  	_ =	shalt  }
0x77: {  	_ =	shalt  }
0x78: {  	_ =	shalt  }
0x79: {  	_ =	shalt  }
0x7a: {  	_ =	shalt  }
0x7b: {  	_ =	shalt  }
0x7c: {  	_ =	shalt  }
0x7d: {  	_ =	shalt  }
0x7e: {  	_ =	shalt  }
0x7f: {  	_ =	shalt  }
0x80: {  	_ =	shalt  }
0x81: {  	_ =	shalt  }
0x82: {  	_ =	shalt  }
0x83: {  	_ =	shalt  }
0x84: {  	_ =	shalt  }
0x85: {  	_ =	shalt  }
0x86: {  	_ =	shalt  }
0x87: {  	_ =	shalt  }
.Lfunc_end0:
.L_simem_size_0:
called_computation_lowered:
.L_overlay_start_0:
0x88: {  	s2 =	sld [smem:$0x3FD9]  }
0x89: {  	s3 =	sld [smem:$0x3FFE];
	_ =	sdelay $0x1  }
0x8a: {  	s1 =	srdreg.scid  }
0x8b: {  	s0 =	sand.u32 $0x1, s1  }
0x8c: {  	s16 =	sshll.u32 s0, $0xA;
	s2 =	sadd.s32 s3, s2  }
0x8d: {  	s2 =	sadd.s32 s2, s16  }
0x8e: {  	[smem:$0x3FB9] =	sst s2  }
0x8f: {  	_ = 	snop  }
0x90: {  	(tm) =	ssettm $0x1  }
0x91: {  	s17 =	sld [smem:$0x3FFB];
	_ =	sdelay $0x3  }
0x92: {  	_ =	strace s17  }
0x93: {  	s2 =	sld [smem:$0x3FFC];
	_ =	sdelay $0x3  }
0x94: {  	_ =	strace s2  }
0x95: {  	s2 =	sld [smem:$0x3FFD];
	_ =	sdelay $0x3  }
0x96: {  	_ =	strace s2  }
0x97: {  	_ =	strace $0x8FFFFFFF  }
0x98: {  	s18 =	sld [smem:$0x3FDB];
	_ =	sdelay $0x1  }
0x99: {  	s19 =	simm.s32 $_scs_section_size  }
0x9a: {  	s4 =	simm.s32 $_size__tile_overlayer_lowered;
	s5 =	simm.s32 $_tile_overlayer_lowered  }
0x9b: {  	s22 =	simm.s32 $0x1BFF;
	s21 =	sshll.u32 s5, $0x1;
	s2 =	sadd.s32 s19, s18  }
0x9c: {  	s6 =	simm.s32 $0x0;
	s20 =	sshll.u32 s4, $0x1;
	s4 =	sadd.s32 s21, s2  }
0x9d: {  	[timem:s6], [sflag:s22] =	dma.local [hbm:s4], s20  }
0x9e: {  	_ =	swait.ge [sflag:s22], s20  }
0x9f: {  	s3 =	ssub.s32 $0x0, s20;
	[sflag:s22] =	ssyncset.done $0x0  }
0xa0: {  	[sflag:s22] =	ssyncadd.s32 s3;
	_ =	sdelay $0x1  }
0xa1: {  	s23 =	simm.s32 $0x1B8B  }
0xa2: {  	_ =	swait.ge [sflag:s23], $0x1  }
0xa3: {  	[sflag:s23] =	ssyncset.done $0x0  }
0xa4: {  	s25 =	simm.s32 $0x1B8E;
	s24 =	sld [smem:$0x3FFE];
	[sflag:s23] =	ssyncadd.s32 $0xFFFFFFFF  }
0xa5: {  	s26 =	simm.s32 $execute0_lowered;
	[smem:$0x3FD2] =	sst s25  }
0xa6: {  	s4 =	sshll.u32 s26, $0x1;
	_ =	strace $0x80000046;
	[dreg:$0x1] =	wrdreg $0xFFFFFFFF  }
0xa7: {  	s28 =	simm.s32 $_size_execute0_lowered;
	s2 =	sadd.s32 s2, s4;
	[dreg:$0x0] =	wrdreg $0x0  }
0xa8: {  	s4 =	sshll.u32 s28, $0x1;
	[dreg:$0x2] =	wrdreg s2  }
0xa9: {  	[dreg:$0x3] =	wrdreg s4  }
0xaa: {  	[dreg:$0x4] =	wrdreg $0xC0  }
0xab: {  	_ =	task [dreg:s6], $0x5FFFF  }
0xac: {  	[dreg:$0x1] =	wrdreg $0xFFFFFFFF  }
0xad: {  	[dreg:$0x0] =	wrdreg $0x60  }
0xae: {  	[dreg:$0x2] =	wrdreg s24  }
0xaf: {  	[dreg:$0x3] =	wrdreg $0x9  }
0xb0: {  	_ =	task.clear_ibuf [dreg:s6], $0x4FFFF;
	_ =	strace $0x90000046  }
0xb1: {  	s29 =	simm.s32 $0x9;
	_ =	strace $0x80000048  }
0xb2: {  	_ =	swait.ge [sflag:s29], $0x1  }
0xb3: {  	[sflag:s29] =	ssyncadd.s32 $0xFFFFFFFF  }
0xb4: {  	_ =	strace $0x90000048  }
0xb5: {  	_ =	sfence  }
0xb6: {  	s30 =	sld [smem:$0x0];
	_ =	sdelay $0x2  }
0xb7: {  	s31 =	sshll.u32 s1, $0xD;
	s1 =	sshrl.u32 s1, $0x2  }
0xb8: {  	s3 =	sand.u32 $0x4000, s31;
	s1 =	sadd.s32 s1, s30  }
0xb9: {  	s0 =	sor.u32 s3, s0;
	s1 =	sshll.u32 s1, $0x11  }
0xba: {  	s0 =	sor.u32 s1, s0  }
0xbb: {  	s0 =	sadd.s32 $0x8F2B, s0  }
0xbc: {  	[sflag:s0] =	ssyncadd.remote.s32 $0x1  }
0xbd: {  	_ =	sfence.sel $0xFFFF  }
0xbe: {  	[dreg:$0x0] =	wrdreg $0xFFFFFFFF;
	(pc) =	sbr.abs _section_cstart, $3  }
0xbf: {  	[dreg:$0x1] =	wrdreg $0xFFFFFFFF  }
0xc0: {  	_ =	task.clear_ibuf [dreg:s6], $0x2FFFF;
	_ =	strace $0x9FFFFFFF  }
0xc1: {  	(tm) =	ssettm $0x7FFFFFFF  }
tec
execute0_lowered:
.L_overlay_start_1:
0x0: {  	(tag) =	ssettag $0x1  }
0x1: {  	s0 =	srdreg.scid;
	s8 =	stileid.u32  }
0x2: {  	s0 =	sand.u32 $0x1, s0;
	s1 =	sshll.u32 s8, $0x1  }
0x3: {  	s1 =	sor.u32 s0, s1  }
0x4: {  	s5 =	rddreg [dreg:$0x0];
	s1 =	smul.u32 $0x320, s1  }
0x5: {  	s2 =	simm.s32 $0x0;
	s30 =	simm.s32 $0x7;
	s31 =	simm.s32 $0x50  }
0x6: {  	s11 =	simm.s32 $0x0;
	[smem:$0x7FF] =	sst s2;
	s1 =	sshrl.u32 s1, $0x3  }
0x7: {  	s3 =	sadd.s32 $0x189000, s5;
	s20 =	smul.u32 $0x3200, s8;
	s1 =	sadd.s32 s1, s5  }
0x8: {  	s4 =	sadd.s32 $0x12E00, s5;
	s8 =	smul.u32 $0x640, s8;
	s12 =	sadd.s32 $0x2600, s1  }
0x9: {  	_ =	strace $0x80000047;
	s13 =	sadd.s32 $0x3280, s1;
	[dreg:$0x2] =	wrdreg s12  }
0xa: {  	s6 =	ssub.s32 $0x2, s0;
	s14 =	sadd.s32 $0x3F00, s1;
	[dreg:$0x3] =	wrdreg s13  }
0xb: {  	s24 =	smul.u32 $0x320, s0;
	s15 =	sadd.s32 $0x4B80, s1;
	[dreg:$0x4] =	wrdreg s14  }
0xc: {  	s0 =	smul.u32 $0x1900, s0;
	s16 =	sadd.s32 $0x5800, s1;
	[dreg:$0x5] =	wrdreg s15  }
0xd: {  	s7 =	sshrl.u32 s6, $0x1;
	s17 =	sadd.s32 $0x6480, s1;
	[dreg:$0x6] =	wrdreg s16  }
0xe: {  	s6 =	ssub.s32 s6, s7;
	s18 =	sadd.s32 $0x7100, s1;
	[dreg:$0x7] =	wrdreg s17  }
0xf: {  	s8 =	sadd.s32 s24, s8;
	s19 =	sadd.s32 $0x7D80, s1;
	[dreg:$0x8] =	wrdreg s18  }
0x10: {  	s29 =	sshll.u32 s8, $0x3;
	s9 =	sadd.s32 $0x8A00, s1;
	[dreg:$0x9] =	wrdreg s19  }
0x11: {  	s28 =	smax.u32 s6, $0x1;
	s21 =	sadd.s32 $0x9680, s1;
	[dreg:$0xa] =	wrdreg s9  }
0x12: {  	s6 =	simm.s32 $0x3;
	s22 =	sadd.s32 $0xA300, s1;
	[dreg:$0xb] =	wrdreg s21  }
0x13: {  	s8 =	simm.s32 $0x5;
	s23 =	sadd.s32 $0xAF80, s1;
	[dreg:$0xc] =	wrdreg s22  }
0x14: {  	s5 =	sadd.s32 $0x36E00, s5;
	s10 =	sadd.s32 $0xBC00, s1;
	[dreg:$0xd] =	wrdreg s23  }
0x15: {  	s25 =	sadd.s32 $0xC880, s1;
	s26 =	sadd.s32 $0xD500, s1;
	[dreg:$0xe] =	wrdreg s10  }
0x16: {  	s7 =	sadd.s32 s20, s5;
	s24 =	sadd.s32 $0x10700, s1;
	[dreg:$0xf] =	wrdreg s25  }
0x17: {  	[dreg:$0x10] =	wrdreg s26;
	s14 =	sadd.s32 s0, s7;
	s21 =	sadd.s32 $0xE180, s1  }
0x18: {  	s0 =	sadd.s32 s5, s29;
	s22 =	sadd.s32 $0xEE00, s1;
	s23 =	sadd.s32 $0xFA80, s1  }
0x19: {  	s25 =	sadd.s32 $0x11380, s1;
	s26 =	sadd.s32 $0x12000, s1;
	s1 =	simm.s32 $0x41A0  }
0x1a: {  	s5 =	simm.s32 $0x55A0;
	s7 =	simm.s32 $0x2;
	s9 =	simm.s32 $0x4  }
0x1b: {  	s10 =	simm.s32 $0x6;
	s15 =	sadd.s32 $0x280, s0;
	s0 =	simm.s32 $0x1  }
.LBB2_1:
0x1c: {  	s12 =	rddreg [dreg:$0x2]  }
0x1d: {  	[tilespmem:s2], [sflag:$0x7] =	stream.linear.gather [hbm4b:s12+s2], $0x320, $0x38;
	[tilespmem:$0x69A0] =	vst v63  }
0x1e: {  	_ =	swait.ge [sflag:s30], $0x320  }
0x1f: {  	[sflag:s30] =	ssyncset.done $0x0  }
0x20: {  	[sflag:s30] =	ssyncadd.s32 $0xFFFFFCE0  }
0x21: {  	[tilespmem:s1], [sflag:$0x1] =	stream.indirect.gather [hbm4b:s3+s31], $0x40, s2, s31, $0xb8;
	[tilespmem:$0x69A0] =	vst v63  }
0x22: {  	s13 =	simm.s32 $0x320;
	s18 =	rddreg [dreg:$0x3]  }
0x23: {  	[tilespmem:s13], [sflag:$0x7] =	stream.linear.gather [hbm4b:s18+s2], $0x320, $0x38;
	[tilespmem:$0x69A0] =	vst v63  }
0x24: {  	s20 =	simm.s32 $0x640;
	s19 =	rddreg [dreg:$0x4]  }
0x25: {  	[tilespmem:s20], [sflag:$0x7] =	stream.linear.gather [hbm4b:s19+s2], $0x320, $0x38;
	[tilespmem:$0x69A0] =	vst v63  }
0x26: {  	s16 =	simm.s32 $0x960;
	s13 =	rddreg [dreg:$0x5]  }
0x27: {  	[tilespmem:s16], [sflag:$0x7] =	stream.linear.gather [hbm4b:s13+s2], $0x320, $0x38;
	[tilespmem:$0x69A0] =	vst v63  }
0x28: {  	s17 =	rddreg [dreg:$0x6];
	s18 =	simm.s32 $0xC80  }
0x29: {  	[tilespmem:s18], [sflag:$0x7] =	stream.linear.gather [hbm4b:s17+s2], $0x320, $0x38;
	[tilespmem:$0x69A0] =	vst v63  }
0x2a: {  	s19 =	rddreg [dreg:$0x7];
	s20 =	simm.s32 $0xFA0  }
0x2b: {  	[tilespmem:s20], [sflag:$0x7] =	stream.linear.gather [hbm4b:s19+s2], $0x320, $0x38;
	[tilespmem:$0x69A0] =	vst v63  }
0x2c: {  	s13 =	rddreg [dreg:$0x8];
	s16 =	simm.s32 $0x12C0  }
0x2d: {  	[tilespmem:s16], [sflag:$0x7] =	stream.linear.gather [hbm4b:s13+s2], $0x320, $0x38;
	[tilespmem:$0x69A0] =	vst v63  }
0x2e: {  	s17 =	rddreg [dreg:$0x9];
	s18 =	simm.s32 $0x15E0  }
0x2f: {  	[tilespmem:s18], [sflag:$0x7] =	stream.linear.gather [hbm4b:s17+s2], $0x320, $0x38;
	[tilespmem:$0x69A0] =	vst v63  }
0x30: {  	s19 =	rddreg [dreg:$0xa];
	s20 =	simm.s32 $0x1900  }
0x31: {  	[tilespmem:s20], [sflag:$0x7] =	stream.linear.gather [hbm4b:s19+s2], $0x320, $0x38;
	[tilespmem:$0x69A0] =	vst v63  }
0x32: {  	s13 =	rddreg [dreg:$0xb];
	s16 =	simm.s32 $0x1C20  }
0x33: {  	[tilespmem:s16], [sflag:$0x7] =	stream.linear.gather [hbm4b:s13+s2], $0x320, $0x38;
	[tilespmem:$0x69A0] =	vst v63  }
0x34: {  	s17 =	rddreg [dreg:$0xc];
	s18 =	simm.s32 $0x1F40  }
0x35: {  	[tilespmem:s18], [sflag:$0x7] =	stream.linear.gather [hbm4b:s17+s2], $0x320, $0x38;
	[tilespmem:$0x69A0] =	vst v63  }
0x36: {  	s19 =	rddreg [dreg:$0xd];
	s20 =	simm.s32 $0x2260  }
0x37: {  	[tilespmem:s20], [sflag:$0x7] =	stream.linear.gather [hbm4b:s19+s2], $0x320, $0x38;
	[tilespmem:$0x69A0] =	vst v63  }
0x38: {  	s13 =	rddreg [dreg:$0xe];
	s16 =	simm.s32 $0x2580  }
0x39: {  	[tilespmem:s16], [sflag:$0x7] =	stream.linear.gather [hbm4b:s13+s2], $0x320, $0x38;
	[tilespmem:$0x69A0] =	vst v63  }
0x3a: {  	s17 =	rddreg [dreg:$0xf];
	s18 =	simm.s32 $0x28A0  }
0x3b: {  	[tilespmem:s18], [sflag:$0x7] =	stream.linear.gather [hbm4b:s17+s2], $0x320, $0x38;
	[tilespmem:$0x69A0] =	vst v63  }
0x3c: {  	s19 =	rddreg [dreg:$0x10];
	s20 =	simm.s32 $0x2BC0  }
0x3d: {  	[tilespmem:s20], [sflag:$0x7] =	stream.linear.gather [hbm4b:s19+s2], $0x320, $0x38;
	[tilespmem:$0x69A0] =	vst v63  }
0x3e: {  	s16 =	simm.s32 $0x2EE0  }
0x3f: {  	[tilespmem:s16], [sflag:$0x7] =	stream.linear.gather [hbm4b:s21+s2], $0x320, $0x38;
	[tilespmem:$0x69A0] =	vst v63  }
0x40: {  	s17 =	simm.s32 $0x3200  }
0x41: {  	[tilespmem:s17], [sflag:$0x7] =	stream.linear.gather [hbm4b:s22+s2], $0x320, $0x38;
	[tilespmem:$0x69A0] =	vst v63  }
0x42: {  	s18 =	simm.s32 $0x3520  }
0x43: {  	[tilespmem:s18], [sflag:$0x7] =	stream.linear.gather [hbm4b:s23+s2], $0x320, $0x38;
	[tilespmem:$0x69A0] =	vst v63  }
0x44: {  	s19 =	simm.s32 $0x3840  }
0x45: {  	[tilespmem:s19], [sflag:$0x7] =	stream.linear.gather [hbm4b:s24+s2], $0x320, $0x38;
	[tilespmem:$0x69A0] =	vst v63  }
0x46: {  	s20 =	simm.s32 $0x3B60  }
0x47: {  	[tilespmem:s20], [sflag:$0x7] =	stream.linear.gather [hbm4b:s25+s2], $0x320, $0x38;
	[tilespmem:$0x69A0] =	vst v63  }
0x48: {  	s13 =	simm.s32 $0x3E80  }
0x49: {  	[tilespmem:s13], [sflag:$0x7] =	stream.linear.gather [hbm4b:s26+s2], $0x320, $0x38;
	[tilespmem:$0x69A0] =	vst v63  }
0x4a: {  	_ =	swait.ge [sflag:s30], $0x320  }
0x4b: {  	[sflag:s30] =	ssyncset.done $0x0  }
0x4c: {  	[sflag:s30] =	ssyncadd.s32 $0xFFFFFCE0  }
0x4d: {  	_ =	swait.ge [sflag:s30], $0x320  }
0x4e: {  	[sflag:s30] =	ssyncset.done $0x0  }
0x4f: {  	[sflag:s30] =	ssyncadd.s32 $0xFFFFFCE0  }
0x50: {  	_ =	swait.ge [sflag:s30], $0x320  }
0x51: {  	[sflag:s30] =	ssyncset.done $0x0  }
0x52: {  	[sflag:s30] =	ssyncadd.s32 $0xFFFFFCE0  }
0x53: {  	_ =	swait.ge [sflag:s30], $0x320  }
0x54: {  	[sflag:s30] =	ssyncset.done $0x0  }
0x55: {  	[sflag:s30] =	ssyncadd.s32 $0xFFFFFCE0  }
0x56: {  	_ =	swait.ge [sflag:s30], $0x320  }
0x57: {  	[sflag:s30] =	ssyncset.done $0x0  }
0x58: {  	[sflag:s30] =	ssyncadd.s32 $0xFFFFFCE0  }
0x59: {  	_ =	swait.ge [sflag:s30], $0x320  }
0x5a: {  	[sflag:s30] =	ssyncset.done $0x0  }
0x5b: {  	[sflag:s30] =	ssyncadd.s32 $0xFFFFFCE0  }
0x5c: {  	_ =	swait.ge [sflag:s30], $0x320  }
0x5d: {  	[sflag:s30] =	ssyncset.done $0x0  }
0x5e: {  	[sflag:s30] =	ssyncadd.s32 $0xFFFFFCE0  }
0x5f: {  	_ =	swait.ge [sflag:s30], $0x320  }
0x60: {  	[sflag:s30] =	ssyncset.done $0x0  }
0x61: {  	[sflag:s30] =	ssyncadd.s32 $0xFFFFFCE0  }
0x62: {  	_ =	swait.ge [sflag:s30], $0x320  }
0x63: {  	[sflag:s30] =	ssyncset.done $0x0  }
0x64: {  	[sflag:s30] =	ssyncadd.s32 $0xFFFFFCE0  }
0x65: {  	_ =	swait.ge [sflag:s30], $0x320  }
0x66: {  	[sflag:s30] =	ssyncset.done $0x0  }
0x67: {  	[sflag:s30] =	ssyncadd.s32 $0xFFFFFCE0  }
0x68: {  	_ =	swait.ge [sflag:s30], $0x320  }
0x69: {  	[sflag:s30] =	ssyncset.done $0x0  }
0x6a: {  	[sflag:s30] =	ssyncadd.s32 $0xFFFFFCE0  }
0x6b: {  	_ =	swait.ge [sflag:s30], $0x320  }
0x6c: {  	[sflag:s30] =	ssyncset.done $0x0  }
0x6d: {  	[sflag:s30] =	ssyncadd.s32 $0xFFFFFCE0  }
0x6e: {  	_ =	swait.ge [sflag:s30], $0x320  }
0x6f: {  	[sflag:s30] =	ssyncset.done $0x0  }
0x70: {  	[sflag:s30] =	ssyncadd.s32 $0xFFFFFCE0  }
0x71: {  	_ =	swait.ge [sflag:s30], $0x320  }
0x72: {  	[sflag:s30] =	ssyncset.done $0x0  }
0x73: {  	[sflag:s30] =	ssyncadd.s32 $0xFFFFFCE0  }
0x74: {  	_ =	swait.ge [sflag:s30], $0x320  }
0x75: {  	[sflag:s30] =	ssyncset.done $0x0  }
0x76: {  	[sflag:s30] =	ssyncadd.s32 $0xFFFFFCE0  }
0x77: {  	_ =	swait.ge [sflag:s30], $0x320  }
0x78: {  	[sflag:s30] =	ssyncset.done $0x0  }
0x79: {  	[sflag:s30] =	ssyncadd.s32 $0xFFFFFCE0  }
0x7a: {  	_ =	swait.ge [sflag:s30], $0x320  }
0x7b: {  	[sflag:s30] =	ssyncset.done $0x0  }
0x7c: {  	[sflag:s30] =	ssyncadd.s32 $0xFFFFFCE0  }
0x7d: {  	_ =	swait.ge [sflag:s30], $0x320  }
0x7e: {  	[sflag:s30] =	ssyncset.done $0x0  }
0x7f: {  	[sflag:s30] =	ssyncadd.s32 $0xFFFFFCE0  }
0x80: {  	_ =	swait.ge [sflag:s30], $0x320  }
0x81: {  	[sflag:s30] =	ssyncset.done $0x0  }
0x82: {  	[sflag:s30] =	ssyncadd.s32 $0xFFFFFCE0  }
0x83: {  	_ =	swait.ge [sflag:s30], $0x320  }
0x84: {  	[sflag:s30] =	ssyncset.done $0x0  }
0x85: {  	[sflag:s30] =	ssyncadd.s32 $0xFFFFFCE0  }
0x86: {  	_ =	swait.ge [sflag:s0], $0x1400  }
0x87: {  	[sflag:s0] =	ssyncset.done $0x0  }
0x88: {  	s16 =	simm.s32 $0x320;
	[sflag:s0] =	ssyncadd.s32 $0xFFFFEC00  }
0x89: {  	[tilespmem:s1], [sflag:$0x3] =	stream.indirect.gather.add.f32 [hbm:s3], $0x40, s16, s31, $0xb8;
	[tilespmem:$0x69A0] =	vst v63  }
0x8a: {  	s17 =	simm.s32 $0x640  }
0x8b: {  	[tilespmem:s1], [sflag:$0x3] =	stream.indirect.gather.add.f32 [hbm:s3], $0x40, s17, s31, $0xb8;
	[tilespmem:$0x69A0] =	vst v63  }
0x8c: {  	s18 =	simm.s32 $0x960  }
0x8d: {  	[tilespmem:s1], [sflag:$0x3] =	stream.indirect.gather.add.f32 [hbm:s3], $0x40, s18, s31, $0xb8;
	[tilespmem:$0x69A0] =	vst v63  }
0x8e: {  	s19 =	simm.s32 $0xC80  }
0x8f: {  	[tilespmem:s1], [sflag:$0x3] =	stream.indirect.gather.add.f32 [hbm:s3], $0x40, s19, s31, $0xb8;
	[tilespmem:$0x69A0] =	vst v63  }
0x90: {  	s20 =	simm.s32 $0xFA0  }
0x91: {  	[tilespmem:s1], [sflag:$0x3] =	stream.indirect.gather.add.f32 [hbm:s3], $0x40, s20, s31, $0xb8;
	[tilespmem:$0x69A0] =	vst v63  }
0x92: {  	s13 =	simm.s32 $0x12C0  }
0x93: {  	[tilespmem:s1], [sflag:$0x3] =	stream.indirect.gather.add.f32 [hbm:s3], $0x40, s13, s31, $0xb8;
	[tilespmem:$0x69A0] =	vst v63  }
0x94: {  	s16 =	simm.s32 $0x15E0  }
0x95: {  	[tilespmem:s1], [sflag:$0x3] =	stream.indirect.gather.add.f32 [hbm:s3], $0x40, s16, s31, $0xb8;
	[tilespmem:$0x69A0] =	vst v63  }
0x96: {  	s17 =	simm.s32 $0x1900  }
0x97: {  	[tilespmem:s1], [sflag:$0x3] =	stream.indirect.gather.add.f32 [hbm:s3], $0x40, s17, s31, $0xb8;
	[tilespmem:$0x69A0] =	vst v63  }
0x98: {  	s18 =	simm.s32 $0x1C20  }
0x99: {  	[tilespmem:s1], [sflag:$0x3] =	stream.indirect.gather.add.f32 [hbm:s3], $0x40, s18, s31, $0xb8;
	[tilespmem:$0x69A0] =	vst v63  }
0x9a: {  	s19 =	simm.s32 $0x1F40  }
0x9b: {  	[tilespmem:s1], [sflag:$0x3] =	stream.indirect.gather.add.f32 [hbm:s3], $0x40, s19, s31, $0xb8;
	[tilespmem:$0x69A0] =	vst v63  }
0x9c: {  	s20 =	simm.s32 $0x2260  }
0x9d: {  	[tilespmem:s1], [sflag:$0x3] =	stream.indirect.gather.add.f32 [hbm:s3], $0x40, s20, s31, $0xb8;
	[tilespmem:$0x69A0] =	vst v63  }
0x9e: {  	s13 =	simm.s32 $0x2580  }
0x9f: {  	[tilespmem:s1], [sflag:$0x3] =	stream.indirect.gather.add.f32 [hbm:s3], $0x40, s13, s31, $0xb8;
	[tilespmem:$0x69A0] =	vst v63  }
0xa0: {  	s16 =	simm.s32 $0x28A0  }
0xa1: {  	[tilespmem:s1], [sflag:$0x3] =	stream.indirect.gather.add.f32 [hbm:s3], $0x40, s16, s31, $0xb8;
	[tilespmem:$0x69A0] =	vst v63  }
0xa2: {  	s17 =	simm.s32 $0x2BC0  }
0xa3: {  	[tilespmem:s1], [sflag:$0x3] =	stream.indirect.gather.add.f32 [hbm:s3], $0x40, s17, s31, $0xb8;
	[tilespmem:$0x69A0] =	vst v63  }
0xa4: {  	s18 =	simm.s32 $0x2EE0  }
0xa5: {  	[tilespmem:s1], [sflag:$0x3] =	stream.indirect.gather.add.f32 [hbm:s3], $0x40, s18, s31, $0xb8;
	[tilespmem:$0x69A0] =	vst v63  }
0xa6: {  	s19 =	simm.s32 $0x3200  }
0xa7: {  	[tilespmem:s1], [sflag:$0x3] =	stream.indirect.gather.add.f32 [hbm:s3], $0x40, s19, s31, $0xb8;
	[tilespmem:$0x69A0] =	vst v63  }
0xa8: {  	s20 =	simm.s32 $0x3520  }
0xa9: {  	[tilespmem:s1], [sflag:$0x3] =	stream.indirect.gather.add.f32 [hbm:s3], $0x40, s20, s31, $0xb8;
	[tilespmem:$0x69A0] =	vst v63  }
0xaa: {  	s13 =	simm.s32 $0x3840  }
0xab: {  	[tilespmem:s1], [sflag:$0x3] =	stream.indirect.gather.add.f32 [hbm:s3], $0x40, s13, s31, $0xb8;
	[tilespmem:$0x69A0] =	vst v63  }
0xac: {  	p0 =	por $0x1, $0x1;
	s16 =	simm.s32 $0x3B60  }
0xad: {  	[tilespmem:s1], [sflag:$0x3] =	stream.indirect.gather.add.f32 [hbm:s3], $0x40, s16, s31, $0xb8;
	[tilespmem:$0x69A0] =	vst v63  }
0xae: {  	s12 =	simm.s32 @!p0 $0x6;
	s17 =	simm.s32 $0x3E80  }
0xaf: {  	[tilespmem:s1], [sflag:$0x3] =	stream.indirect.gather.add.f32 [hbm:s4], $0x40, s17, s31, $0xb8;
	[tilespmem:$0x69A0] =	vst v63  }
0xb0: {  	_ =	swait.ge @!p0 [sflag:s12], $0x1400  }
0xb1: {  	[sflag:s12] =	ssyncset.done @!p0 $0x0  }
0xb2: {  	s18 =	simm.s32 $0x50;
	[sflag:s12] =	ssyncadd.s32 @!p0 $0xFFFFEC00  }
0xb3: {  	[tilespmem:s5], [sflag:$0x2] =	stream.indirect.gather [hbm4b:s3+s31], $0x40, s18, s31, $0xb8;
	[tilespmem:$0x69A0] =	vst v63  }
0xb4: {  	_ =	swait.ge [sflag:s6], $0x1400  }
0xb5: {  	[sflag:s6] =	ssyncset.done $0x0  }
0xb6: {  	[sflag:s6] =	ssyncadd.s32 $0xFFFFEC00  }
0xb7: {  	_ =	swait.ge [sflag:s6], $0x1400  }
0xb8: {  	[sflag:s6] =	ssyncset.done $0x0  }
0xb9: {  	[sflag:s6] =	ssyncadd.s32 $0xFFFFEC00  }
0xba: {  	_ =	swait.ge [sflag:s6], $0x1400  }
0xbb: {  	[sflag:s6] =	ssyncset.done $0x0  }
0xbc: {  	[sflag:s6] =	ssyncadd.s32 $0xFFFFEC00  }
0xbd: {  	_ =	swait.ge [sflag:s6], $0x1400  }
0xbe: {  	[sflag:s6] =	ssyncset.done $0x0  }
0xbf: {  	[sflag:s6] =	ssyncadd.s32 $0xFFFFEC00  }
0xc0: {  	_ =	swait.ge [sflag:s6], $0x1400  }
0xc1: {  	[sflag:s6] =	ssyncset.done $0x0  }
0xc2: {  	[sflag:s6] =	ssyncadd.s32 $0xFFFFEC00  }
0xc3: {  	_ =	swait.ge [sflag:s6], $0x1400  }
0xc4: {  	[sflag:s6] =	ssyncset.done $0x0  }
0xc5: {  	[sflag:s6] =	ssyncadd.s32 $0xFFFFEC00  }
0xc6: {  	_ =	swait.ge [sflag:s6], $0x1400  }
0xc7: {  	[sflag:s6] =	ssyncset.done $0x0  }
0xc8: {  	[sflag:s6] =	ssyncadd.s32 $0xFFFFEC00  }
0xc9: {  	_ =	swait.ge [sflag:s6], $0x1400  }
0xca: {  	[sflag:s6] =	ssyncset.done $0x0  }
0xcb: {  	[sflag:s6] =	ssyncadd.s32 $0xFFFFEC00  }
0xcc: {  	_ =	swait.ge [sflag:s6], $0x1400  }
0xcd: {  	[sflag:s6] =	ssyncset.done $0x0  }
0xce: {  	[sflag:s6] =	ssyncadd.s32 $0xFFFFEC00  }
0xcf: {  	_ =	swait.ge [sflag:s6], $0x1400  }
0xd0: {  	[sflag:s6] =	ssyncset.done $0x0  }
0xd1: {  	[sflag:s6] =	ssyncadd.s32 $0xFFFFEC00  }
0xd2: {  	_ =	swait.ge [sflag:s6], $0x1400  }
0xd3: {  	[sflag:s6] =	ssyncset.done $0x0  }
0xd4: {  	[sflag:s6] =	ssyncadd.s32 $0xFFFFEC00  }
0xd5: {  	_ =	swait.ge [sflag:s6], $0x1400  }
0xd6: {  	[sflag:s6] =	ssyncset.done $0x0  }
0xd7: {  	[sflag:s6] =	ssyncadd.s32 $0xFFFFEC00  }
0xd8: {  	_ =	swait.ge [sflag:s6], $0x1400  }
0xd9: {  	[sflag:s6] =	ssyncset.done $0x0  }
0xda: {  	[sflag:s6] =	ssyncadd.s32 $0xFFFFEC00  }
0xdb: {  	_ =	swait.ge [sflag:s6], $0x1400  }
0xdc: {  	[sflag:s6] =	ssyncset.done $0x0  }
0xdd: {  	[sflag:s6] =	ssyncadd.s32 $0xFFFFEC00  }
0xde: {  	_ =	swait.ge [sflag:s6], $0x1400  }
0xdf: {  	[sflag:s6] =	ssyncset.done $0x0  }
0xe0: {  	[sflag:s6] =	ssyncadd.s32 $0xFFFFEC00  }
0xe1: {  	_ =	swait.ge [sflag:s6], $0x1400  }
0xe2: {  	[sflag:s6] =	ssyncset.done $0x0  }
0xe3: {  	[sflag:s6] =	ssyncadd.s32 $0xFFFFEC00  }
0xe4: {  	_ =	swait.ge [sflag:s6], $0x1400  }
0xe5: {  	[sflag:s6] =	ssyncset.done $0x0  }
0xe6: {  	[sflag:s6] =	ssyncadd.s32 $0xFFFFEC00  }
0xe7: {  	_ =	swait.ge [sflag:s6], $0x1400  }
0xe8: {  	[sflag:s6] =	ssyncset.done $0x0  }
0xe9: {  	[sflag:s6] =	ssyncadd.s32 $0xFFFFEC00  }
0xea: {  	_ =	swait.ge [sflag:s6], $0x1400  }
0xeb: {  	[sflag:s6] =	ssyncset.done $0x0  }
0xec: {  	[sflag:s6] =	ssyncadd.s32 $0xFFFFEC00  }
0xed: {  	_ =	swait.ge [sflag:s6], $0x1400  }
0xee: {  	[sflag:s6] =	ssyncset.done $0x0  }
0xef: {  	[sflag:s6] =	ssyncadd.s32 $0xFFFFEC00  }
0xf0: {  	[hbm4b:s14+s2] =	stream.linear.scatter [tilespmem:s1], [sflag:$0x5], $0x1400, $0x38;
	[tilespmem:$0x69A0] =	vst v63  }
0xf1: {  	_ =	swait.ge [sflag:s7], $0x1400  }
0xf2: {  	[sflag:s7] =	ssyncset.done $0x0  }
0xf3: {  	s19 =	simm.s32 $0x370;
	[sflag:s7] =	ssyncadd.s32 $0xFFFFEC00  }
0xf4: {  	[tilespmem:s5], [sflag:$0x4] =	stream.indirect.gather.add.f32 [hbm:s3], $0x40, s19, s31, $0xb8;
	[tilespmem:$0x69A0] =	vst v63  }
0xf5: {  	s20 =	simm.s32 $0x690  }
0xf6: {  	[tilespmem:s5], [sflag:$0x4] =	stream.indirect.gather.add.f32 [hbm:s3], $0x40, s20, s31, $0xb8;
	[tilespmem:$0x69A0] =	vst v63  }
0xf7: {  	s13 =	simm.s32 $0x9B0  }
0xf8: {  	[tilespmem:s5], [sflag:$0x4] =	stream.indirect.gather.add.f32 [hbm:s3], $0x40, s13, s31, $0xb8;
	[tilespmem:$0x69A0] =	vst v63  }
0xf9: {  	s16 =	simm.s32 $0xCD0  }
0xfa: {  	[tilespmem:s5], [sflag:$0x4] =	stream.indirect.gather.add.f32 [hbm:s3], $0x40, s16, s31, $0xb8;
	[tilespmem:$0x69A0] =	vst v63  }
0xfb: {  	s17 =	simm.s32 $0xFF0  }
0xfc: {  	[tilespmem:s5], [sflag:$0x4] =	stream.indirect.gather.add.f32 [hbm:s3], $0x40, s17, s31, $0xb8;
	[tilespmem:$0x69A0] =	vst v63  }
0xfd: {  	s18 =	simm.s32 $0x1310  }
0xfe: {  	[tilespmem:s5], [sflag:$0x4] =	stream.indirect.gather.add.f32 [hbm:s3], $0x40, s18, s31, $0xb8;
	[tilespmem:$0x69A0] =	vst v63  }
0xff: {  	s19 =	simm.s32 $0x1630  }
0x100: {  	[tilespmem:s5], [sflag:$0x4] =	stream.indirect.gather.add.f32 [hbm:s3], $0x40, s19, s31, $0xb8;
	[tilespmem:$0x69A0] =	vst v63  }
0x101: {  	s20 =	simm.s32 $0x1950  }
0x102: {  	[tilespmem:s5], [sflag:$0x4] =	stream.indirect.gather.add.f32 [hbm:s3], $0x40, s20, s31, $0xb8;
	[tilespmem:$0x69A0] =	vst v63  }
0x103: {  	s13 =	simm.s32 $0x1C70  }
0x104: {  	[tilespmem:s5], [sflag:$0x4] =	stream.indirect.gather.add.f32 [hbm:s3], $0x40, s13, s31, $0xb8;
	[tilespmem:$0x69A0] =	vst v63  }
0x105: {  	s16 =	simm.s32 $0x1F90  }
0x106: {  	[tilespmem:s5], [sflag:$0x4] =	stream.indirect.gather.add.f32 [hbm:s3], $0x40, s16, s31, $0xb8;
	[tilespmem:$0x69A0] =	vst v63  }
0x107: {  	s17 =	simm.s32 $0x22B0  }
0x108: {  	[tilespmem:s5], [sflag:$0x4] =	stream.indirect.gather.add.f32 [hbm:s3], $0x40, s17, s31, $0xb8;
	[tilespmem:$0x69A0] =	vst v63  }
0x109: {  	s18 =	simm.s32 $0x25D0  }
0x10a: {  	[tilespmem:s5], [sflag:$0x4] =	stream.indirect.gather.add.f32 [hbm:s3], $0x40, s18, s31, $0xb8;
	[tilespmem:$0x69A0] =	vst v63  }
0x10b: {  	s19 =	simm.s32 $0x28F0  }
0x10c: {  	[tilespmem:s5], [sflag:$0x4] =	stream.indirect.gather.add.f32 [hbm:s3], $0x40, s19, s31, $0xb8;
	[tilespmem:$0x69A0] =	vst v63  }
0x10d: {  	s20 =	simm.s32 $0x2C10  }
0x10e: {  	[tilespmem:s5], [sflag:$0x4] =	stream.indirect.gather.add.f32 [hbm:s3], $0x40, s20, s31, $0xb8;
	[tilespmem:$0x69A0] =	vst v63  }
0x10f: {  	s13 =	simm.s32 $0x2F30  }
0x110: {  	[tilespmem:s5], [sflag:$0x4] =	stream.indirect.gather.add.f32 [hbm:s3], $0x40, s13, s31, $0xb8;
	[tilespmem:$0x69A0] =	vst v63  }
0x111: {  	s16 =	simm.s32 $0x3250  }
0x112: {  	[tilespmem:s5], [sflag:$0x4] =	stream.indirect.gather.add.f32 [hbm:s3], $0x40, s16, s31, $0xb8;
	[tilespmem:$0x69A0] =	vst v63  }
0x113: {  	s17 =	simm.s32 $0x3570  }
0x114: {  	[tilespmem:s5], [sflag:$0x4] =	stream.indirect.gather.add.f32 [hbm:s3], $0x40, s17, s31, $0xb8;
	[tilespmem:$0x69A0] =	vst v63  }
0x115: {  	s18 =	simm.s32 $0x3890  }
0x116: {  	[tilespmem:s5], [sflag:$0x4] =	stream.indirect.gather.add.f32 [hbm:s3], $0x40, s18, s31, $0xb8;
	[tilespmem:$0x69A0] =	vst v63  }
0x117: {  	s19 =	simm.s32 $0x3BB0  }
0x118: {  	[tilespmem:s5], [sflag:$0x4] =	stream.indirect.gather.add.f32 [hbm:s3], $0x40, s19, s31, $0xb8;
	[tilespmem:$0x69A0] =	vst v63  }
0x119: {  	s20 =	simm.s32 $0x3ED0  }
0x11a: {  	[tilespmem:s5], [sflag:$0x4] =	stream.indirect.gather.add.f32 [hbm:s4], $0x40, s20, s31, $0xb8;
	[tilespmem:$0x69A0] =	vst v63  }
0x11b: {  	p0 =	por $0x0, $0x0;
	_ =	swait.ge [sflag:s8], $0x1400  }
0x11c: {  	s12 =	simm.s32 @!p0 $0x41A0;
	[sflag:s8] =	ssyncset.done $0x0  }
0x11d: {  	s13 =	simm.s32 @!p0 $0xA0;
	s16 =	simm.s32 @!p0 $0x50;
	[sflag:s8] =	ssyncadd.s32 $0xFFFFEC00  }
0x11e: {  	[tilespmem:s12], [sflag:$0x1] =	stream.indirect.gather @!p0 [hbm4b:s3+s16], $0x40, s13, s16, $0xb8;
	[tilespmem:$0x69A0] =	vst v63  }
0x11f: {  	_ =	swait.ge [sflag:s9], $0x1400  }
0x120: {  	[sflag:s9] =	ssyncset.done $0x0  }
0x121: {  	[sflag:s9] =	ssyncadd.s32 $0xFFFFEC00  }
0x122: {  	_ =	swait.ge [sflag:s9], $0x1400  }
0x123: {  	[sflag:s9] =	ssyncset.done $0x0  }
0x124: {  	[sflag:s9] =	ssyncadd.s32 $0xFFFFEC00  }
0x125: {  	_ =	swait.ge [sflag:s9], $0x1400  }
0x126: {  	[sflag:s9] =	ssyncset.done $0x0  }
0x127: {  	[sflag:s9] =	ssyncadd.s32 $0xFFFFEC00  }
0x128: {  	_ =	swait.ge [sflag:s9], $0x1400  }
0x129: {  	[sflag:s9] =	ssyncset.done $0x0  }
0x12a: {  	[sflag:s9] =	ssyncadd.s32 $0xFFFFEC00  }
0x12b: {  	_ =	swait.ge [sflag:s9], $0x1400  }
0x12c: {  	[sflag:s9] =	ssyncset.done $0x0  }
0x12d: {  	[sflag:s9] =	ssyncadd.s32 $0xFFFFEC00  }
0x12e: {  	_ =	swait.ge [sflag:s9], $0x1400  }
0x12f: {  	[sflag:s9] =	ssyncset.done $0x0  }
0x130: {  	[sflag:s9] =	ssyncadd.s32 $0xFFFFEC00  }
0x131: {  	_ =	swait.ge [sflag:s9], $0x1400  }
0x132: {  	[sflag:s9] =	ssyncset.done $0x0  }
0x133: {  	[sflag:s9] =	ssyncadd.s32 $0xFFFFEC00  }
0x134: {  	_ =	swait.ge [sflag:s9], $0x1400  }
0x135: {  	[sflag:s9] =	ssyncset.done $0x0  }
0x136: {  	[sflag:s9] =	ssyncadd.s32 $0xFFFFEC00  }
0x137: {  	_ =	swait.ge [sflag:s9], $0x1400  }
0x138: {  	[sflag:s9] =	ssyncset.done $0x0  }
0x139: {  	[sflag:s9] =	ssyncadd.s32 $0xFFFFEC00  }
0x13a: {  	_ =	swait.ge [sflag:s9], $0x1400  }
0x13b: {  	[sflag:s9] =	ssyncset.done $0x0  }
0x13c: {  	[sflag:s9] =	ssyncadd.s32 $0xFFFFEC00  }
0x13d: {  	_ =	swait.ge [sflag:s9], $0x1400  }
0x13e: {  	[sflag:s9] =	ssyncset.done $0x0  }
0x13f: {  	[sflag:s9] =	ssyncadd.s32 $0xFFFFEC00  }
0x140: {  	_ =	swait.ge [sflag:s9], $0x1400  }
0x141: {  	[sflag:s9] =	ssyncset.done $0x0  }
0x142: {  	[sflag:s9] =	ssyncadd.s32 $0xFFFFEC00  }
0x143: {  	_ =	swait.ge [sflag:s9], $0x1400  }
0x144: {  	[sflag:s9] =	ssyncset.done $0x0  }
0x145: {  	[sflag:s9] =	ssyncadd.s32 $0xFFFFEC00  }
0x146: {  	_ =	swait.ge [sflag:s9], $0x1400  }
0x147: {  	[sflag:s9] =	ssyncset.done $0x0  }
0x148: {  	[sflag:s9] =	ssyncadd.s32 $0xFFFFEC00  }
0x149: {  	_ =	swait.ge [sflag:s9], $0x1400  }
0x14a: {  	[sflag:s9] =	ssyncset.done $0x0  }
0x14b: {  	[sflag:s9] =	ssyncadd.s32 $0xFFFFEC00  }
0x14c: {  	_ =	swait.ge [sflag:s9], $0x1400  }
0x14d: {  	[sflag:s9] =	ssyncset.done $0x0  }
0x14e: {  	[sflag:s9] =	ssyncadd.s32 $0xFFFFEC00  }
0x14f: {  	_ =	swait.ge [sflag:s9], $0x1400  }
0x150: {  	[sflag:s9] =	ssyncset.done $0x0  }
0x151: {  	[sflag:s9] =	ssyncadd.s32 $0xFFFFEC00  }
0x152: {  	_ =	swait.ge [sflag:s9], $0x1400  }
0x153: {  	[sflag:s9] =	ssyncset.done $0x0  }
0x154: {  	[sflag:s9] =	ssyncadd.s32 $0xFFFFEC00  }
0x155: {  	_ =	swait.ge [sflag:s9], $0x1400  }
0x156: {  	[sflag:s9] =	ssyncset.done $0x0  }
0x157: {  	[sflag:s9] =	ssyncadd.s32 $0xFFFFEC00  }
0x158: {  	s29 =	smov.u32 s15;
	s20 =	smov.u32 s14;
	_ =	swait.ge [sflag:s9], $0x1400  }
0x159: {  	s12 =	simm.s32 $0x280;
	s13 =	sadd.s32 $0x500, s15;
	[sflag:s9] =	ssyncset.done $0x0  }
.LBB2_2:
0x15a: {  	[sflag:s9] =	ssyncadd.s32 $0xFFFFEC00  }
0x15b: {  	s20 =	sadd.s32 $0x500, s20;
	s16 =	smov.u32 s12;
	s12 =	sadd.s32 $0x280, s12  }
0x15c: {  	[hbm4b:s29+s2] =	stream.linear.scatter [tilespmem:s5], [sflag:$0x6], $0x1400, $0x38;
	[tilespmem:$0x69A0] =	vst v63  }
0x15d: {  	p0 =	sne.s32 s12, $0xC80;
	s29 =	smov.u32 s13;
	_ =	swait.ge [sflag:s0], $0x1400  }
0x15e: {  	s17 =	sshra.s32 s16, $0x2;
	[sflag:s0] =	ssyncset.done $0x0  }
0x15f: {  	s18 =	sadd.s32 $0x320, s17;
	[sflag:s0] =	ssyncadd.s32 $0xFFFFEC00  }
0x160: {  	[tilespmem:s1], [sflag:$0x3] =	stream.indirect.gather.add.f32 [hbm:s3], $0x40, s18, s31, $0xb8;
	[tilespmem:$0x69A0] =	vst v63  }
0x161: {  	s18 =	sadd.s32 $0x640, s17  }
0x162: {  	[tilespmem:s1], [sflag:$0x3] =	stream.indirect.gather.add.f32 [hbm:s3], $0x40, s18, s31, $0xb8;
	[tilespmem:$0x69A0] =	vst v63  }
0x163: {  	s18 =	sadd.s32 $0x960, s17  }
0x164: {  	[tilespmem:s1], [sflag:$0x3] =	stream.indirect.gather.add.f32 [hbm:s3], $0x40, s18, s31, $0xb8;
	[tilespmem:$0x69A0] =	vst v63  }
0x165: {  	s18 =	sadd.s32 $0xC80, s17  }
0x166: {  	[tilespmem:s1], [sflag:$0x3] =	stream.indirect.gather.add.f32 [hbm:s3], $0x40, s18, s31, $0xb8;
	[tilespmem:$0x69A0] =	vst v63  }
0x167: {  	s18 =	sadd.s32 $0xFA0, s17  }
0x168: {  	[tilespmem:s1], [sflag:$0x3] =	stream.indirect.gather.add.f32 [hbm:s3], $0x40, s18, s31, $0xb8;
	[tilespmem:$0x69A0] =	vst v63  }
0x169: {  	s18 =	sadd.s32 $0x12C0, s17  }
0x16a: {  	[tilespmem:s1], [sflag:$0x3] =	stream.indirect.gather.add.f32 [hbm:s3], $0x40, s18, s31, $0xb8;
	[tilespmem:$0x69A0] =	vst v63  }
0x16b: {  	s18 =	sadd.s32 $0x15E0, s17  }
0x16c: {  	[tilespmem:s1], [sflag:$0x3] =	stream.indirect.gather.add.f32 [hbm:s3], $0x40, s18, s31, $0xb8;
	[tilespmem:$0x69A0] =	vst v63  }
0x16d: {  	s18 =	sadd.s32 $0x1900, s17  }
0x16e: {  	[tilespmem:s1], [sflag:$0x3] =	stream.indirect.gather.add.f32 [hbm:s3], $0x40, s18, s31, $0xb8;
	[tilespmem:$0x69A0] =	vst v63  }
0x16f: {  	s18 =	sadd.s32 $0x1C20, s17  }
0x170: {  	[tilespmem:s1], [sflag:$0x3] =	stream.indirect.gather.add.f32 [hbm:s3], $0x40, s18, s31, $0xb8;
	[tilespmem:$0x69A0] =	vst v63  }
0x171: {  	s18 =	sadd.s32 $0x1F40, s17  }
0x172: {  	[tilespmem:s1], [sflag:$0x3] =	stream.indirect.gather.add.f32 [hbm:s3], $0x40, s18, s31, $0xb8;
	[tilespmem:$0x69A0] =	vst v63  }
0x173: {  	s18 =	sadd.s32 $0x2260, s17  }
0x174: {  	[tilespmem:s1], [sflag:$0x3] =	stream.indirect.gather.add.f32 [hbm:s3], $0x40, s18, s31, $0xb8;
	[tilespmem:$0x69A0] =	vst v63  }
0x175: {  	s18 =	sadd.s32 $0x2580, s17  }
0x176: {  	[tilespmem:s1], [sflag:$0x3] =	stream.indirect.gather.add.f32 [hbm:s3], $0x40, s18, s31, $0xb8;
	[tilespmem:$0x69A0] =	vst v63  }
0x177: {  	s18 =	sadd.s32 $0x28A0, s17  }
0x178: {  	[tilespmem:s1], [sflag:$0x3] =	stream.indirect.gather.add.f32 [hbm:s3], $0x40, s18, s31, $0xb8;
	[tilespmem:$0x69A0] =	vst v63  }
0x179: {  	s18 =	sadd.s32 $0x2BC0, s17  }
0x17a: {  	[tilespmem:s1], [sflag:$0x3] =	stream.indirect.gather.add.f32 [hbm:s3], $0x40, s18, s31, $0xb8;
	[tilespmem:$0x69A0] =	vst v63  }
0x17b: {  	s18 =	sadd.s32 $0x2EE0, s17  }
0x17c: {  	[tilespmem:s1], [sflag:$0x3] =	stream.indirect.gather.add.f32 [hbm:s3], $0x40, s18, s31, $0xb8;
	[tilespmem:$0x69A0] =	vst v63  }
0x17d: {  	s18 =	sadd.s32 $0x3200, s17  }
0x17e: {  	[tilespmem:s1], [sflag:$0x3] =	stream.indirect.gather.add.f32 [hbm:s3], $0x40, s18, s31, $0xb8;
	[tilespmem:$0x69A0] =	vst v63  }
0x17f: {  	s18 =	sadd.s32 $0x3520, s17  }
0x180: {  	[tilespmem:s1], [sflag:$0x3] =	stream.indirect.gather.add.f32 [hbm:s3], $0x40, s18, s31, $0xb8;
	[tilespmem:$0x69A0] =	vst v63  }
0x181: {  	s18 =	sadd.s32 $0x3840, s17  }
0x182: {  	[tilespmem:s1], [sflag:$0x3] =	stream.indirect.gather.add.f32 [hbm:s3], $0x40, s18, s31, $0xb8;
	[tilespmem:$0x69A0] =	vst v63  }
0x183: {  	s18 =	sadd.s32 $0x3B60, s17  }
0x184: {  	[tilespmem:s1], [sflag:$0x3] =	stream.indirect.gather.add.f32 [hbm:s3], $0x40, s18, s31, $0xb8;
	[tilespmem:$0x69A0] =	vst v63  }
0x185: {  	p1 =	seq.s32 s16, $0x0;
	s18 =	sadd.s32 $0x3E80, s17  }
0x186: {  	[tilespmem:s1], [sflag:$0x3] =	stream.indirect.gather.add.f32 [hbm:s4], $0x40, s18, s31, $0xb8;
	[tilespmem:$0x69A0] =	vst v63  }
0x187: {  	s18 =	simm.s32 @!p1 $0x6  }
0x188: {  	_ =	swait.ge @!p1 [sflag:s18], $0x1400  }
0x189: {  	s19 =	sadd.s32 $0x50, s17;
	[sflag:s18] =	ssyncset.done @!p1 $0x0  }
0x18a: {  	[sflag:s18] =	ssyncadd.s32 @!p1 $0xFFFFEC00  }
0x18b: {  	[tilespmem:s5], [sflag:$0x2] =	stream.indirect.gather [hbm4b:s3+s31], $0x40, s19, s31, $0xb8;
	[tilespmem:$0x69A0] =	vst v63  }
0x18c: {  	_ =	swait.ge [sflag:s6], $0x1400  }
0x18d: {  	[sflag:s6] =	ssyncset.done $0x0  }
0x18e: {  	[sflag:s6] =	ssyncadd.s32 $0xFFFFEC00  }
0x18f: {  	_ =	swait.ge [sflag:s6], $0x1400  }
0x190: {  	[sflag:s6] =	ssyncset.done $0x0  }
0x191: {  	[sflag:s6] =	ssyncadd.s32 $0xFFFFEC00  }
0x192: {  	_ =	swait.ge [sflag:s6], $0x1400  }
0x193: {  	[sflag:s6] =	ssyncset.done $0x0  }
0x194: {  	[sflag:s6] =	ssyncadd.s32 $0xFFFFEC00  }
0x195: {  	_ =	swait.ge [sflag:s6], $0x1400  }
0x196: {  	[sflag:s6] =	ssyncset.done $0x0  }
0x197: {  	[sflag:s6] =	ssyncadd.s32 $0xFFFFEC00  }
0x198: {  	_ =	swait.ge [sflag:s6], $0x1400  }
0x199: {  	[sflag:s6] =	ssyncset.done $0x0  }
0x19a: {  	[sflag:s6] =	ssyncadd.s32 $0xFFFFEC00  }
0x19b: {  	_ =	swait.ge [sflag:s6], $0x1400  }
0x19c: {  	[sflag:s6] =	ssyncset.done $0x0  }
0x19d: {  	[sflag:s6] =	ssyncadd.s32 $0xFFFFEC00  }
0x19e: {  	_ =	swait.ge [sflag:s6], $0x1400  }
0x19f: {  	[sflag:s6] =	ssyncset.done $0x0  }
0x1a0: {  	[sflag:s6] =	ssyncadd.s32 $0xFFFFEC00  }
0x1a1: {  	_ =	swait.ge [sflag:s6], $0x1400  }
0x1a2: {  	[sflag:s6] =	ssyncset.done $0x0  }
0x1a3: {  	[sflag:s6] =	ssyncadd.s32 $0xFFFFEC00  }
0x1a4: {  	_ =	swait.ge [sflag:s6], $0x1400  }
0x1a5: {  	[sflag:s6] =	ssyncset.done $0x0  }
0x1a6: {  	[sflag:s6] =	ssyncadd.s32 $0xFFFFEC00  }
0x1a7: {  	_ =	swait.ge [sflag:s6], $0x1400  }
0x1a8: {  	[sflag:s6] =	ssyncset.done $0x0  }
0x1a9: {  	[sflag:s6] =	ssyncadd.s32 $0xFFFFEC00  }
0x1aa: {  	_ =	swait.ge [sflag:s6], $0x1400  }
0x1ab: {  	[sflag:s6] =	ssyncset.done $0x0  }
0x1ac: {  	[sflag:s6] =	ssyncadd.s32 $0xFFFFEC00  }
0x1ad: {  	_ =	swait.ge [sflag:s6], $0x1400  }
0x1ae: {  	[sflag:s6] =	ssyncset.done $0x0  }
0x1af: {  	[sflag:s6] =	ssyncadd.s32 $0xFFFFEC00  }
0x1b0: {  	_ =	swait.ge [sflag:s6], $0x1400  }
0x1b1: {  	[sflag:s6] =	ssyncset.done $0x0  }
0x1b2: {  	[sflag:s6] =	ssyncadd.s32 $0xFFFFEC00  }
0x1b3: {  	_ =	swait.ge [sflag:s6], $0x1400  }
0x1b4: {  	[sflag:s6] =	ssyncset.done $0x0  }
0x1b5: {  	[sflag:s6] =	ssyncadd.s32 $0xFFFFEC00  }
0x1b6: {  	_ =	swait.ge [sflag:s6], $0x1400  }
0x1b7: {  	[sflag:s6] =	ssyncset.done $0x0  }
0x1b8: {  	[sflag:s6] =	ssyncadd.s32 $0xFFFFEC00  }
0x1b9: {  	_ =	swait.ge [sflag:s6], $0x1400  }
0x1ba: {  	[sflag:s6] =	ssyncset.done $0x0  }
0x1bb: {  	[sflag:s6] =	ssyncadd.s32 $0xFFFFEC00  }
0x1bc: {  	_ =	swait.ge [sflag:s6], $0x1400  }
0x1bd: {  	[sflag:s6] =	ssyncset.done $0x0  }
0x1be: {  	[sflag:s6] =	ssyncadd.s32 $0xFFFFEC00  }
0x1bf: {  	_ =	swait.ge [sflag:s6], $0x1400  }
0x1c0: {  	[sflag:s6] =	ssyncset.done $0x0  }
0x1c1: {  	[sflag:s6] =	ssyncadd.s32 $0xFFFFEC00  }
0x1c2: {  	_ =	swait.ge [sflag:s6], $0x1400  }
0x1c3: {  	[sflag:s6] =	ssyncset.done $0x0  }
0x1c4: {  	[sflag:s6] =	ssyncadd.s32 $0xFFFFEC00  }
0x1c5: {  	_ =	swait.ge [sflag:s6], $0x1400  }
0x1c6: {  	[sflag:s6] =	ssyncset.done $0x0  }
0x1c7: {  	[sflag:s6] =	ssyncadd.s32 $0xFFFFEC00  }
0x1c8: {  	[hbm4b:s20+s2] =	stream.linear.scatter [tilespmem:s1], [sflag:$0x5], $0x1400, $0x38;
	[tilespmem:$0x69A0] =	vst v63  }
0x1c9: {  	_ =	swait.ge [sflag:s7], $0x1400  }
0x1ca: {  	s18 =	sadd.s32 $0x370, s17;
	[sflag:s7] =	ssyncset.done $0x0  }
0x1cb: {  	s19 =	sadd.s32 $0x690, s17;
	[sflag:s7] =	ssyncadd.s32 $0xFFFFEC00  }
0x1cc: {  	[tilespmem:s5], [sflag:$0x4] =	stream.indirect.gather.add.f32 [hbm:s3], $0x40, s18, s31, $0xb8;
	[tilespmem:$0x69A0] =	vst v63  }
0x1cd: {  	s18 =	sadd.s32 $0x9B0, s17  }
0x1ce: {  	[tilespmem:s5], [sflag:$0x4] =	stream.indirect.gather.add.f32 [hbm:s3], $0x40, s19, s31, $0xb8;
	[tilespmem:$0x69A0] =	vst v63  }
0x1cf: {  	s19 =	sadd.s32 $0xCD0, s17  }
0x1d0: {  	[tilespmem:s5], [sflag:$0x4] =	stream.indirect.gather.add.f32 [hbm:s3], $0x40, s18, s31, $0xb8;
	[tilespmem:$0x69A0] =	vst v63  }
0x1d1: {  	s18 =	sadd.s32 $0xFF0, s17  }
0x1d2: {  	[tilespmem:s5], [sflag:$0x4] =	stream.indirect.gather.add.f32 [hbm:s3], $0x40, s19, s31, $0xb8;
	[tilespmem:$0x69A0] =	vst v63  }
0x1d3: {  	s19 =	sadd.s32 $0x1310, s17  }
0x1d4: {  	[tilespmem:s5], [sflag:$0x4] =	stream.indirect.gather.add.f32 [hbm:s3], $0x40, s18, s31, $0xb8;
	[tilespmem:$0x69A0] =	vst v63  }
0x1d5: {  	s18 =	sadd.s32 $0x1630, s17  }
0x1d6: {  	[tilespmem:s5], [sflag:$0x4] =	stream.indirect.gather.add.f32 [hbm:s3], $0x40, s19, s31, $0xb8;
	[tilespmem:$0x69A0] =	vst v63  }
0x1d7: {  	s19 =	sadd.s32 $0x1950, s17  }
0x1d8: {  	[tilespmem:s5], [sflag:$0x4] =	stream.indirect.gather.add.f32 [hbm:s3], $0x40, s18, s31, $0xb8;
	[tilespmem:$0x69A0] =	vst v63  }
0x1d9: {  	s18 =	sadd.s32 $0x1C70, s17  }
0x1da: {  	[tilespmem:s5], [sflag:$0x4] =	stream.indirect.gather.add.f32 [hbm:s3], $0x40, s19, s31, $0xb8;
	[tilespmem:$0x69A0] =	vst v63  }
0x1db: {  	s19 =	sadd.s32 $0x1F90, s17  }
0x1dc: {  	[tilespmem:s5], [sflag:$0x4] =	stream.indirect.gather.add.f32 [hbm:s3], $0x40, s18, s31, $0xb8;
	[tilespmem:$0x69A0] =	vst v63  }
0x1dd: {  	s18 =	sadd.s32 $0x22B0, s17  }
0x1de: {  	[tilespmem:s5], [sflag:$0x4] =	stream.indirect.gather.add.f32 [hbm:s3], $0x40, s19, s31, $0xb8;
	[tilespmem:$0x69A0] =	vst v63  }
0x1df: {  	s19 =	sadd.s32 $0x25D0, s17  }
0x1e0: {  	[tilespmem:s5], [sflag:$0x4] =	stream.indirect.gather.add.f32 [hbm:s3], $0x40, s18, s31, $0xb8;
	[tilespmem:$0x69A0] =	vst v63  }
0x1e1: {  	s18 =	sadd.s32 $0x28F0, s17  }
0x1e2: {  	[tilespmem:s5], [sflag:$0x4] =	stream.indirect.gather.add.f32 [hbm:s3], $0x40, s19, s31, $0xb8;
	[tilespmem:$0x69A0] =	vst v63  }
0x1e3: {  	s19 =	sadd.s32 $0x2C10, s17  }
0x1e4: {  	[tilespmem:s5], [sflag:$0x4] =	stream.indirect.gather.add.f32 [hbm:s3], $0x40, s18, s31, $0xb8;
	[tilespmem:$0x69A0] =	vst v63  }
0x1e5: {  	s18 =	sadd.s32 $0x2F30, s17  }
0x1e6: {  	[tilespmem:s5], [sflag:$0x4] =	stream.indirect.gather.add.f32 [hbm:s3], $0x40, s19, s31, $0xb8;
	[tilespmem:$0x69A0] =	vst v63  }
0x1e7: {  	s19 =	sadd.s32 $0x3250, s17  }
0x1e8: {  	[tilespmem:s5], [sflag:$0x4] =	stream.indirect.gather.add.f32 [hbm:s3], $0x40, s18, s31, $0xb8;
	[tilespmem:$0x69A0] =	vst v63  }
0x1e9: {  	s18 =	sadd.s32 $0x3570, s17  }
0x1ea: {  	[tilespmem:s5], [sflag:$0x4] =	stream.indirect.gather.add.f32 [hbm:s3], $0x40, s19, s31, $0xb8;
	[tilespmem:$0x69A0] =	vst v63  }
0x1eb: {  	s19 =	sadd.s32 $0x3890, s17  }
0x1ec: {  	[tilespmem:s5], [sflag:$0x4] =	stream.indirect.gather.add.f32 [hbm:s3], $0x40, s18, s31, $0xb8;
	[tilespmem:$0x69A0] =	vst v63  }
0x1ed: {  	s18 =	sadd.s32 $0x3BB0, s17  }
0x1ee: {  	[tilespmem:s5], [sflag:$0x4] =	stream.indirect.gather.add.f32 [hbm:s3], $0x40, s19, s31, $0xb8;
	[tilespmem:$0x69A0] =	vst v63  }
0x1ef: {  	s17 =	sadd.s32 $0x3ED0, s17  }
0x1f0: {  	[tilespmem:s5], [sflag:$0x4] =	stream.indirect.gather.add.f32 [hbm:s3], $0x40, s18, s31, $0xb8;
	[tilespmem:$0x69A0] =	vst v63  }
0x1f1: {  	p1 =	seq.s32 s16, $0xA00  }
0x1f2: {  	[tilespmem:s5], [sflag:$0x4] =	stream.indirect.gather.add.f32 [hbm:s4], $0x40, s17, s31, $0xb8;
	[tilespmem:$0x69A0] =	vst v63  }
0x1f3: {  	s16 =	sshra.s32 @!p1 s16, $0x2;
	s17 =	simm.s32 @!p1 $0x41A0;
	_ =	swait.ge [sflag:s8], $0x1400  }
0x1f4: {  	s16 =	sadd.s32 @!p1 $0xA0, s16;
	s18 =	simm.s32 @!p1 $0x50;
	[sflag:s8] =	ssyncset.done $0x0  }
0x1f5: {  	[sflag:s8] =	ssyncadd.s32 $0xFFFFEC00  }
0x1f6: {  	[tilespmem:s17], [sflag:$0x1] =	stream.indirect.gather @!p1 [hbm4b:s3+s18], $0x40, s16, s18, $0xb8;
	[tilespmem:$0x69A0] =	vst v63  }
0x1f7: {  	_ =	swait.ge [sflag:s9], $0x1400  }
0x1f8: {  	[sflag:s9] =	ssyncset.done $0x0  }
0x1f9: {  	[sflag:s9] =	ssyncadd.s32 $0xFFFFEC00  }
0x1fa: {  	_ =	swait.ge [sflag:s9], $0x1400  }
0x1fb: {  	[sflag:s9] =	ssyncset.done $0x0  }
0x1fc: {  	[sflag:s9] =	ssyncadd.s32 $0xFFFFEC00  }
0x1fd: {  	_ =	swait.ge [sflag:s9], $0x1400  }
0x1fe: {  	[sflag:s9] =	ssyncset.done $0x0  }
0x1ff: {  	[sflag:s9] =	ssyncadd.s32 $0xFFFFEC00  }
0x200: {  	_ =	swait.ge [sflag:s9], $0x1400  }
0x201: {  	[sflag:s9] =	ssyncset.done $0x0  }
0x202: {  	[sflag:s9] =	ssyncadd.s32 $0xFFFFEC00  }
0x203: {  	_ =	swait.ge [sflag:s9], $0x1400  }
0x204: {  	[sflag:s9] =	ssyncset.done $0x0  }
0x205: {  	[sflag:s9] =	ssyncadd.s32 $0xFFFFEC00  }
0x206: {  	_ =	swait.ge [sflag:s9], $0x1400  }
0x207: {  	[sflag:s9] =	ssyncset.done $0x0  }
0x208: {  	[sflag:s9] =	ssyncadd.s32 $0xFFFFEC00  }
0x209: {  	_ =	swait.ge [sflag:s9], $0x1400  }
0x20a: {  	[sflag:s9] =	ssyncset.done $0x0  }
0x20b: {  	[sflag:s9] =	ssyncadd.s32 $0xFFFFEC00  }
0x20c: {  	_ =	swait.ge [sflag:s9], $0x1400  }
0x20d: {  	[sflag:s9] =	ssyncset.done $0x0  }
0x20e: {  	[sflag:s9] =	ssyncadd.s32 $0xFFFFEC00  }
0x20f: {  	_ =	swait.ge [sflag:s9], $0x1400  }
0x210: {  	[sflag:s9] =	ssyncset.done $0x0  }
0x211: {  	[sflag:s9] =	ssyncadd.s32 $0xFFFFEC00  }
0x212: {  	_ =	swait.ge [sflag:s9], $0x1400  }
0x213: {  	[sflag:s9] =	ssyncset.done $0x0  }
0x214: {  	[sflag:s9] =	ssyncadd.s32 $0xFFFFEC00  }
0x215: {  	_ =	swait.ge [sflag:s9], $0x1400  }
0x216: {  	[sflag:s9] =	ssyncset.done $0x0  }
0x217: {  	[sflag:s9] =	ssyncadd.s32 $0xFFFFEC00  }
0x218: {  	_ =	swait.ge [sflag:s9], $0x1400  }
0x219: {  	[sflag:s9] =	ssyncset.done $0x0  }
0x21a: {  	[sflag:s9] =	ssyncadd.s32 $0xFFFFEC00  }
0x21b: {  	_ =	swait.ge [sflag:s9], $0x1400  }
0x21c: {  	[sflag:s9] =	ssyncset.done $0x0  }
0x21d: {  	[sflag:s9] =	ssyncadd.s32 $0xFFFFEC00  }
0x21e: {  	_ =	swait.ge [sflag:s9], $0x1400  }
0x21f: {  	[sflag:s9] =	ssyncset.done $0x0  }
0x220: {  	[sflag:s9] =	ssyncadd.s32 $0xFFFFEC00  }
0x221: {  	_ =	swait.ge [sflag:s9], $0x1400  }
0x222: {  	[sflag:s9] =	ssyncset.done $0x0  }
0x223: {  	[sflag:s9] =	ssyncadd.s32 $0xFFFFEC00  }
0x224: {  	_ =	swait.ge [sflag:s9], $0x1400  }
0x225: {  	[sflag:s9] =	ssyncset.done $0x0  }
0x226: {  	[sflag:s9] =	ssyncadd.s32 $0xFFFFEC00  }
0x227: {  	_ =	swait.ge [sflag:s9], $0x1400  }
0x228: {  	[sflag:s9] =	ssyncset.done $0x0  }
0x229: {  	[sflag:s9] =	ssyncadd.s32 $0xFFFFEC00  }
0x22a: {  	_ =	swait.ge [sflag:s9], $0x1400  }
0x22b: {  	[sflag:s9] =	ssyncset.done $0x0  }
0x22c: {  	[sflag:s9] =	ssyncadd.s32 $0xFFFFEC00  }
.Ltmp0:
0x22d: {  	_ =	swait.ge [sflag:s9], $0x1400;
	(pc) =	sbr.rel @p0 .LBB2_2-.Ltmp0, $4  }
0x22e: {  	[sflag:s9] =	ssyncset.done $0x0  }
0x22f: {  	[sflag:s9] =	ssyncadd.s32 $0xFFFFEC00  }
0x230: {  	_ =	swait.ge [sflag:s9], $0x1400  }
0x231: {  	s13 =	sadd.s32 $0x500, s13;
	[sflag:s9] =	ssyncset.done $0x0  }
0x232: {  	s11 =	sadd.s32 $0x1, s11  }
0x233: {  	p0 =	sne.s32 s11, s28  }
.Ltmp1:
0x234: {  	[sflag:s9] =	ssyncadd.s32 $0xFFFFEC00;
	(pc) =	sbr.rel @p0 .LBB2_1-.Ltmp1, $4  }
0x235: {  	[hbm4b:s29+s2] =	stream.linear.scatter [tilespmem:s5], [sflag:$0x6], $0x1400, $0x38;
	[tilespmem:$0x69A0] =	vst v63  }
0x236: {  	_ =	swait.ge [sflag:s10], $0x1400  }
0x237: {  	[sflag:s10] =	ssyncset.done $0x0  }
0x238: {  	[sflag:s10] =	ssyncadd.s32 $0xFFFFEC00  }
0x239: {  	_ =	sfence.sel $0x180000  }
0x23a: {  	[bflag:$0x0] =	sbarrier.arrive $0xFFFF  }
0x23b: {  	_ =	strace $0x90000047  }
0x23c: {  	s0 =	stileid.u32;
	[bflag:$0x2] =	sbarrier.arrive $0xFFFF  }
0x23d: {  	p0 =	sne.s32 s0, $0x0;
	s0 =	rddreg [dreg:$0x1]  }
0x23e: {  	s0 =	sadd.s32 @!p0 $0x100000, s0  }
0x23f: {  	[sflag:s0] =	ssyncadd.tile.s32 @!p0 $0x1;
	_ =	shalt  }
.Lfunc_end2:
_tile_overlayer_lowered:
.L_overlay_start_2:
0x240: {  	(tag) =	ssettag $0x2  }
0x241: {  	s0 =	rddreg [dreg:$0x0];
	s2 =	stileid.u32  }
0x242: {  	s1 =	rddreg [dreg:$0x1];
	p0 =	sne.s32 s2, $0x0  }
0x243: {  	s3 =	rddreg [dreg:$0x2];
	[bflag:$0x3] =	sbarrier.arrive $0xFFFF;
	s2 =	simm.s32 @!p0 $0x1C08  }
0x244: {  	[timem:s3], [sflag:s2] =	dma.local @!p0 [hbm:s0], s1  }
0x245: {  	s0 =	simm.s32 @!p0 $0x8  }
0x246: {  	_ =	swait.ge @!p0 [sflag:s0], s1  }
0x247: {  	s1 =	ssub.s32 @!p0 $0x0, s1;
	[sflag:s0] =	ssyncset.done @!p0 $0x0  }
0x248: {  	[sflag:s0] =	ssyncadd.s32 @!p0 s1  }
0x249: {  	[bflag:$0x3] =	sbarrier.arrive $0xFFFF  }
0x24a: {  	_ =	shalt  }

// kernel: kernel.9.cloned.1.call-start
scs
__scs_entry_jumppad:
0x0: {  	(pc) =	sbr.rel $0x88, $3  }
0x1: {  	(tag) =	ssettag $0x0;
	lr =	simm.s32 $0x1  }
0x2: {  	[smem:$0x3F92] =	sst lr;
	_ =	strace $0xD0000000  }
0x3: {  	_ = 	snop  }
0x4: {  	_ = 	snop  }
0x5: {  	_ = 	snop  }
0x6: {  	_ = 	snop  }
0x7: {  	_ = 	snop  }
__scs_overlays_trampoline_lowered:
0x8: {  	[smem:$0x3FA1] =	sst s0  }
0x9: {  	[smem:$0x3FA2] =	sst s1  }
0xa: {  	[smem:$0x3FA3] =	sst s2  }
0xb: {  	[smem:$0x3FA4] =	sst s3  }
0xc: {  	[smem:$0x3FA5] =	sst s4  }
0xd: {  	[smem:$0x3FA6] =	sst s5  }
0xe: {  	[smem:$0x3FA7] =	sst s6  }
0xf: {  	[smem:$0x3FA8] =	sst s7  }
0x10: {  	[smem:$0x3FA9] =	sst s8  }
0x11: {  	[smem:$0x3FAA] =	sst s9;
	s0 =	simm.s32 @!p0 $0x0  }
0x12: {  	s1 =	sld [smem:$0x3F90];
	s0 =	simm.s32 @p0 $0x1  }
0x13: {  	[smem:$0x3FAB] =	sst s0;
	s0 =	simm.s32 @!p1 $0x0  }
0x14: {  	s2 =	sld [smem:$0x3F8F];
	s0 =	simm.s32 @p1 $0x1  }
0x15: {  	[smem:$0x3FAC] =	sst s0;
	s0 =	simm.s32 @!p2 $0x0  }
0x16: {  	s3 =	sld [smem:$0x3FDB];
	s0 =	simm.s32 @p2 $0x1  }
0x17: {  	s4 =	simm.s32 $0x1BF5;
	[smem:$0x3FAE] =	sst s0  }
0x18: {  	s0 =	sld [smem:$0x3F91];
	_ =	swait.ge [sflag:s4], $0x0  }
0x19: {  	s7 =	sld [smem:$0x3F92]  }
0x1a: {  	s8 =	sadd.s32 $0xFFFFE003, lr  }
0x1b: {  	s9 =	sadd.s32 $0xFFFFFEF7, lr;
	s5 =	simm.s32 $0xFFFFFFFF;
	p2 =	slt.u32 s8, $0xFFFFF086  }
0x1c: {  	p1 =	slt.u32 s9, $0xF7A;
	s5 =	simm.s32 @!p2 $0x0  }
0x1d: {  	s5 =	simm.s32 @p1 $0x1;
	p0 =	seq.s32 s7, s2  }
0x1e: {  	s7 =	smul.u32 @!p0 $0xF7A, s2;
	p2 =	seq.s32 @!p0 s5, $0x0  }
0x1f: {  	s9 =	smul.u32 $0xF7A, s1;
	s8 =	simm.s32 @!p0 $0x1BF5;
	p2 =	por !p2, p0  }
0x20: {  	[sflag:s8] =	ssyncset.s32 @!p0 $0xFFFFF086;
	s6 =	sadd.s32 @!p0 s3, s7;
	s7 =	simm.s32 @!p0 $0x108  }
0x21: {  	s3 =	sadd.s32 s3, s9;
	s6 =	sadd.s32 @!p0 $0x88, s6;
	s7 =	simm.s32 @p2 $0x1082  }
0x22: {  	[simem:s7], [sflag:s8] =	dma.local @!p0 [hbm:s6], $0xF7A  }
0x23: {  	s9 =	sor.u32 $0xD0000000, s2;
	s6 =	simm.s32 $0x108;
	_ =	swait.ge @!p0 [sflag:s8], $0x0  }
0x24: {  	s3 =	sadd.s32 $0x88, s3;
	s6 =	simm.s32 @!p1 $0x1082;
	[sflag:s4] =	ssyncset.s32 $0xFFFFF086  }
0x25: {  	[simem:s6], [sflag:s4] =	dma.local [hbm:s3], $0xF7A  }
0x26: {  	[smem:$0x3F92] =	sst s1;
	(tag) =	ssettag s2;
	_ =	strace s9  }
0x27: {  	s1 =	sld [smem:$0x3FA2]  }
0x28: {  	s2 =	sld [smem:$0x3FA3]  }
0x29: {  	s4 =	sld [smem:$0x3FA5]  }
0x2a: {  	p0 =	seq.s32 s5, $0x0;
	s5 =	sld [smem:$0x3FA6]  }
0x2b: {  	s6 =	sld [smem:$0x3FA7]  }
0x2c: {  	s7 =	sld [smem:$0x3FA8]  }
0x2d: {  	s3 =	simm.s32 $0x108;
	s8 =	sld [smem:$0x3FA9]  }
0x2e: {  	s3 =	simm.s32 @!p0 $0x1082;
	s9 =	sld [smem:$0x3FAA]  }
0x2f: {  	lr =	sadd.s32 s0, s3;
	s0 =	sld [smem:$0x3FA1]  }
0x30: {  	s3 =	sld [smem:$0x3FA4]  }
0x31: {  	[smem:$0x3FAD] =	sst s10  }
0x32: {  	s10 =	sld [smem:$0x3FAB];
	_ =	sdelay $0x3  }
0x33: {  	p0 =	seq.s32 s10, $0x1;
	s10 =	sld [smem:$0x3FAD];
	_ =	sdelay $0x3  }
0x34: {  	[smem:$0x3FAD] =	sst s10  }
0x35: {  	s10 =	sld [smem:$0x3FAC];
	_ =	sdelay $0x3  }
0x36: {  	p1 =	seq.s32 s10, $0x1;
	s10 =	sld [smem:$0x3FAD];
	_ =	sdelay $0x3  }
0x37: {  	[smem:$0x3FAD] =	sst s10  }
0x38: {  	s10 =	sld [smem:$0x3FAE]  }
0x39: {  	_ = 	snop;
	(pc) =	sbr.ind lr, $3  }
0x3a: {  	_ = 	snop  }
0x3b: {  	_ = 	snop  }
0x3c: {  	p2 =	seq.s32 s10, $0x1;
	s10 =	sld [smem:$0x3FAD]  }
0x3d: {  	_ =	shalt  }
0x3e: {  	_ =	shalt  }
0x3f: {  	_ =	shalt  }
0x40: {  	_ =	shalt  }
0x41: {  	_ =	shalt  }
0x42: {  	_ =	shalt  }
0x43: {  	_ =	shalt  }
0x44: {  	_ =	shalt  }
0x45: {  	_ =	shalt  }
0x46: {  	_ =	shalt  }
0x47: {  	_ =	shalt  }
0x48: {  	_ =	shalt  }
0x49: {  	_ =	shalt  }
0x4a: {  	_ =	shalt  }
0x4b: {  	_ =	shalt  }
0x4c: {  	_ =	shalt  }
0x4d: {  	_ =	shalt  }
0x4e: {  	_ =	shalt  }
0x4f: {  	_ =	shalt  }
0x50: {  	_ =	shalt  }
0x51: {  	_ =	shalt  }
0x52: {  	_ =	shalt  }
0x53: {  	_ =	shalt  }
0x54: {  	_ =	shalt  }
0x55: {  	_ =	shalt  }
0x56: {  	_ =	shalt  }
0x57: {  	_ =	shalt  }
0x58: {  	_ =	shalt  }
0x59: {  	_ =	shalt  }
0x5a: {  	_ =	shalt  }
0x5b: {  	_ =	shalt  }
0x5c: {  	_ =	shalt  }
0x5d: {  	_ =	shalt  }
0x5e: {  	_ =	shalt  }
0x5f: {  	_ =	shalt  }
0x60: {  	_ =	shalt  }
0x61: {  	_ =	shalt  }
0x62: {  	_ =	shalt  }
0x63: {  	_ =	shalt  }
0x64: {  	_ =	shalt  }
0x65: {  	_ =	shalt  }
0x66: {  	_ =	shalt  }
0x67: {  	_ =	shalt  }
0x68: {  	_ =	shalt  }
0x69: {  	_ =	shalt  }
0x6a: {  	_ =	shalt  }
0x6b: {  	_ =	shalt  }
0x6c: {  	_ =	shalt  }
0x6d: {  	_ =	shalt  }
0x6e: {  	_ =	shalt  }
0x6f: {  	_ =	shalt  }
0x70: {  	_ =	shalt  }
0x71: {  	_ =	shalt  }
0x72: {  	_ =	shalt  }
0x73: {  	_ =	shalt  }
0x74: {  	_ =	shalt  }
0x75: {  	_ =	shalt  }
0x76: {  	_ =	shalt  }
0x77: {  	_ =	shalt  }
0x78: {  	_ =	shalt  }
0x79: {  	_ =	shalt  }
0x7a: {  	_ =	shalt  }
0x7b: {  	_ =	shalt  }
0x7c: {  	_ =	shalt  }
0x7d: {  	_ =	shalt  }
0x7e: {  	_ =	shalt  }
0x7f: {  	_ =	shalt  }
0x80: {  	_ =	shalt  }
0x81: {  	_ =	shalt  }
0x82: {  	_ =	shalt  }
0x83: {  	_ =	shalt  }
0x84: {  	_ =	shalt  }
0x85: {  	_ =	shalt  }
0x86: {  	_ =	shalt  }
0x87: {  	_ =	shalt  }
.Lfunc_end0:
.L_simem_size_0:
called_computation.1_lowered:
.L_overlay_start_0:
0x88: {  	s2 =	sld [smem:$0x3FD9]  }
0x89: {  	s3 =	sld [smem:$0x3FFE];
	_ =	sdelay $0x1  }
0x8a: {  	s1 =	srdreg.scid  }
0x8b: {  	s0 =	sand.u32 $0x1, s1  }
0x8c: {  	s15 =	sshll.u32 s0, $0xA;
	s2 =	sadd.s32 s3, s2  }
0x8d: {  	s2 =	sadd.s32 s2, s15  }
0x8e: {  	[smem:$0x3FB9] =	sst s2  }
0x8f: {  	_ = 	snop  }
0x90: {  	s2 =	sld [smem:$0x3FD0];
	_ =	sdelay $0x2  }
0x91: {  	s16 =	simm.s32 $0xB;
	s4 =	simm.s32 $0x10  }
0x92: {  	[smem:s4], [sflag:s16] =	dma.local [hbm:s2], $0x1  }
0x93: {  	_ =	swait.eq [sflag:s16], $0x1  }
0x94: {  	[sflag:s16] =	ssyncset.done $0x0  }
0x95: {  	[sflag:s16] =	ssyncadd.s32 $0xFFFFFFFF  }
0x96: {  	s17 =	sld [smem:$0x10];
	(tm) =	ssettm $0x1  }
0x97: {  	s18 =	sld [smem:$0x3FFB];
	_ =	sdelay $0x3  }
0x98: {  	_ =	strace s18  }
0x99: {  	s2 =	sld [smem:$0x3FFC];
	_ =	sdelay $0x3  }
0x9a: {  	_ =	strace s2  }
0x9b: {  	s2 =	sld [smem:$0x3FFD];
	_ =	sdelay $0x3  }
0x9c: {  	_ =	strace s2  }
0x9d: {  	_ =	strace $0x8FFFFFFF  }
0x9e: {  	s19 =	sld [smem:$0x3FDB];
	_ =	sdelay $0x1  }
0x9f: {  	s20 =	simm.s32 $_scs_section_size  }
0xa0: {  	s5 =	simm.s32 $_size__tile_overlayer_lowered;
	s6 =	simm.s32 $_tile_overlayer_lowered  }
0xa1: {  	s7 =	simm.s32 $0x1BFF;
	s21 =	sshll.u32 s6, $0x1;
	s4 =	sadd.s32 s20, s19  }
0xa2: {  	s22 =	simm.s32 $0x0;
	s5 =	sshll.u32 s5, $0x1;
	s6 =	sadd.s32 s21, s4  }
0xa3: {  	[timem:s22], [sflag:s7] =	dma.local [hbm:s6], s5  }
0xa4: {  	_ =	swait.ge [sflag:s7], s5  }
0xa5: {  	s5 =	ssub.s32 $0x0, s5;
	[sflag:s7] =	ssyncset.done $0x0  }
0xa6: {  	[sflag:s7] =	ssyncadd.s32 s5;
	_ =	sdelay $0x1  }
0xa7: {  	s23 =	simm.s32 $0x1B8B  }
0xa8: {  	_ =	swait.ge [sflag:s23], $0x1  }
0xa9: {  	[sflag:s23] =	ssyncset.done $0x0  }
0xaa: {  	[sflag:s23] =	ssyncadd.s32 $0xFFFFFFFF  }
0xab: {  	s5 =	sld [smem:$0x0]  }
0xac: {  	s6 =	sand.u32 $0xFFFFFFFE, s1  }
0xad: {  	p0 =	sne.s32 s1, s6  }
0xae: {  	s6 =	sshll.u32 @p0 s6, $0xE  }
0xaf: {  	s6 =	sadd.s32 @p0 $0x11B8D, s6;
	s7 =	sshll.u32 @p0 s5, $0x11  }
0xb0: {  	s6 =	sor.u32 @p0 s7, s6  }
0xb1: {  	[sflag:s6] =	ssyncadd.remote.s32 @p0 $0x1;
	_ =	sdelay $0x1  }
0xb2: {  	s6 =	simm.s32 @p0 $0x1B8D  }
0xb3: {  	_ =	swait.eq @p0 [sflag:s6], $0x1  }
0xb4: {  	[sflag:s6] =	ssyncadd.s32 @p0 $0xFFFFFFFF  }
0xb5: {  	s7 =	sshll.u32 @!p0 s1, $0xE  }
0xb6: {  	s7 =	sor.u32 @!p0 $0x4000, s7;
	s6 =	simm.s32 @!p0 $0x1B8D  }
0xb7: {  	s5 =	sshll.u32 @!p0 s5, $0x11;
	s7 =	sadd.s32 @!p0 $0x11B8D, s7;
	_ =	swait.eq @!p0 [sflag:s6], $0x1  }
0xb8: {  	s5 =	sor.u32 @!p0 s5, s7;
	[sflag:s6] =	ssyncadd.s32 @!p0 $0xFFFFFFFF  }
0xb9: {  	s25 =	simm.s32 $0x1B8E;
	s24 =	sld [smem:$0x3FFE];
	[sflag:s5] =	ssyncadd.remote.s32 @!p0 $0x1  }
0xba: {  	s26 =	simm.s32 $execute0_lowered;
	[smem:$0x3FD2] =	sst s25  }
0xbb: {  	s6 =	sshll.u32 s26, $0x1;
	_ =	strace $0x80000049;
	[dreg:$0x1] =	wrdreg $0xFFFFFFFF  }
0xbc: {  	s28 =	simm.s32 $_size_execute0_lowered;
	s4 =	sadd.s32 s4, s6;
	[dreg:$0x0] =	wrdreg $0x0  }
0xbd: {  	s6 =	sshll.u32 s28, $0x1;
	[dreg:$0x2] =	wrdreg s4  }
0xbe: {  	[dreg:$0x3] =	wrdreg s6  }
0xbf: {  	[dreg:$0x4] =	wrdreg $0xC0  }
0xc0: {  	_ =	task [dreg:s22], $0x5FFFF  }
0xc1: {  	[dreg:$0x1] =	wrdreg $0xFFFFFFFF  }
0xc2: {  	[dreg:$0x0] =	wrdreg $0x60  }
0xc3: {  	[dreg:$0x2] =	wrdreg s24  }
0xc4: {  	[dreg:$0x3] =	wrdreg s17  }
0xc5: {  	[dreg:$0x4] =	wrdreg $0xA  }
0xc6: {  	_ =	task.clear_ibuf [dreg:s22], $0x5FFFF;
	_ =	strace $0x90000049  }
0xc7: {  	s29 =	simm.s32 $0xA;
	_ =	strace $0x8000004B  }
0xc8: {  	_ =	swait.ge [sflag:s29], $0x1  }
0xc9: {  	[sflag:s29] =	ssyncadd.s32 $0xFFFFFFFF  }
0xca: {  	_ =	strace $0x9000004B  }
0xcb: {  	_ =	sfence  }
0xcc: {  	s30 =	sld [smem:$0x0];
	_ =	sdelay $0x2  }
0xcd: {  	s31 =	sshll.u32 s1, $0xD;
	s1 =	sshrl.u32 s1, $0x2  }
0xce: {  	s4 =	sand.u32 $0x4000, s31;
	s1 =	sadd.s32 s1, s30  }
0xcf: {  	s0 =	sor.u32 s4, s0;
	s1 =	sshll.u32 s1, $0x11  }
0xd0: {  	s0 =	sor.u32 s1, s0  }
0xd1: {  	s0 =	sadd.s32 $0x8F2B, s0  }
0xd2: {  	[sflag:s0] =	ssyncadd.remote.s32 $0x1  }
0xd3: {  	_ =	sfence.sel $0xFFFF  }
0xd4: {  	[dreg:$0x0] =	wrdreg $0xFFFFFFFF;
	(pc) =	sbr.abs _section_cstart, $3  }
0xd5: {  	[dreg:$0x1] =	wrdreg $0xFFFFFFFF  }
0xd6: {  	_ =	task.clear_ibuf [dreg:s22], $0x2FFFF;
	_ =	strace $0x9FFFFFFF  }
0xd7: {  	(tm) =	ssettm $0x7FFFFFFF  }
tec
execute0_lowered:
.L_overlay_start_1:
0x0: {  	(tag) =	ssettag $0x1  }
0x1: {  	s0 =	srdreg.scid;
	s8 =	stileid.u32  }
0x2: {  	s0 =	sand.u32 $0x1, s0;
	s1 =	sshll.u32 s8, $0x1  }
0x3: {  	s1 =	sor.u32 s0, s1  }
0x4: {  	s4 =	rddreg [dreg:$0x0];
	s1 =	smul.u32 $0x320, s1  }
0x5: {  	s5 =	rddreg [dreg:$0x1];
	s2 =	simm.s32 $0x0;
	s30 =	simm.s32 $0x7  }
0x6: {  	s31 =	simm.s32 $0x50;
	s11 =	simm.s32 $0x0;
	s1 =	sshrl.u32 s1, $0x3  }
0x7: {  	[smem:$0x7FF] =	sst s2;
	s20 =	smul.u32 $0x3200, s8;
	s1 =	sadd.s32 s1, s4  }
0x8: {  	s3 =	sadd.s32 $0x189000, s4;
	s8 =	smul.u32 $0x640, s8;
	s12 =	sadd.s32 $0x68E00, s1  }
0x9: {  	_ =	strace $0x8000004A;
	s13 =	sadd.s32 $0x69A80, s1;
	[dreg:$0x3] =	wrdreg s12  }
0xa: {  	s6 =	ssub.s32 $0x2, s0;
	s14 =	sadd.s32 $0x6A700, s1;
	[dreg:$0x4] =	wrdreg s13  }
0xb: {  	s24 =	smul.u32 $0x320, s0;
	s15 =	sadd.s32 $0x6B380, s1;
	[dreg:$0x5] =	wrdreg s14  }
0xc: {  	s0 =	smul.u32 $0x1900, s0;
	s16 =	sadd.s32 $0x6C000, s1;
	[dreg:$0x6] =	wrdreg s15  }
0xd: {  	s7 =	sshrl.u32 s6, $0x1;
	s17 =	sadd.s32 $0x6CC80, s1;
	[dreg:$0x7] =	wrdreg s16  }
0xe: {  	s6 =	ssub.s32 s6, s7;
	s18 =	sadd.s32 $0x6D900, s1;
	[dreg:$0x8] =	wrdreg s17  }
0xf: {  	s8 =	sadd.s32 s24, s8;
	s19 =	sadd.s32 $0x6E580, s1;
	[dreg:$0x9] =	wrdreg s18  }
0x10: {  	s7 =	sadd.s32 s20, s5;
	s9 =	sadd.s32 $0x6F200, s1;
	[dreg:$0xa] =	wrdreg s19  }
0x11: {  	s29 =	sshll.u32 s8, $0x3;
	s21 =	sadd.s32 $0x6FE80, s1;
	[dreg:$0xb] =	wrdreg s9  }
0x12: {  	s28 =	smax.u32 s6, $0x1;
	s22 =	sadd.s32 $0x70B00, s1;
	[dreg:$0xc] =	wrdreg s21  }
0x13: {  	s6 =	simm.s32 $0x3;
	s23 =	sadd.s32 $0x71780, s1;
	[dreg:$0xd] =	wrdreg s22  }
0x14: {  	s8 =	simm.s32 $0x5;
	s10 =	sadd.s32 $0x72400, s1;
	[dreg:$0xe] =	wrdreg s23  }
0x15: {  	s4 =	sadd.s32 $0x12E00, s4;
	s25 =	sadd.s32 $0x73080, s1;
	[dreg:$0xf] =	wrdreg s10  }
0x16: {  	s26 =	sadd.s32 $0x73D00, s1;
	s24 =	sadd.s32 $0x76F00, s1;
	[dreg:$0x10] =	wrdreg s25  }
0x17: {  	[dreg:$0x11] =	wrdreg s26;
	s14 =	sadd.s32 s0, s7;
	s21 =	sadd.s32 $0x74980, s1  }
0x18: {  	s0 =	sadd.s32 s5, s29;
	s22 =	sadd.s32 $0x75600, s1;
	s23 =	sadd.s32 $0x76280, s1  }
0x19: {  	s25 =	sadd.s32 $0x77B80, s1;
	s26 =	sadd.s32 $0x78800, s1;
	s1 =	simm.s32 $0x41A0  }
0x1a: {  	s5 =	simm.s32 $0x55A0;
	s7 =	simm.s32 $0x2;
	s9 =	simm.s32 $0x4  }
0x1b: {  	s10 =	simm.s32 $0x6;
	s15 =	sadd.s32 $0x280, s0;
	s0 =	simm.s32 $0x1  }
.LBB2_1:
0x1c: {  	s12 =	rddreg [dreg:$0x3]  }
0x1d: {  	[tilespmem:s2], [sflag:$0x7] =	stream.linear.gather [hbm4b:s12+s2], $0x320, $0x38;
	[tilespmem:$0x69A0] =	vst v63  }
0x1e: {  	_ =	swait.ge [sflag:s30], $0x320  }
0x1f: {  	[sflag:s30] =	ssyncset.done $0x0  }
0x20: {  	[sflag:s30] =	ssyncadd.s32 $0xFFFFFCE0  }
0x21: {  	[tilespmem:s1], [sflag:$0x1] =	stream.indirect.gather [hbm4b:s3+s31], $0x40, s2, s31, $0xb8;
	[tilespmem:$0x69A0] =	vst v63  }
0x22: {  	s13 =	simm.s32 $0x320;
	s18 =	rddreg [dreg:$0x4]  }
0x23: {  	[tilespmem:s13], [sflag:$0x7] =	stream.linear.gather [hbm4b:s18+s2], $0x320, $0x38;
	[tilespmem:$0x69A0] =	vst v63  }
0x24: {  	s20 =	simm.s32 $0x640;
	s19 =	rddreg [dreg:$0x5]  }
0x25: {  	[tilespmem:s20], [sflag:$0x7] =	stream.linear.gather [hbm4b:s19+s2], $0x320, $0x38;
	[tilespmem:$0x69A0] =	vst v63  }
0x26: {  	s16 =	simm.s32 $0x960;
	s13 =	rddreg [dreg:$0x6]  }
0x27: {  	[tilespmem:s16], [sflag:$0x7] =	stream.linear.gather [hbm4b:s13+s2], $0x320, $0x38;
	[tilespmem:$0x69A0] =	vst v63  }
0x28: {  	s17 =	rddreg [dreg:$0x7];
	s18 =	simm.s32 $0xC80  }
0x29: {  	[tilespmem:s18], [sflag:$0x7] =	stream.linear.gather [hbm4b:s17+s2], $0x320, $0x38;
	[tilespmem:$0x69A0] =	vst v63  }
0x2a: {  	s19 =	rddreg [dreg:$0x8];
	s20 =	simm.s32 $0xFA0  }
0x2b: {  	[tilespmem:s20], [sflag:$0x7] =	stream.linear.gather [hbm4b:s19+s2], $0x320, $0x38;
	[tilespmem:$0x69A0] =	vst v63  }
0x2c: {  	s13 =	rddreg [dreg:$0x9];
	s16 =	simm.s32 $0x12C0  }
0x2d: {  	[tilespmem:s16], [sflag:$0x7] =	stream.linear.gather [hbm4b:s13+s2], $0x320, $0x38;
	[tilespmem:$0x69A0] =	vst v63  }
0x2e: {  	s17 =	rddreg [dreg:$0xa];
	s18 =	simm.s32 $0x15E0  }
0x2f: {  	[tilespmem:s18], [sflag:$0x7] =	stream.linear.gather [hbm4b:s17+s2], $0x320, $0x38;
	[tilespmem:$0x69A0] =	vst v63  }
0x30: {  	s19 =	rddreg [dreg:$0xb];
	s20 =	simm.s32 $0x1900  }
0x31: {  	[tilespmem:s20], [sflag:$0x7] =	stream.linear.gather [hbm4b:s19+s2], $0x320, $0x38;
	[tilespmem:$0x69A0] =	vst v63  }
0x32: {  	s13 =	rddreg [dreg:$0xc];
	s16 =	simm.s32 $0x1C20  }
0x33: {  	[tilespmem:s16], [sflag:$0x7] =	stream.linear.gather [hbm4b:s13+s2], $0x320, $0x38;
	[tilespmem:$0x69A0] =	vst v63  }
0x34: {  	s17 =	rddreg [dreg:$0xd];
	s18 =	simm.s32 $0x1F40  }
0x35: {  	[tilespmem:s18], [sflag:$0x7] =	stream.linear.gather [hbm4b:s17+s2], $0x320, $0x38;
	[tilespmem:$0x69A0] =	vst v63  }
0x36: {  	s19 =	rddreg [dreg:$0xe];
	s20 =	simm.s32 $0x2260  }
0x37: {  	[tilespmem:s20], [sflag:$0x7] =	stream.linear.gather [hbm4b:s19+s2], $0x320, $0x38;
	[tilespmem:$0x69A0] =	vst v63  }
0x38: {  	s13 =	rddreg [dreg:$0xf];
	s16 =	simm.s32 $0x2580  }
0x39: {  	[tilespmem:s16], [sflag:$0x7] =	stream.linear.gather [hbm4b:s13+s2], $0x320, $0x38;
	[tilespmem:$0x69A0] =	vst v63  }
0x3a: {  	s17 =	rddreg [dreg:$0x10];
	s18 =	simm.s32 $0x28A0  }
0x3b: {  	[tilespmem:s18], [sflag:$0x7] =	stream.linear.gather [hbm4b:s17+s2], $0x320, $0x38;
	[tilespmem:$0x69A0] =	vst v63  }
0x3c: {  	s19 =	rddreg [dreg:$0x11];
	s20 =	simm.s32 $0x2BC0  }
0x3d: {  	[tilespmem:s20], [sflag:$0x7] =	stream.linear.gather [hbm4b:s19+s2], $0x320, $0x38;
	[tilespmem:$0x69A0] =	vst v63  }
0x3e: {  	s16 =	simm.s32 $0x2EE0  }
0x3f: {  	[tilespmem:s16], [sflag:$0x7] =	stream.linear.gather [hbm4b:s21+s2], $0x320, $0x38;
	[tilespmem:$0x69A0] =	vst v63  }
0x40: {  	s17 =	simm.s32 $0x3200  }
0x41: {  	[tilespmem:s17], [sflag:$0x7] =	stream.linear.gather [hbm4b:s22+s2], $0x320, $0x38;
	[tilespmem:$0x69A0] =	vst v63  }
0x42: {  	s18 =	simm.s32 $0x3520  }
0x43: {  	[tilespmem:s18], [sflag:$0x7] =	stream.linear.gather [hbm4b:s23+s2], $0x320, $0x38;
	[tilespmem:$0x69A0] =	vst v63  }
0x44: {  	s19 =	simm.s32 $0x3840  }
0x45: {  	[tilespmem:s19], [sflag:$0x7] =	stream.linear.gather [hbm4b:s24+s2], $0x320, $0x38;
	[tilespmem:$0x69A0] =	vst v63  }
0x46: {  	s20 =	simm.s32 $0x3B60  }
0x47: {  	[tilespmem:s20], [sflag:$0x7] =	stream.linear.gather [hbm4b:s25+s2], $0x320, $0x38;
	[tilespmem:$0x69A0] =	vst v63  }
0x48: {  	s13 =	simm.s32 $0x3E80  }
0x49: {  	[tilespmem:s13], [sflag:$0x7] =	stream.linear.gather [hbm4b:s26+s2], $0x320, $0x38;
	[tilespmem:$0x69A0] =	vst v63  }
0x4a: {  	_ =	swait.ge [sflag:s30], $0x320  }
0x4b: {  	[sflag:s30] =	ssyncset.done $0x0  }
0x4c: {  	[sflag:s30] =	ssyncadd.s32 $0xFFFFFCE0  }
0x4d: {  	_ =	swait.ge [sflag:s30], $0x320  }
0x4e: {  	[sflag:s30] =	ssyncset.done $0x0  }
0x4f: {  	[sflag:s30] =	ssyncadd.s32 $0xFFFFFCE0  }
0x50: {  	_ =	swait.ge [sflag:s30], $0x320  }
0x51: {  	[sflag:s30] =	ssyncset.done $0x0  }
0x52: {  	[sflag:s30] =	ssyncadd.s32 $0xFFFFFCE0  }
0x53: {  	_ =	swait.ge [sflag:s30], $0x320  }
0x54: {  	[sflag:s30] =	ssyncset.done $0x0  }
0x55: {  	[sflag:s30] =	ssyncadd.s32 $0xFFFFFCE0  }
0x56: {  	_ =	swait.ge [sflag:s30], $0x320  }
0x57: {  	[sflag:s30] =	ssyncset.done $0x0  }
0x58: {  	[sflag:s30] =	ssyncadd.s32 $0xFFFFFCE0  }
0x59: {  	_ =	swait.ge [sflag:s30], $0x320  }
0x5a: {  	[sflag:s30] =	ssyncset.done $0x0  }
0x5b: {  	[sflag:s30] =	ssyncadd.s32 $0xFFFFFCE0  }
0x5c: {  	_ =	swait.ge [sflag:s30], $0x320  }
0x5d: {  	[sflag:s30] =	ssyncset.done $0x0  }
0x5e: {  	[sflag:s30] =	ssyncadd.s32 $0xFFFFFCE0  }
0x5f: {  	_ =	swait.ge [sflag:s30], $0x320  }
0x60: {  	[sflag:s30] =	ssyncset.done $0x0  }
0x61: {  	[sflag:s30] =	ssyncadd.s32 $0xFFFFFCE0  }
0x62: {  	_ =	swait.ge [sflag:s30], $0x320  }
0x63: {  	[sflag:s30] =	ssyncset.done $0x0  }
0x64: {  	[sflag:s30] =	ssyncadd.s32 $0xFFFFFCE0  }
0x65: {  	_ =	swait.ge [sflag:s30], $0x320  }
0x66: {  	[sflag:s30] =	ssyncset.done $0x0  }
0x67: {  	[sflag:s30] =	ssyncadd.s32 $0xFFFFFCE0  }
0x68: {  	_ =	swait.ge [sflag:s30], $0x320  }
0x69: {  	[sflag:s30] =	ssyncset.done $0x0  }
0x6a: {  	[sflag:s30] =	ssyncadd.s32 $0xFFFFFCE0  }
0x6b: {  	_ =	swait.ge [sflag:s30], $0x320  }
0x6c: {  	[sflag:s30] =	ssyncset.done $0x0  }
0x6d: {  	[sflag:s30] =	ssyncadd.s32 $0xFFFFFCE0  }
0x6e: {  	_ =	swait.ge [sflag:s30], $0x320  }
0x6f: {  	[sflag:s30] =	ssyncset.done $0x0  }
0x70: {  	[sflag:s30] =	ssyncadd.s32 $0xFFFFFCE0  }
0x71: {  	_ =	swait.ge [sflag:s30], $0x320  }
0x72: {  	[sflag:s30] =	ssyncset.done $0x0  }
0x73: {  	[sflag:s30] =	ssyncadd.s32 $0xFFFFFCE0  }
0x74: {  	_ =	swait.ge [sflag:s30], $0x320  }
0x75: {  	[sflag:s30] =	ssyncset.done $0x0  }
0x76: {  	[sflag:s30] =	ssyncadd.s32 $0xFFFFFCE0  }
0x77: {  	_ =	swait.ge [sflag:s30], $0x320  }
0x78: {  	[sflag:s30] =	ssyncset.done $0x0  }
0x79: {  	[sflag:s30] =	ssyncadd.s32 $0xFFFFFCE0  }
0x7a: {  	_ =	swait.ge [sflag:s30], $0x320  }
0x7b: {  	[sflag:s30] =	ssyncset.done $0x0  }
0x7c: {  	[sflag:s30] =	ssyncadd.s32 $0xFFFFFCE0  }
0x7d: {  	_ =	swait.ge [sflag:s30], $0x320  }
0x7e: {  	[sflag:s30] =	ssyncset.done $0x0  }
0x7f: {  	[sflag:s30] =	ssyncadd.s32 $0xFFFFFCE0  }
0x80: {  	_ =	swait.ge [sflag:s30], $0x320  }
0x81: {  	[sflag:s30] =	ssyncset.done $0x0  }
0x82: {  	[sflag:s30] =	ssyncadd.s32 $0xFFFFFCE0  }
0x83: {  	_ =	swait.ge [sflag:s30], $0x320  }
0x84: {  	[sflag:s30] =	ssyncset.done $0x0  }
0x85: {  	[sflag:s30] =	ssyncadd.s32 $0xFFFFFCE0  }
0x86: {  	_ =	swait.ge [sflag:s0], $0x1400  }
0x87: {  	[sflag:s0] =	ssyncset.done $0x0  }
0x88: {  	s16 =	simm.s32 $0x320;
	[sflag:s0] =	ssyncadd.s32 $0xFFFFEC00  }
0x89: {  	[tilespmem:s1], [sflag:$0x3] =	stream.indirect.gather.add.f32 [hbm:s3], $0x40, s16, s31, $0xb8;
	[tilespmem:$0x69A0] =	vst v63  }
0x8a: {  	s17 =	simm.s32 $0x640  }
0x8b: {  	[tilespmem:s1], [sflag:$0x3] =	stream.indirect.gather.add.f32 [hbm:s3], $0x40, s17, s31, $0xb8;
	[tilespmem:$0x69A0] =	vst v63  }
0x8c: {  	s18 =	simm.s32 $0x960  }
0x8d: {  	[tilespmem:s1], [sflag:$0x3] =	stream.indirect.gather.add.f32 [hbm:s3], $0x40, s18, s31, $0xb8;
	[tilespmem:$0x69A0] =	vst v63  }
0x8e: {  	s19 =	simm.s32 $0xC80  }
0x8f: {  	[tilespmem:s1], [sflag:$0x3] =	stream.indirect.gather.add.f32 [hbm:s3], $0x40, s19, s31, $0xb8;
	[tilespmem:$0x69A0] =	vst v63  }
0x90: {  	s20 =	simm.s32 $0xFA0  }
0x91: {  	[tilespmem:s1], [sflag:$0x3] =	stream.indirect.gather.add.f32 [hbm:s3], $0x40, s20, s31, $0xb8;
	[tilespmem:$0x69A0] =	vst v63  }
0x92: {  	s13 =	simm.s32 $0x12C0  }
0x93: {  	[tilespmem:s1], [sflag:$0x3] =	stream.indirect.gather.add.f32 [hbm:s3], $0x40, s13, s31, $0xb8;
	[tilespmem:$0x69A0] =	vst v63  }
0x94: {  	s16 =	simm.s32 $0x15E0  }
0x95: {  	[tilespmem:s1], [sflag:$0x3] =	stream.indirect.gather.add.f32 [hbm:s3], $0x40, s16, s31, $0xb8;
	[tilespmem:$0x69A0] =	vst v63  }
0x96: {  	s17 =	simm.s32 $0x1900  }
0x97: {  	[tilespmem:s1], [sflag:$0x3] =	stream.indirect.gather.add.f32 [hbm:s3], $0x40, s17, s31, $0xb8;
	[tilespmem:$0x69A0] =	vst v63  }
0x98: {  	s18 =	simm.s32 $0x1C20  }
0x99: {  	[tilespmem:s1], [sflag:$0x3] =	stream.indirect.gather.add.f32 [hbm:s3], $0x40, s18, s31, $0xb8;
	[tilespmem:$0x69A0] =	vst v63  }
0x9a: {  	s19 =	simm.s32 $0x1F40  }
0x9b: {  	[tilespmem:s1], [sflag:$0x3] =	stream.indirect.gather.add.f32 [hbm:s3], $0x40, s19, s31, $0xb8;
	[tilespmem:$0x69A0] =	vst v63  }
0x9c: {  	s20 =	simm.s32 $0x2260  }
0x9d: {  	[tilespmem:s1], [sflag:$0x3] =	stream.indirect.gather.add.f32 [hbm:s3], $0x40, s20, s31, $0xb8;
	[tilespmem:$0x69A0] =	vst v63  }
0x9e: {  	s13 =	simm.s32 $0x2580  }
0x9f: {  	[tilespmem:s1], [sflag:$0x3] =	stream.indirect.gather.add.f32 [hbm:s3], $0x40, s13, s31, $0xb8;
	[tilespmem:$0x69A0] =	vst v63  }
0xa0: {  	s16 =	simm.s32 $0x28A0  }
0xa1: {  	[tilespmem:s1], [sflag:$0x3] =	stream.indirect.gather.add.f32 [hbm:s3], $0x40, s16, s31, $0xb8;
	[tilespmem:$0x69A0] =	vst v63  }
0xa2: {  	s17 =	simm.s32 $0x2BC0  }
0xa3: {  	[tilespmem:s1], [sflag:$0x3] =	stream.indirect.gather.add.f32 [hbm:s3], $0x40, s17, s31, $0xb8;
	[tilespmem:$0x69A0] =	vst v63  }
0xa4: {  	s18 =	simm.s32 $0x2EE0  }
0xa5: {  	[tilespmem:s1], [sflag:$0x3] =	stream.indirect.gather.add.f32 [hbm:s3], $0x40, s18, s31, $0xb8;
	[tilespmem:$0x69A0] =	vst v63  }
0xa6: {  	s19 =	simm.s32 $0x3200  }
0xa7: {  	[tilespmem:s1], [sflag:$0x3] =	stream.indirect.gather.add.f32 [hbm:s3], $0x40, s19, s31, $0xb8;
	[tilespmem:$0x69A0] =	vst v63  }
0xa8: {  	s20 =	simm.s32 $0x3520  }
0xa9: {  	[tilespmem:s1], [sflag:$0x3] =	stream.indirect.gather.add.f32 [hbm:s3], $0x40, s20, s31, $0xb8;
	[tilespmem:$0x69A0] =	vst v63  }
0xaa: {  	s13 =	simm.s32 $0x3840  }
0xab: {  	[tilespmem:s1], [sflag:$0x3] =	stream.indirect.gather.add.f32 [hbm:s3], $0x40, s13, s31, $0xb8;
	[tilespmem:$0x69A0] =	vst v63  }
0xac: {  	p0 =	por $0x1, $0x1;
	s16 =	simm.s32 $0x3B60  }
0xad: {  	[tilespmem:s1], [sflag:$0x3] =	stream.indirect.gather.add.f32 [hbm:s3], $0x40, s16, s31, $0xb8;
	[tilespmem:$0x69A0] =	vst v63  }
0xae: {  	s12 =	simm.s32 @!p0 $0x6;
	s17 =	simm.s32 $0x3E80  }
0xaf: {  	[tilespmem:s1], [sflag:$0x3] =	stream.indirect.gather.add.f32 [hbm:s4], $0x40, s17, s31, $0xb8;
	[tilespmem:$0x69A0] =	vst v63  }
0xb0: {  	_ =	swait.ge @!p0 [sflag:s12], $0x1400  }
0xb1: {  	[sflag:s12] =	ssyncset.done @!p0 $0x0  }
0xb2: {  	s18 =	simm.s32 $0x50;
	[sflag:s12] =	ssyncadd.s32 @!p0 $0xFFFFEC00  }
0xb3: {  	[tilespmem:s5], [sflag:$0x2] =	stream.indirect.gather [hbm4b:s3+s31], $0x40, s18, s31, $0xb8;
	[tilespmem:$0x69A0] =	vst v63  }
0xb4: {  	_ =	swait.ge [sflag:s6], $0x1400  }
0xb5: {  	[sflag:s6] =	ssyncset.done $0x0  }
0xb6: {  	[sflag:s6] =	ssyncadd.s32 $0xFFFFEC00  }
0xb7: {  	_ =	swait.ge [sflag:s6], $0x1400  }
0xb8: {  	[sflag:s6] =	ssyncset.done $0x0  }
0xb9: {  	[sflag:s6] =	ssyncadd.s32 $0xFFFFEC00  }
0xba: {  	_ =	swait.ge [sflag:s6], $0x1400  }
0xbb: {  	[sflag:s6] =	ssyncset.done $0x0  }
0xbc: {  	[sflag:s6] =	ssyncadd.s32 $0xFFFFEC00  }
0xbd: {  	_ =	swait.ge [sflag:s6], $0x1400  }
0xbe: {  	[sflag:s6] =	ssyncset.done $0x0  }
0xbf: {  	[sflag:s6] =	ssyncadd.s32 $0xFFFFEC00  }
0xc0: {  	_ =	swait.ge [sflag:s6], $0x1400  }
0xc1: {  	[sflag:s6] =	ssyncset.done $0x0  }
0xc2: {  	[sflag:s6] =	ssyncadd.s32 $0xFFFFEC00  }
0xc3: {  	_ =	swait.ge [sflag:s6], $0x1400  }
0xc4: {  	[sflag:s6] =	ssyncset.done $0x0  }
0xc5: {  	[sflag:s6] =	ssyncadd.s32 $0xFFFFEC00  }
0xc6: {  	_ =	swait.ge [sflag:s6], $0x1400  }
0xc7: {  	[sflag:s6] =	ssyncset.done $0x0  }
0xc8: {  	[sflag:s6] =	ssyncadd.s32 $0xFFFFEC00  }
0xc9: {  	_ =	swait.ge [sflag:s6], $0x1400  }
0xca: {  	[sflag:s6] =	ssyncset.done $0x0  }
0xcb: {  	[sflag:s6] =	ssyncadd.s32 $0xFFFFEC00  }
0xcc: {  	_ =	swait.ge [sflag:s6], $0x1400  }
0xcd: {  	[sflag:s6] =	ssyncset.done $0x0  }
0xce: {  	[sflag:s6] =	ssyncadd.s32 $0xFFFFEC00  }
0xcf: {  	_ =	swait.ge [sflag:s6], $0x1400  }
0xd0: {  	[sflag:s6] =	ssyncset.done $0x0  }
0xd1: {  	[sflag:s6] =	ssyncadd.s32 $0xFFFFEC00  }
0xd2: {  	_ =	swait.ge [sflag:s6], $0x1400  }
0xd3: {  	[sflag:s6] =	ssyncset.done $0x0  }
0xd4: {  	[sflag:s6] =	ssyncadd.s32 $0xFFFFEC00  }
0xd5: {  	_ =	swait.ge [sflag:s6], $0x1400  }
0xd6: {  	[sflag:s6] =	ssyncset.done $0x0  }
0xd7: {  	[sflag:s6] =	ssyncadd.s32 $0xFFFFEC00  }
0xd8: {  	_ =	swait.ge [sflag:s6], $0x1400  }
0xd9: {  	[sflag:s6] =	ssyncset.done $0x0  }
0xda: {  	[sflag:s6] =	ssyncadd.s32 $0xFFFFEC00  }
0xdb: {  	_ =	swait.ge [sflag:s6], $0x1400  }
0xdc: {  	[sflag:s6] =	ssyncset.done $0x0  }
0xdd: {  	[sflag:s6] =	ssyncadd.s32 $0xFFFFEC00  }
0xde: {  	_ =	swait.ge [sflag:s6], $0x1400  }
0xdf: {  	[sflag:s6] =	ssyncset.done $0x0  }
0xe0: {  	[sflag:s6] =	ssyncadd.s32 $0xFFFFEC00  }
0xe1: {  	_ =	swait.ge [sflag:s6], $0x1400  }
0xe2: {  	[sflag:s6] =	ssyncset.done $0x0  }
0xe3: {  	[sflag:s6] =	ssyncadd.s32 $0xFFFFEC00  }
0xe4: {  	_ =	swait.ge [sflag:s6], $0x1400  }
0xe5: {  	[sflag:s6] =	ssyncset.done $0x0  }
0xe6: {  	[sflag:s6] =	ssyncadd.s32 $0xFFFFEC00  }
0xe7: {  	_ =	swait.ge [sflag:s6], $0x1400  }
0xe8: {  	[sflag:s6] =	ssyncset.done $0x0  }
0xe9: {  	[sflag:s6] =	ssyncadd.s32 $0xFFFFEC00  }
0xea: {  	_ =	swait.ge [sflag:s6], $0x1400  }
0xeb: {  	[sflag:s6] =	ssyncset.done $0x0  }
0xec: {  	[sflag:s6] =	ssyncadd.s32 $0xFFFFEC00  }
0xed: {  	_ =	swait.ge [sflag:s6], $0x1400  }
0xee: {  	[sflag:s6] =	ssyncset.done $0x0  }
0xef: {  	[sflag:s6] =	ssyncadd.s32 $0xFFFFEC00  }
0xf0: {  	[hbm4b:s14+s2] =	stream.linear.scatter [tilespmem:s1], [sflag:$0x5], $0x1400, $0x38;
	[tilespmem:$0x69A0] =	vst v63  }
0xf1: {  	_ =	swait.ge [sflag:s7], $0x1400  }
0xf2: {  	[sflag:s7] =	ssyncset.done $0x0  }
0xf3: {  	s19 =	simm.s32 $0x370;
	[sflag:s7] =	ssyncadd.s32 $0xFFFFEC00  }
0xf4: {  	[tilespmem:s5], [sflag:$0x4] =	stream.indirect.gather.add.f32 [hbm:s3], $0x40, s19, s31, $0xb8;
	[tilespmem:$0x69A0] =	vst v63  }
0xf5: {  	s20 =	simm.s32 $0x690  }
0xf6: {  	[tilespmem:s5], [sflag:$0x4] =	stream.indirect.gather.add.f32 [hbm:s3], $0x40, s20, s31, $0xb8;
	[tilespmem:$0x69A0] =	vst v63  }
0xf7: {  	s13 =	simm.s32 $0x9B0  }
0xf8: {  	[tilespmem:s5], [sflag:$0x4] =	stream.indirect.gather.add.f32 [hbm:s3], $0x40, s13, s31, $0xb8;
	[tilespmem:$0x69A0] =	vst v63  }
0xf9: {  	s16 =	simm.s32 $0xCD0  }
0xfa: {  	[tilespmem:s5], [sflag:$0x4] =	stream.indirect.gather.add.f32 [hbm:s3], $0x40, s16, s31, $0xb8;
	[tilespmem:$0x69A0] =	vst v63  }
0xfb: {  	s17 =	simm.s32 $0xFF0  }
0xfc: {  	[tilespmem:s5], [sflag:$0x4] =	stream.indirect.gather.add.f32 [hbm:s3], $0x40, s17, s31, $0xb8;
	[tilespmem:$0x69A0] =	vst v63  }
0xfd: {  	s18 =	simm.s32 $0x1310  }
0xfe: {  	[tilespmem:s5], [sflag:$0x4] =	stream.indirect.gather.add.f32 [hbm:s3], $0x40, s18, s31, $0xb8;
	[tilespmem:$0x69A0] =	vst v63  }
0xff: {  	s19 =	simm.s32 $0x1630  }
0x100: {  	[tilespmem:s5], [sflag:$0x4] =	stream.indirect.gather.add.f32 [hbm:s3], $0x40, s19, s31, $0xb8;
	[tilespmem:$0x69A0] =	vst v63  }
0x101: {  	s20 =	simm.s32 $0x1950  }
0x102: {  	[tilespmem:s5], [sflag:$0x4] =	stream.indirect.gather.add.f32 [hbm:s3], $0x40, s20, s31, $0xb8;
	[tilespmem:$0x69A0] =	vst v63  }
0x103: {  	s13 =	simm.s32 $0x1C70  }
0x104: {  	[tilespmem:s5], [sflag:$0x4] =	stream.indirect.gather.add.f32 [hbm:s3], $0x40, s13, s31, $0xb8;
	[tilespmem:$0x69A0] =	vst v63  }
0x105: {  	s16 =	simm.s32 $0x1F90  }
0x106: {  	[tilespmem:s5], [sflag:$0x4] =	stream.indirect.gather.add.f32 [hbm:s3], $0x40, s16, s31, $0xb8;
	[tilespmem:$0x69A0] =	vst v63  }
0x107: {  	s17 =	simm.s32 $0x22B0  }
0x108: {  	[tilespmem:s5], [sflag:$0x4] =	stream.indirect.gather.add.f32 [hbm:s3], $0x40, s17, s31, $0xb8;
	[tilespmem:$0x69A0] =	vst v63  }
0x109: {  	s18 =	simm.s32 $0x25D0  }
0x10a: {  	[tilespmem:s5], [sflag:$0x4] =	stream.indirect.gather.add.f32 [hbm:s3], $0x40, s18, s31, $0xb8;
	[tilespmem:$0x69A0] =	vst v63  }
0x10b: {  	s19 =	simm.s32 $0x28F0  }
0x10c: {  	[tilespmem:s5], [sflag:$0x4] =	stream.indirect.gather.add.f32 [hbm:s3], $0x40, s19, s31, $0xb8;
	[tilespmem:$0x69A0] =	vst v63  }
0x10d: {  	s20 =	simm.s32 $0x2C10  }
0x10e: {  	[tilespmem:s5], [sflag:$0x4] =	stream.indirect.gather.add.f32 [hbm:s3], $0x40, s20, s31, $0xb8;
	[tilespmem:$0x69A0] =	vst v63  }
0x10f: {  	s13 =	simm.s32 $0x2F30  }
0x110: {  	[tilespmem:s5], [sflag:$0x4] =	stream.indirect.gather.add.f32 [hbm:s3], $0x40, s13, s31, $0xb8;
	[tilespmem:$0x69A0] =	vst v63  }
0x111: {  	s16 =	simm.s32 $0x3250  }
0x112: {  	[tilespmem:s5], [sflag:$0x4] =	stream.indirect.gather.add.f32 [hbm:s3], $0x40, s16, s31, $0xb8;
	[tilespmem:$0x69A0] =	vst v63  }
0x113: {  	s17 =	simm.s32 $0x3570  }
0x114: {  	[tilespmem:s5], [sflag:$0x4] =	stream.indirect.gather.add.f32 [hbm:s3], $0x40, s17, s31, $0xb8;
	[tilespmem:$0x69A0] =	vst v63  }
0x115: {  	s18 =	simm.s32 $0x3890  }
0x116: {  	[tilespmem:s5], [sflag:$0x4] =	stream.indirect.gather.add.f32 [hbm:s3], $0x40, s18, s31, $0xb8;
	[tilespmem:$0x69A0] =	vst v63  }
0x117: {  	s19 =	simm.s32 $0x3BB0  }
0x118: {  	[tilespmem:s5], [sflag:$0x4] =	stream.indirect.gather.add.f32 [hbm:s3], $0x40, s19, s31, $0xb8;
	[tilespmem:$0x69A0] =	vst v63  }
0x119: {  	s20 =	simm.s32 $0x3ED0  }
0x11a: {  	[tilespmem:s5], [sflag:$0x4] =	stream.indirect.gather.add.f32 [hbm:s4], $0x40, s20, s31, $0xb8;
	[tilespmem:$0x69A0] =	vst v63  }
0x11b: {  	p0 =	por $0x0, $0x0;
	_ =	swait.ge [sflag:s8], $0x1400  }
0x11c: {  	s12 =	simm.s32 @!p0 $0x41A0;
	[sflag:s8] =	ssyncset.done $0x0  }
0x11d: {  	s13 =	simm.s32 @!p0 $0xA0;
	s16 =	simm.s32 @!p0 $0x50;
	[sflag:s8] =	ssyncadd.s32 $0xFFFFEC00  }
0x11e: {  	[tilespmem:s12], [sflag:$0x1] =	stream.indirect.gather @!p0 [hbm4b:s3+s16], $0x40, s13, s16, $0xb8;
	[tilespmem:$0x69A0] =	vst v63  }
0x11f: {  	_ =	swait.ge [sflag:s9], $0x1400  }
0x120: {  	[sflag:s9] =	ssyncset.done $0x0  }
0x121: {  	[sflag:s9] =	ssyncadd.s32 $0xFFFFEC00  }
0x122: {  	_ =	swait.ge [sflag:s9], $0x1400  }
0x123: {  	[sflag:s9] =	ssyncset.done $0x0  }
0x124: {  	[sflag:s9] =	ssyncadd.s32 $0xFFFFEC00  }
0x125: {  	_ =	swait.ge [sflag:s9], $0x1400  }
0x126: {  	[sflag:s9] =	ssyncset.done $0x0  }
0x127: {  	[sflag:s9] =	ssyncadd.s32 $0xFFFFEC00  }
0x128: {  	_ =	swait.ge [sflag:s9], $0x1400  }
0x129: {  	[sflag:s9] =	ssyncset.done $0x0  }
0x12a: {  	[sflag:s9] =	ssyncadd.s32 $0xFFFFEC00  }
0x12b: {  	_ =	swait.ge [sflag:s9], $0x1400  }
0x12c: {  	[sflag:s9] =	ssyncset.done $0x0  }
0x12d: {  	[sflag:s9] =	ssyncadd.s32 $0xFFFFEC00  }
0x12e: {  	_ =	swait.ge [sflag:s9], $0x1400  }
0x12f: {  	[sflag:s9] =	ssyncset.done $0x0  }
0x130: {  	[sflag:s9] =	ssyncadd.s32 $0xFFFFEC00  }
0x131: {  	_ =	swait.ge [sflag:s9], $0x1400  }
0x132: {  	[sflag:s9] =	ssyncset.done $0x0  }
0x133: {  	[sflag:s9] =	ssyncadd.s32 $0xFFFFEC00  }
0x134: {  	_ =	swait.ge [sflag:s9], $0x1400  }
0x135: {  	[sflag:s9] =	ssyncset.done $0x0  }
0x136: {  	[sflag:s9] =	ssyncadd.s32 $0xFFFFEC00  }
0x137: {  	_ =	swait.ge [sflag:s9], $0x1400  }
0x138: {  	[sflag:s9] =	ssyncset.done $0x0  }
0x139: {  	[sflag:s9] =	ssyncadd.s32 $0xFFFFEC00  }
0x13a: {  	_ =	swait.ge [sflag:s9], $0x1400  }
0x13b: {  	[sflag:s9] =	ssyncset.done $0x0  }
0x13c: {  	[sflag:s9] =	ssyncadd.s32 $0xFFFFEC00  }
0x13d: {  	_ =	swait.ge [sflag:s9], $0x1400  }
0x13e: {  	[sflag:s9] =	ssyncset.done $0x0  }
0x13f: {  	[sflag:s9] =	ssyncadd.s32 $0xFFFFEC00  }
0x140: {  	_ =	swait.ge [sflag:s9], $0x1400  }
0x141: {  	[sflag:s9] =	ssyncset.done $0x0  }
0x142: {  	[sflag:s9] =	ssyncadd.s32 $0xFFFFEC00  }
0x143: {  	_ =	swait.ge [sflag:s9], $0x1400  }
0x144: {  	[sflag:s9] =	ssyncset.done $0x0  }
0x145: {  	[sflag:s9] =	ssyncadd.s32 $0xFFFFEC00  }
0x146: {  	_ =	swait.ge [sflag:s9], $0x1400  }
0x147: {  	[sflag:s9] =	ssyncset.done $0x0  }
0x148: {  	[sflag:s9] =	ssyncadd.s32 $0xFFFFEC00  }
0x149: {  	_ =	swait.ge [sflag:s9], $0x1400  }
0x14a: {  	[sflag:s9] =	ssyncset.done $0x0  }
0x14b: {  	[sflag:s9] =	ssyncadd.s32 $0xFFFFEC00  }
0x14c: {  	_ =	swait.ge [sflag:s9], $0x1400  }
0x14d: {  	[sflag:s9] =	ssyncset.done $0x0  }
0x14e: {  	[sflag:s9] =	ssyncadd.s32 $0xFFFFEC00  }
0x14f: {  	_ =	swait.ge [sflag:s9], $0x1400  }
0x150: {  	[sflag:s9] =	ssyncset.done $0x0  }
0x151: {  	[sflag:s9] =	ssyncadd.s32 $0xFFFFEC00  }
0x152: {  	_ =	swait.ge [sflag:s9], $0x1400  }
0x153: {  	[sflag:s9] =	ssyncset.done $0x0  }
0x154: {  	[sflag:s9] =	ssyncadd.s32 $0xFFFFEC00  }
0x155: {  	_ =	swait.ge [sflag:s9], $0x1400  }
0x156: {  	[sflag:s9] =	ssyncset.done $0x0  }
0x157: {  	[sflag:s9] =	ssyncadd.s32 $0xFFFFEC00  }
0x158: {  	s29 =	smov.u32 s15;
	s20 =	smov.u32 s14;
	_ =	swait.ge [sflag:s9], $0x1400  }
0x159: {  	s12 =	simm.s32 $0x280;
	s13 =	sadd.s32 $0x500, s15;
	[sflag:s9] =	ssyncset.done $0x0  }
.LBB2_2:
0x15a: {  	[sflag:s9] =	ssyncadd.s32 $0xFFFFEC00  }
0x15b: {  	s20 =	sadd.s32 $0x500, s20;
	s16 =	smov.u32 s12;
	s12 =	sadd.s32 $0x280, s12  }
0x15c: {  	[hbm4b:s29+s2] =	stream.linear.scatter [tilespmem:s5], [sflag:$0x6], $0x1400, $0x38;
	[tilespmem:$0x69A0] =	vst v63  }
0x15d: {  	p0 =	sne.s32 s12, $0xC80;
	s29 =	smov.u32 s13;
	_ =	swait.ge [sflag:s0], $0x1400  }
0x15e: {  	s17 =	sshra.s32 s16, $0x2;
	[sflag:s0] =	ssyncset.done $0x0  }
0x15f: {  	s18 =	sadd.s32 $0x320, s17;
	[sflag:s0] =	ssyncadd.s32 $0xFFFFEC00  }
0x160: {  	[tilespmem:s1], [sflag:$0x3] =	stream.indirect.gather.add.f32 [hbm:s3], $0x40, s18, s31, $0xb8;
	[tilespmem:$0x69A0] =	vst v63  }
0x161: {  	s18 =	sadd.s32 $0x640, s17  }
0x162: {  	[tilespmem:s1], [sflag:$0x3] =	stream.indirect.gather.add.f32 [hbm:s3], $0x40, s18, s31, $0xb8;
	[tilespmem:$0x69A0] =	vst v63  }
0x163: {  	s18 =	sadd.s32 $0x960, s17  }
0x164: {  	[tilespmem:s1], [sflag:$0x3] =	stream.indirect.gather.add.f32 [hbm:s3], $0x40, s18, s31, $0xb8;
	[tilespmem:$0x69A0] =	vst v63  }
0x165: {  	s18 =	sadd.s32 $0xC80, s17  }
0x166: {  	[tilespmem:s1], [sflag:$0x3] =	stream.indirect.gather.add.f32 [hbm:s3], $0x40, s18, s31, $0xb8;
	[tilespmem:$0x69A0] =	vst v63  }
0x167: {  	s18 =	sadd.s32 $0xFA0, s17  }
0x168: {  	[tilespmem:s1], [sflag:$0x3] =	stream.indirect.gather.add.f32 [hbm:s3], $0x40, s18, s31, $0xb8;
	[tilespmem:$0x69A0] =	vst v63  }
0x169: {  	s18 =	sadd.s32 $0x12C0, s17  }
0x16a: {  	[tilespmem:s1], [sflag:$0x3] =	stream.indirect.gather.add.f32 [hbm:s3], $0x40, s18, s31, $0xb8;
	[tilespmem:$0x69A0] =	vst v63  }
0x16b: {  	s18 =	sadd.s32 $0x15E0, s17  }
0x16c: {  	[tilespmem:s1], [sflag:$0x3] =	stream.indirect.gather.add.f32 [hbm:s3], $0x40, s18, s31, $0xb8;
	[tilespmem:$0x69A0] =	vst v63  }
0x16d: {  	s18 =	sadd.s32 $0x1900, s17  }
0x16e: {  	[tilespmem:s1], [sflag:$0x3] =	stream.indirect.gather.add.f32 [hbm:s3], $0x40, s18, s31, $0xb8;
	[tilespmem:$0x69A0] =	vst v63  }
0x16f: {  	s18 =	sadd.s32 $0x1C20, s17  }
0x170: {  	[tilespmem:s1], [sflag:$0x3] =	stream.indirect.gather.add.f32 [hbm:s3], $0x40, s18, s31, $0xb8;
	[tilespmem:$0x69A0] =	vst v63  }
0x171: {  	s18 =	sadd.s32 $0x1F40, s17  }
0x172: {  	[tilespmem:s1], [sflag:$0x3] =	stream.indirect.gather.add.f32 [hbm:s3], $0x40, s18, s31, $0xb8;
	[tilespmem:$0x69A0] =	vst v63  }
0x173: {  	s18 =	sadd.s32 $0x2260, s17  }
0x174: {  	[tilespmem:s1], [sflag:$0x3] =	stream.indirect.gather.add.f32 [hbm:s3], $0x40, s18, s31, $0xb8;
	[tilespmem:$0x69A0] =	vst v63  }
0x175: {  	s18 =	sadd.s32 $0x2580, s17  }
0x176: {  	[tilespmem:s1], [sflag:$0x3] =	stream.indirect.gather.add.f32 [hbm:s3], $0x40, s18, s31, $0xb8;
	[tilespmem:$0x69A0] =	vst v63  }
0x177: {  	s18 =	sadd.s32 $0x28A0, s17  }
0x178: {  	[tilespmem:s1], [sflag:$0x3] =	stream.indirect.gather.add.f32 [hbm:s3], $0x40, s18, s31, $0xb8;
	[tilespmem:$0x69A0] =	vst v63  }
0x179: {  	s18 =	sadd.s32 $0x2BC0, s17  }
0x17a: {  	[tilespmem:s1], [sflag:$0x3] =	stream.indirect.gather.add.f32 [hbm:s3], $0x40, s18, s31, $0xb8;
	[tilespmem:$0x69A0] =	vst v63  }
0x17b: {  	s18 =	sadd.s32 $0x2EE0, s17  }
0x17c: {  	[tilespmem:s1], [sflag:$0x3] =	stream.indirect.gather.add.f32 [hbm:s3], $0x40, s18, s31, $0xb8;
	[tilespmem:$0x69A0] =	vst v63  }
0x17d: {  	s18 =	sadd.s32 $0x3200, s17  }
0x17e: {  	[tilespmem:s1], [sflag:$0x3] =	stream.indirect.gather.add.f32 [hbm:s3], $0x40, s18, s31, $0xb8;
	[tilespmem:$0x69A0] =	vst v63  }
0x17f: {  	s18 =	sadd.s32 $0x3520, s17  }
0x180: {  	[tilespmem:s1], [sflag:$0x3] =	stream.indirect.gather.add.f32 [hbm:s3], $0x40, s18, s31, $0xb8;
	[tilespmem:$0x69A0] =	vst v63  }
0x181: {  	s18 =	sadd.s32 $0x3840, s17  }
0x182: {  	[tilespmem:s1], [sflag:$0x3] =	stream.indirect.gather.add.f32 [hbm:s3], $0x40, s18, s31, $0xb8;
	[tilespmem:$0x69A0] =	vst v63  }
0x183: {  	s18 =	sadd.s32 $0x3B60, s17  }
0x184: {  	[tilespmem:s1], [sflag:$0x3] =	stream.indirect.gather.add.f32 [hbm:s3], $0x40, s18, s31, $0xb8;
	[tilespmem:$0x69A0] =	vst v63  }
0x185: {  	p1 =	seq.s32 s16, $0x0;
	s18 =	sadd.s32 $0x3E80, s17  }
0x186: {  	[tilespmem:s1], [sflag:$0x3] =	stream.indirect.gather.add.f32 [hbm:s4], $0x40, s18, s31, $0xb8;
	[tilespmem:$0x69A0] =	vst v63  }
0x187: {  	s18 =	simm.s32 @!p1 $0x6  }
0x188: {  	_ =	swait.ge @!p1 [sflag:s18], $0x1400  }
0x189: {  	s19 =	sadd.s32 $0x50, s17;
	[sflag:s18] =	ssyncset.done @!p1 $0x0  }
0x18a: {  	[sflag:s18] =	ssyncadd.s32 @!p1 $0xFFFFEC00  }
0x18b: {  	[tilespmem:s5], [sflag:$0x2] =	stream.indirect.gather [hbm4b:s3+s31], $0x40, s19, s31, $0xb8;
	[tilespmem:$0x69A0] =	vst v63  }
0x18c: {  	_ =	swait.ge [sflag:s6], $0x1400  }
0x18d: {  	[sflag:s6] =	ssyncset.done $0x0  }
0x18e: {  	[sflag:s6] =	ssyncadd.s32 $0xFFFFEC00  }
0x18f: {  	_ =	swait.ge [sflag:s6], $0x1400  }
0x190: {  	[sflag:s6] =	ssyncset.done $0x0  }
0x191: {  	[sflag:s6] =	ssyncadd.s32 $0xFFFFEC00  }
0x192: {  	_ =	swait.ge [sflag:s6], $0x1400  }
0x193: {  	[sflag:s6] =	ssyncset.done $0x0  }
0x194: {  	[sflag:s6] =	ssyncadd.s32 $0xFFFFEC00  }
0x195: {  	_ =	swait.ge [sflag:s6], $0x1400  }
0x196: {  	[sflag:s6] =	ssyncset.done $0x0  }
0x197: {  	[sflag:s6] =	ssyncadd.s32 $0xFFFFEC00  }
0x198: {  	_ =	swait.ge [sflag:s6], $0x1400  }
0x199: {  	[sflag:s6] =	ssyncset.done $0x0  }
0x19a: {  	[sflag:s6] =	ssyncadd.s32 $0xFFFFEC00  }
0x19b: {  	_ =	swait.ge [sflag:s6], $0x1400  }
0x19c: {  	[sflag:s6] =	ssyncset.done $0x0  }
0x19d: {  	[sflag:s6] =	ssyncadd.s32 $0xFFFFEC00  }
0x19e: {  	_ =	swait.ge [sflag:s6], $0x1400  }
0x19f: {  	[sflag:s6] =	ssyncset.done $0x0  }
0x1a0: {  	[sflag:s6] =	ssyncadd.s32 $0xFFFFEC00  }
0x1a1: {  	_ =	swait.ge [sflag:s6], $0x1400  }
0x1a2: {  	[sflag:s6] =	ssyncset.done $0x0  }
0x1a3: {  	[sflag:s6] =	ssyncadd.s32 $0xFFFFEC00  }
0x1a4: {  	_ =	swait.ge [sflag:s6], $0x1400  }
0x1a5: {  	[sflag:s6] =	ssyncset.done $0x0  }
0x1a6: {  	[sflag:s6] =	ssyncadd.s32 $0xFFFFEC00  }
0x1a7: {  	_ =	swait.ge [sflag:s6], $0x1400  }
0x1a8: {  	[sflag:s6] =	ssyncset.done $0x0  }
0x1a9: {  	[sflag:s6] =	ssyncadd.s32 $0xFFFFEC00  }
0x1aa: {  	_ =	swait.ge [sflag:s6], $0x1400  }
0x1ab: {  	[sflag:s6] =	ssyncset.done $0x0  }
0x1ac: {  	[sflag:s6] =	ssyncadd.s32 $0xFFFFEC00  }
0x1ad: {  	_ =	swait.ge [sflag:s6], $0x1400  }
0x1ae: {  	[sflag:s6] =	ssyncset.done $0x0  }
0x1af: {  	[sflag:s6] =	ssyncadd.s32 $0xFFFFEC00  }
0x1b0: {  	_ =	swait.ge [sflag:s6], $0x1400  }
0x1b1: {  	[sflag:s6] =	ssyncset.done $0x0  }
0x1b2: {  	[sflag:s6] =	ssyncadd.s32 $0xFFFFEC00  }
0x1b3: {  	_ =	swait.ge [sflag:s6], $0x1400  }
0x1b4: {  	[sflag:s6] =	ssyncset.done $0x0  }
0x1b5: {  	[sflag:s6] =	ssyncadd.s32 $0xFFFFEC00  }
0x1b6: {  	_ =	swait.ge [sflag:s6], $0x1400  }
0x1b7: {  	[sflag:s6] =	ssyncset.done $0x0  }
0x1b8: {  	[sflag:s6] =	ssyncadd.s32 $0xFFFFEC00  }
0x1b9: {  	_ =	swait.ge [sflag:s6], $0x1400  }
0x1ba: {  	[sflag:s6] =	ssyncset.done $0x0  }
0x1bb: {  	[sflag:s6] =	ssyncadd.s32 $0xFFFFEC00  }
0x1bc: {  	_ =	swait.ge [sflag:s6], $0x1400  }
0x1bd: {  	[sflag:s6] =	ssyncset.done $0x0  }
0x1be: {  	[sflag:s6] =	ssyncadd.s32 $0xFFFFEC00  }
0x1bf: {  	_ =	swait.ge [sflag:s6], $0x1400  }
0x1c0: {  	[sflag:s6] =	ssyncset.done $0x0  }
0x1c1: {  	[sflag:s6] =	ssyncadd.s32 $0xFFFFEC00  }
0x1c2: {  	_ =	swait.ge [sflag:s6], $0x1400  }
0x1c3: {  	[sflag:s6] =	ssyncset.done $0x0  }
0x1c4: {  	[sflag:s6] =	ssyncadd.s32 $0xFFFFEC00  }
0x1c5: {  	_ =	swait.ge [sflag:s6], $0x1400  }
0x1c6: {  	[sflag:s6] =	ssyncset.done $0x0  }
0x1c7: {  	[sflag:s6] =	ssyncadd.s32 $0xFFFFEC00  }
0x1c8: {  	[hbm4b:s20+s2] =	stream.linear.scatter [tilespmem:s1], [sflag:$0x5], $0x1400, $0x38;
	[tilespmem:$0x69A0] =	vst v63  }
0x1c9: {  	_ =	swait.ge [sflag:s7], $0x1400  }
0x1ca: {  	s18 =	sadd.s32 $0x370, s17;
	[sflag:s7] =	ssyncset.done $0x0  }
0x1cb: {  	s19 =	sadd.s32 $0x690, s17;
	[sflag:s7] =	ssyncadd.s32 $0xFFFFEC00  }
0x1cc: {  	[tilespmem:s5], [sflag:$0x4] =	stream.indirect.gather.add.f32 [hbm:s3], $0x40, s18, s31, $0xb8;
	[tilespmem:$0x69A0] =	vst v63  }
0x1cd: {  	s18 =	sadd.s32 $0x9B0, s17  }
0x1ce: {  	[tilespmem:s5], [sflag:$0x4] =	stream.indirect.gather.add.f32 [hbm:s3], $0x40, s19, s31, $0xb8;
	[tilespmem:$0x69A0] =	vst v63  }
0x1cf: {  	s19 =	sadd.s32 $0xCD0, s17  }
0x1d0: {  	[tilespmem:s5], [sflag:$0x4] =	stream.indirect.gather.add.f32 [hbm:s3], $0x40, s18, s31, $0xb8;
	[tilespmem:$0x69A0] =	vst v63  }
0x1d1: {  	s18 =	sadd.s32 $0xFF0, s17  }
0x1d2: {  	[tilespmem:s5], [sflag:$0x4] =	stream.indirect.gather.add.f32 [hbm:s3], $0x40, s19, s31, $0xb8;
	[tilespmem:$0x69A0] =	vst v63  }
0x1d3: {  	s19 =	sadd.s32 $0x1310, s17  }
0x1d4: {  	[tilespmem:s5], [sflag:$0x4] =	stream.indirect.gather.add.f32 [hbm:s3], $0x40, s18, s31, $0xb8;
	[tilespmem:$0x69A0] =	vst v63  }
0x1d5: {  	s18 =	sadd.s32 $0x1630, s17  }
0x1d6: {  	[tilespmem:s5], [sflag:$0x4] =	stream.indirect.gather.add.f32 [hbm:s3], $0x40, s19, s31, $0xb8;
	[tilespmem:$0x69A0] =	vst v63  }
0x1d7: {  	s19 =	sadd.s32 $0x1950, s17  }
0x1d8: {  	[tilespmem:s5], [sflag:$0x4] =	stream.indirect.gather.add.f32 [hbm:s3], $0x40, s18, s31, $0xb8;
	[tilespmem:$0x69A0] =	vst v63  }
0x1d9: {  	s18 =	sadd.s32 $0x1C70, s17  }
0x1da: {  	[tilespmem:s5], [sflag:$0x4] =	stream.indirect.gather.add.f32 [hbm:s3], $0x40, s19, s31, $0xb8;
	[tilespmem:$0x69A0] =	vst v63  }
0x1db: {  	s19 =	sadd.s32 $0x1F90, s17  }
0x1dc: {  	[tilespmem:s5], [sflag:$0x4] =	stream.indirect.gather.add.f32 [hbm:s3], $0x40, s18, s31, $0xb8;
	[tilespmem:$0x69A0] =	vst v63  }
0x1dd: {  	s18 =	sadd.s32 $0x22B0, s17  }
0x1de: {  	[tilespmem:s5], [sflag:$0x4] =	stream.indirect.gather.add.f32 [hbm:s3], $0x40, s19, s31, $0xb8;
	[tilespmem:$0x69A0] =	vst v63  }
0x1df: {  	s19 =	sadd.s32 $0x25D0, s17  }
0x1e0: {  	[tilespmem:s5], [sflag:$0x4] =	stream.indirect.gather.add.f32 [hbm:s3], $0x40, s18, s31, $0xb8;
	[tilespmem:$0x69A0] =	vst v63  }
0x1e1: {  	s18 =	sadd.s32 $0x28F0, s17  }
0x1e2: {  	[tilespmem:s5], [sflag:$0x4] =	stream.indirect.gather.add.f32 [hbm:s3], $0x40, s19, s31, $0xb8;
	[tilespmem:$0x69A0] =	vst v63  }
0x1e3: {  	s19 =	sadd.s32 $0x2C10, s17  }
0x1e4: {  	[tilespmem:s5], [sflag:$0x4] =	stream.indirect.gather.add.f32 [hbm:s3], $0x40, s18, s31, $0xb8;
	[tilespmem:$0x69A0] =	vst v63  }
0x1e5: {  	s18 =	sadd.s32 $0x2F30, s17  }
0x1e6: {  	[tilespmem:s5], [sflag:$0x4] =	stream.indirect.gather.add.f32 [hbm:s3], $0x40, s19, s31, $0xb8;
	[tilespmem:$0x69A0] =	vst v63  }
0x1e7: {  	s19 =	sadd.s32 $0x3250, s17  }
0x1e8: {  	[tilespmem:s5], [sflag:$0x4] =	stream.indirect.gather.add.f32 [hbm:s3], $0x40, s18, s31, $0xb8;
	[tilespmem:$0x69A0] =	vst v63  }
0x1e9: {  	s18 =	sadd.s32 $0x3570, s17  }
0x1ea: {  	[tilespmem:s5], [sflag:$0x4] =	stream.indirect.gather.add.f32 [hbm:s3], $0x40, s19, s31, $0xb8;
	[tilespmem:$0x69A0] =	vst v63  }
0x1eb: {  	s19 =	sadd.s32 $0x3890, s17  }
0x1ec: {  	[tilespmem:s5], [sflag:$0x4] =	stream.indirect.gather.add.f32 [hbm:s3], $0x40, s18, s31, $0xb8;
	[tilespmem:$0x69A0] =	vst v63  }
0x1ed: {  	s18 =	sadd.s32 $0x3BB0, s17  }
0x1ee: {  	[tilespmem:s5], [sflag:$0x4] =	stream.indirect.gather.add.f32 [hbm:s3], $0x40, s19, s31, $0xb8;
	[tilespmem:$0x69A0] =	vst v63  }
0x1ef: {  	s17 =	sadd.s32 $0x3ED0, s17  }
0x1f0: {  	[tilespmem:s5], [sflag:$0x4] =	stream.indirect.gather.add.f32 [hbm:s3], $0x40, s18, s31, $0xb8;
	[tilespmem:$0x69A0] =	vst v63  }
0x1f1: {  	p1 =	seq.s32 s16, $0xA00  }
0x1f2: {  	[tilespmem:s5], [sflag:$0x4] =	stream.indirect.gather.add.f32 [hbm:s4], $0x40, s17, s31, $0xb8;
	[tilespmem:$0x69A0] =	vst v63  }
0x1f3: {  	s16 =	sshra.s32 @!p1 s16, $0x2;
	s17 =	simm.s32 @!p1 $0x41A0;
	_ =	swait.ge [sflag:s8], $0x1400  }
0x1f4: {  	s16 =	sadd.s32 @!p1 $0xA0, s16;
	s18 =	simm.s32 @!p1 $0x50;
	[sflag:s8] =	ssyncset.done $0x0  }
0x1f5: {  	[sflag:s8] =	ssyncadd.s32 $0xFFFFEC00  }
0x1f6: {  	[tilespmem:s17], [sflag:$0x1] =	stream.indirect.gather @!p1 [hbm4b:s3+s18], $0x40, s16, s18, $0xb8;
	[tilespmem:$0x69A0] =	vst v63  }
0x1f7: {  	_ =	swait.ge [sflag:s9], $0x1400  }
0x1f8: {  	[sflag:s9] =	ssyncset.done $0x0  }
0x1f9: {  	[sflag:s9] =	ssyncadd.s32 $0xFFFFEC00  }
0x1fa: {  	_ =	swait.ge [sflag:s9], $0x1400  }
0x1fb: {  	[sflag:s9] =	ssyncset.done $0x0  }
0x1fc: {  	[sflag:s9] =	ssyncadd.s32 $0xFFFFEC00  }
0x1fd: {  	_ =	swait.ge [sflag:s9], $0x1400  }
0x1fe: {  	[sflag:s9] =	ssyncset.done $0x0  }
0x1ff: {  	[sflag:s9] =	ssyncadd.s32 $0xFFFFEC00  }
0x200: {  	_ =	swait.ge [sflag:s9], $0x1400  }
0x201: {  	[sflag:s9] =	ssyncset.done $0x0  }
0x202: {  	[sflag:s9] =	ssyncadd.s32 $0xFFFFEC00  }
0x203: {  	_ =	swait.ge [sflag:s9], $0x1400  }
0x204: {  	[sflag:s9] =	ssyncset.done $0x0  }
0x205: {  	[sflag:s9] =	ssyncadd.s32 $0xFFFFEC00  }
0x206: {  	_ =	swait.ge [sflag:s9], $0x1400  }
0x207: {  	[sflag:s9] =	ssyncset.done $0x0  }
0x208: {  	[sflag:s9] =	ssyncadd.s32 $0xFFFFEC00  }
0x209: {  	_ =	swait.ge [sflag:s9], $0x1400  }
0x20a: {  	[sflag:s9] =	ssyncset.done $0x0  }
0x20b: {  	[sflag:s9] =	ssyncadd.s32 $0xFFFFEC00  }
0x20c: {  	_ =	swait.ge [sflag:s9], $0x1400  }
0x20d: {  	[sflag:s9] =	ssyncset.done $0x0  }
0x20e: {  	[sflag:s9] =	ssyncadd.s32 $0xFFFFEC00  }
0x20f: {  	_ =	swait.ge [sflag:s9], $0x1400  }
0x210: {  	[sflag:s9] =	ssyncset.done $0x0  }
0x211: {  	[sflag:s9] =	ssyncadd.s32 $0xFFFFEC00  }
0x212: {  	_ =	swait.ge [sflag:s9], $0x1400  }
0x213: {  	[sflag:s9] =	ssyncset.done $0x0  }
0x214: {  	[sflag:s9] =	ssyncadd.s32 $0xFFFFEC00  }
0x215: {  	_ =	swait.ge [sflag:s9], $0x1400  }
0x216: {  	[sflag:s9] =	ssyncset.done $0x0  }
0x217: {  	[sflag:s9] =	ssyncadd.s32 $0xFFFFEC00  }
0x218: {  	_ =	swait.ge [sflag:s9], $0x1400  }
0x219: {  	[sflag:s9] =	ssyncset.done $0x0  }
0x21a: {  	[sflag:s9] =	ssyncadd.s32 $0xFFFFEC00  }
0x21b: {  	_ =	swait.ge [sflag:s9], $0x1400  }
0x21c: {  	[sflag:s9] =	ssyncset.done $0x0  }
0x21d: {  	[sflag:s9] =	ssyncadd.s32 $0xFFFFEC00  }
0x21e: {  	_ =	swait.ge [sflag:s9], $0x1400  }
0x21f: {  	[sflag:s9] =	ssyncset.done $0x0  }
0x220: {  	[sflag:s9] =	ssyncadd.s32 $0xFFFFEC00  }
0x221: {  	_ =	swait.ge [sflag:s9], $0x1400  }
0x222: {  	[sflag:s9] =	ssyncset.done $0x0  }
0x223: {  	[sflag:s9] =	ssyncadd.s32 $0xFFFFEC00  }
0x224: {  	_ =	swait.ge [sflag:s9], $0x1400  }
0x225: {  	[sflag:s9] =	ssyncset.done $0x0  }
0x226: {  	[sflag:s9] =	ssyncadd.s32 $0xFFFFEC00  }
0x227: {  	_ =	swait.ge [sflag:s9], $0x1400  }
0x228: {  	[sflag:s9] =	ssyncset.done $0x0  }
0x229: {  	[sflag:s9] =	ssyncadd.s32 $0xFFFFEC00  }
0x22a: {  	_ =	swait.ge [sflag:s9], $0x1400  }
0x22b: {  	[sflag:s9] =	ssyncset.done $0x0  }
0x22c: {  	[sflag:s9] =	ssyncadd.s32 $0xFFFFEC00  }
.Ltmp0:
0x22d: {  	_ =	swait.ge [sflag:s9], $0x1400;
	(pc) =	sbr.rel @p0 .LBB2_2-.Ltmp0, $4  }
0x22e: {  	[sflag:s9] =	ssyncset.done $0x0  }
0x22f: {  	[sflag:s9] =	ssyncadd.s32 $0xFFFFEC00  }
0x230: {  	_ =	swait.ge [sflag:s9], $0x1400  }
0x231: {  	s13 =	sadd.s32 $0x500, s13;
	[sflag:s9] =	ssyncset.done $0x0  }
0x232: {  	s11 =	sadd.s32 $0x1, s11  }
0x233: {  	p0 =	sne.s32 s11, s28  }
.Ltmp1:
0x234: {  	[sflag:s9] =	ssyncadd.s32 $0xFFFFEC00;
	(pc) =	sbr.rel @p0 .LBB2_1-.Ltmp1, $4  }
0x235: {  	[hbm4b:s29+s2] =	stream.linear.scatter [tilespmem:s5], [sflag:$0x6], $0x1400, $0x38;
	[tilespmem:$0x69A0] =	vst v63  }
0x236: {  	_ =	swait.ge [sflag:s10], $0x1400  }
0x237: {  	[sflag:s10] =	ssyncset.done $0x0  }
0x238: {  	[sflag:s10] =	ssyncadd.s32 $0xFFFFEC00  }
0x239: {  	_ =	sfence.sel $0x180000  }
0x23a: {  	[bflag:$0x0] =	sbarrier.arrive $0xFFFF  }
0x23b: {  	_ =	strace $0x9000004A  }
0x23c: {  	s0 =	stileid.u32;
	[bflag:$0x2] =	sbarrier.arrive $0xFFFF  }
0x23d: {  	p0 =	sne.s32 s0, $0x0;
	s0 =	rddreg [dreg:$0x2]  }
0x23e: {  	s0 =	sadd.s32 @!p0 $0x100000, s0  }
0x23f: {  	[sflag:s0] =	ssyncadd.tile.s32 @!p0 $0x1;
	_ =	shalt  }
.Lfunc_end2:
_tile_overlayer_lowered:
.L_overlay_start_2:
0x240: {  	(tag) =	ssettag $0x2  }
0x241: {  	s0 =	rddreg [dreg:$0x0];
	s2 =	stileid.u32  }
0x242: {  	s1 =	rddreg [dreg:$0x1];
	p0 =	sne.s32 s2, $0x0  }
0x243: {  	s3 =	rddreg [dreg:$0x2];
	[bflag:$0x3] =	sbarrier.arrive $0xFFFF;
	s2 =	simm.s32 @!p0 $0x1C08  }
0x244: {  	[timem:s3], [sflag:s2] =	dma.local @!p0 [hbm:s0], s1  }
0x245: {  	s0 =	simm.s32 @!p0 $0x8  }
0x246: {  	_ =	swait.ge @!p0 [sflag:s0], s1  }
0x247: {  	s1 =	ssub.s32 @!p0 $0x0, s1;
	[sflag:s0] =	ssyncset.done @!p0 $0x0  }
0x248: {  	[sflag:s0] =	ssyncadd.s32 @!p0 s1  }
0x249: {  	[bflag:$0x3] =	sbarrier.arrive $0xFFFF  }
0x24a: {  	_ =	shalt  }

</sc_bundles>
